<compile_context>
chip_gen: v7x
topology: tpu7x:2x2x1
jax: 0.10.2.dev20260603
libtpu: 0.0.44.dev20260713+nightly
codegen_flags: <defaults>
</compile_context>

<pallas_src>
import functools

import jax
import jax.numpy as jnp
from jax import lax
from jax.experimental import pallas as pl
from jax.experimental.pallas import tpu as pltpu
from jax.experimental.pallas import tpu_sc as plsc

NC = 2
NS = 16
L = 16
NW = NC * NS
K = 128


def _cdiv(a, b):
    return (a + b - 1) // b


def _deg_body(nhist, epw, src_hbm, dst_hbm, out_hbm,
              src_v, dst_v, hs_v, hd_v, sh, acc_v, tmp_v):
    c = lax.axis_index("c")
    s = lax.axis_index("s")
    w = s * NC + c
    sl = nhist // NS

    zeros16 = jnp.zeros((L,), jnp.float32)
    ones16 = jnp.ones((L,), jnp.float32)

    def zero_hist(i, _):
        hs_v[pl.ds(i * L, L)] = zeros16
        hd_v[pl.ds(i * L, L)] = zeros16
        return 0
    lax.fori_loop(0, nhist // L, zero_hist, 0)

    pltpu.sync_copy(src_hbm.at[pl.ds(w * epw, epw)], src_v)
    pltpu.sync_copy(dst_hbm.at[pl.ds(w * epw, epw)], dst_v)

    def count(i, _):
        si = src_v[pl.ds(i * L, L)]
        di = dst_v[pl.ds(i * L, L)]
        plsc.addupdate_scatter(hs_v, [si], ones16)
        plsc.addupdate_scatter(hd_v, [di], ones16)
        return 0
    lax.fori_loop(0, epw // L, count, 0)

    pltpu.sync_copy(hs_v, sh.at[s, 0])
    pltpu.sync_copy(hd_v, sh.at[s, 1])
    plsc.subcore_barrier()

    for r in range(2):
        def zero_acc(i, _):
            acc_v[r, pl.ds(i * L, L)] = zeros16
            return 0
        lax.fori_loop(0, sl // L, zero_acc, 0)
    for t in range(NS):
        pltpu.sync_copy(sh.at[t, :, pl.ds(s * sl, sl)], tmp_v)
        for r in range(2):
            def accum(i, _):
                acc_v[r, pl.ds(i * L, L)] = (
                    acc_v[r, pl.ds(i * L, L)] + tmp_v[r, pl.ds(i * L, L)])
                return 0
            lax.fori_loop(0, sl // L, accum, 0)
    pltpu.sync_copy(acc_v, out_hbm.at[c, :, pl.ds(s * sl, sl)])


def _make_deg_kernel(nhist, epw):
    mesh = plsc.VectorSubcoreMesh(core_axis_name="c", subcore_axis_name="s")
    sl = nhist // NS
    return functools.partial(
        pl.kernel,
        out_type=jax.ShapeDtypeStruct((NC, 2, nhist), jnp.float32),
        mesh=mesh,
        scratch_types=[
            pltpu.VMEM((epw,), jnp.int32),
            pltpu.VMEM((epw,), jnp.int32),
            pltpu.VMEM((nhist,), jnp.float32),
            pltpu.VMEM((nhist,), jnp.float32),
            pltpu.VMEM_SHARED((NS, 2, nhist), jnp.float32),
            pltpu.VMEM((2, sl), jnp.float32),
            pltpu.VMEM((2, sl), jnp.float32),
        ],
        compiler_params=pltpu.CompilerParams(needs_layout_passes=False),
    )(functools.partial(_deg_body, nhist, epw))


def _agg_body(n, d, nagg, ncht, n0, y_hbm, src_hbm, dst_hbm, out_hbm,
              sidx0, sidx1, sidx2, didx0, didx1, didx2,
              rows0, rows1, rows2, agg_sh, gsem0, gsem1, gsem2):
    c = lax.axis_index("c")
    s = lax.axis_index("s")
    tpr = nagg // NS
    ncore = jnp.where(c == 0, n0, ncht - n0)
    coff = jnp.where(c == 0, 0, n0)
    q = ncore // NS
    r = ncore % NS
    nch = q + jnp.where(s < r, 1, 0)
    cbase = coff + s * q + jnp.minimum(s, r)

    zeros16 = jnp.zeros((L,), jnp.float32)

    def zero_rows(i, _):
        for j in range(d // L):
            rows0[i, pl.ds(j * L, L)] = zeros16
        return 0
    lax.fori_loop(0, K, zero_rows, 0)
    base_r = s * tpr
    for k in range(tpr // K):
        pltpu.sync_copy(rows0, agg_sh.at[pl.ds(base_r + k * K, K)])
    if tpr % K:
        pltpu.sync_copy(rows0, agg_sh.at[pl.ds(base_r + tpr - K, K)])
    plsc.subcore_barrier()

    sbufs = (sidx0, sidx1, sidx2)
    dbufs = (didx0, didx1, didx2)
    rbufs = (rows0, rows1, rows2)
    gsems = (gsem0, gsem1, gsem2)
    niter = nch // 3

    def load_s(c, k):
        pltpu.sync_copy(src_hbm.at[pl.ds(c * K, K)], sbufs[k])

    def load_d(c, k):
        pltpu.sync_copy(dst_hbm.at[pl.ds(c * K, K)], dbufs[k])

    def g_start(k):
        pltpu.make_async_copy(y_hbm.at[sbufs[k]], rbufs[k], gsems[k]).start()

    def g_wait(k):
        pltpu.make_async_copy(y_hbm.at[sbufs[k]], rbufs[k], gsems[k]).wait()

    def sc_add(k):
        pltpu.sync_copy(rbufs[k], agg_sh.at[dbufs[k]], add=True)

    @pl.when(niter > 0)
    def _():
        for k in range(3):
            load_s(cbase + k, k)
            g_start(k)
        for k in range(3):
            load_d(cbase + k, k)

        def body(j, _):
            nxt = cbase + (j + 1) * 3
            for k in range(3):
                g_wait(k)
                sc_add(k)
                load_s(nxt + k, k)
                g_start(k)
            for k in range(3):
                load_d(nxt + k, k)
            return 0
        lax.fori_loop(0, niter - 1, body, 0)
        for k in range(3):
            g_wait(k)
            sc_add(k)

    def tail(ch, _):
        base = (cbase + ch) * K
        pltpu.sync_copy(src_hbm.at[pl.ds(base, K)], sidx0)
        pltpu.sync_copy(dst_hbm.at[pl.ds(base, K)], didx0)
        pltpu.async_copy(y_hbm.at[sidx0], rows0, gsem0).wait()
        pltpu.sync_copy(rows0, agg_sh.at[didx0], add=True)
        return 0
    lax.fori_loop((nch // 3) * 3, nch, tail, 0)

    plsc.subcore_barrier()
    pltpu.sync_copy(agg_sh.at[pl.ds(s * tpr, tpr)],
                    out_hbm.at[c, pl.ds(s * tpr, tpr)])


def _make_agg_kernel(n, d, nagg, ncht, core0_frac=0.75):
    n0 = int(ncht * core0_frac)
    mesh = plsc.VectorSubcoreMesh(core_axis_name="c", subcore_axis_name="s")
    return functools.partial(
        pl.kernel,
        out_type=jax.ShapeDtypeStruct((NC, nagg, d), jnp.float32),
        mesh=mesh,
        scratch_types=[
            pltpu.VMEM((K,), jnp.int32),
            pltpu.VMEM((K,), jnp.int32),
            pltpu.VMEM((K,), jnp.int32),
            pltpu.VMEM((K,), jnp.int32),
            pltpu.VMEM((K,), jnp.int32),
            pltpu.VMEM((K,), jnp.int32),
            pltpu.VMEM((K, d), jnp.float32),
            pltpu.VMEM((K, d), jnp.float32),
            pltpu.VMEM((K, d), jnp.float32),
            pltpu.VMEM_SHARED((nagg, d), jnp.float32),
            pltpu.SemaphoreType.DMA,
            pltpu.SemaphoreType.DMA,
            pltpu.SemaphoreType.DMA,
        ],
        compiler_params=pltpu.CompilerParams(needs_layout_passes=False),
    )(functools.partial(_agg_body, n, d, nagg, ncht, n0))


def _prep_body(x_ref, dps_ref, dpd_ref, y_ref, cd_ref):
    ds_ = dps_ref[0] + dps_ref[1]
    cs = jnp.where(ds_ > 0, lax.rsqrt(jnp.maximum(ds_, 1.0)), 0.0)
    y_ref[...] = x_ref[...] * cs
    dd = dpd_ref[0] + dpd_ref[1]
    cd_ref[...] = jnp.where(dd > 0, lax.rsqrt(jnp.maximum(dd, 1.0)), 0.0)


def _out_body(a_ref, cd_ref, w_ref, b_ref, o_ref):
    agg = (a_ref[0] + a_ref[1]) * cd_ref[...]
    acc = jnp.dot(agg, w_ref[...], preferred_element_type=jnp.float32)
    o_ref[...] = jnp.maximum(acc + b_ref[...], 0.0)


def kernel(x, edge_index, W, b):
    n, d = x.shape
    dout = W.shape[1]
    e = edge_index.shape[1]

    src = edge_index[0]
    dst = edge_index[1]
    epw = e // NW
    padded = (e % (NW * K) != 0) or (epw % L != 0) or (epw % 8 != 0)
    if padded:
        ep = _cdiv(e, NW * K) * NW * K
        fill = jnp.full((ep - e,), n, jnp.int32)
        src = jnp.concatenate([src, fill])
        dst = jnp.concatenate([dst, fill])
        epw = ep // NW
    else:
        ep = e
    nslots = n + 1 if padded else n
    nhist = _cdiv(nslots, NS * 2 * L) * NS * 2 * L
    nagg = _cdiv(nslots, NS * 8) * NS * 8

    degp = _make_deg_kernel(nhist, epw)(src, dst)

    dps = degp[:, 0, :n, None]
    dpd = degp[:, 1, :n, None]
    blk = 2000
    grid = n // blk
    y, cd = pl.pallas_call(
        _prep_body,
        grid=(grid,),
        in_specs=[
            pl.BlockSpec((blk, d), lambda i: (i, 0)),
            pl.BlockSpec((NC, blk, 1), lambda i: (0, i, 0)),
            pl.BlockSpec((NC, blk, 1), lambda i: (0, i, 0)),
        ],
        out_specs=[
            pl.BlockSpec((blk, d), lambda i: (i, 0)),
            pl.BlockSpec((blk, 1), lambda i: (i, 0)),
        ],
        out_shape=[
            jax.ShapeDtypeStruct((n, d), jnp.float32),
            jax.ShapeDtypeStruct((n, 1), jnp.float32),
        ],
    )(x, dps, dpd)

    if padded:
        y = jnp.concatenate([y, jnp.zeros((L, d), jnp.float32)])
    aggp = _make_agg_kernel(n, d, nagg, ep // K)(y, src, dst)

    out = pl.pallas_call(
        _out_body,
        grid=(grid,),
        in_specs=[
            pl.BlockSpec((NC, blk, d), lambda i: (0, i, 0)),
            pl.BlockSpec((blk, 1), lambda i: (i, 0)),
            pl.BlockSpec((d, dout), lambda i: (0, 0)),
            pl.BlockSpec((1, dout), lambda i: (0, 0)),
        ],
        out_specs=pl.BlockSpec((blk, dout), lambda i: (i, 0)),
        out_shape=jax.ShapeDtypeStruct((n, dout), jnp.float32),
    )(aggp, cd, W, b.reshape(1, dout))
    return out

# --- scband reference (transcript-rebuilt; emitter-appended) ---
"""Pipeline reference for scband-gnnlayer-23252952940857 (READ-ONLY COPY).

The authoritative reference and input builder live on the scoring server;
editing this copy changes nothing except your own understanding.
"""

import jax, jax.numpy as jnp
import numpy as np

N = 10000
E = 320000
D_IN = 128
D_OUT = 128


def setup_inputs(seed: int = 0) -> dict:
    key = jax.random.key(seed)
    k1, k2, k3, k4 = jax.random.split(key, 4)
    x = jax.random.normal(k1, (N, D_IN), dtype=jnp.float32)
    edge_index = jax.random.randint(k2, (2, E), 0, N, dtype=jnp.int32)
    W = jax.random.normal(k3, (D_IN, D_OUT), dtype=jnp.float32) * (1.0 / np.sqrt(D_IN))
    b = jnp.zeros((D_OUT,), dtype=jnp.float32)
    return {"x": x, "edge_index": edge_index, "W": W, "b": b}


def reference(x, edge_index, W, b):
    # Faithful single-etype equivalent of dglnn.HeteroGraphConv wrapping a
    # dglnn.GraphConv(in, out, norm='both', activation=F.relu) with 'sum' aggregate.
    src = edge_index[0]
    dst = edge_index[1]
    ones = jnp.ones((E,), dtype=jnp.float32)
    out_deg = jax.ops.segment_sum(ones, src, num_segments=N)
    in_deg = jax.ops.segment_sum(ones, dst, num_segments=N)
    c_src = jnp.where(out_deg > 0, jax.lax.rsqrt(jnp.maximum(out_deg, 1.0)), 0.0)
    c_dst = jnp.where(in_deg > 0, jax.lax.rsqrt(jnp.maximum(in_deg, 1.0)), 0.0)
    # message: gather source features, apply src-side normalization
    msg = jnp.take(x, src, axis=0) * c_src[src][:, None]
    # reduce: scatter-add messages to destination nodes
    agg = jax.ops.segment_sum(msg, dst, num_segments=N)
    # dst-side normalization, linear transform, activation
    agg = agg * c_dst[:, None]
    out = agg @ W + b
    return jax.nn.relu(out)

if __name__ == "__main__":
    import jax
    _d = setup_inputs()
    print(jax.jit(kernel)(*tuple(_d.values())))

</pallas_src>

<mosaic_0001>
#map = affine_map<(d0, d1) -> (0, 0)>
#map1 = affine_map<(d0, d1) -> (0)>
#map2 = affine_map<(d0, d1) -> (0, 0, 0)>
module attributes {stable_mosaic.version = 14 : i64} {
  func.func @_agg_body(%arg0: i32, %arg1: i32, %arg2: memref<10016x128xf32, #tpu.memory_space<hbm>>, %arg3: memref<323584xi32, #tpu.memory_space<hbm>>, %arg4: memref<323584xi32, #tpu.memory_space<hbm>>, %arg5: memref<2x10112x128xf32, #tpu.memory_space<hbm>>, %arg6: memref<128xi32, #tpu.memory_space<vmem>>, %arg7: memref<128xi32, #tpu.memory_space<vmem>>, %arg8: memref<128xi32, #tpu.memory_space<vmem>>, %arg9: memref<128xi32, #tpu.memory_space<vmem>>, %arg10: memref<128xi32, #tpu.memory_space<vmem>>, %arg11: memref<128xi32, #tpu.memory_space<vmem>>, %arg12: memref<128x128xf32, #tpu.memory_space<vmem>>, %arg13: memref<128x128xf32, #tpu.memory_space<vmem>>, %arg14: memref<128x128xf32, #tpu.memory_space<vmem>>, %arg15: memref<10112x128xf32, #tpu.memory_space<vmem_shared>>, %arg16: memref<!tpu.dma_semaphore, #tpu.memory_space<semaphore_mem>>, %arg17: memref<!tpu.dma_semaphore, #tpu.memory_space<semaphore_mem>>, %arg18: memref<!tpu.dma_semaphore, #tpu.memory_space<semaphore_mem>>) attributes {dimension_semantics = [#tpu.dimension_semantics<core_parallel>, #tpu.dimension_semantics<subcore_parallel>], iteration_bounds = array<i64: 2, 16>, scalar_prefetch = 0 : i64, scratch_operands = 13 : i64, tpu.core_type = #tpu.core_type<sc_vector_subcore>, window_params = [{transform_indices = #map}, {transform_indices = #map1}, {transform_indices = #map1}, {transform_indices = #map2}]} {
    %eq3A = arith.constant 0 : i32
    %eq3A_0 = arith.cmpi eq, %arg0, %eq3A : i32
    %jit3A = arith.constant 1896 : i32
    %jit3A_1 = arith.constant 632 : i32
    %select_n3A = arith.select %eq3A_0, %jit3A, %jit3A_1 : i32
    %eq3A_2 = arith.constant 0 : i32
    %eq3A_3 = arith.cmpi eq, %arg0, %eq3A_2 : i32
    %jit3A_4 = arith.constant 0 : i32
    %jit3A_5 = arith.constant 1896 : i32
    %select_n3A_6 = arith.select %eq3A_3, %jit3A_4, %jit3A_5 : i32
    %jit3A_7 = arith.constant 16 : i32
    %div3A = arith.divsi %select_n3A, %jit3A_7 : i32
    %sign3A = arith.constant 0 : i32
    %sign3A_8 = arith.cmpi sgt, %select_n3A, %sign3A : i32
    %sign3A_9 = arith.extui %sign3A_8 : i1 to i32
    %sign3A_10 = arith.constant 0 : i32
    %sign3A_11 = arith.cmpi slt, %select_n3A, %sign3A_10 : i32
    %sign3A_12 = arith.extui %sign3A_11 : i1 to i32
    %sign3A_13 = arith.subi %sign3A_9, %sign3A_12 : i32
    %sign3A_14 = arith.constant 0 : i32
    %sign3A_15 = arith.cmpi sgt, %jit3A_7, %sign3A_14 : i32
    %sign3A_16 = arith.extui %sign3A_15 : i1 to i32
    %sign3A_17 = arith.constant 0 : i32
    %sign3A_18 = arith.cmpi slt, %jit3A_7, %sign3A_17 : i32
    %sign3A_19 = arith.extui %sign3A_18 : i1 to i32
    %sign3A_20 = arith.subi %sign3A_16, %sign3A_19 : i32
    %ne3A = arith.cmpi ne, %sign3A_13, %sign3A_20 : i32
    %rem3A = arith.remsi %select_n3A, %jit3A_7 : i32
    %ne3A_21 = arith.constant 0 : i32
    %ne3A_22 = arith.cmpi ne, %rem3A, %ne3A_21 : i32
    %and3A = arith.andi %ne3A, %ne3A_22 : i1
    %sub3A = arith.constant 1 : i32
    %sub3A_23 = arith.subi %div3A, %sub3A : i32
    %select_n3A_24 = arith.select %and3A, %sub3A_23, %div3A : i32
    %jit3A_25 = arith.constant 16 : i32
    %eq3A_26 = arith.constant 0 : i32
    %eq3A_27 = arith.cmpi eq, %jit3A_25, %eq3A_26 : i32
    %jit3A_28 = arith.constant 1 : i32
    %select_n3A_29 = arith.select %eq3A_27, %jit3A_28, %jit3A_25 : i32
    %rem3A_30 = arith.remsi %select_n3A, %select_n3A_29 : i32
    %ne3A_31 = arith.constant 0 : i32
    %ne3A_32 = arith.cmpi ne, %rem3A_30, %ne3A_31 : i32
    %lt3A = arith.constant 0 : i32
    %lt3A_33 = arith.cmpi slt, %rem3A_30, %lt3A : i32
    %lt3A_34 = arith.constant 0 : i32
    %lt3A_35 = arith.cmpi slt, %select_n3A_29, %lt3A_34 : i32
    %ne3A_36 = arith.xori %lt3A_33, %lt3A_35 : i1
    %and3A_37 = arith.andi %ne3A_36, %ne3A_32 : i1
    %add3A = arith.addi %rem3A_30, %select_n3A_29 : i32
    %select_n3A_38 = arith.select %and3A_37, %add3A, %rem3A_30 : i32
    %lt3A_39 = arith.cmpi slt, %arg1, %select_n3A_38 : i32
    %jit3A_40 = arith.constant 1 : i32
    %jit3A_41 = arith.constant 0 : i32
    %select_n3A_42 = arith.select %lt3A_39, %jit3A_40, %jit3A_41 : i32
    %add3A_43 = arith.addi %select_n3A_24, %select_n3A_42 : i32
    %mul3A = arith.muli %arg1, %select_n3A_24 : i32
    %add3A_44 = arith.addi %select_n3A_6, %mul3A : i32
    %min3A = arith.minsi %arg1, %select_n3A_38 : i32
    %add3A_45 = arith.addi %add3A_44, %min3A : i32
    %broadcast_in_dim3A = arith.constant 0.000000e+00 : f32
    %broadcast_in_dim3A_46 = vector.broadcast %broadcast_in_dim3A : f32 to vector<16xf32>
    %scan3A = arith.constant 0 : i32
    %scan3A_47 = arith.constant 0 : i32
    %scan3A_48 = arith.constant 128 : i32
    %scan3A_49 = arith.addi %scan3A_47, %scan3A_48 : i32
    %scan3A_50 = arith.constant 1 : i32
    %scan3A_51 = scf.for %scan3A_134 = %scan3A_47 to %scan3A_49 step %scan3A_50 iter_args(%scan3A_135 = %scan3A) -> (i32)  : i32 {
      %swap3A = arith.index_cast %scan3A_134 : i32 to index
      %swap3A_136 = arith.constant 0 : index
      %swap3A_137 = tpu.vector_load %arg12[%swap3A, %swap3A_136] {strides = array<i32>} : memref<128x128xf32, #tpu.memory_space<vmem>>, vector<16xf32>,
      tpu.vector_store %arg12[%swap3A, %swap3A_136], %broadcast_in_dim3A_46 {strides = array<i32>} : memref<128x128xf32, #tpu.memory_space<vmem>>, vector<16xf32>,
      %swap3A_138 = arith.index_cast %scan3A_134 : i32 to index
      %swap3A_139 = arith.constant 16 : index
      %swap3A_140 = tpu.vector_load %arg12[%swap3A_138, %swap3A_139] {strides = array<i32>} : memref<128x128xf32, #tpu.memory_space<vmem>>, vector<16xf32>,
      tpu.vector_store %arg12[%swap3A_138, %swap3A_139], %broadcast_in_dim3A_46 {strides = array<i32>} : memref<128x128xf32, #tpu.memory_space<vmem>>, vector<16xf32>,
      %swap3A_141 = arith.index_cast %scan3A_134 : i32 to index
      %swap3A_142 = arith.constant 32 : index
      %swap3A_143 = tpu.vector_load %arg12[%swap3A_141, %swap3A_142] {strides = array<i32>} : memref<128x128xf32, #tpu.memory_space<vmem>>, vector<16xf32>,
      tpu.vector_store %arg12[%swap3A_141, %swap3A_142], %broadcast_in_dim3A_46 {strides = array<i32>} : memref<128x128xf32, #tpu.memory_space<vmem>>, vector<16xf32>,
      %swap3A_144 = arith.index_cast %scan3A_134 : i32 to index
      %swap3A_145 = arith.constant 48 : index
      %swap3A_146 = tpu.vector_load %arg12[%swap3A_144, %swap3A_145] {strides = array<i32>} : memref<128x128xf32, #tpu.memory_space<vmem>>, vector<16xf32>,
      tpu.vector_store %arg12[%swap3A_144, %swap3A_145], %broadcast_in_dim3A_46 {strides = array<i32>} : memref<128x128xf32, #tpu.memory_space<vmem>>, vector<16xf32>,
      %swap3A_147 = arith.index_cast %scan3A_134 : i32 to index
      %swap3A_148 = arith.constant 64 : index
      %swap3A_149 = tpu.vector_load %arg12[%swap3A_147, %swap3A_148] {strides = array<i32>} : memref<128x128xf32, #tpu.memory_space<vmem>>, vector<16xf32>,
      tpu.vector_store %arg12[%swap3A_147, %swap3A_148], %broadcast_in_dim3A_46 {strides = array<i32>} : memref<128x128xf32, #tpu.memory_space<vmem>>, vector<16xf32>,
      %swap3A_150 = arith.index_cast %scan3A_134 : i32 to index
      %swap3A_151 = arith.constant 80 : index
      %swap3A_152 = tpu.vector_load %arg12[%swap3A_150, %swap3A_151] {strides = array<i32>} : memref<128x128xf32, #tpu.memory_space<vmem>>, vector<16xf32>,
      tpu.vector_store %arg12[%swap3A_150, %swap3A_151], %broadcast_in_dim3A_46 {strides = array<i32>} : memref<128x128xf32, #tpu.memory_space<vmem>>, vector<16xf32>,
      %swap3A_153 = arith.index_cast %scan3A_134 : i32 to index
      %swap3A_154 = arith.constant 96 : index
      %swap3A_155 = tpu.vector_load %arg12[%swap3A_153, %swap3A_154] {strides = array<i32>} : memref<128x128xf32, #tpu.memory_space<vmem>>, vector<16xf32>,
      tpu.vector_store %arg12[%swap3A_153, %swap3A_154], %broadcast_in_dim3A_46 {strides = array<i32>} : memref<128x128xf32, #tpu.memory_space<vmem>>, vector<16xf32>,
      %swap3A_156 = arith.index_cast %scan3A_134 : i32 to index
      %swap3A_157 = arith.constant 112 : index
      %swap3A_158 = tpu.vector_load %arg12[%swap3A_156, %swap3A_157] {strides = array<i32>} : memref<128x128xf32, #tpu.memory_space<vmem>>, vector<16xf32>,
      tpu.vector_store %arg12[%swap3A_156, %swap3A_157], %broadcast_in_dim3A_46 {strides = array<i32>} : memref<128x128xf32, #tpu.memory_space<vmem>>, vector<16xf32>,
      %scan3A_159 = arith.constant 0 : i32
      scf.yield %scan3A_159 : i32
    }
    %scan3A_52 = arith.constant 128 : i32
    %mul3A_53 = arith.constant 632 : i32
    %mul3A_54 = arith.muli %arg1, %mul3A_53 : i32
    %add3A_55 = arith.constant 0 : i32
    %add3A_56 = arith.addi %mul3A_54, %add3A_55 : i32
    "tpu.region"() ({
      %run_scoped3A = tpu.sem_alloc : memref<!tpu.dma_semaphore, #tpu.memory_space<semaphore_mem>>
      %dma_start3A = arith.constant 0 : i32
      %dma_start3A_134 = tpu.memref_slice %arg15[%add3A_56, %dma_start3A] : memref<10112x128xf32, #tpu.memory_space<vmem_shared>> -> memref<128x128xf32, #tpu.memory_space<vmem_shared>>
      %dma_start3A_135 = arith.constant 0 : i32
      %dma_start3A_136 = tpu.memref_slice %arg15[%add3A_56, %dma_start3A_135] : memref<10112x128xf32, #tpu.memory_space<vmem_shared>> -> memref<128x128xf32, #tpu.memory_space<vmem_shared>>
      tpu.enqueue_dma source(%arg12 : memref<128x128xf32, #tpu.memory_space<vmem>>) target(%dma_start3A_136 : memref<128x128xf32, #tpu.memory_space<vmem_shared>>) target_semaphore(%run_scoped3A : memref<!tpu.dma_semaphore, #tpu.memory_space<semaphore_mem>>)
      %dma_wait3A = arith.constant 0 : i32
      %dma_wait3A_137 = tpu.memref_slice %arg15[%add3A_56, %dma_wait3A] : memref<10112x128xf32, #tpu.memory_space<vmem_shared>> -> memref<128x128xf32, #tpu.memory_space<vmem_shared>>
      %dma_wait3A_138 = arith.constant 0 : i32
      %dma_wait3A_139 = tpu.memref_slice %arg15[%add3A_56, %dma_wait3A_138] : memref<10112x128xf32, #tpu.memory_space<vmem_shared>> -> memref<128x128xf32, #tpu.memory_space<vmem_shared>>
      tpu.wait_dma2 semaphore(%run_scoped3A : memref<!tpu.dma_semaphore, #tpu.memory_space<semaphore_mem>>) src(%arg12 : memref<128x128xf32, #tpu.memory_space<vmem>>) dst(%dma_wait3A_139 : memref<128x128xf32, #tpu.memory_space<vmem_shared>>)
      tpu.yield
    }) : () -> ()
    %add3A_57 = arith.constant 128 : i32
    %add3A_58 = arith.addi %mul3A_54, %add3A_57 : i32
    "tpu.region"() ({
      %run_scoped3A = tpu.sem_alloc : memref<!tpu.dma_semaphore, #tpu.memory_space<semaphore_mem>>
      %dma_start3A = arith.constant 0 : i32
      %dma_start3A_134 = tpu.memref_slice %arg15[%add3A_58, %dma_start3A] : memref<10112x128xf32, #tpu.memory_space<vmem_shared>> -> memref<128x128xf32, #tpu.memory_space<vmem_shared>>
      %dma_start3A_135 = arith.constant 0 : i32
      %dma_start3A_136 = tpu.memref_slice %arg15[%add3A_58, %dma_start3A_135] : memref<10112x128xf32, #tpu.memory_space<vmem_shared>> -> memref<128x128xf32, #tpu.memory_space<vmem_shared>>
      tpu.enqueue_dma source(%arg12 : memref<128x128xf32, #tpu.memory_space<vmem>>) target(%dma_start3A_136 : memref<128x128xf32, #tpu.memory_space<vmem_shared>>) target_semaphore(%run_scoped3A : memref<!tpu.dma_semaphore, #tpu.memory_space<semaphore_mem>>)
      %dma_wait3A = arith.constant 0 : i32
      %dma_wait3A_137 = tpu.memref_slice %arg15[%add3A_58, %dma_wait3A] : memref<10112x128xf32, #tpu.memory_space<vmem_shared>> -> memref<128x128xf32, #tpu.memory_space<vmem_shared>>
      %dma_wait3A_138 = arith.constant 0 : i32
      %dma_wait3A_139 = tpu.memref_slice %arg15[%add3A_58, %dma_wait3A_138] : memref<10112x128xf32, #tpu.memory_space<vmem_shared>> -> memref<128x128xf32, #tpu.memory_space<vmem_shared>>
      tpu.wait_dma2 semaphore(%run_scoped3A : memref<!tpu.dma_semaphore, #tpu.memory_space<semaphore_mem>>) src(%arg12 : memref<128x128xf32, #tpu.memory_space<vmem>>) dst(%dma_wait3A_139 : memref<128x128xf32, #tpu.memory_space<vmem_shared>>)
      tpu.yield
    }) : () -> ()
    %add3A_59 = arith.constant 256 : i32
    %add3A_60 = arith.addi %mul3A_54, %add3A_59 : i32
    "tpu.region"() ({
      %run_scoped3A = tpu.sem_alloc : memref<!tpu.dma_semaphore, #tpu.memory_space<semaphore_mem>>
      %dma_start3A = arith.constant 0 : i32
      %dma_start3A_134 = tpu.memref_slice %arg15[%add3A_60, %dma_start3A] : memref<10112x128xf32, #tpu.memory_space<vmem_shared>> -> memref<128x128xf32, #tpu.memory_space<vmem_shared>>
      %dma_start3A_135 = arith.constant 0 : i32
      %dma_start3A_136 = tpu.memref_slice %arg15[%add3A_60, %dma_start3A_135] : memref<10112x128xf32, #tpu.memory_space<vmem_shared>> -> memref<128x128xf32, #tpu.memory_space<vmem_shared>>
      tpu.enqueue_dma source(%arg12 : memref<128x128xf32, #tpu.memory_space<vmem>>) target(%dma_start3A_136 : memref<128x128xf32, #tpu.memory_space<vmem_shared>>) target_semaphore(%run_scoped3A : memref<!tpu.dma_semaphore, #tpu.memory_space<semaphore_mem>>)
      %dma_wait3A = arith.constant 0 : i32
      %dma_wait3A_137 = tpu.memref_slice %arg15[%add3A_60, %dma_wait3A] : memref<10112x128xf32, #tpu.memory_space<vmem_shared>> -> memref<128x128xf32, #tpu.memory_space<vmem_shared>>
      %dma_wait3A_138 = arith.constant 0 : i32
      %dma_wait3A_139 = tpu.memref_slice %arg15[%add3A_60, %dma_wait3A_138] : memref<10112x128xf32, #tpu.memory_space<vmem_shared>> -> memref<128x128xf32, #tpu.memory_space<vmem_shared>>
      tpu.wait_dma2 semaphore(%run_scoped3A : memref<!tpu.dma_semaphore, #tpu.memory_space<semaphore_mem>>) src(%arg12 : memref<128x128xf32, #tpu.memory_space<vmem>>) dst(%dma_wait3A_139 : memref<128x128xf32, #tpu.memory_space<vmem_shared>>)
      tpu.yield
    }) : () -> ()
    %add3A_61 = arith.constant 384 : i32
    %add3A_62 = arith.addi %mul3A_54, %add3A_61 : i32
    "tpu.region"() ({
      %run_scoped3A = tpu.sem_alloc : memref<!tpu.dma_semaphore, #tpu.memory_space<semaphore_mem>>
      %dma_start3A = arith.constant 0 : i32
      %dma_start3A_134 = tpu.memref_slice %arg15[%add3A_62, %dma_start3A] : memref<10112x128xf32, #tpu.memory_space<vmem_shared>> -> memref<128x128xf32, #tpu.memory_space<vmem_shared>>
      %dma_start3A_135 = arith.constant 0 : i32
      %dma_start3A_136 = tpu.memref_slice %arg15[%add3A_62, %dma_start3A_135] : memref<10112x128xf32, #tpu.memory_space<vmem_shared>> -> memref<128x128xf32, #tpu.memory_space<vmem_shared>>
      tpu.enqueue_dma source(%arg12 : memref<128x128xf32, #tpu.memory_space<vmem>>) target(%dma_start3A_136 : memref<128x128xf32, #tpu.memory_space<vmem_shared>>) target_semaphore(%run_scoped3A : memref<!tpu.dma_semaphore, #tpu.memory_space<semaphore_mem>>)
      %dma_wait3A = arith.constant 0 : i32
      %dma_wait3A_137 = tpu.memref_slice %arg15[%add3A_62, %dma_wait3A] : memref<10112x128xf32, #tpu.memory_space<vmem_shared>> -> memref<128x128xf32, #tpu.memory_space<vmem_shared>>
      %dma_wait3A_138 = arith.constant 0 : i32
      %dma_wait3A_139 = tpu.memref_slice %arg15[%add3A_62, %dma_wait3A_138] : memref<10112x128xf32, #tpu.memory_space<vmem_shared>> -> memref<128x128xf32, #tpu.memory_space<vmem_shared>>
      tpu.wait_dma2 semaphore(%run_scoped3A : memref<!tpu.dma_semaphore, #tpu.memory_space<semaphore_mem>>) src(%arg12 : memref<128x128xf32, #tpu.memory_space<vmem>>) dst(%dma_wait3A_139 : memref<128x128xf32, #tpu.memory_space<vmem_shared>>)
      tpu.yield
    }) : () -> ()
    %add3A_63 = arith.constant 632 : i32
    %add3A_64 = arith.addi %mul3A_54, %add3A_63 : i32
    %sub3A_65 = arith.constant 128 : i32
    %sub3A_66 = arith.subi %add3A_64, %sub3A_65 : i32
    "tpu.region"() ({
      %run_scoped3A = tpu.sem_alloc : memref<!tpu.dma_semaphore, #tpu.memory_space<semaphore_mem>>
      %dma_start3A = arith.constant 0 : i32
      %dma_start3A_134 = tpu.memref_slice %arg15[%sub3A_66, %dma_start3A] : memref<10112x128xf32, #tpu.memory_space<vmem_shared>> -> memref<128x128xf32, #tpu.memory_space<vmem_shared>>
      %dma_start3A_135 = arith.constant 0 : i32
      %dma_start3A_136 = tpu.memref_slice %arg15[%sub3A_66, %dma_start3A_135] : memref<10112x128xf32, #tpu.memory_space<vmem_shared>> -> memref<128x128xf32, #tpu.memory_space<vmem_shared>>
      tpu.enqueue_dma source(%arg12 : memref<128x128xf32, #tpu.memory_space<vmem>>) target(%dma_start3A_136 : memref<128x128xf32, #tpu.memory_space<vmem_shared>>) target_semaphore(%run_scoped3A : memref<!tpu.dma_semaphore, #tpu.memory_space<semaphore_mem>>)
      %dma_wait3A = arith.constant 0 : i32
      %dma_wait3A_137 = tpu.memref_slice %arg15[%sub3A_66, %dma_wait3A] : memref<10112x128xf32, #tpu.memory_space<vmem_shared>> -> memref<128x128xf32, #tpu.memory_space<vmem_shared>>
      %dma_wait3A_138 = arith.constant 0 : i32
      %dma_wait3A_139 = tpu.memref_slice %arg15[%sub3A_66, %dma_wait3A_138] : memref<10112x128xf32, #tpu.memory_space<vmem_shared>> -> memref<128x128xf32, #tpu.memory_space<vmem_shared>>
      tpu.wait_dma2 semaphore(%run_scoped3A : memref<!tpu.dma_semaphore, #tpu.memory_space<semaphore_mem>>) src(%arg12 : memref<128x128xf32, #tpu.memory_space<vmem>>) dst(%dma_wait3A_139 : memref<128x128xf32, #tpu.memory_space<vmem_shared>>)
      tpu.yield
    }) : () -> ()
    %barrier3A = arith.constant 0 : index
    tpu.barrier barrier_id(%barrier3A)
    %jit3A_67 = arith.constant 3 : i32
    %div3A_68 = arith.divsi %add3A_43, %jit3A_67 : i32
    %sign3A_69 = arith.constant 0 : i32
    %sign3A_70 = arith.cmpi sgt, %add3A_43, %sign3A_69 : i32
    %sign3A_71 = arith.extui %sign3A_70 : i1 to i32
    %sign3A_72 = arith.constant 0 : i32
    %sign3A_73 = arith.cmpi slt, %add3A_43, %sign3A_72 : i32
    %sign3A_74 = arith.extui %sign3A_73 : i1 to i32
    %sign3A_75 = arith.subi %sign3A_71, %sign3A_74 : i32
    %sign3A_76 = arith.constant 0 : i32
    %sign3A_77 = arith.cmpi sgt, %jit3A_67, %sign3A_76 : i32
    %sign3A_78 = arith.extui %sign3A_77 : i1 to i32
    %sign3A_79 = arith.constant 0 : i32
    %sign3A_80 = arith.cmpi slt, %jit3A_67, %sign3A_79 : i32
    %sign3A_81 = arith.extui %sign3A_80 : i1 to i32
    %sign3A_82 = arith.subi %sign3A_78, %sign3A_81 : i32
    %ne3A_83 = arith.cmpi ne, %sign3A_75, %sign3A_82 : i32
    %rem3A_84 = arith.remsi %add3A_43, %jit3A_67 : i32
    %ne3A_85 = arith.constant 0 : i32
    %ne3A_86 = arith.cmpi ne, %rem3A_84, %ne3A_85 : i32
    %and3A_87 = arith.andi %ne3A_83, %ne3A_86 : i1
    %sub3A_88 = arith.constant 1 : i32
    %sub3A_89 = arith.subi %div3A_68, %sub3A_88 : i32
    %select_n3A_90 = arith.select %and3A_87, %sub3A_89, %div3A_68 : i32
    %gt3A = arith.constant 0 : i32
    %gt3A_91 = arith.cmpi sgt, %select_n3A_90, %gt3A : i32
    %convert_element_type3A = arith.extui %gt3A_91 : i1 to i32
    %cond3A = arith.constant 0 : i32
    %cond3A_92 = arith.cmpi ne, %convert_element_type3A, %cond3A : i32
    scf.if %cond3A_92 {
      %add3A_134 = arith.constant 0 : i32
      %add3A_135 = arith.addi %add3A_45, %add3A_134 : i32
      %mul3A_136 = arith.constant 128 : i32
      %mul3A_137 = arith.muli %add3A_135, %mul3A_136 : i32
      "tpu.region"() ({
        %run_scoped3A = tpu.sem_alloc : memref<!tpu.dma_semaphore, #tpu.memory_space<semaphore_mem>>
        %dma_start3A_188 = tpu.memref_slice %arg3[%mul3A_137] : memref<323584xi32, #tpu.memory_space<hbm>> -> memref<128xi32, #tpu.memory_space<hbm>>
        %dma_start3A_189 = tpu.memref_slice %arg3[%mul3A_137] : memref<323584xi32, #tpu.memory_space<hbm>> -> memref<128xi32, #tpu.memory_space<hbm>>
        tpu.enqueue_dma source(%dma_start3A_189 : memref<128xi32, #tpu.memory_space<hbm>>) target(%arg6 : memref<128xi32, #tpu.memory_space<vmem>>) target_semaphore(%run_scoped3A : memref<!tpu.dma_semaphore, #tpu.memory_space<semaphore_mem>>)
        %dma_wait3A_190 = tpu.memref_slice %arg3[%mul3A_137] : memref<323584xi32, #tpu.memory_space<hbm>> -> memref<128xi32, #tpu.memory_space<hbm>>
        %dma_wait3A_191 = tpu.memref_slice %arg3[%mul3A_137] : memref<323584xi32, #tpu.memory_space<hbm>> -> memref<128xi32, #tpu.memory_space<hbm>>
        tpu.wait_dma2 semaphore(%run_scoped3A : memref<!tpu.dma_semaphore, #tpu.memory_space<semaphore_mem>>) src(%dma_wait3A_191 : memref<128xi32, #tpu.memory_space<hbm>>) dst(%arg6 : memref<128xi32, #tpu.memory_space<vmem>>)
        tpu.yield
      }) : () -> ()
      %dma_start3A = arith.constant 0 : i32
      %dma_start3A_138 = arith.constant 0 : i32
      %dma_start3A_139 = tpu.memref_slice %arg2[%dma_start3A, %dma_start3A_138] : memref<10016x128xf32, #tpu.memory_space<hbm>> -> memref<10016x128xf32, #tpu.memory_space<hbm>>
      tpu.enqueue_indirect_dma source(%dma_start3A_139 : memref<10016x128xf32, #tpu.memory_space<hbm>>) target(%arg12 : memref<128x128xf32, #tpu.memory_space<vmem>>) offsets(%arg6 : memref<128xi32, #tpu.memory_space<vmem>>) semaphore(%arg16 : memref<!tpu.dma_semaphore, #tpu.memory_space<semaphore_mem>>)
      %add3A_140 = arith.constant 1 : i32
      %add3A_141 = arith.addi %add3A_45, %add3A_140 : i32
      %mul3A_142 = arith.constant 128 : i32
      %mul3A_143 = arith.muli %add3A_141, %mul3A_142 : i32
      "tpu.region"() ({
        %run_scoped3A = tpu.sem_alloc : memref<!tpu.dma_semaphore, #tpu.memory_space<semaphore_mem>>
        %dma_start3A_188 = tpu.memref_slice %arg3[%mul3A_143] : memref<323584xi32, #tpu.memory_space<hbm>> -> memref<128xi32, #tpu.memory_space<hbm>>
        %dma_start3A_189 = tpu.memref_slice %arg3[%mul3A_143] : memref<323584xi32, #tpu.memory_space<hbm>> -> memref<128xi32, #tpu.memory_space<hbm>>
        tpu.enqueue_dma source(%dma_start3A_189 : memref<128xi32, #tpu.memory_space<hbm>>) target(%arg7 : memref<128xi32, #tpu.memory_space<vmem>>) target_semaphore(%run_scoped3A : memref<!tpu.dma_semaphore, #tpu.memory_space<semaphore_mem>>)
        %dma_wait3A_190 = tpu.memref_slice %arg3[%mul3A_143] : memref<323584xi32, #tpu.memory_space<hbm>> -> memref<128xi32, #tpu.memory_space<hbm>>
        %dma_wait3A_191 = tpu.memref_slice %arg3[%mul3A_143] : memref<323584xi32, #tpu.memory_space<hbm>> -> memref<128xi32, #tpu.memory_space<hbm>>
        tpu.wait_dma2 semaphore(%run_scoped3A : memref<!tpu.dma_semaphore, #tpu.memory_space<semaphore_mem>>) src(%dma_wait3A_191 : memref<128xi32, #tpu.memory_space<hbm>>) dst(%arg7 : memref<128xi32, #tpu.memory_space<vmem>>)
        tpu.yield
      }) : () -> ()
      %dma_start3A_144 = arith.constant 0 : i32
      %dma_start3A_145 = arith.constant 0 : i32
      %dma_start3A_146 = tpu.memref_slice %arg2[%dma_start3A_144, %dma_start3A_145] : memref<10016x128xf32, #tpu.memory_space<hbm>> -> memref<10016x128xf32, #tpu.memory_space<hbm>>
      tpu.enqueue_indirect_dma source(%dma_start3A_146 : memref<10016x128xf32, #tpu.memory_space<hbm>>) target(%arg13 : memref<128x128xf32, #tpu.memory_space<vmem>>) offsets(%arg7 : memref<128xi32, #tpu.memory_space<vmem>>) semaphore(%arg17 : memref<!tpu.dma_semaphore, #tpu.memory_space<semaphore_mem>>)
      %add3A_147 = arith.constant 2 : i32
      %add3A_148 = arith.addi %add3A_45, %add3A_147 : i32
      %mul3A_149 = arith.constant 128 : i32
      %mul3A_150 = arith.muli %add3A_148, %mul3A_149 : i32
      "tpu.region"() ({
        %run_scoped3A = tpu.sem_alloc : memref<!tpu.dma_semaphore, #tpu.memory_space<semaphore_mem>>
        %dma_start3A_188 = tpu.memref_slice %arg3[%mul3A_150] : memref<323584xi32, #tpu.memory_space<hbm>> -> memref<128xi32, #tpu.memory_space<hbm>>
        %dma_start3A_189 = tpu.memref_slice %arg3[%mul3A_150] : memref<323584xi32, #tpu.memory_space<hbm>> -> memref<128xi32, #tpu.memory_space<hbm>>
        tpu.enqueue_dma source(%dma_start3A_189 : memref<128xi32, #tpu.memory_space<hbm>>) target(%arg8 : memref<128xi32, #tpu.memory_space<vmem>>) target_semaphore(%run_scoped3A : memref<!tpu.dma_semaphore, #tpu.memory_space<semaphore_mem>>)
        %dma_wait3A_190 = tpu.memref_slice %arg3[%mul3A_150] : memref<323584xi32, #tpu.memory_space<hbm>> -> memref<128xi32, #tpu.memory_space<hbm>>
        %dma_wait3A_191 = tpu.memref_slice %arg3[%mul3A_150] : memref<323584xi32, #tpu.memory_space<hbm>> -> memref<128xi32, #tpu.memory_space<hbm>>
        tpu.wait_dma2 semaphore(%run_scoped3A : memref<!tpu.dma_semaphore, #tpu.memory_space<semaphore_mem>>) src(%dma_wait3A_191 : memref<128xi32, #tpu.memory_space<hbm>>) dst(%arg8 : memref<128xi32, #tpu.memory_space<vmem>>)
        tpu.yield
      }) : () -> ()
      %dma_start3A_151 = arith.constant 0 : i32
      %dma_start3A_152 = arith.constant 0 : i32
      %dma_start3A_153 = tpu.memref_slice %arg2[%dma_start3A_151, %dma_start3A_152] : memref<10016x128xf32, #tpu.memory_space<hbm>> -> memref<10016x128xf32, #tpu.memory_space<hbm>>
      tpu.enqueue_indirect_dma source(%dma_start3A_153 : memref<10016x128xf32, #tpu.memory_space<hbm>>) target(%arg14 : memref<128x128xf32, #tpu.memory_space<vmem>>) offsets(%arg8 : memref<128xi32, #tpu.memory_space<vmem>>) semaphore(%arg18 : memref<!tpu.dma_semaphore, #tpu.memory_space<semaphore_mem>>)
      %add3A_154 = arith.constant 0 : i32
      %add3A_155 = arith.addi %add3A_45, %add3A_154 : i32
      %mul3A_156 = arith.constant 128 : i32
      %mul3A_157 = arith.muli %add3A_155, %mul3A_156 : i32
      "tpu.region"() ({
        %run_scoped3A = tpu.sem_alloc : memref<!tpu.dma_semaphore, #tpu.memory_space<semaphore_mem>>
        %dma_start3A_188 = tpu.memref_slice %arg4[%mul3A_157] : memref<323584xi32, #tpu.memory_space<hbm>> -> memref<128xi32, #tpu.memory_space<hbm>>
        %dma_start3A_189 = tpu.memref_slice %arg4[%mul3A_157] : memref<323584xi32, #tpu.memory_space<hbm>> -> memref<128xi32, #tpu.memory_space<hbm>>
        tpu.enqueue_dma source(%dma_start3A_189 : memref<128xi32, #tpu.memory_space<hbm>>) target(%arg9 : memref<128xi32, #tpu.memory_space<vmem>>) target_semaphore(%run_scoped3A : memref<!tpu.dma_semaphore, #tpu.memory_space<semaphore_mem>>)
        %dma_wait3A_190 = tpu.memref_slice %arg4[%mul3A_157] : memref<323584xi32, #tpu.memory_space<hbm>> -> memref<128xi32, #tpu.memory_space<hbm>>
        %dma_wait3A_191 = tpu.memref_slice %arg4[%mul3A_157] : memref<323584xi32, #tpu.memory_space<hbm>> -> memref<128xi32, #tpu.memory_space<hbm>>
        tpu.wait_dma2 semaphore(%run_scoped3A : memref<!tpu.dma_semaphore, #tpu.memory_space<semaphore_mem>>) src(%dma_wait3A_191 : memref<128xi32, #tpu.memory_space<hbm>>) dst(%arg9 : memref<128xi32, #tpu.memory_space<vmem>>)
        tpu.yield
      }) : () -> ()
      %add3A_158 = arith.constant 1 : i32
      %add3A_159 = arith.addi %add3A_45, %add3A_158 : i32
      %mul3A_160 = arith.constant 128 : i32
      %mul3A_161 = arith.muli %add3A_159, %mul3A_160 : i32
      "tpu.region"() ({
        %run_scoped3A = tpu.sem_alloc : memref<!tpu.dma_semaphore, #tpu.memory_space<semaphore_mem>>
        %dma_start3A_188 = tpu.memref_slice %arg4[%mul3A_161] : memref<323584xi32, #tpu.memory_space<hbm>> -> memref<128xi32, #tpu.memory_space<hbm>>
        %dma_start3A_189 = tpu.memref_slice %arg4[%mul3A_161] : memref<323584xi32, #tpu.memory_space<hbm>> -> memref<128xi32, #tpu.memory_space<hbm>>
        tpu.enqueue_dma source(%dma_start3A_189 : memref<128xi32, #tpu.memory_space<hbm>>) target(%arg10 : memref<128xi32, #tpu.memory_space<vmem>>) target_semaphore(%run_scoped3A : memref<!tpu.dma_semaphore, #tpu.memory_space<semaphore_mem>>)
        %dma_wait3A_190 = tpu.memref_slice %arg4[%mul3A_161] : memref<323584xi32, #tpu.memory_space<hbm>> -> memref<128xi32, #tpu.memory_space<hbm>>
        %dma_wait3A_191 = tpu.memref_slice %arg4[%mul3A_161] : memref<323584xi32, #tpu.memory_space<hbm>> -> memref<128xi32, #tpu.memory_space<hbm>>
        tpu.wait_dma2 semaphore(%run_scoped3A : memref<!tpu.dma_semaphore, #tpu.memory_space<semaphore_mem>>) src(%dma_wait3A_191 : memref<128xi32, #tpu.memory_space<hbm>>) dst(%arg10 : memref<128xi32, #tpu.memory_space<vmem>>)
        tpu.yield
      }) : () -> ()
      %add3A_162 = arith.constant 2 : i32
      %add3A_163 = arith.addi %add3A_45, %add3A_162 : i32
      %mul3A_164 = arith.constant 128 : i32
      %mul3A_165 = arith.muli %add3A_163, %mul3A_164 : i32
      "tpu.region"() ({
        %run_scoped3A = tpu.sem_alloc : memref<!tpu.dma_semaphore, #tpu.memory_space<semaphore_mem>>
        %dma_start3A_188 = tpu.memref_slice %arg4[%mul3A_165] : memref<323584xi32, #tpu.memory_space<hbm>> -> memref<128xi32, #tpu.memory_space<hbm>>
        %dma_start3A_189 = tpu.memref_slice %arg4[%mul3A_165] : memref<323584xi32, #tpu.memory_space<hbm>> -> memref<128xi32, #tpu.memory_space<hbm>>
        tpu.enqueue_dma source(%dma_start3A_189 : memref<128xi32, #tpu.memory_space<hbm>>) target(%arg11 : memref<128xi32, #tpu.memory_space<vmem>>) target_semaphore(%run_scoped3A : memref<!tpu.dma_semaphore, #tpu.memory_space<semaphore_mem>>)
        %dma_wait3A_190 = tpu.memref_slice %arg4[%mul3A_165] : memref<323584xi32, #tpu.memory_space<hbm>> -> memref<128xi32, #tpu.memory_space<hbm>>
        %dma_wait3A_191 = tpu.memref_slice %arg4[%mul3A_165] : memref<323584xi32, #tpu.memory_space<hbm>> -> memref<128xi32, #tpu.memory_space<hbm>>
        tpu.wait_dma2 semaphore(%run_scoped3A : memref<!tpu.dma_semaphore, #tpu.memory_space<semaphore_mem>>) src(%dma_wait3A_191 : memref<128xi32, #tpu.memory_space<hbm>>) dst(%arg11 : memref<128xi32, #tpu.memory_space<vmem>>)
        tpu.yield
      }) : () -> ()
      %sub3A_166 = arith.constant 1 : i32
      %sub3A_167 = arith.subi %select_n3A_90, %sub3A_166 : i32
      %while3A_168 = arith.constant 0 : i32
      %while3A_169 = arith.constant 0 : i32
      %while3A_170 = arith.subi %sub3A_167, %while3A_168 : i32
      %while3A_171 = arith.addi %while3A_168, %while3A_170 : i32
      %while3A_172 = arith.constant 1 : i32
      %while3A_173 = arith.divsi %while3A_170, %while3A_172 : i32
      %while3A_174 = arith.muli %while3A_173, %while3A_172 : i32
      %while3A_175 = arith.addi %while3A_168, %while3A_174 : i32
      %while3A_176 = arith.constant 1 : i32
      %while3A_177 = scf.for %while3A_188 = %while3A_168 to %while3A_175 step %while3A_176 iter_args(%while3A_189 = %while3A_169) -> (i32)  : i32 {
        %add3A_190 = arith.constant 1 : i32
        %add3A_191 = arith.addi %while3A_188, %add3A_190 : i32
        %mul3A_192 = arith.constant 3 : i32
        %mul3A_193 = arith.muli %add3A_191, %mul3A_192 : i32
        %add3A_194 = arith.addi %add3A_45, %mul3A_193 : i32
        %dma_wait3A_195 = arith.constant 0 : i32
        %dma_wait3A_196 = arith.constant 0 : i32
        %dma_wait3A_197 = tpu.memref_slice %arg2[%dma_wait3A_195, %dma_wait3A_196] : memref<10016x128xf32, #tpu.memory_space<hbm>> -> memref<10016x128xf32, #tpu.memory_space<hbm>>
        tpu.wait_indirect_dma semaphore(%arg16 : memref<!tpu.dma_semaphore, #tpu.memory_space<semaphore_mem>>) src(%dma_wait3A_197 : memref<10016x128xf32, #tpu.memory_space<hbm>>) dst(%arg12 : memref<128x128xf32, #tpu.memory_space<vmem>>)
        "tpu.region"() ({
          %run_scoped3A = tpu.sem_alloc : memref<!tpu.dma_semaphore, #tpu.memory_space<semaphore_mem>>
          %dma_start3A_238 = arith.constant 0 : i32
          %dma_start3A_239 = arith.constant 0 : i32
          %dma_start3A_240 = tpu.memref_slice %arg15[%dma_start3A_238, %dma_start3A_239] : memref<10112x128xf32, #tpu.memory_space<vmem_shared>> -> memref<10112x128xf32, #tpu.memory_space<vmem_shared>>
          tpu.enqueue_indirect_dma source(%arg12 : memref<128x128xf32, #tpu.memory_space<vmem>>) target(%dma_start3A_240 : memref<10112x128xf32, #tpu.memory_space<vmem_shared>>) offsets(%arg9 : memref<128xi32, #tpu.memory_space<vmem>>) semaphore(%run_scoped3A : memref<!tpu.dma_semaphore, #tpu.memory_space<semaphore_mem>>) {add = true}
          %dma_wait3A_241 = arith.constant 0 : i32
          %dma_wait3A_242 = arith.constant 0 : i32
          %dma_wait3A_243 = tpu.memref_slice %arg15[%dma_wait3A_241, %dma_wait3A_242] : memref<10112x128xf32, #tpu.memory_space<vmem_shared>> -> memref<10112x128xf32, #tpu.memory_space<vmem_shared>>
          tpu.wait_indirect_dma semaphore(%run_scoped3A : memref<!tpu.dma_semaphore, #tpu.memory_space<semaphore_mem>>) src(%arg12 : memref<128x128xf32, #tpu.memory_space<vmem>>) dst(%dma_wait3A_243 : memref<10112x128xf32, #tpu.memory_space<vmem_shared>>)
          tpu.yield
        }) : () -> ()
        %add3A_198 = arith.constant 0 : i32
        %add3A_199 = arith.addi %add3A_194, %add3A_198 : i32
        %mul3A_200 = arith.constant 128 : i32
        %mul3A_201 = arith.muli %add3A_199, %mul3A_200 : i32
        "tpu.region"() ({
          %run_scoped3A = tpu.sem_alloc : memref<!tpu.dma_semaphore, #tpu.memory_space<semaphore_mem>>
          %dma_start3A_238 = tpu.memref_slice %arg3[%mul3A_201] : memref<323584xi32, #tpu.memory_space<hbm>> -> memref<128xi32, #tpu.memory_space<hbm>>
          %dma_start3A_239 = tpu.memref_slice %arg3[%mul3A_201] : memref<323584xi32, #tpu.memory_space<hbm>> -> memref<128xi32, #tpu.memory_space<hbm>>
          tpu.enqueue_dma source(%dma_start3A_239 : memref<128xi32, #tpu.memory_space<hbm>>) target(%arg6 : memref<128xi32, #tpu.memory_space<vmem>>) target_semaphore(%run_scoped3A : memref<!tpu.dma_semaphore, #tpu.memory_space<semaphore_mem>>)
          %dma_wait3A_240 = tpu.memref_slice %arg3[%mul3A_201] : memref<323584xi32, #tpu.memory_space<hbm>> -> memref<128xi32, #tpu.memory_space<hbm>>
          %dma_wait3A_241 = tpu.memref_slice %arg3[%mul3A_201] : memref<323584xi32, #tpu.memory_space<hbm>> -> memref<128xi32, #tpu.memory_space<hbm>>
          tpu.wait_dma2 semaphore(%run_scoped3A : memref<!tpu.dma_semaphore, #tpu.memory_space<semaphore_mem>>) src(%dma_wait3A_241 : memref<128xi32, #tpu.memory_space<hbm>>) dst(%arg6 : memref<128xi32, #tpu.memory_space<vmem>>)
          tpu.yield
        }) : () -> ()
        %dma_start3A_202 = arith.constant 0 : i32
        %dma_start3A_203 = arith.constant 0 : i32
        %dma_start3A_204 = tpu.memref_slice %arg2[%dma_start3A_202, %dma_start3A_203] : memref<10016x128xf32, #tpu.memory_space<hbm>> -> memref<10016x128xf32, #tpu.memory_space<hbm>>
        tpu.enqueue_indirect_dma source(%dma_start3A_204 : memref<10016x128xf32, #tpu.memory_space<hbm>>) target(%arg12 : memref<128x128xf32, #tpu.memory_space<vmem>>) offsets(%arg6 : memref<128xi32, #tpu.memory_space<vmem>>) semaphore(%arg16 : memref<!tpu.dma_semaphore, #tpu.memory_space<semaphore_mem>>)
        %dma_wait3A_205 = arith.constant 0 : i32
        %dma_wait3A_206 = arith.constant 0 : i32
        %dma_wait3A_207 = tpu.memref_slice %arg2[%dma_wait3A_205, %dma_wait3A_206] : memref<10016x128xf32, #tpu.memory_space<hbm>> -> memref<10016x128xf32, #tpu.memory_space<hbm>>
        tpu.wait_indirect_dma semaphore(%arg17 : memref<!tpu.dma_semaphore, #tpu.memory_space<semaphore_mem>>) src(%dma_wait3A_207 : memref<10016x128xf32, #tpu.memory_space<hbm>>) dst(%arg13 : memref<128x128xf32, #tpu.memory_space<vmem>>)
        "tpu.region"() ({
          %run_scoped3A = tpu.sem_alloc : memref<!tpu.dma_semaphore, #tpu.memory_space<semaphore_mem>>
          %dma_start3A_238 = arith.constant 0 : i32
          %dma_start3A_239 = arith.constant 0 : i32
          %dma_start3A_240 = tpu.memref_slice %arg15[%dma_start3A_238, %dma_start3A_239] : memref<10112x128xf32, #tpu.memory_space<vmem_shared>> -> memref<10112x128xf32, #tpu.memory_space<vmem_shared>>
          tpu.enqueue_indirect_dma source(%arg13 : memref<128x128xf32, #tpu.memory_space<vmem>>) target(%dma_start3A_240 : memref<10112x128xf32, #tpu.memory_space<vmem_shared>>) offsets(%arg10 : memref<128xi32, #tpu.memory_space<vmem>>) semaphore(%run_scoped3A : memref<!tpu.dma_semaphore, #tpu.memory_space<semaphore_mem>>) {add = true}
          %dma_wait3A_241 = arith.constant 0 : i32
          %dma_wait3A_242 = arith.constant 0 : i32
          %dma_wait3A_243 = tpu.memref_slice %arg15[%dma_wait3A_241, %dma_wait3A_242] : memref<10112x128xf32, #tpu.memory_space<vmem_shared>> -> memref<10112x128xf32, #tpu.memory_space<vmem_shared>>
          tpu.wait_indirect_dma semaphore(%run_scoped3A : memref<!tpu.dma_semaphore, #tpu.memory_space<semaphore_mem>>) src(%arg13 : memref<128x128xf32, #tpu.memory_space<vmem>>) dst(%dma_wait3A_243 : memref<10112x128xf32, #tpu.memory_space<vmem_shared>>)
          tpu.yield
        }) : () -> ()
        %add3A_208 = arith.constant 1 : i32
        %add3A_209 = arith.addi %add3A_194, %add3A_208 : i32
        %mul3A_210 = arith.constant 128 : i32
        %mul3A_211 = arith.muli %add3A_209, %mul3A_210 : i32
        "tpu.region"() ({
          %run_scoped3A = tpu.sem_alloc : memref<!tpu.dma_semaphore, #tpu.memory_space<semaphore_mem>>
          %dma_start3A_238 = tpu.memref_slice %arg3[%mul3A_211] : memref<323584xi32, #tpu.memory_space<hbm>> -> memref<128xi32, #tpu.memory_space<hbm>>
          %dma_start3A_239 = tpu.memref_slice %arg3[%mul3A_211] : memref<323584xi32, #tpu.memory_space<hbm>> -> memref<128xi32, #tpu.memory_space<hbm>>
          tpu.enqueue_dma source(%dma_start3A_239 : memref<128xi32, #tpu.memory_space<hbm>>) target(%arg7 : memref<128xi32, #tpu.memory_space<vmem>>) target_semaphore(%run_scoped3A : memref<!tpu.dma_semaphore, #tpu.memory_space<semaphore_mem>>)
          %dma_wait3A_240 = tpu.memref_slice %arg3[%mul3A_211] : memref<323584xi32, #tpu.memory_space<hbm>> -> memref<128xi32, #tpu.memory_space<hbm>>
          %dma_wait3A_241 = tpu.memref_slice %arg3[%mul3A_211] : memref<323584xi32, #tpu.memory_space<hbm>> -> memref<128xi32, #tpu.memory_space<hbm>>
          tpu.wait_dma2 semaphore(%run_scoped3A : memref<!tpu.dma_semaphore, #tpu.memory_space<semaphore_mem>>) src(%dma_wait3A_241 : memref<128xi32, #tpu.memory_space<hbm>>) dst(%arg7 : memref<128xi32, #tpu.memory_space<vmem>>)
          tpu.yield
        }) : () -> ()
        %dma_start3A_212 = arith.constant 0 : i32
        %dma_start3A_213 = arith.constant 0 : i32
        %dma_start3A_214 = tpu.memref_slice %arg2[%dma_start3A_212, %dma_start3A_213] : memref<10016x128xf32, #tpu.memory_space<hbm>> -> memref<10016x128xf32, #tpu.memory_space<hbm>>
        tpu.enqueue_indirect_dma source(%dma_start3A_214 : memref<10016x128xf32, #tpu.memory_space<hbm>>) target(%arg13 : memref<128x128xf32, #tpu.memory_space<vmem>>) offsets(%arg7 : memref<128xi32, #tpu.memory_space<vmem>>) semaphore(%arg17 : memref<!tpu.dma_semaphore, #tpu.memory_space<semaphore_mem>>)
        %dma_wait3A_215 = arith.constant 0 : i32
        %dma_wait3A_216 = arith.constant 0 : i32
        %dma_wait3A_217 = tpu.memref_slice %arg2[%dma_wait3A_215, %dma_wait3A_216] : memref<10016x128xf32, #tpu.memory_space<hbm>> -> memref<10016x128xf32, #tpu.memory_space<hbm>>
        tpu.wait_indirect_dma semaphore(%arg18 : memref<!tpu.dma_semaphore, #tpu.memory_space<semaphore_mem>>) src(%dma_wait3A_217 : memref<10016x128xf32, #tpu.memory_space<hbm>>) dst(%arg14 : memref<128x128xf32, #tpu.memory_space<vmem>>)
        "tpu.region"() ({
          %run_scoped3A = tpu.sem_alloc : memref<!tpu.dma_semaphore, #tpu.memory_space<semaphore_mem>>
          %dma_start3A_238 = arith.constant 0 : i32
          %dma_start3A_239 = arith.constant 0 : i32
          %dma_start3A_240 = tpu.memref_slice %arg15[%dma_start3A_238, %dma_start3A_239] : memref<10112x128xf32, #tpu.memory_space<vmem_shared>> -> memref<10112x128xf32, #tpu.memory_space<vmem_shared>>
          tpu.enqueue_indirect_dma source(%arg14 : memref<128x128xf32, #tpu.memory_space<vmem>>) target(%dma_start3A_240 : memref<10112x128xf32, #tpu.memory_space<vmem_shared>>) offsets(%arg11 : memref<128xi32, #tpu.memory_space<vmem>>) semaphore(%run_scoped3A : memref<!tpu.dma_semaphore, #tpu.memory_space<semaphore_mem>>) {add = true}
          %dma_wait3A_241 = arith.constant 0 : i32
          %dma_wait3A_242 = arith.constant 0 : i32
          %dma_wait3A_243 = tpu.memref_slice %arg15[%dma_wait3A_241, %dma_wait3A_242] : memref<10112x128xf32, #tpu.memory_space<vmem_shared>> -> memref<10112x128xf32, #tpu.memory_space<vmem_shared>>
          tpu.wait_indirect_dma semaphore(%run_scoped3A : memref<!tpu.dma_semaphore, #tpu.memory_space<semaphore_mem>>) src(%arg14 : memref<128x128xf32, #tpu.memory_space<vmem>>) dst(%dma_wait3A_243 : memref<10112x128xf32, #tpu.memory_space<vmem_shared>>)
          tpu.yield
        }) : () -> ()
        %add3A_218 = arith.constant 2 : i32
        %add3A_219 = arith.addi %add3A_194, %add3A_218 : i32
        %mul3A_220 = arith.constant 128 : i32
        %mul3A_221 = arith.muli %add3A_219, %mul3A_220 : i32
        "tpu.region"() ({
          %run_scoped3A = tpu.sem_alloc : memref<!tpu.dma_semaphore, #tpu.memory_space<semaphore_mem>>
          %dma_start3A_238 = tpu.memref_slice %arg3[%mul3A_221] : memref<323584xi32, #tpu.memory_space<hbm>> -> memref<128xi32, #tpu.memory_space<hbm>>
          %dma_start3A_239 = tpu.memref_slice %arg3[%mul3A_221] : memref<323584xi32, #tpu.memory_space<hbm>> -> memref<128xi32, #tpu.memory_space<hbm>>
          tpu.enqueue_dma source(%dma_start3A_239 : memref<128xi32, #tpu.memory_space<hbm>>) target(%arg8 : memref<128xi32, #tpu.memory_space<vmem>>) target_semaphore(%run_scoped3A : memref<!tpu.dma_semaphore, #tpu.memory_space<semaphore_mem>>)
          %dma_wait3A_240 = tpu.memref_slice %arg3[%mul3A_221] : memref<323584xi32, #tpu.memory_space<hbm>> -> memref<128xi32, #tpu.memory_space<hbm>>
          %dma_wait3A_241 = tpu.memref_slice %arg3[%mul3A_221] : memref<323584xi32, #tpu.memory_space<hbm>> -> memref<128xi32, #tpu.memory_space<hbm>>
          tpu.wait_dma2 semaphore(%run_scoped3A : memref<!tpu.dma_semaphore, #tpu.memory_space<semaphore_mem>>) src(%dma_wait3A_241 : memref<128xi32, #tpu.memory_space<hbm>>) dst(%arg8 : memref<128xi32, #tpu.memory_space<vmem>>)
          tpu.yield
        }) : () -> ()
        %dma_start3A_222 = arith.constant 0 : i32
        %dma_start3A_223 = arith.constant 0 : i32
        %dma_start3A_224 = tpu.memref_slice %arg2[%dma_start3A_222, %dma_start3A_223] : memref<10016x128xf32, #tpu.memory_space<hbm>> -> memref<10016x128xf32, #tpu.memory_space<hbm>>
        tpu.enqueue_indirect_dma source(%dma_start3A_224 : memref<10016x128xf32, #tpu.memory_space<hbm>>) target(%arg14 : memref<128x128xf32, #tpu.memory_space<vmem>>) offsets(%arg8 : memref<128xi32, #tpu.memory_space<vmem>>) semaphore(%arg18 : memref<!tpu.dma_semaphore, #tpu.memory_space<semaphore_mem>>)
        %add3A_225 = arith.constant 0 : i32
        %add3A_226 = arith.addi %add3A_194, %add3A_225 : i32
        %mul3A_227 = arith.constant 128 : i32
        %mul3A_228 = arith.muli %add3A_226, %mul3A_227 : i32
        "tpu.region"() ({
          %run_scoped3A = tpu.sem_alloc : memref<!tpu.dma_semaphore, #tpu.memory_space<semaphore_mem>>
          %dma_start3A_238 = tpu.memref_slice %arg4[%mul3A_228] : memref<323584xi32, #tpu.memory_space<hbm>> -> memref<128xi32, #tpu.memory_space<hbm>>
          %dma_start3A_239 = tpu.memref_slice %arg4[%mul3A_228] : memref<323584xi32, #tpu.memory_space<hbm>> -> memref<128xi32, #tpu.memory_space<hbm>>
          tpu.enqueue_dma source(%dma_start3A_239 : memref<128xi32, #tpu.memory_space<hbm>>) target(%arg9 : memref<128xi32, #tpu.memory_space<vmem>>) target_semaphore(%run_scoped3A : memref<!tpu.dma_semaphore, #tpu.memory_space<semaphore_mem>>)
          %dma_wait3A_240 = tpu.memref_slice %arg4[%mul3A_228] : memref<323584xi32, #tpu.memory_space<hbm>> -> memref<128xi32, #tpu.memory_space<hbm>>
          %dma_wait3A_241 = tpu.memref_slice %arg4[%mul3A_228] : memref<323584xi32, #tpu.memory_space<hbm>> -> memref<128xi32, #tpu.memory_space<hbm>>
          tpu.wait_dma2 semaphore(%run_scoped3A : memref<!tpu.dma_semaphore, #tpu.memory_space<semaphore_mem>>) src(%dma_wait3A_241 : memref<128xi32, #tpu.memory_space<hbm>>) dst(%arg9 : memref<128xi32, #tpu.memory_space<vmem>>)
          tpu.yield
        }) : () -> ()
        %add3A_229 = arith.constant 1 : i32
        %add3A_230 = arith.addi %add3A_194, %add3A_229 : i32
        %mul3A_231 = arith.constant 128 : i32
        %mul3A_232 = arith.muli %add3A_230, %mul3A_231 : i32
        "tpu.region"() ({
          %run_scoped3A = tpu.sem_alloc : memref<!tpu.dma_semaphore, #tpu.memory_space<semaphore_mem>>
          %dma_start3A_238 = tpu.memref_slice %arg4[%mul3A_232] : memref<323584xi32, #tpu.memory_space<hbm>> -> memref<128xi32, #tpu.memory_space<hbm>>
          %dma_start3A_239 = tpu.memref_slice %arg4[%mul3A_232] : memref<323584xi32, #tpu.memory_space<hbm>> -> memref<128xi32, #tpu.memory_space<hbm>>
          tpu.enqueue_dma source(%dma_start3A_239 : memref<128xi32, #tpu.memory_space<hbm>>) target(%arg10 : memref<128xi32, #tpu.memory_space<vmem>>) target_semaphore(%run_scoped3A : memref<!tpu.dma_semaphore, #tpu.memory_space<semaphore_mem>>)
          %dma_wait3A_240 = tpu.memref_slice %arg4[%mul3A_232] : memref<323584xi32, #tpu.memory_space<hbm>> -> memref<128xi32, #tpu.memory_space<hbm>>
          %dma_wait3A_241 = tpu.memref_slice %arg4[%mul3A_232] : memref<323584xi32, #tpu.memory_space<hbm>> -> memref<128xi32, #tpu.memory_space<hbm>>
          tpu.wait_dma2 semaphore(%run_scoped3A : memref<!tpu.dma_semaphore, #tpu.memory_space<semaphore_mem>>) src(%dma_wait3A_241 : memref<128xi32, #tpu.memory_space<hbm>>) dst(%arg10 : memref<128xi32, #tpu.memory_space<vmem>>)
          tpu.yield
        }) : () -> ()
        %add3A_233 = arith.constant 2 : i32
        %add3A_234 = arith.addi %add3A_194, %add3A_233 : i32
        %mul3A_235 = arith.constant 128 : i32
        %mul3A_236 = arith.muli %add3A_234, %mul3A_235 : i32
        "tpu.region"() ({
          %run_scoped3A = tpu.sem_alloc : memref<!tpu.dma_semaphore, #tpu.memory_space<semaphore_mem>>
          %dma_start3A_238 = tpu.memref_slice %arg4[%mul3A_236] : memref<323584xi32, #tpu.memory_space<hbm>> -> memref<128xi32, #tpu.memory_space<hbm>>
          %dma_start3A_239 = tpu.memref_slice %arg4[%mul3A_236] : memref<323584xi32, #tpu.memory_space<hbm>> -> memref<128xi32, #tpu.memory_space<hbm>>
          tpu.enqueue_dma source(%dma_start3A_239 : memref<128xi32, #tpu.memory_space<hbm>>) target(%arg11 : memref<128xi32, #tpu.memory_space<vmem>>) target_semaphore(%run_scoped3A : memref<!tpu.dma_semaphore, #tpu.memory_space<semaphore_mem>>)
          %dma_wait3A_240 = tpu.memref_slice %arg4[%mul3A_236] : memref<323584xi32, #tpu.memory_space<hbm>> -> memref<128xi32, #tpu.memory_space<hbm>>
          %dma_wait3A_241 = tpu.memref_slice %arg4[%mul3A_236] : memref<323584xi32, #tpu.memory_space<hbm>> -> memref<128xi32, #tpu.memory_space<hbm>>
          tpu.wait_dma2 semaphore(%run_scoped3A : memref<!tpu.dma_semaphore, #tpu.memory_space<semaphore_mem>>) src(%dma_wait3A_241 : memref<128xi32, #tpu.memory_space<hbm>>) dst(%arg11 : memref<128xi32, #tpu.memory_space<vmem>>)
          tpu.yield
        }) : () -> ()
        %while3A_237 = arith.constant 0 : i32
        scf.yield %while3A_237 : i32
      }
      %while3A_178 = arith.constant 1 : i32
      %while3A_179 = scf.for %while3A_188 = %while3A_175 to %while3A_171 step %while3A_178 iter_args(%while3A_189 = %while3A_177) -> (i32)  : i32 {
        %add3A_190 = arith.constant 1 : i32
        %add3A_191 = arith.addi %while3A_188, %add3A_190 : i32
        %mul3A_192 = arith.constant 3 : i32
        %mul3A_193 = arith.muli %add3A_191, %mul3A_192 : i32
        %add3A_194 = arith.addi %add3A_45, %mul3A_193 : i32
        %dma_wait3A_195 = arith.constant 0 : i32
        %dma_wait3A_196 = arith.constant 0 : i32
        %dma_wait3A_197 = tpu.memref_slice %arg2[%dma_wait3A_195, %dma_wait3A_196] : memref<10016x128xf32, #tpu.memory_space<hbm>> -> memref<10016x128xf32, #tpu.memory_space<hbm>>
        tpu.wait_indirect_dma semaphore(%arg16 : memref<!tpu.dma_semaphore, #tpu.memory_space<semaphore_mem>>) src(%dma_wait3A_197 : memref<10016x128xf32, #tpu.memory_space<hbm>>) dst(%arg12 : memref<128x128xf32, #tpu.memory_space<vmem>>)
        "tpu.region"() ({
          %run_scoped3A = tpu.sem_alloc : memref<!tpu.dma_semaphore, #tpu.memory_space<semaphore_mem>>
          %dma_start3A_238 = arith.constant 0 : i32
          %dma_start3A_239 = arith.constant 0 : i32
          %dma_start3A_240 = tpu.memref_slice %arg15[%dma_start3A_238, %dma_start3A_239] : memref<10112x128xf32, #tpu.memory_space<vmem_shared>> -> memref<10112x128xf32, #tpu.memory_space<vmem_shared>>
          tpu.enqueue_indirect_dma source(%arg12 : memref<128x128xf32, #tpu.memory_space<vmem>>) target(%dma_start3A_240 : memref<10112x128xf32, #tpu.memory_space<vmem_shared>>) offsets(%arg9 : memref<128xi32, #tpu.memory_space<vmem>>) semaphore(%run_scoped3A : memref<!tpu.dma_semaphore, #tpu.memory_space<semaphore_mem>>) {add = true}
          %dma_wait3A_241 = arith.constant 0 : i32
          %dma_wait3A_242 = arith.constant 0 : i32
          %dma_wait3A_243 = tpu.memref_slice %arg15[%dma_wait3A_241, %dma_wait3A_242] : memref<10112x128xf32, #tpu.memory_space<vmem_shared>> -> memref<10112x128xf32, #tpu.memory_space<vmem_shared>>
          tpu.wait_indirect_dma semaphore(%run_scoped3A : memref<!tpu.dma_semaphore, #tpu.memory_space<semaphore_mem>>) src(%arg12 : memref<128x128xf32, #tpu.memory_space<vmem>>) dst(%dma_wait3A_243 : memref<10112x128xf32, #tpu.memory_space<vmem_shared>>)
          tpu.yield
        }) : () -> ()
        %add3A_198 = arith.constant 0 : i32
        %add3A_199 = arith.addi %add3A_194, %add3A_198 : i32
        %mul3A_200 = arith.constant 128 : i32
        %mul3A_201 = arith.muli %add3A_199, %mul3A_200 : i32
        "tpu.region"() ({
          %run_scoped3A = tpu.sem_alloc : memref<!tpu.dma_semaphore, #tpu.memory_space<semaphore_mem>>
          %dma_start3A_238 = tpu.memref_slice %arg3[%mul3A_201] : memref<323584xi32, #tpu.memory_space<hbm>> -> memref<128xi32, #tpu.memory_space<hbm>>
          %dma_start3A_239 = tpu.memref_slice %arg3[%mul3A_201] : memref<323584xi32, #tpu.memory_space<hbm>> -> memref<128xi32, #tpu.memory_space<hbm>>
          tpu.enqueue_dma source(%dma_start3A_239 : memref<128xi32, #tpu.memory_space<hbm>>) target(%arg6 : memref<128xi32, #tpu.memory_space<vmem>>) target_semaphore(%run_scoped3A : memref<!tpu.dma_semaphore, #tpu.memory_space<semaphore_mem>>)
          %dma_wait3A_240 = tpu.memref_slice %arg3[%mul3A_201] : memref<323584xi32, #tpu.memory_space<hbm>> -> memref<128xi32, #tpu.memory_space<hbm>>
          %dma_wait3A_241 = tpu.memref_slice %arg3[%mul3A_201] : memref<323584xi32, #tpu.memory_space<hbm>> -> memref<128xi32, #tpu.memory_space<hbm>>
          tpu.wait_dma2 semaphore(%run_scoped3A : memref<!tpu.dma_semaphore, #tpu.memory_space<semaphore_mem>>) src(%dma_wait3A_241 : memref<128xi32, #tpu.memory_space<hbm>>) dst(%arg6 : memref<128xi32, #tpu.memory_space<vmem>>)
          tpu.yield
        }) : () -> ()
        %dma_start3A_202 = arith.constant 0 : i32
        %dma_start3A_203 = arith.constant 0 : i32
        %dma_start3A_204 = tpu.memref_slice %arg2[%dma_start3A_202, %dma_start3A_203] : memref<10016x128xf32, #tpu.memory_space<hbm>> -> memref<10016x128xf32, #tpu.memory_space<hbm>>
        tpu.enqueue_indirect_dma source(%dma_start3A_204 : memref<10016x128xf32, #tpu.memory_space<hbm>>) target(%arg12 : memref<128x128xf32, #tpu.memory_space<vmem>>) offsets(%arg6 : memref<128xi32, #tpu.memory_space<vmem>>) semaphore(%arg16 : memref<!tpu.dma_semaphore, #tpu.memory_space<semaphore_mem>>)
        %dma_wait3A_205 = arith.constant 0 : i32
        %dma_wait3A_206 = arith.constant 0 : i32
        %dma_wait3A_207 = tpu.memref_slice %arg2[%dma_wait3A_205, %dma_wait3A_206] : memref<10016x128xf32, #tpu.memory_space<hbm>> -> memref<10016x128xf32, #tpu.memory_space<hbm>>
        tpu.wait_indirect_dma semaphore(%arg17 : memref<!tpu.dma_semaphore, #tpu.memory_space<semaphore_mem>>) src(%dma_wait3A_207 : memref<10016x128xf32, #tpu.memory_space<hbm>>) dst(%arg13 : memref<128x128xf32, #tpu.memory_space<vmem>>)
        "tpu.region"() ({
          %run_scoped3A = tpu.sem_alloc : memref<!tpu.dma_semaphore, #tpu.memory_space<semaphore_mem>>
          %dma_start3A_238 = arith.constant 0 : i32
          %dma_start3A_239 = arith.constant 0 : i32
          %dma_start3A_240 = tpu.memref_slice %arg15[%dma_start3A_238, %dma_start3A_239] : memref<10112x128xf32, #tpu.memory_space<vmem_shared>> -> memref<10112x128xf32, #tpu.memory_space<vmem_shared>>
          tpu.enqueue_indirect_dma source(%arg13 : memref<128x128xf32, #tpu.memory_space<vmem>>) target(%dma_start3A_240 : memref<10112x128xf32, #tpu.memory_space<vmem_shared>>) offsets(%arg10 : memref<128xi32, #tpu.memory_space<vmem>>) semaphore(%run_scoped3A : memref<!tpu.dma_semaphore, #tpu.memory_space<semaphore_mem>>) {add = true}
          %dma_wait3A_241 = arith.constant 0 : i32
          %dma_wait3A_242 = arith.constant 0 : i32
          %dma_wait3A_243 = tpu.memref_slice %arg15[%dma_wait3A_241, %dma_wait3A_242] : memref<10112x128xf32, #tpu.memory_space<vmem_shared>> -> memref<10112x128xf32, #tpu.memory_space<vmem_shared>>
          tpu.wait_indirect_dma semaphore(%run_scoped3A : memref<!tpu.dma_semaphore, #tpu.memory_space<semaphore_mem>>) src(%arg13 : memref<128x128xf32, #tpu.memory_space<vmem>>) dst(%dma_wait3A_243 : memref<10112x128xf32, #tpu.memory_space<vmem_shared>>)
          tpu.yield
        }) : () -> ()
        %add3A_208 = arith.constant 1 : i32
        %add3A_209 = arith.addi %add3A_194, %add3A_208 : i32
        %mul3A_210 = arith.constant 128 : i32
        %mul3A_211 = arith.muli %add3A_209, %mul3A_210 : i32
        "tpu.region"() ({
          %run_scoped3A = tpu.sem_alloc : memref<!tpu.dma_semaphore, #tpu.memory_space<semaphore_mem>>
          %dma_start3A_238 = tpu.memref_slice %arg3[%mul3A_211] : memref<323584xi32, #tpu.memory_space<hbm>> -> memref<128xi32, #tpu.memory_space<hbm>>
          %dma_start3A_239 = tpu.memref_slice %arg3[%mul3A_211] : memref<323584xi32, #tpu.memory_space<hbm>> -> memref<128xi32, #tpu.memory_space<hbm>>
          tpu.enqueue_dma source(%dma_start3A_239 : memref<128xi32, #tpu.memory_space<hbm>>) target(%arg7 : memref<128xi32, #tpu.memory_space<vmem>>) target_semaphore(%run_scoped3A : memref<!tpu.dma_semaphore, #tpu.memory_space<semaphore_mem>>)
          %dma_wait3A_240 = tpu.memref_slice %arg3[%mul3A_211] : memref<323584xi32, #tpu.memory_space<hbm>> -> memref<128xi32, #tpu.memory_space<hbm>>
          %dma_wait3A_241 = tpu.memref_slice %arg3[%mul3A_211] : memref<323584xi32, #tpu.memory_space<hbm>> -> memref<128xi32, #tpu.memory_space<hbm>>
          tpu.wait_dma2 semaphore(%run_scoped3A : memref<!tpu.dma_semaphore, #tpu.memory_space<semaphore_mem>>) src(%dma_wait3A_241 : memref<128xi32, #tpu.memory_space<hbm>>) dst(%arg7 : memref<128xi32, #tpu.memory_space<vmem>>)
          tpu.yield
        }) : () -> ()
        %dma_start3A_212 = arith.constant 0 : i32
        %dma_start3A_213 = arith.constant 0 : i32
        %dma_start3A_214 = tpu.memref_slice %arg2[%dma_start3A_212, %dma_start3A_213] : memref<10016x128xf32, #tpu.memory_space<hbm>> -> memref<10016x128xf32, #tpu.memory_space<hbm>>
        tpu.enqueue_indirect_dma source(%dma_start3A_214 : memref<10016x128xf32, #tpu.memory_space<hbm>>) target(%arg13 : memref<128x128xf32, #tpu.memory_space<vmem>>) offsets(%arg7 : memref<128xi32, #tpu.memory_space<vmem>>) semaphore(%arg17 : memref<!tpu.dma_semaphore, #tpu.memory_space<semaphore_mem>>)
        %dma_wait3A_215 = arith.constant 0 : i32
        %dma_wait3A_216 = arith.constant 0 : i32
        %dma_wait3A_217 = tpu.memref_slice %arg2[%dma_wait3A_215, %dma_wait3A_216] : memref<10016x128xf32, #tpu.memory_space<hbm>> -> memref<10016x128xf32, #tpu.memory_space<hbm>>
        tpu.wait_indirect_dma semaphore(%arg18 : memref<!tpu.dma_semaphore, #tpu.memory_space<semaphore_mem>>) src(%dma_wait3A_217 : memref<10016x128xf32, #tpu.memory_space<hbm>>) dst(%arg14 : memref<128x128xf32, #tpu.memory_space<vmem>>)
        "tpu.region"() ({
          %run_scoped3A = tpu.sem_alloc : memref<!tpu.dma_semaphore, #tpu.memory_space<semaphore_mem>>
          %dma_start3A_238 = arith.constant 0 : i32
          %dma_start3A_239 = arith.constant 0 : i32
          %dma_start3A_240 = tpu.memref_slice %arg15[%dma_start3A_238, %dma_start3A_239] : memref<10112x128xf32, #tpu.memory_space<vmem_shared>> -> memref<10112x128xf32, #tpu.memory_space<vmem_shared>>
          tpu.enqueue_indirect_dma source(%arg14 : memref<128x128xf32, #tpu.memory_space<vmem>>) target(%dma_start3A_240 : memref<10112x128xf32, #tpu.memory_space<vmem_shared>>) offsets(%arg11 : memref<128xi32, #tpu.memory_space<vmem>>) semaphore(%run_scoped3A : memref<!tpu.dma_semaphore, #tpu.memory_space<semaphore_mem>>) {add = true}
          %dma_wait3A_241 = arith.constant 0 : i32
          %dma_wait3A_242 = arith.constant 0 : i32
          %dma_wait3A_243 = tpu.memref_slice %arg15[%dma_wait3A_241, %dma_wait3A_242] : memref<10112x128xf32, #tpu.memory_space<vmem_shared>> -> memref<10112x128xf32, #tpu.memory_space<vmem_shared>>
          tpu.wait_indirect_dma semaphore(%run_scoped3A : memref<!tpu.dma_semaphore, #tpu.memory_space<semaphore_mem>>) src(%arg14 : memref<128x128xf32, #tpu.memory_space<vmem>>) dst(%dma_wait3A_243 : memref<10112x128xf32, #tpu.memory_space<vmem_shared>>)
          tpu.yield
        }) : () -> ()
        %add3A_218 = arith.constant 2 : i32
        %add3A_219 = arith.addi %add3A_194, %add3A_218 : i32
        %mul3A_220 = arith.constant 128 : i32
        %mul3A_221 = arith.muli %add3A_219, %mul3A_220 : i32
        "tpu.region"() ({
          %run_scoped3A = tpu.sem_alloc : memref<!tpu.dma_semaphore, #tpu.memory_space<semaphore_mem>>
          %dma_start3A_238 = tpu.memref_slice %arg3[%mul3A_221] : memref<323584xi32, #tpu.memory_space<hbm>> -> memref<128xi32, #tpu.memory_space<hbm>>
          %dma_start3A_239 = tpu.memref_slice %arg3[%mul3A_221] : memref<323584xi32, #tpu.memory_space<hbm>> -> memref<128xi32, #tpu.memory_space<hbm>>
          tpu.enqueue_dma source(%dma_start3A_239 : memref<128xi32, #tpu.memory_space<hbm>>) target(%arg8 : memref<128xi32, #tpu.memory_space<vmem>>) target_semaphore(%run_scoped3A : memref<!tpu.dma_semaphore, #tpu.memory_space<semaphore_mem>>)
          %dma_wait3A_240 = tpu.memref_slice %arg3[%mul3A_221] : memref<323584xi32, #tpu.memory_space<hbm>> -> memref<128xi32, #tpu.memory_space<hbm>>
          %dma_wait3A_241 = tpu.memref_slice %arg3[%mul3A_221] : memref<323584xi32, #tpu.memory_space<hbm>> -> memref<128xi32, #tpu.memory_space<hbm>>
          tpu.wait_dma2 semaphore(%run_scoped3A : memref<!tpu.dma_semaphore, #tpu.memory_space<semaphore_mem>>) src(%dma_wait3A_241 : memref<128xi32, #tpu.memory_space<hbm>>) dst(%arg8 : memref<128xi32, #tpu.memory_space<vmem>>)
          tpu.yield
        }) : () -> ()
        %dma_start3A_222 = arith.constant 0 : i32
        %dma_start3A_223 = arith.constant 0 : i32
        %dma_start3A_224 = tpu.memref_slice %arg2[%dma_start3A_222, %dma_start3A_223] : memref<10016x128xf32, #tpu.memory_space<hbm>> -> memref<10016x128xf32, #tpu.memory_space<hbm>>
        tpu.enqueue_indirect_dma source(%dma_start3A_224 : memref<10016x128xf32, #tpu.memory_space<hbm>>) target(%arg14 : memref<128x128xf32, #tpu.memory_space<vmem>>) offsets(%arg8 : memref<128xi32, #tpu.memory_space<vmem>>) semaphore(%arg18 : memref<!tpu.dma_semaphore, #tpu.memory_space<semaphore_mem>>)
        %add3A_225 = arith.constant 0 : i32
        %add3A_226 = arith.addi %add3A_194, %add3A_225 : i32
        %mul3A_227 = arith.constant 128 : i32
        %mul3A_228 = arith.muli %add3A_226, %mul3A_227 : i32
        "tpu.region"() ({
          %run_scoped3A = tpu.sem_alloc : memref<!tpu.dma_semaphore, #tpu.memory_space<semaphore_mem>>
          %dma_start3A_238 = tpu.memref_slice %arg4[%mul3A_228] : memref<323584xi32, #tpu.memory_space<hbm>> -> memref<128xi32, #tpu.memory_space<hbm>>
          %dma_start3A_239 = tpu.memref_slice %arg4[%mul3A_228] : memref<323584xi32, #tpu.memory_space<hbm>> -> memref<128xi32, #tpu.memory_space<hbm>>
          tpu.enqueue_dma source(%dma_start3A_239 : memref<128xi32, #tpu.memory_space<hbm>>) target(%arg9 : memref<128xi32, #tpu.memory_space<vmem>>) target_semaphore(%run_scoped3A : memref<!tpu.dma_semaphore, #tpu.memory_space<semaphore_mem>>)
          %dma_wait3A_240 = tpu.memref_slice %arg4[%mul3A_228] : memref<323584xi32, #tpu.memory_space<hbm>> -> memref<128xi32, #tpu.memory_space<hbm>>
          %dma_wait3A_241 = tpu.memref_slice %arg4[%mul3A_228] : memref<323584xi32, #tpu.memory_space<hbm>> -> memref<128xi32, #tpu.memory_space<hbm>>
          tpu.wait_dma2 semaphore(%run_scoped3A : memref<!tpu.dma_semaphore, #tpu.memory_space<semaphore_mem>>) src(%dma_wait3A_241 : memref<128xi32, #tpu.memory_space<hbm>>) dst(%arg9 : memref<128xi32, #tpu.memory_space<vmem>>)
          tpu.yield
        }) : () -> ()
        %add3A_229 = arith.constant 1 : i32
        %add3A_230 = arith.addi %add3A_194, %add3A_229 : i32
        %mul3A_231 = arith.constant 128 : i32
        %mul3A_232 = arith.muli %add3A_230, %mul3A_231 : i32
        "tpu.region"() ({
          %run_scoped3A = tpu.sem_alloc : memref<!tpu.dma_semaphore, #tpu.memory_space<semaphore_mem>>
          %dma_start3A_238 = tpu.memref_slice %arg4[%mul3A_232] : memref<323584xi32, #tpu.memory_space<hbm>> -> memref<128xi32, #tpu.memory_space<hbm>>
          %dma_start3A_239 = tpu.memref_slice %arg4[%mul3A_232] : memref<323584xi32, #tpu.memory_space<hbm>> -> memref<128xi32, #tpu.memory_space<hbm>>
          tpu.enqueue_dma source(%dma_start3A_239 : memref<128xi32, #tpu.memory_space<hbm>>) target(%arg10 : memref<128xi32, #tpu.memory_space<vmem>>) target_semaphore(%run_scoped3A : memref<!tpu.dma_semaphore, #tpu.memory_space<semaphore_mem>>)
          %dma_wait3A_240 = tpu.memref_slice %arg4[%mul3A_232] : memref<323584xi32, #tpu.memory_space<hbm>> -> memref<128xi32, #tpu.memory_space<hbm>>
          %dma_wait3A_241 = tpu.memref_slice %arg4[%mul3A_232] : memref<323584xi32, #tpu.memory_space<hbm>> -> memref<128xi32, #tpu.memory_space<hbm>>
          tpu.wait_dma2 semaphore(%run_scoped3A : memref<!tpu.dma_semaphore, #tpu.memory_space<semaphore_mem>>) src(%dma_wait3A_241 : memref<128xi32, #tpu.memory_space<hbm>>) dst(%arg10 : memref<128xi32, #tpu.memory_space<vmem>>)
          tpu.yield
        }) : () -> ()
        %add3A_233 = arith.constant 2 : i32
        %add3A_234 = arith.addi %add3A_194, %add3A_233 : i32
        %mul3A_235 = arith.constant 128 : i32
        %mul3A_236 = arith.muli %add3A_234, %mul3A_235 : i32
        "tpu.region"() ({
          %run_scoped3A = tpu.sem_alloc : memref<!tpu.dma_semaphore, #tpu.memory_space<semaphore_mem>>
          %dma_start3A_238 = tpu.memref_slice %arg4[%mul3A_236] : memref<323584xi32, #tpu.memory_space<hbm>> -> memref<128xi32, #tpu.memory_space<hbm>>
          %dma_start3A_239 = tpu.memref_slice %arg4[%mul3A_236] : memref<323584xi32, #tpu.memory_space<hbm>> -> memref<128xi32, #tpu.memory_space<hbm>>
          tpu.enqueue_dma source(%dma_start3A_239 : memref<128xi32, #tpu.memory_space<hbm>>) target(%arg11 : memref<128xi32, #tpu.memory_space<vmem>>) target_semaphore(%run_scoped3A : memref<!tpu.dma_semaphore, #tpu.memory_space<semaphore_mem>>)
          %dma_wait3A_240 = tpu.memref_slice %arg4[%mul3A_236] : memref<323584xi32, #tpu.memory_space<hbm>> -> memref<128xi32, #tpu.memory_space<hbm>>
          %dma_wait3A_241 = tpu.memref_slice %arg4[%mul3A_236] : memref<323584xi32, #tpu.memory_space<hbm>> -> memref<128xi32, #tpu.memory_space<hbm>>
          tpu.wait_dma2 semaphore(%run_scoped3A : memref<!tpu.dma_semaphore, #tpu.memory_space<semaphore_mem>>) src(%dma_wait3A_241 : memref<128xi32, #tpu.memory_space<hbm>>) dst(%arg11 : memref<128xi32, #tpu.memory_space<vmem>>)
          tpu.yield
        }) : () -> ()
        %while3A_237 = arith.constant 0 : i32
        scf.yield %while3A_237 : i32
      }
      %dma_wait3A = arith.constant 0 : i32
      %dma_wait3A_180 = arith.constant 0 : i32
      %dma_wait3A_181 = tpu.memref_slice %arg2[%dma_wait3A, %dma_wait3A_180] : memref<10016x128xf32, #tpu.memory_space<hbm>> -> memref<10016x128xf32, #tpu.memory_space<hbm>>
      tpu.wait_indirect_dma semaphore(%arg16 : memref<!tpu.dma_semaphore, #tpu.memory_space<semaphore_mem>>) src(%dma_wait3A_181 : memref<10016x128xf32, #tpu.memory_space<hbm>>) dst(%arg12 : memref<128x128xf32, #tpu.memory_space<vmem>>)
      "tpu.region"() ({
        %run_scoped3A = tpu.sem_alloc : memref<!tpu.dma_semaphore, #tpu.memory_space<semaphore_mem>>
        %dma_start3A_188 = arith.constant 0 : i32
        %dma_start3A_189 = arith.constant 0 : i32
        %dma_start3A_190 = tpu.memref_slice %arg15[%dma_start3A_188, %dma_start3A_189] : memref<10112x128xf32, #tpu.memory_space<vmem_shared>> -> memref<10112x128xf32, #tpu.memory_space<vmem_shared>>
        tpu.enqueue_indirect_dma source(%arg12 : memref<128x128xf32, #tpu.memory_space<vmem>>) target(%dma_start3A_190 : memref<10112x128xf32, #tpu.memory_space<vmem_shared>>) offsets(%arg9 : memref<128xi32, #tpu.memory_space<vmem>>) semaphore(%run_scoped3A : memref<!tpu.dma_semaphore, #tpu.memory_space<semaphore_mem>>) {add = true}
        %dma_wait3A_191 = arith.constant 0 : i32
        %dma_wait3A_192 = arith.constant 0 : i32
        %dma_wait3A_193 = tpu.memref_slice %arg15[%dma_wait3A_191, %dma_wait3A_192] : memref<10112x128xf32, #tpu.memory_space<vmem_shared>> -> memref<10112x128xf32, #tpu.memory_space<vmem_shared>>
        tpu.wait_indirect_dma semaphore(%run_scoped3A : memref<!tpu.dma_semaphore, #tpu.memory_space<semaphore_mem>>) src(%arg12 : memref<128x128xf32, #tpu.memory_space<vmem>>) dst(%dma_wait3A_193 : memref<10112x128xf32, #tpu.memory_space<vmem_shared>>)
        tpu.yield
      }) : () -> ()
      %dma_wait3A_182 = arith.constant 0 : i32
      %dma_wait3A_183 = arith.constant 0 : i32
      %dma_wait3A_184 = tpu.memref_slice %arg2[%dma_wait3A_182, %dma_wait3A_183] : memref<10016x128xf32, #tpu.memory_space<hbm>> -> memref<10016x128xf32, #tpu.memory_space<hbm>>
      tpu.wait_indirect_dma semaphore(%arg17 : memref<!tpu.dma_semaphore, #tpu.memory_space<semaphore_mem>>) src(%dma_wait3A_184 : memref<10016x128xf32, #tpu.memory_space<hbm>>) dst(%arg13 : memref<128x128xf32, #tpu.memory_space<vmem>>)
      "tpu.region"() ({
        %run_scoped3A = tpu.sem_alloc : memref<!tpu.dma_semaphore, #tpu.memory_space<semaphore_mem>>
        %dma_start3A_188 = arith.constant 0 : i32
        %dma_start3A_189 = arith.constant 0 : i32
        %dma_start3A_190 = tpu.memref_slice %arg15[%dma_start3A_188, %dma_start3A_189] : memref<10112x128xf32, #tpu.memory_space<vmem_shared>> -> memref<10112x128xf32, #tpu.memory_space<vmem_shared>>
        tpu.enqueue_indirect_dma source(%arg13 : memref<128x128xf32, #tpu.memory_space<vmem>>) target(%dma_start3A_190 : memref<10112x128xf32, #tpu.memory_space<vmem_shared>>) offsets(%arg10 : memref<128xi32, #tpu.memory_space<vmem>>) semaphore(%run_scoped3A : memref<!tpu.dma_semaphore, #tpu.memory_space<semaphore_mem>>) {add = true}
        %dma_wait3A_191 = arith.constant 0 : i32
        %dma_wait3A_192 = arith.constant 0 : i32
        %dma_wait3A_193 = tpu.memref_slice %arg15[%dma_wait3A_191, %dma_wait3A_192] : memref<10112x128xf32, #tpu.memory_space<vmem_shared>> -> memref<10112x128xf32, #tpu.memory_space<vmem_shared>>
        tpu.wait_indirect_dma semaphore(%run_scoped3A : memref<!tpu.dma_semaphore, #tpu.memory_space<semaphore_mem>>) src(%arg13 : memref<128x128xf32, #tpu.memory_space<vmem>>) dst(%dma_wait3A_193 : memref<10112x128xf32, #tpu.memory_space<vmem_shared>>)
        tpu.yield
      }) : () -> ()
      %dma_wait3A_185 = arith.constant 0 : i32
      %dma_wait3A_186 = arith.constant 0 : i32
      %dma_wait3A_187 = tpu.memref_slice %arg2[%dma_wait3A_185, %dma_wait3A_186] : memref<10016x128xf32, #tpu.memory_space<hbm>> -> memref<10016x128xf32, #tpu.memory_space<hbm>>
      tpu.wait_indirect_dma semaphore(%arg18 : memref<!tpu.dma_semaphore, #tpu.memory_space<semaphore_mem>>) src(%dma_wait3A_187 : memref<10016x128xf32, #tpu.memory_space<hbm>>) dst(%arg14 : memref<128x128xf32, #tpu.memory_space<vmem>>)
      "tpu.region"() ({
        %run_scoped3A = tpu.sem_alloc : memref<!tpu.dma_semaphore, #tpu.memory_space<semaphore_mem>>
        %dma_start3A_188 = arith.constant 0 : i32
        %dma_start3A_189 = arith.constant 0 : i32
        %dma_start3A_190 = tpu.memref_slice %arg15[%dma_start3A_188, %dma_start3A_189] : memref<10112x128xf32, #tpu.memory_space<vmem_shared>> -> memref<10112x128xf32, #tpu.memory_space<vmem_shared>>
        tpu.enqueue_indirect_dma source(%arg14 : memref<128x128xf32, #tpu.memory_space<vmem>>) target(%dma_start3A_190 : memref<10112x128xf32, #tpu.memory_space<vmem_shared>>) offsets(%arg11 : memref<128xi32, #tpu.memory_space<vmem>>) semaphore(%run_scoped3A : memref<!tpu.dma_semaphore, #tpu.memory_space<semaphore_mem>>) {add = true}
        %dma_wait3A_191 = arith.constant 0 : i32
        %dma_wait3A_192 = arith.constant 0 : i32
        %dma_wait3A_193 = tpu.memref_slice %arg15[%dma_wait3A_191, %dma_wait3A_192] : memref<10112x128xf32, #tpu.memory_space<vmem_shared>> -> memref<10112x128xf32, #tpu.memory_space<vmem_shared>>
        tpu.wait_indirect_dma semaphore(%run_scoped3A : memref<!tpu.dma_semaphore, #tpu.memory_space<semaphore_mem>>) src(%arg14 : memref<128x128xf32, #tpu.memory_space<vmem>>) dst(%dma_wait3A_193 : memref<10112x128xf32, #tpu.memory_space<vmem_shared>>)
        tpu.yield
      }) : () -> ()
    } else {
    }
    %jit3A_93 = arith.constant 3 : i32
    %div3A_94 = arith.divsi %add3A_43, %jit3A_93 : i32
    %sign3A_95 = arith.constant 0 : i32
    %sign3A_96 = arith.cmpi sgt, %add3A_43, %sign3A_95 : i32
    %sign3A_97 = arith.extui %sign3A_96 : i1 to i32
    %sign3A_98 = arith.constant 0 : i32
    %sign3A_99 = arith.cmpi slt, %add3A_43, %sign3A_98 : i32
    %sign3A_100 = arith.extui %sign3A_99 : i1 to i32
    %sign3A_101 = arith.subi %sign3A_97, %sign3A_100 : i32
    %sign3A_102 = arith.constant 0 : i32
    %sign3A_103 = arith.cmpi sgt, %jit3A_93, %sign3A_102 : i32
    %sign3A_104 = arith.extui %sign3A_103 : i1 to i32
    %sign3A_105 = arith.constant 0 : i32
    %sign3A_106 = arith.cmpi slt, %jit3A_93, %sign3A_105 : i32
    %sign3A_107 = arith.extui %sign3A_106 : i1 to i32
    %sign3A_108 = arith.subi %sign3A_104, %sign3A_107 : i32
    %ne3A_109 = arith.cmpi ne, %sign3A_101, %sign3A_108 : i32
    %rem3A_110 = arith.remsi %add3A_43, %jit3A_93 : i32
    %ne3A_111 = arith.constant 0 : i32
    %ne3A_112 = arith.cmpi ne, %rem3A_110, %ne3A_111 : i32
    %and3A_113 = arith.andi %ne3A_109, %ne3A_112 : i1
    %sub3A_114 = arith.constant 1 : i32
    %sub3A_115 = arith.subi %div3A_94, %sub3A_114 : i32
    %select_n3A_116 = arith.select %and3A_113, %sub3A_115, %div3A_94 : i32
    %mul3A_117 = arith.constant 3 : i32
    %mul3A_118 = arith.muli %select_n3A_116, %mul3A_117 : i32
    %while3A = arith.constant 0 : i32
    %while3A_119 = arith.subi %add3A_43, %mul3A_118 : i32
    %while3A_120 = arith.addi %mul3A_118, %while3A_119 : i32
    %while3A_121 = arith.constant 1 : i32
    %while3A_122 = arith.divsi %while3A_119, %while3A_121 : i32
    %while3A_123 = arith.muli %while3A_122, %while3A_121 : i32
    %while3A_124 = arith.addi %mul3A_118, %while3A_123 : i32
    %while3A_125 = arith.constant 1 : i32
    %while3A_126 = scf.for %while3A_134 = %mul3A_118 to %while3A_124 step %while3A_125 iter_args(%while3A_135 = %while3A) -> (i32)  : i32 {
      %add3A_136 = arith.addi %add3A_45, %while3A_134 : i32
      %mul3A_137 = arith.constant 128 : i32
      %mul3A_138 = arith.muli %add3A_136, %mul3A_137 : i32
      "tpu.region"() ({
        %run_scoped3A = tpu.sem_alloc : memref<!tpu.dma_semaphore, #tpu.memory_space<semaphore_mem>>
        %dma_start3A_144 = tpu.memref_slice %arg3[%mul3A_138] : memref<323584xi32, #tpu.memory_space<hbm>> -> memref<128xi32, #tpu.memory_space<hbm>>
        %dma_start3A_145 = tpu.memref_slice %arg3[%mul3A_138] : memref<323584xi32, #tpu.memory_space<hbm>> -> memref<128xi32, #tpu.memory_space<hbm>>
        tpu.enqueue_dma source(%dma_start3A_145 : memref<128xi32, #tpu.memory_space<hbm>>) target(%arg6 : memref<128xi32, #tpu.memory_space<vmem>>) target_semaphore(%run_scoped3A : memref<!tpu.dma_semaphore, #tpu.memory_space<semaphore_mem>>)
        %dma_wait3A_146 = tpu.memref_slice %arg3[%mul3A_138] : memref<323584xi32, #tpu.memory_space<hbm>> -> memref<128xi32, #tpu.memory_space<hbm>>
        %dma_wait3A_147 = tpu.memref_slice %arg3[%mul3A_138] : memref<323584xi32, #tpu.memory_space<hbm>> -> memref<128xi32, #tpu.memory_space<hbm>>
        tpu.wait_dma2 semaphore(%run_scoped3A : memref<!tpu.dma_semaphore, #tpu.memory_space<semaphore_mem>>) src(%dma_wait3A_147 : memref<128xi32, #tpu.memory_space<hbm>>) dst(%arg6 : memref<128xi32, #tpu.memory_space<vmem>>)
        tpu.yield
      }) : () -> ()
      "tpu.region"() ({
        %run_scoped3A = tpu.sem_alloc : memref<!tpu.dma_semaphore, #tpu.memory_space<semaphore_mem>>
        %dma_start3A_144 = tpu.memref_slice %arg4[%mul3A_138] : memref<323584xi32, #tpu.memory_space<hbm>> -> memref<128xi32, #tpu.memory_space<hbm>>
        %dma_start3A_145 = tpu.memref_slice %arg4[%mul3A_138] : memref<323584xi32, #tpu.memory_space<hbm>> -> memref<128xi32, #tpu.memory_space<hbm>>
        tpu.enqueue_dma source(%dma_start3A_145 : memref<128xi32, #tpu.memory_space<hbm>>) target(%arg9 : memref<128xi32, #tpu.memory_space<vmem>>) target_semaphore(%run_scoped3A : memref<!tpu.dma_semaphore, #tpu.memory_space<semaphore_mem>>)
        %dma_wait3A_146 = tpu.memref_slice %arg4[%mul3A_138] : memref<323584xi32, #tpu.memory_space<hbm>> -> memref<128xi32, #tpu.memory_space<hbm>>
        %dma_wait3A_147 = tpu.memref_slice %arg4[%mul3A_138] : memref<323584xi32, #tpu.memory_space<hbm>> -> memref<128xi32, #tpu.memory_space<hbm>>
        tpu.wait_dma2 semaphore(%run_scoped3A : memref<!tpu.dma_semaphore, #tpu.memory_space<semaphore_mem>>) src(%dma_wait3A_147 : memref<128xi32, #tpu.memory_space<hbm>>) dst(%arg9 : memref<128xi32, #tpu.memory_space<vmem>>)
        tpu.yield
      }) : () -> ()
      %dma_start3A = arith.constant 0 : i32
      %dma_start3A_139 = arith.constant 0 : i32
      %dma_start3A_140 = tpu.memref_slice %arg2[%dma_start3A, %dma_start3A_139] : memref<10016x128xf32, #tpu.memory_space<hbm>> -> memref<10016x128xf32, #tpu.memory_space<hbm>>
      tpu.enqueue_indirect_dma source(%dma_start3A_140 : memref<10016x128xf32, #tpu.memory_space<hbm>>) target(%arg12 : memref<128x128xf32, #tpu.memory_space<vmem>>) offsets(%arg6 : memref<128xi32, #tpu.memory_space<vmem>>) semaphore(%arg16 : memref<!tpu.dma_semaphore, #tpu.memory_space<semaphore_mem>>)
      %dma_wait3A = arith.constant 0 : i32
      %dma_wait3A_141 = arith.constant 0 : i32
      %dma_wait3A_142 = tpu.memref_slice %arg2[%dma_wait3A, %dma_wait3A_141] : memref<10016x128xf32, #tpu.memory_space<hbm>> -> memref<10016x128xf32, #tpu.memory_space<hbm>>
      tpu.wait_indirect_dma semaphore(%arg16 : memref<!tpu.dma_semaphore, #tpu.memory_space<semaphore_mem>>) src(%dma_wait3A_142 : memref<10016x128xf32, #tpu.memory_space<hbm>>) dst(%arg12 : memref<128x128xf32, #tpu.memory_space<vmem>>)
      "tpu.region"() ({
        %run_scoped3A = tpu.sem_alloc : memref<!tpu.dma_semaphore, #tpu.memory_space<semaphore_mem>>
        %dma_start3A_144 = arith.constant 0 : i32
        %dma_start3A_145 = arith.constant 0 : i32
        %dma_start3A_146 = tpu.memref_slice %arg15[%dma_start3A_144, %dma_start3A_145] : memref<10112x128xf32, #tpu.memory_space<vmem_shared>> -> memref<10112x128xf32, #tpu.memory_space<vmem_shared>>
        tpu.enqueue_indirect_dma source(%arg12 : memref<128x128xf32, #tpu.memory_space<vmem>>) target(%dma_start3A_146 : memref<10112x128xf32, #tpu.memory_space<vmem_shared>>) offsets(%arg9 : memref<128xi32, #tpu.memory_space<vmem>>) semaphore(%run_scoped3A : memref<!tpu.dma_semaphore, #tpu.memory_space<semaphore_mem>>) {add = true}
        %dma_wait3A_147 = arith.constant 0 : i32
        %dma_wait3A_148 = arith.constant 0 : i32
        %dma_wait3A_149 = tpu.memref_slice %arg15[%dma_wait3A_147, %dma_wait3A_148] : memref<10112x128xf32, #tpu.memory_space<vmem_shared>> -> memref<10112x128xf32, #tpu.memory_space<vmem_shared>>
        tpu.wait_indirect_dma semaphore(%run_scoped3A : memref<!tpu.dma_semaphore, #tpu.memory_space<semaphore_mem>>) src(%arg12 : memref<128x128xf32, #tpu.memory_space<vmem>>) dst(%dma_wait3A_149 : memref<10112x128xf32, #tpu.memory_space<vmem_shared>>)
        tpu.yield
      }) : () -> ()
      %while3A_143 = arith.constant 0 : i32
      scf.yield %while3A_143 : i32
    }
    %while3A_127 = arith.constant 1 : i32
    %while3A_128 = scf.for %while3A_134 = %while3A_124 to %while3A_120 step %while3A_127 iter_args(%while3A_135 = %while3A_126) -> (i32)  : i32 {
      %add3A_136 = arith.addi %add3A_45, %while3A_134 : i32
      %mul3A_137 = arith.constant 128 : i32
      %mul3A_138 = arith.muli %add3A_136, %mul3A_137 : i32
      "tpu.region"() ({
        %run_scoped3A = tpu.sem_alloc : memref<!tpu.dma_semaphore, #tpu.memory_space<semaphore_mem>>
        %dma_start3A_144 = tpu.memref_slice %arg3[%mul3A_138] : memref<323584xi32, #tpu.memory_space<hbm>> -> memref<128xi32, #tpu.memory_space<hbm>>
        %dma_start3A_145 = tpu.memref_slice %arg3[%mul3A_138] : memref<323584xi32, #tpu.memory_space<hbm>> -> memref<128xi32, #tpu.memory_space<hbm>>
        tpu.enqueue_dma source(%dma_start3A_145 : memref<128xi32, #tpu.memory_space<hbm>>) target(%arg6 : memref<128xi32, #tpu.memory_space<vmem>>) target_semaphore(%run_scoped3A : memref<!tpu.dma_semaphore, #tpu.memory_space<semaphore_mem>>)
        %dma_wait3A_146 = tpu.memref_slice %arg3[%mul3A_138] : memref<323584xi32, #tpu.memory_space<hbm>> -> memref<128xi32, #tpu.memory_space<hbm>>
        %dma_wait3A_147 = tpu.memref_slice %arg3[%mul3A_138] : memref<323584xi32, #tpu.memory_space<hbm>> -> memref<128xi32, #tpu.memory_space<hbm>>
        tpu.wait_dma2 semaphore(%run_scoped3A : memref<!tpu.dma_semaphore, #tpu.memory_space<semaphore_mem>>) src(%dma_wait3A_147 : memref<128xi32, #tpu.memory_space<hbm>>) dst(%arg6 : memref<128xi32, #tpu.memory_space<vmem>>)
        tpu.yield
      }) : () -> ()
      "tpu.region"() ({
        %run_scoped3A = tpu.sem_alloc : memref<!tpu.dma_semaphore, #tpu.memory_space<semaphore_mem>>
        %dma_start3A_144 = tpu.memref_slice %arg4[%mul3A_138] : memref<323584xi32, #tpu.memory_space<hbm>> -> memref<128xi32, #tpu.memory_space<hbm>>
        %dma_start3A_145 = tpu.memref_slice %arg4[%mul3A_138] : memref<323584xi32, #tpu.memory_space<hbm>> -> memref<128xi32, #tpu.memory_space<hbm>>
        tpu.enqueue_dma source(%dma_start3A_145 : memref<128xi32, #tpu.memory_space<hbm>>) target(%arg9 : memref<128xi32, #tpu.memory_space<vmem>>) target_semaphore(%run_scoped3A : memref<!tpu.dma_semaphore, #tpu.memory_space<semaphore_mem>>)
        %dma_wait3A_146 = tpu.memref_slice %arg4[%mul3A_138] : memref<323584xi32, #tpu.memory_space<hbm>> -> memref<128xi32, #tpu.memory_space<hbm>>
        %dma_wait3A_147 = tpu.memref_slice %arg4[%mul3A_138] : memref<323584xi32, #tpu.memory_space<hbm>> -> memref<128xi32, #tpu.memory_space<hbm>>
        tpu.wait_dma2 semaphore(%run_scoped3A : memref<!tpu.dma_semaphore, #tpu.memory_space<semaphore_mem>>) src(%dma_wait3A_147 : memref<128xi32, #tpu.memory_space<hbm>>) dst(%arg9 : memref<128xi32, #tpu.memory_space<vmem>>)
        tpu.yield
      }) : () -> ()
      %dma_start3A = arith.constant 0 : i32
      %dma_start3A_139 = arith.constant 0 : i32
      %dma_start3A_140 = tpu.memref_slice %arg2[%dma_start3A, %dma_start3A_139] : memref<10016x128xf32, #tpu.memory_space<hbm>> -> memref<10016x128xf32, #tpu.memory_space<hbm>>
      tpu.enqueue_indirect_dma source(%dma_start3A_140 : memref<10016x128xf32, #tpu.memory_space<hbm>>) target(%arg12 : memref<128x128xf32, #tpu.memory_space<vmem>>) offsets(%arg6 : memref<128xi32, #tpu.memory_space<vmem>>) semaphore(%arg16 : memref<!tpu.dma_semaphore, #tpu.memory_space<semaphore_mem>>)
      %dma_wait3A = arith.constant 0 : i32
      %dma_wait3A_141 = arith.constant 0 : i32
      %dma_wait3A_142 = tpu.memref_slice %arg2[%dma_wait3A, %dma_wait3A_141] : memref<10016x128xf32, #tpu.memory_space<hbm>> -> memref<10016x128xf32, #tpu.memory_space<hbm>>
      tpu.wait_indirect_dma semaphore(%arg16 : memref<!tpu.dma_semaphore, #tpu.memory_space<semaphore_mem>>) src(%dma_wait3A_142 : memref<10016x128xf32, #tpu.memory_space<hbm>>) dst(%arg12 : memref<128x128xf32, #tpu.memory_space<vmem>>)
      "tpu.region"() ({
        %run_scoped3A = tpu.sem_alloc : memref<!tpu.dma_semaphore, #tpu.memory_space<semaphore_mem>>
        %dma_start3A_144 = arith.constant 0 : i32
        %dma_start3A_145 = arith.constant 0 : i32
        %dma_start3A_146 = tpu.memref_slice %arg15[%dma_start3A_144, %dma_start3A_145] : memref<10112x128xf32, #tpu.memory_space<vmem_shared>> -> memref<10112x128xf32, #tpu.memory_space<vmem_shared>>
        tpu.enqueue_indirect_dma source(%arg12 : memref<128x128xf32, #tpu.memory_space<vmem>>) target(%dma_start3A_146 : memref<10112x128xf32, #tpu.memory_space<vmem_shared>>) offsets(%arg9 : memref<128xi32, #tpu.memory_space<vmem>>) semaphore(%run_scoped3A : memref<!tpu.dma_semaphore, #tpu.memory_space<semaphore_mem>>) {add = true}
        %dma_wait3A_147 = arith.constant 0 : i32
        %dma_wait3A_148 = arith.constant 0 : i32
        %dma_wait3A_149 = tpu.memref_slice %arg15[%dma_wait3A_147, %dma_wait3A_148] : memref<10112x128xf32, #tpu.memory_space<vmem_shared>> -> memref<10112x128xf32, #tpu.memory_space<vmem_shared>>
        tpu.wait_indirect_dma semaphore(%run_scoped3A : memref<!tpu.dma_semaphore, #tpu.memory_space<semaphore_mem>>) src(%arg12 : memref<128x128xf32, #tpu.memory_space<vmem>>) dst(%dma_wait3A_149 : memref<10112x128xf32, #tpu.memory_space<vmem_shared>>)
        tpu.yield
      }) : () -> ()
      %while3A_143 = arith.constant 0 : i32
      scf.yield %while3A_143 : i32
    }
    %barrier3A_129 = arith.constant 0 : index
    tpu.barrier barrier_id(%barrier3A_129)
    %mul3A_130 = arith.constant 632 : i32
    %mul3A_131 = arith.muli %arg1, %mul3A_130 : i32
    %mul3A_132 = arith.constant 632 : i32
    %mul3A_133 = arith.muli %arg1, %mul3A_132 : i32
    "tpu.region"() ({
      %run_scoped3A = tpu.sem_alloc : memref<!tpu.dma_semaphore, #tpu.memory_space<semaphore_mem>>
      %dma_start3A = arith.constant 0 : i32
      %dma_start3A_134 = tpu.memref_slice %arg5[%arg0, %mul3A_133, %dma_start3A] : memref<2x10112x128xf32, #tpu.memory_space<hbm>> -> memref<1x632x128xf32, #tpu.memory_space<hbm>>
      %dma_start3A_135 = tpu.memref_squeeze %dma_start3A_134 : memref<1x632x128xf32, #tpu.memory_space<hbm>> -> memref<632x128xf32, #tpu.memory_space<hbm>>
      %dma_start3A_136 = arith.constant 0 : i32
      %dma_start3A_137 = tpu.memref_slice %arg15[%mul3A_131, %dma_start3A_136] : memref<10112x128xf32, #tpu.memory_space<vmem_shared>> -> memref<632x128xf32, #tpu.memory_space<vmem_shared>>
      tpu.enqueue_dma source(%dma_start3A_137 : memref<632x128xf32, #tpu.memory_space<vmem_shared>>) target(%dma_start3A_135 : memref<632x128xf32, #tpu.memory_space<hbm>>) target_semaphore(%run_scoped3A : memref<!tpu.dma_semaphore, #tpu.memory_space<semaphore_mem>>)
      %dma_wait3A = arith.constant 0 : i32
      %dma_wait3A_138 = tpu.memref_slice %arg5[%arg0, %mul3A_133, %dma_wait3A] : memref<2x10112x128xf32, #tpu.memory_space<hbm>> -> memref<1x632x128xf32, #tpu.memory_space<hbm>>
      %dma_wait3A_139 = tpu.memref_squeeze %dma_wait3A_138 : memref<1x632x128xf32, #tpu.memory_space<hbm>> -> memref<632x128xf32, #tpu.memory_space<hbm>>
      %dma_wait3A_140 = arith.constant 0 : i32
      %dma_wait3A_141 = tpu.memref_slice %arg15[%mul3A_131, %dma_wait3A_140] : memref<10112x128xf32, #tpu.memory_space<vmem_shared>> -> memref<632x128xf32, #tpu.memory_space<vmem_shared>>
      tpu.wait_dma2 semaphore(%run_scoped3A : memref<!tpu.dma_semaphore, #tpu.memory_space<semaphore_mem>>) src(%dma_wait3A_141 : memref<632x128xf32, #tpu.memory_space<vmem_shared>>) dst(%dma_wait3A_139 : memref<632x128xf32, #tpu.memory_space<hbm>>)
      tpu.yield
    }) : () -> ()
    return
  }
}

#map = affine_map<(d0, d1) -> (0)>
#map1 = affine_map<(d0, d1) -> (0, 0, 0)>
module attributes {stable_mosaic.version = 14 : i64} {
  func.func @_deg_body(%arg0: i32, %arg1: i32, %arg2: memref<323584xi32, #tpu.memory_space<hbm>>, %arg3: memref<323584xi32, #tpu.memory_space<hbm>>, %arg4: memref<2x2x10240xf32, #tpu.memory_space<hbm>>, %arg5: memref<10112xi32, #tpu.memory_space<vmem>>, %arg6: memref<10112xi32, #tpu.memory_space<vmem>>, %arg7: memref<10240xf32, #tpu.memory_space<vmem>>, %arg8: memref<10240xf32, #tpu.memory_space<vmem>>, %arg9: memref<16x2x10240xf32, #tpu.memory_space<vmem_shared>>, %arg10: memref<2x640xf32, #tpu.memory_space<vmem>>, %arg11: memref<2x640xf32, #tpu.memory_space<vmem>>) attributes {dimension_semantics = [#tpu.dimension_semantics<core_parallel>, #tpu.dimension_semantics<subcore_parallel>], iteration_bounds = array<i64: 2, 16>, scalar_prefetch = 0 : i64, scratch_operands = 7 : i64, tpu.core_type = #tpu.core_type<sc_vector_subcore>, window_params = [{transform_indices = #map}, {transform_indices = #map}, {transform_indices = #map1}]} {
    %mul3A = arith.constant 2 : i32
    %mul3A_0 = arith.muli %arg1, %mul3A : i32
    %add3A = arith.addi %mul3A_0, %arg0 : i32
    %broadcast_in_dim3A = arith.constant 0.000000e+00 : f32
    %broadcast_in_dim3A_1 = vector.broadcast %broadcast_in_dim3A : f32 to vector<16xf32>
    %broadcast_in_dim3A_2 = arith.constant 1.000000e+00 : f32
    %broadcast_in_dim3A_3 = vector.broadcast %broadcast_in_dim3A_2 : f32 to vector<16xf32>
    %scan3A = arith.constant 0 : i32
    %scan3A_4 = arith.constant 0 : i32
    %scan3A_5 = arith.constant 640 : i32
    %scan3A_6 = arith.addi %scan3A_4, %scan3A_5 : i32
    %scan3A_7 = arith.constant 1 : i32
    %scan3A_8 = scf.for %scan3A_310 = %scan3A_4 to %scan3A_6 step %scan3A_7 iter_args(%scan3A_311 = %scan3A) -> (i32)  : i32 {
      %mul3A_312 = arith.constant 16 : i32
      %mul3A_313 = arith.muli %scan3A_310, %mul3A_312 : i32
      %swap3A = arith.index_cast %mul3A_313 : i32 to index
      %swap3A_314 = tpu.vector_load %arg7[%swap3A] {strides = array<i32>} : memref<10240xf32, #tpu.memory_space<vmem>>, vector<16xf32>,
      tpu.vector_store %arg7[%swap3A], %broadcast_in_dim3A_1 {strides = array<i32>} : memref<10240xf32, #tpu.memory_space<vmem>>, vector<16xf32>,
      %mul3A_315 = arith.constant 16 : i32
      %mul3A_316 = arith.muli %scan3A_310, %mul3A_315 : i32
      %swap3A_317 = arith.index_cast %mul3A_316 : i32 to index
      %swap3A_318 = tpu.vector_load %arg8[%swap3A_317] {strides = array<i32>} : memref<10240xf32, #tpu.memory_space<vmem>>, vector<16xf32>,
      tpu.vector_store %arg8[%swap3A_317], %broadcast_in_dim3A_1 {strides = array<i32>} : memref<10240xf32, #tpu.memory_space<vmem>>, vector<16xf32>,
      %scan3A_319 = arith.constant 0 : i32
      scf.yield %scan3A_319 : i32
    }
    %scan3A_9 = arith.constant 640 : i32
    %mul3A_10 = arith.constant 10112 : i32
    %mul3A_11 = arith.muli %add3A, %mul3A_10 : i32
    "tpu.region"() ({
      %run_scoped3A_310 = tpu.sem_alloc : memref<!tpu.dma_semaphore, #tpu.memory_space<semaphore_mem>>
      %dma_start3A = tpu.memref_slice %arg2[%mul3A_11] : memref<323584xi32, #tpu.memory_space<hbm>> -> memref<10112xi32, #tpu.memory_space<hbm>>
      %dma_start3A_311 = tpu.memref_slice %arg2[%mul3A_11] : memref<323584xi32, #tpu.memory_space<hbm>> -> memref<10112xi32, #tpu.memory_space<hbm>>
      tpu.enqueue_dma source(%dma_start3A_311 : memref<10112xi32, #tpu.memory_space<hbm>>) target(%arg5 : memref<10112xi32, #tpu.memory_space<vmem>>) target_semaphore(%run_scoped3A_310 : memref<!tpu.dma_semaphore, #tpu.memory_space<semaphore_mem>>)
      %dma_wait3A = tpu.memref_slice %arg2[%mul3A_11] : memref<323584xi32, #tpu.memory_space<hbm>> -> memref<10112xi32, #tpu.memory_space<hbm>>
      %dma_wait3A_312 = tpu.memref_slice %arg2[%mul3A_11] : memref<323584xi32, #tpu.memory_space<hbm>> -> memref<10112xi32, #tpu.memory_space<hbm>>
      tpu.wait_dma2 semaphore(%run_scoped3A_310 : memref<!tpu.dma_semaphore, #tpu.memory_space<semaphore_mem>>) src(%dma_wait3A_312 : memref<10112xi32, #tpu.memory_space<hbm>>) dst(%arg5 : memref<10112xi32, #tpu.memory_space<vmem>>)
      tpu.yield
    }) : () -> ()
    %mul3A_12 = arith.constant 10112 : i32
    %mul3A_13 = arith.muli %add3A, %mul3A_12 : i32
    "tpu.region"() ({
      %run_scoped3A_310 = tpu.sem_alloc : memref<!tpu.dma_semaphore, #tpu.memory_space<semaphore_mem>>
      %dma_start3A = tpu.memref_slice %arg3[%mul3A_13] : memref<323584xi32, #tpu.memory_space<hbm>> -> memref<10112xi32, #tpu.memory_space<hbm>>
      %dma_start3A_311 = tpu.memref_slice %arg3[%mul3A_13] : memref<323584xi32, #tpu.memory_space<hbm>> -> memref<10112xi32, #tpu.memory_space<hbm>>
      tpu.enqueue_dma source(%dma_start3A_311 : memref<10112xi32, #tpu.memory_space<hbm>>) target(%arg6 : memref<10112xi32, #tpu.memory_space<vmem>>) target_semaphore(%run_scoped3A_310 : memref<!tpu.dma_semaphore, #tpu.memory_space<semaphore_mem>>)
      %dma_wait3A = tpu.memref_slice %arg3[%mul3A_13] : memref<323584xi32, #tpu.memory_space<hbm>> -> memref<10112xi32, #tpu.memory_space<hbm>>
      %dma_wait3A_312 = tpu.memref_slice %arg3[%mul3A_13] : memref<323584xi32, #tpu.memory_space<hbm>> -> memref<10112xi32, #tpu.memory_space<hbm>>
      tpu.wait_dma2 semaphore(%run_scoped3A_310 : memref<!tpu.dma_semaphore, #tpu.memory_space<semaphore_mem>>) src(%dma_wait3A_312 : memref<10112xi32, #tpu.memory_space<hbm>>) dst(%arg6 : memref<10112xi32, #tpu.memory_space<vmem>>)
      tpu.yield
    }) : () -> ()
    %scan3A_14 = arith.constant 0 : i32
    %scan3A_15 = arith.constant 0 : i32
    %scan3A_16 = arith.constant 632 : i32
    %scan3A_17 = arith.addi %scan3A_15, %scan3A_16 : i32
    %scan3A_18 = arith.constant 1 : i32
    %scan3A_19 = scf.for %scan3A_310 = %scan3A_15 to %scan3A_17 step %scan3A_18 iter_args(%scan3A_311 = %scan3A_14) -> (i32)  : i32 {
      %mul3A_312 = arith.constant 16 : i32
      %mul3A_313 = arith.muli %scan3A_310, %mul3A_312 : i32
      %get3A = arith.index_cast %mul3A_313 : i32 to index
      %get3A_314 = tpu.vector_load %arg5[%get3A] {strides = array<i32>} : memref<10112xi32, #tpu.memory_space<vmem>>, vector<16xi32>,
      %mul3A_315 = arith.constant 16 : i32
      %mul3A_316 = arith.muli %scan3A_310, %mul3A_315 : i32
      %get3A_317 = arith.index_cast %mul3A_316 : i32 to index
      %get3A_318 = tpu.vector_load %arg6[%get3A_317] {strides = array<i32>} : memref<10112xi32, #tpu.memory_space<vmem>>, vector<16xi32>,
      tpu.vector_store_idx %arg7[%get3A_314], %broadcast_in_dim3A_3 {add = true} : memref<10240xf32, #tpu.memory_space<vmem>>[vector<16xi32>], vector<16xf32>,
      tpu.vector_store_idx %arg8[%get3A_318], %broadcast_in_dim3A_3 {add = true} : memref<10240xf32, #tpu.memory_space<vmem>>[vector<16xi32>], vector<16xf32>,
      %scan3A_319 = arith.constant 0 : i32
      scf.yield %scan3A_319 : i32
    }
    %scan3A_20 = arith.constant 632 : i32
    %run_scoped3A = arith.constant 0 : i32
    "tpu.region"() ({
      %run_scoped3A_310 = tpu.sem_alloc : memref<!tpu.dma_semaphore, #tpu.memory_space<semaphore_mem>>
      %dma_start3A = arith.constant 0 : i32
      %dma_start3A_311 = tpu.memref_slice %arg9[%arg1, %run_scoped3A, %dma_start3A] : memref<16x2x10240xf32, #tpu.memory_space<vmem_shared>> -> memref<1x1x10240xf32, #tpu.memory_space<vmem_shared>>
      %dma_start3A_312 = tpu.memref_squeeze %dma_start3A_311 : memref<1x1x10240xf32, #tpu.memory_space<vmem_shared>> -> memref<10240xf32, #tpu.memory_space<vmem_shared>>
      %dma_start3A_313 = arith.constant 0 : i32
      %dma_start3A_314 = tpu.memref_slice %arg9[%arg1, %run_scoped3A, %dma_start3A_313] : memref<16x2x10240xf32, #tpu.memory_space<vmem_shared>> -> memref<1x1x10240xf32, #tpu.memory_space<vmem_shared>>
      %dma_start3A_315 = tpu.memref_squeeze %dma_start3A_314 : memref<1x1x10240xf32, #tpu.memory_space<vmem_shared>> -> memref<10240xf32, #tpu.memory_space<vmem_shared>>
      tpu.enqueue_dma source(%arg7 : memref<10240xf32, #tpu.memory_space<vmem>>) target(%dma_start3A_315 : memref<10240xf32, #tpu.memory_space<vmem_shared>>) target_semaphore(%run_scoped3A_310 : memref<!tpu.dma_semaphore, #tpu.memory_space<semaphore_mem>>)
      %dma_wait3A = arith.constant 0 : i32
      %dma_wait3A_316 = tpu.memref_slice %arg9[%arg1, %run_scoped3A, %dma_wait3A] : memref<16x2x10240xf32, #tpu.memory_space<vmem_shared>> -> memref<1x1x10240xf32, #tpu.memory_space<vmem_shared>>
      %dma_wait3A_317 = tpu.memref_squeeze %dma_wait3A_316 : memref<1x1x10240xf32, #tpu.memory_space<vmem_shared>> -> memref<10240xf32, #tpu.memory_space<vmem_shared>>
      %dma_wait3A_318 = arith.constant 0 : i32
      %dma_wait3A_319 = tpu.memref_slice %arg9[%arg1, %run_scoped3A, %dma_wait3A_318] : memref<16x2x10240xf32, #tpu.memory_space<vmem_shared>> -> memref<1x1x10240xf32, #tpu.memory_space<vmem_shared>>
      %dma_wait3A_320 = tpu.memref_squeeze %dma_wait3A_319 : memref<1x1x10240xf32, #tpu.memory_space<vmem_shared>> -> memref<10240xf32, #tpu.memory_space<vmem_shared>>
      tpu.wait_dma2 semaphore(%run_scoped3A_310 : memref<!tpu.dma_semaphore, #tpu.memory_space<semaphore_mem>>) src(%arg7 : memref<10240xf32, #tpu.memory_space<vmem>>) dst(%dma_wait3A_320 : memref<10240xf32, #tpu.memory_space<vmem_shared>>)
      tpu.yield
    }) : () -> ()
    %run_scoped3A_21 = arith.constant 1 : i32
    "tpu.region"() ({
      %run_scoped3A_310 = tpu.sem_alloc : memref<!tpu.dma_semaphore, #tpu.memory_space<semaphore_mem>>
      %dma_start3A = arith.constant 0 : i32
      %dma_start3A_311 = tpu.memref_slice %arg9[%arg1, %run_scoped3A_21, %dma_start3A] : memref<16x2x10240xf32, #tpu.memory_space<vmem_shared>> -> memref<1x1x10240xf32, #tpu.memory_space<vmem_shared>>
      %dma_start3A_312 = tpu.memref_squeeze %dma_start3A_311 : memref<1x1x10240xf32, #tpu.memory_space<vmem_shared>> -> memref<10240xf32, #tpu.memory_space<vmem_shared>>
      %dma_start3A_313 = arith.constant 0 : i32
      %dma_start3A_314 = tpu.memref_slice %arg9[%arg1, %run_scoped3A_21, %dma_start3A_313] : memref<16x2x10240xf32, #tpu.memory_space<vmem_shared>> -> memref<1x1x10240xf32, #tpu.memory_space<vmem_shared>>
      %dma_start3A_315 = tpu.memref_squeeze %dma_start3A_314 : memref<1x1x10240xf32, #tpu.memory_space<vmem_shared>> -> memref<10240xf32, #tpu.memory_space<vmem_shared>>
      tpu.enqueue_dma source(%arg8 : memref<10240xf32, #tpu.memory_space<vmem>>) target(%dma_start3A_315 : memref<10240xf32, #tpu.memory_space<vmem_shared>>) target_semaphore(%run_scoped3A_310 : memref<!tpu.dma_semaphore, #tpu.memory_space<semaphore_mem>>)
      %dma_wait3A = arith.constant 0 : i32
      %dma_wait3A_316 = tpu.memref_slice %arg9[%arg1, %run_scoped3A_21, %dma_wait3A] : memref<16x2x10240xf32, #tpu.memory_space<vmem_shared>> -> memref<1x1x10240xf32, #tpu.memory_space<vmem_shared>>
      %dma_wait3A_317 = tpu.memref_squeeze %dma_wait3A_316 : memref<1x1x10240xf32, #tpu.memory_space<vmem_shared>> -> memref<10240xf32, #tpu.memory_space<vmem_shared>>
      %dma_wait3A_318 = arith.constant 0 : i32
      %dma_wait3A_319 = tpu.memref_slice %arg9[%arg1, %run_scoped3A_21, %dma_wait3A_318] : memref<16x2x10240xf32, #tpu.memory_space<vmem_shared>> -> memref<1x1x10240xf32, #tpu.memory_space<vmem_shared>>
      %dma_wait3A_320 = tpu.memref_squeeze %dma_wait3A_319 : memref<1x1x10240xf32, #tpu.memory_space<vmem_shared>> -> memref<10240xf32, #tpu.memory_space<vmem_shared>>
      tpu.wait_dma2 semaphore(%run_scoped3A_310 : memref<!tpu.dma_semaphore, #tpu.memory_space<semaphore_mem>>) src(%arg8 : memref<10240xf32, #tpu.memory_space<vmem>>) dst(%dma_wait3A_320 : memref<10240xf32, #tpu.memory_space<vmem_shared>>)
      tpu.yield
    }) : () -> ()
    %barrier3A = arith.constant 0 : index
    tpu.barrier barrier_id(%barrier3A)
    %scan3A_22 = arith.constant 0 : i32
    %scan3A_23 = arith.constant 0 : i32
    %scan3A_24 = arith.constant 40 : i32
    %scan3A_25 = arith.addi %scan3A_23, %scan3A_24 : i32
    %scan3A_26 = arith.constant 1 : i32
    %scan3A_27 = scf.for %scan3A_310 = %scan3A_23 to %scan3A_25 step %scan3A_26 iter_args(%scan3A_311 = %scan3A_22) -> (i32)  : i32 {
      %mul3A_312 = arith.constant 16 : i32
      %mul3A_313 = arith.muli %scan3A_310, %mul3A_312 : i32
      %swap3A = arith.constant 0 : i32
      %swap3A_314 = arith.index_cast %swap3A : i32 to index
      %swap3A_315 = arith.index_cast %mul3A_313 : i32 to index
      %swap3A_316 = tpu.vector_load %arg10[%swap3A_314, %swap3A_315] {strides = array<i32>} : memref<2x640xf32, #tpu.memory_space<vmem>>, vector<16xf32>,
      tpu.vector_store %arg10[%swap3A_314, %swap3A_315], %broadcast_in_dim3A_1 {strides = array<i32>} : memref<2x640xf32, #tpu.memory_space<vmem>>, vector<16xf32>,
      %scan3A_317 = arith.constant 0 : i32
      scf.yield %scan3A_317 : i32
    }
    %scan3A_28 = arith.constant 40 : i32
    %scan3A_29 = arith.constant 0 : i32
    %scan3A_30 = arith.constant 0 : i32
    %scan3A_31 = arith.constant 40 : i32
    %scan3A_32 = arith.addi %scan3A_30, %scan3A_31 : i32
    %scan3A_33 = arith.constant 1 : i32
    %scan3A_34 = scf.for %scan3A_310 = %scan3A_30 to %scan3A_32 step %scan3A_33 iter_args(%scan3A_311 = %scan3A_29) -> (i32)  : i32 {
      %mul3A_312 = arith.constant 16 : i32
      %mul3A_313 = arith.muli %scan3A_310, %mul3A_312 : i32
      %swap3A = arith.constant 1 : i32
      %swap3A_314 = arith.index_cast %swap3A : i32 to index
      %swap3A_315 = arith.index_cast %mul3A_313 : i32 to index
      %swap3A_316 = tpu.vector_load %arg10[%swap3A_314, %swap3A_315] {strides = array<i32>} : memref<2x640xf32, #tpu.memory_space<vmem>>, vector<16xf32>,
      tpu.vector_store %arg10[%swap3A_314, %swap3A_315], %broadcast_in_dim3A_1 {strides = array<i32>} : memref<2x640xf32, #tpu.memory_space<vmem>>, vector<16xf32>,
      %scan3A_317 = arith.constant 0 : i32
      scf.yield %scan3A_317 : i32
    }
    %scan3A_35 = arith.constant 40 : i32
    %mul3A_36 = arith.constant 640 : i32
    %mul3A_37 = arith.muli %arg1, %mul3A_36 : i32
    %run_scoped3A_38 = arith.constant 0 : i32
    "tpu.region"() ({
      %run_scoped3A_310 = tpu.sem_alloc : memref<!tpu.dma_semaphore, #tpu.memory_space<semaphore_mem>>
      %dma_start3A = arith.constant 0 : i32
      %dma_start3A_311 = tpu.memref_slice %arg9[%run_scoped3A_38, %dma_start3A, %mul3A_37] : memref<16x2x10240xf32, #tpu.memory_space<vmem_shared>> -> memref<1x2x640xf32, #tpu.memory_space<vmem_shared>>
      %dma_start3A_312 = tpu.memref_squeeze %dma_start3A_311 : memref<1x2x640xf32, #tpu.memory_space<vmem_shared>> -> memref<2x640xf32, #tpu.memory_space<vmem_shared>>
      %dma_start3A_313 = arith.constant 0 : i32
      %dma_start3A_314 = tpu.memref_slice %arg9[%run_scoped3A_38, %dma_start3A_313, %mul3A_37] : memref<16x2x10240xf32, #tpu.memory_space<vmem_shared>> -> memref<1x2x640xf32, #tpu.memory_space<vmem_shared>>
      %dma_start3A_315 = tpu.memref_squeeze %dma_start3A_314 : memref<1x2x640xf32, #tpu.memory_space<vmem_shared>> -> memref<2x640xf32, #tpu.memory_space<vmem_shared>>
      tpu.enqueue_dma source(%dma_start3A_315 : memref<2x640xf32, #tpu.memory_space<vmem_shared>>) target(%arg11 : memref<2x640xf32, #tpu.memory_space<vmem>>) target_semaphore(%run_scoped3A_310 : memref<!tpu.dma_semaphore, #tpu.memory_space<semaphore_mem>>)
      %dma_wait3A = arith.constant 0 : i32
      %dma_wait3A_316 = tpu.memref_slice %arg9[%run_scoped3A_38, %dma_wait3A, %mul3A_37] : memref<16x2x10240xf32, #tpu.memory_space<vmem_shared>> -> memref<1x2x640xf32, #tpu.memory_space<vmem_shared>>
      %dma_wait3A_317 = tpu.memref_squeeze %dma_wait3A_316 : memref<1x2x640xf32, #tpu.memory_space<vmem_shared>> -> memref<2x640xf32, #tpu.memory_space<vmem_shared>>
      %dma_wait3A_318 = arith.constant 0 : i32
      %dma_wait3A_319 = tpu.memref_slice %arg9[%run_scoped3A_38, %dma_wait3A_318, %mul3A_37] : memref<16x2x10240xf32, #tpu.memory_space<vmem_shared>> -> memref<1x2x640xf32, #tpu.memory_space<vmem_shared>>
      %dma_wait3A_320 = tpu.memref_squeeze %dma_wait3A_319 : memref<1x2x640xf32, #tpu.memory_space<vmem_shared>> -> memref<2x640xf32, #tpu.memory_space<vmem_shared>>
      tpu.wait_dma2 semaphore(%run_scoped3A_310 : memref<!tpu.dma_semaphore, #tpu.memory_space<semaphore_mem>>) src(%dma_wait3A_320 : memref<2x640xf32, #tpu.memory_space<vmem_shared>>) dst(%arg11 : memref<2x640xf32, #tpu.memory_space<vmem>>)
      tpu.yield
    }) : () -> ()
    %scan3A_39 = arith.constant 0 : i32
    %scan3A_40 = arith.constant 0 : i32
    %scan3A_41 = arith.constant 40 : i32
    %scan3A_42 = arith.addi %scan3A_40, %scan3A_41 : i32
    %scan3A_43 = arith.constant 1 : i32
    %scan3A_44 = scf.for %scan3A_310 = %scan3A_40 to %scan3A_42 step %scan3A_43 iter_args(%scan3A_311 = %scan3A_39) -> (i32)  : i32 {
      %mul3A_312 = arith.constant 16 : i32
      %mul3A_313 = arith.muli %scan3A_310, %mul3A_312 : i32
      %get3A = arith.constant 0 : i32
      %get3A_314 = arith.index_cast %get3A : i32 to index
      %get3A_315 = arith.index_cast %mul3A_313 : i32 to index
      %get3A_316 = tpu.vector_load %arg10[%get3A_314, %get3A_315] {strides = array<i32>} : memref<2x640xf32, #tpu.memory_space<vmem>>, vector<16xf32>,
      %mul3A_317 = arith.constant 16 : i32
      %mul3A_318 = arith.muli %scan3A_310, %mul3A_317 : i32
      %get3A_319 = arith.constant 0 : i32
      %get3A_320 = arith.index_cast %get3A_319 : i32 to index
      %get3A_321 = arith.index_cast %mul3A_318 : i32 to index
      %get3A_322 = tpu.vector_load %arg11[%get3A_320, %get3A_321] {strides = array<i32>} : memref<2x640xf32, #tpu.memory_space<vmem>>, vector<16xf32>,
      %add3A_323 = arith.addf %get3A_316, %get3A_322 : vector<16xf32>
      %mul3A_324 = arith.constant 16 : i32
      %mul3A_325 = arith.muli %scan3A_310, %mul3A_324 : i32
      %swap3A = arith.constant 0 : i32
      %swap3A_326 = arith.index_cast %swap3A : i32 to index
      %swap3A_327 = arith.index_cast %mul3A_325 : i32 to index
      %swap3A_328 = tpu.vector_load %arg10[%swap3A_326, %swap3A_327] {strides = array<i32>} : memref<2x640xf32, #tpu.memory_space<vmem>>, vector<16xf32>,
      tpu.vector_store %arg10[%swap3A_326, %swap3A_327], %add3A_323 {strides = array<i32>} : memref<2x640xf32, #tpu.memory_space<vmem>>, vector<16xf32>,
      %scan3A_329 = arith.constant 0 : i32
      scf.yield %scan3A_329 : i32
    }
    %scan3A_45 = arith.constant 40 : i32
    %scan3A_46 = arith.constant 0 : i32
    %scan3A_47 = arith.constant 0 : i32
    %scan3A_48 = arith.constant 40 : i32
    %scan3A_49 = arith.addi %scan3A_47, %scan3A_48 : i32
    %scan3A_50 = arith.constant 1 : i32
    %scan3A_51 = scf.for %scan3A_310 = %scan3A_47 to %scan3A_49 step %scan3A_50 iter_args(%scan3A_311 = %scan3A_46) -> (i32)  : i32 {
      %mul3A_312 = arith.constant 16 : i32
      %mul3A_313 = arith.muli %scan3A_310, %mul3A_312 : i32
      %get3A = arith.constant 1 : i32
      %get3A_314 = arith.index_cast %get3A : i32 to index
      %get3A_315 = arith.index_cast %mul3A_313 : i32 to index
      %get3A_316 = tpu.vector_load %arg10[%get3A_314, %get3A_315] {strides = array<i32>} : memref<2x640xf32, #tpu.memory_space<vmem>>, vector<16xf32>,
      %mul3A_317 = arith.constant 16 : i32
      %mul3A_318 = arith.muli %scan3A_310, %mul3A_317 : i32
      %get3A_319 = arith.constant 1 : i32
      %get3A_320 = arith.index_cast %get3A_319 : i32 to index
      %get3A_321 = arith.index_cast %mul3A_318 : i32 to index
      %get3A_322 = tpu.vector_load %arg11[%get3A_320, %get3A_321] {strides = array<i32>} : memref<2x640xf32, #tpu.memory_space<vmem>>, vector<16xf32>,
      %add3A_323 = arith.addf %get3A_316, %get3A_322 : vector<16xf32>
      %mul3A_324 = arith.constant 16 : i32
      %mul3A_325 = arith.muli %scan3A_310, %mul3A_324 : i32
      %swap3A = arith.constant 1 : i32
      %swap3A_326 = arith.index_cast %swap3A : i32 to index
      %swap3A_327 = arith.index_cast %mul3A_325 : i32 to index
      %swap3A_328 = tpu.vector_load %arg10[%swap3A_326, %swap3A_327] {strides = array<i32>} : memref<2x640xf32, #tpu.memory_space<vmem>>, vector<16xf32>,
      tpu.vector_store %arg10[%swap3A_326, %swap3A_327], %add3A_323 {strides = array<i32>} : memref<2x640xf32, #tpu.memory_space<vmem>>, vector<16xf32>,
      %scan3A_329 = arith.constant 0 : i32
      scf.yield %scan3A_329 : i32
    }
    %scan3A_52 = arith.constant 40 : i32
    %mul3A_53 = arith.constant 640 : i32
    %mul3A_54 = arith.muli %arg1, %mul3A_53 : i32
    %run_scoped3A_55 = arith.constant 1 : i32
    "tpu.region"() ({
      %run_scoped3A_310 = tpu.sem_alloc : memref<!tpu.dma_semaphore, #tpu.memory_space<semaphore_mem>>
      %dma_start3A = arith.constant 0 : i32
      %dma_start3A_311 = tpu.memref_slice %arg9[%run_scoped3A_55, %dma_start3A, %mul3A_54] : memref<16x2x10240xf32, #tpu.memory_space<vmem_shared>> -> memref<1x2x640xf32, #tpu.memory_space<vmem_shared>>
      %dma_start3A_312 = tpu.memref_squeeze %dma_start3A_311 : memref<1x2x640xf32, #tpu.memory_space<vmem_shared>> -> memref<2x640xf32, #tpu.memory_space<vmem_shared>>
      %dma_start3A_313 = arith.constant 0 : i32
      %dma_start3A_314 = tpu.memref_slice %arg9[%run_scoped3A_55, %dma_start3A_313, %mul3A_54] : memref<16x2x10240xf32, #tpu.memory_space<vmem_shared>> -> memref<1x2x640xf32, #tpu.memory_space<vmem_shared>>
      %dma_start3A_315 = tpu.memref_squeeze %dma_start3A_314 : memref<1x2x640xf32, #tpu.memory_space<vmem_shared>> -> memref<2x640xf32, #tpu.memory_space<vmem_shared>>
      tpu.enqueue_dma source(%dma_start3A_315 : memref<2x640xf32, #tpu.memory_space<vmem_shared>>) target(%arg11 : memref<2x640xf32, #tpu.memory_space<vmem>>) target_semaphore(%run_scoped3A_310 : memref<!tpu.dma_semaphore, #tpu.memory_space<semaphore_mem>>)
      %dma_wait3A = arith.constant 0 : i32
      %dma_wait3A_316 = tpu.memref_slice %arg9[%run_scoped3A_55, %dma_wait3A, %mul3A_54] : memref<16x2x10240xf32, #tpu.memory_space<vmem_shared>> -> memref<1x2x640xf32, #tpu.memory_space<vmem_shared>>
      %dma_wait3A_317 = tpu.memref_squeeze %dma_wait3A_316 : memref<1x2x640xf32, #tpu.memory_space<vmem_shared>> -> memref<2x640xf32, #tpu.memory_space<vmem_shared>>
      %dma_wait3A_318 = arith.constant 0 : i32
      %dma_wait3A_319 = tpu.memref_slice %arg9[%run_scoped3A_55, %dma_wait3A_318, %mul3A_54] : memref<16x2x10240xf32, #tpu.memory_space<vmem_shared>> -> memref<1x2x640xf32, #tpu.memory_space<vmem_shared>>
      %dma_wait3A_320 = tpu.memref_squeeze %dma_wait3A_319 : memref<1x2x640xf32, #tpu.memory_space<vmem_shared>> -> memref<2x640xf32, #tpu.memory_space<vmem_shared>>
      tpu.wait_dma2 semaphore(%run_scoped3A_310 : memref<!tpu.dma_semaphore, #tpu.memory_space<semaphore_mem>>) src(%dma_wait3A_320 : memref<2x640xf32, #tpu.memory_space<vmem_shared>>) dst(%arg11 : memref<2x640xf32, #tpu.memory_space<vmem>>)
      tpu.yield
    }) : () -> ()
    %scan3A_56 = arith.constant 0 : i32
    %scan3A_57 = arith.constant 0 : i32
    %scan3A_58 = arith.constant 40 : i32
    %scan3A_59 = arith.addi %scan3A_57, %scan3A_58 : i32
    %scan3A_60 = arith.constant 1 : i32
    %scan3A_61 = scf.for %scan3A_310 = %scan3A_57 to %scan3A_59 step %scan3A_60 iter_args(%scan3A_311 = %scan3A_56) -> (i32)  : i32 {
      %mul3A_312 = arith.constant 16 : i32
      %mul3A_313 = arith.muli %scan3A_310, %mul3A_312 : i32
      %get3A = arith.constant 0 : i32
      %get3A_314 = arith.index_cast %get3A : i32 to index
      %get3A_315 = arith.index_cast %mul3A_313 : i32 to index
      %get3A_316 = tpu.vector_load %arg10[%get3A_314, %get3A_315] {strides = array<i32>} : memref<2x640xf32, #tpu.memory_space<vmem>>, vector<16xf32>,
      %mul3A_317 = arith.constant 16 : i32
      %mul3A_318 = arith.muli %scan3A_310, %mul3A_317 : i32
      %get3A_319 = arith.constant 0 : i32
      %get3A_320 = arith.index_cast %get3A_319 : i32 to index
      %get3A_321 = arith.index_cast %mul3A_318 : i32 to index
      %get3A_322 = tpu.vector_load %arg11[%get3A_320, %get3A_321] {strides = array<i32>} : memref<2x640xf32, #tpu.memory_space<vmem>>, vector<16xf32>,
      %add3A_323 = arith.addf %get3A_316, %get3A_322 : vector<16xf32>
      %mul3A_324 = arith.constant 16 : i32
      %mul3A_325 = arith.muli %scan3A_310, %mul3A_324 : i32
      %swap3A = arith.constant 0 : i32
      %swap3A_326 = arith.index_cast %swap3A : i32 to index
      %swap3A_327 = arith.index_cast %mul3A_325 : i32 to index
      %swap3A_328 = tpu.vector_load %arg10[%swap3A_326, %swap3A_327] {strides = array<i32>} : memref<2x640xf32, #tpu.memory_space<vmem>>, vector<16xf32>,
      tpu.vector_store %arg10[%swap3A_326, %swap3A_327], %add3A_323 {strides = array<i32>} : memref<2x640xf32, #tpu.memory_space<vmem>>, vector<16xf32>,
      %scan3A_329 = arith.constant 0 : i32
      scf.yield %scan3A_329 : i32
    }
    %scan3A_62 = arith.constant 40 : i32
    %scan3A_63 = arith.constant 0 : i32
    %scan3A_64 = arith.constant 0 : i32
    %scan3A_65 = arith.constant 40 : i32
    %scan3A_66 = arith.addi %scan3A_64, %scan3A_65 : i32
    %scan3A_67 = arith.constant 1 : i32
    %scan3A_68 = scf.for %scan3A_310 = %scan3A_64 to %scan3A_66 step %scan3A_67 iter_args(%scan3A_311 = %scan3A_63) -> (i32)  : i32 {
      %mul3A_312 = arith.constant 16 : i32
      %mul3A_313 = arith.muli %scan3A_310, %mul3A_312 : i32
      %get3A = arith.constant 1 : i32
      %get3A_314 = arith.index_cast %get3A : i32 to index
      %get3A_315 = arith.index_cast %mul3A_313 : i32 to index
      %get3A_316 = tpu.vector_load %arg10[%get3A_314, %get3A_315] {strides = array<i32>} : memref<2x640xf32, #tpu.memory_space<vmem>>, vector<16xf32>,
      %mul3A_317 = arith.constant 16 : i32
      %mul3A_318 = arith.muli %scan3A_310, %mul3A_317 : i32
      %get3A_319 = arith.constant 1 : i32
      %get3A_320 = arith.index_cast %get3A_319 : i32 to index
      %get3A_321 = arith.index_cast %mul3A_318 : i32 to index
      %get3A_322 = tpu.vector_load %arg11[%get3A_320, %get3A_321] {strides = array<i32>} : memref<2x640xf32, #tpu.memory_space<vmem>>, vector<16xf32>,
      %add3A_323 = arith.addf %get3A_316, %get3A_322 : vector<16xf32>
      %mul3A_324 = arith.constant 16 : i32
      %mul3A_325 = arith.muli %scan3A_310, %mul3A_324 : i32
      %swap3A = arith.constant 1 : i32
      %swap3A_326 = arith.index_cast %swap3A : i32 to index
      %swap3A_327 = arith.index_cast %mul3A_325 : i32 to index
      %swap3A_328 = tpu.vector_load %arg10[%swap3A_326, %swap3A_327] {strides = array<i32>} : memref<2x640xf32, #tpu.memory_space<vmem>>, vector<16xf32>,
      tpu.vector_store %arg10[%swap3A_326, %swap3A_327], %add3A_323 {strides = array<i32>} : memref<2x640xf32, #tpu.memory_space<vmem>>, vector<16xf32>,
      %scan3A_329 = arith.constant 0 : i32
      scf.yield %scan3A_329 : i32
    }
    %scan3A_69 = arith.constant 40 : i32
    %mul3A_70 = arith.constant 640 : i32
    %mul3A_71 = arith.muli %arg1, %mul3A_70 : i32
    %run_scoped3A_72 = arith.constant 2 : i32
    "tpu.region"() ({
      %run_scoped3A_310 = tpu.sem_alloc : memref<!tpu.dma_semaphore, #tpu.memory_space<semaphore_mem>>
      %dma_start3A = arith.constant 0 : i32
      %dma_start3A_311 = tpu.memref_slice %arg9[%run_scoped3A_72, %dma_start3A, %mul3A_71] : memref<16x2x10240xf32, #tpu.memory_space<vmem_shared>> -> memref<1x2x640xf32, #tpu.memory_space<vmem_shared>>
      %dma_start3A_312 = tpu.memref_squeeze %dma_start3A_311 : memref<1x2x640xf32, #tpu.memory_space<vmem_shared>> -> memref<2x640xf32, #tpu.memory_space<vmem_shared>>
      %dma_start3A_313 = arith.constant 0 : i32
      %dma_start3A_314 = tpu.memref_slice %arg9[%run_scoped3A_72, %dma_start3A_313, %mul3A_71] : memref<16x2x10240xf32, #tpu.memory_space<vmem_shared>> -> memref<1x2x640xf32, #tpu.memory_space<vmem_shared>>
      %dma_start3A_315 = tpu.memref_squeeze %dma_start3A_314 : memref<1x2x640xf32, #tpu.memory_space<vmem_shared>> -> memref<2x640xf32, #tpu.memory_space<vmem_shared>>
      tpu.enqueue_dma source(%dma_start3A_315 : memref<2x640xf32, #tpu.memory_space<vmem_shared>>) target(%arg11 : memref<2x640xf32, #tpu.memory_space<vmem>>) target_semaphore(%run_scoped3A_310 : memref<!tpu.dma_semaphore, #tpu.memory_space<semaphore_mem>>)
      %dma_wait3A = arith.constant 0 : i32
      %dma_wait3A_316 = tpu.memref_slice %arg9[%run_scoped3A_72, %dma_wait3A, %mul3A_71] : memref<16x2x10240xf32, #tpu.memory_space<vmem_shared>> -> memref<1x2x640xf32, #tpu.memory_space<vmem_shared>>
      %dma_wait3A_317 = tpu.memref_squeeze %dma_wait3A_316 : memref<1x2x640xf32, #tpu.memory_space<vmem_shared>> -> memref<2x640xf32, #tpu.memory_space<vmem_shared>>
      %dma_wait3A_318 = arith.constant 0 : i32
      %dma_wait3A_319 = tpu.memref_slice %arg9[%run_scoped3A_72, %dma_wait3A_318, %mul3A_71] : memref<16x2x10240xf32, #tpu.memory_space<vmem_shared>> -> memref<1x2x640xf32, #tpu.memory_space<vmem_shared>>
      %dma_wait3A_320 = tpu.memref_squeeze %dma_wait3A_319 : memref<1x2x640xf32, #tpu.memory_space<vmem_shared>> -> memref<2x640xf32, #tpu.memory_space<vmem_shared>>
      tpu.wait_dma2 semaphore(%run_scoped3A_310 : memref<!tpu.dma_semaphore, #tpu.memory_space<semaphore_mem>>) src(%dma_wait3A_320 : memref<2x640xf32, #tpu.memory_space<vmem_shared>>) dst(%arg11 : memref<2x640xf32, #tpu.memory_space<vmem>>)
      tpu.yield
    }) : () -> ()
    %scan3A_73 = arith.constant 0 : i32
    %scan3A_74 = arith.constant 0 : i32
    %scan3A_75 = arith.constant 40 : i32
    %scan3A_76 = arith.addi %scan3A_74, %scan3A_75 : i32
    %scan3A_77 = arith.constant 1 : i32
    %scan3A_78 = scf.for %scan3A_310 = %scan3A_74 to %scan3A_76 step %scan3A_77 iter_args(%scan3A_311 = %scan3A_73) -> (i32)  : i32 {
      %mul3A_312 = arith.constant 16 : i32
      %mul3A_313 = arith.muli %scan3A_310, %mul3A_312 : i32
      %get3A = arith.constant 0 : i32
      %get3A_314 = arith.index_cast %get3A : i32 to index
      %get3A_315 = arith.index_cast %mul3A_313 : i32 to index
      %get3A_316 = tpu.vector_load %arg10[%get3A_314, %get3A_315] {strides = array<i32>} : memref<2x640xf32, #tpu.memory_space<vmem>>, vector<16xf32>,
      %mul3A_317 = arith.constant 16 : i32
      %mul3A_318 = arith.muli %scan3A_310, %mul3A_317 : i32
      %get3A_319 = arith.constant 0 : i32
      %get3A_320 = arith.index_cast %get3A_319 : i32 to index
      %get3A_321 = arith.index_cast %mul3A_318 : i32 to index
      %get3A_322 = tpu.vector_load %arg11[%get3A_320, %get3A_321] {strides = array<i32>} : memref<2x640xf32, #tpu.memory_space<vmem>>, vector<16xf32>,
      %add3A_323 = arith.addf %get3A_316, %get3A_322 : vector<16xf32>
      %mul3A_324 = arith.constant 16 : i32
      %mul3A_325 = arith.muli %scan3A_310, %mul3A_324 : i32
      %swap3A = arith.constant 0 : i32
      %swap3A_326 = arith.index_cast %swap3A : i32 to index
      %swap3A_327 = arith.index_cast %mul3A_325 : i32 to index
      %swap3A_328 = tpu.vector_load %arg10[%swap3A_326, %swap3A_327] {strides = array<i32>} : memref<2x640xf32, #tpu.memory_space<vmem>>, vector<16xf32>,
      tpu.vector_store %arg10[%swap3A_326, %swap3A_327], %add3A_323 {strides = array<i32>} : memref<2x640xf32, #tpu.memory_space<vmem>>, vector<16xf32>,
      %scan3A_329 = arith.constant 0 : i32
      scf.yield %scan3A_329 : i32
    }
    %scan3A_79 = arith.constant 40 : i32
    %scan3A_80 = arith.constant 0 : i32
    %scan3A_81 = arith.constant 0 : i32
    %scan3A_82 = arith.constant 40 : i32
    %scan3A_83 = arith.addi %scan3A_81, %scan3A_82 : i32
    %scan3A_84 = arith.constant 1 : i32
    %scan3A_85 = scf.for %scan3A_310 = %scan3A_81 to %scan3A_83 step %scan3A_84 iter_args(%scan3A_311 = %scan3A_80) -> (i32)  : i32 {
      %mul3A_312 = arith.constant 16 : i32
      %mul3A_313 = arith.muli %scan3A_310, %mul3A_312 : i32
      %get3A = arith.constant 1 : i32
      %get3A_314 = arith.index_cast %get3A : i32 to index
      %get3A_315 = arith.index_cast %mul3A_313 : i32 to index
      %get3A_316 = tpu.vector_load %arg10[%get3A_314, %get3A_315] {strides = array<i32>} : memref<2x640xf32, #tpu.memory_space<vmem>>, vector<16xf32>,
      %mul3A_317 = arith.constant 16 : i32
      %mul3A_318 = arith.muli %scan3A_310, %mul3A_317 : i32
      %get3A_319 = arith.constant 1 : i32
      %get3A_320 = arith.index_cast %get3A_319 : i32 to index
      %get3A_321 = arith.index_cast %mul3A_318 : i32 to index
      %get3A_322 = tpu.vector_load %arg11[%get3A_320, %get3A_321] {strides = array<i32>} : memref<2x640xf32, #tpu.memory_space<vmem>>, vector<16xf32>,
      %add3A_323 = arith.addf %get3A_316, %get3A_322 : vector<16xf32>
      %mul3A_324 = arith.constant 16 : i32
      %mul3A_325 = arith.muli %scan3A_310, %mul3A_324 : i32
      %swap3A = arith.constant 1 : i32
      %swap3A_326 = arith.index_cast %swap3A : i32 to index
      %swap3A_327 = arith.index_cast %mul3A_325 : i32 to index
      %swap3A_328 = tpu.vector_load %arg10[%swap3A_326, %swap3A_327] {strides = array<i32>} : memref<2x640xf32, #tpu.memory_space<vmem>>, vector<16xf32>,
      tpu.vector_store %arg10[%swap3A_326, %swap3A_327], %add3A_323 {strides = array<i32>} : memref<2x640xf32, #tpu.memory_space<vmem>>, vector<16xf32>,
      %scan3A_329 = arith.constant 0 : i32
      scf.yield %scan3A_329 : i32
    }
    %scan3A_86 = arith.constant 40 : i32
    %mul3A_87 = arith.constant 640 : i32
    %mul3A_88 = arith.muli %arg1, %mul3A_87 : i32
    %run_scoped3A_89 = arith.constant 3 : i32
    "tpu.region"() ({
      %run_scoped3A_310 = tpu.sem_alloc : memref<!tpu.dma_semaphore, #tpu.memory_space<semaphore_mem>>
      %dma_start3A = arith.constant 0 : i32
      %dma_start3A_311 = tpu.memref_slice %arg9[%run_scoped3A_89, %dma_start3A, %mul3A_88] : memref<16x2x10240xf32, #tpu.memory_space<vmem_shared>> -> memref<1x2x640xf32, #tpu.memory_space<vmem_shared>>
      %dma_start3A_312 = tpu.memref_squeeze %dma_start3A_311 : memref<1x2x640xf32, #tpu.memory_space<vmem_shared>> -> memref<2x640xf32, #tpu.memory_space<vmem_shared>>
      %dma_start3A_313 = arith.constant 0 : i32
      %dma_start3A_314 = tpu.memref_slice %arg9[%run_scoped3A_89, %dma_start3A_313, %mul3A_88] : memref<16x2x10240xf32, #tpu.memory_space<vmem_shared>> -> memref<1x2x640xf32, #tpu.memory_space<vmem_shared>>
      %dma_start3A_315 = tpu.memref_squeeze %dma_start3A_314 : memref<1x2x640xf32, #tpu.memory_space<vmem_shared>> -> memref<2x640xf32, #tpu.memory_space<vmem_shared>>
      tpu.enqueue_dma source(%dma_start3A_315 : memref<2x640xf32, #tpu.memory_space<vmem_shared>>) target(%arg11 : memref<2x640xf32, #tpu.memory_space<vmem>>) target_semaphore(%run_scoped3A_310 : memref<!tpu.dma_semaphore, #tpu.memory_space<semaphore_mem>>)
      %dma_wait3A = arith.constant 0 : i32
      %dma_wait3A_316 = tpu.memref_slice %arg9[%run_scoped3A_89, %dma_wait3A, %mul3A_88] : memref<16x2x10240xf32, #tpu.memory_space<vmem_shared>> -> memref<1x2x640xf32, #tpu.memory_space<vmem_shared>>
      %dma_wait3A_317 = tpu.memref_squeeze %dma_wait3A_316 : memref<1x2x640xf32, #tpu.memory_space<vmem_shared>> -> memref<2x640xf32, #tpu.memory_space<vmem_shared>>
      %dma_wait3A_318 = arith.constant 0 : i32
      %dma_wait3A_319 = tpu.memref_slice %arg9[%run_scoped3A_89, %dma_wait3A_318, %mul3A_88] : memref<16x2x10240xf32, #tpu.memory_space<vmem_shared>> -> memref<1x2x640xf32, #tpu.memory_space<vmem_shared>>
      %dma_wait3A_320 = tpu.memref_squeeze %dma_wait3A_319 : memref<1x2x640xf32, #tpu.memory_space<vmem_shared>> -> memref<2x640xf32, #tpu.memory_space<vmem_shared>>
      tpu.wait_dma2 semaphore(%run_scoped3A_310 : memref<!tpu.dma_semaphore, #tpu.memory_space<semaphore_mem>>) src(%dma_wait3A_320 : memref<2x640xf32, #tpu.memory_space<vmem_shared>>) dst(%arg11 : memref<2x640xf32, #tpu.memory_space<vmem>>)
      tpu.yield
    }) : () -> ()
    %scan3A_90 = arith.constant 0 : i32
    %scan3A_91 = arith.constant 0 : i32
    %scan3A_92 = arith.constant 40 : i32
    %scan3A_93 = arith.addi %scan3A_91, %scan3A_92 : i32
    %scan3A_94 = arith.constant 1 : i32
    %scan3A_95 = scf.for %scan3A_310 = %scan3A_91 to %scan3A_93 step %scan3A_94 iter_args(%scan3A_311 = %scan3A_90) -> (i32)  : i32 {
      %mul3A_312 = arith.constant 16 : i32
      %mul3A_313 = arith.muli %scan3A_310, %mul3A_312 : i32
      %get3A = arith.constant 0 : i32
      %get3A_314 = arith.index_cast %get3A : i32 to index
      %get3A_315 = arith.index_cast %mul3A_313 : i32 to index
      %get3A_316 = tpu.vector_load %arg10[%get3A_314, %get3A_315] {strides = array<i32>} : memref<2x640xf32, #tpu.memory_space<vmem>>, vector<16xf32>,
      %mul3A_317 = arith.constant 16 : i32
      %mul3A_318 = arith.muli %scan3A_310, %mul3A_317 : i32
      %get3A_319 = arith.constant 0 : i32
      %get3A_320 = arith.index_cast %get3A_319 : i32 to index
      %get3A_321 = arith.index_cast %mul3A_318 : i32 to index
      %get3A_322 = tpu.vector_load %arg11[%get3A_320, %get3A_321] {strides = array<i32>} : memref<2x640xf32, #tpu.memory_space<vmem>>, vector<16xf32>,
      %add3A_323 = arith.addf %get3A_316, %get3A_322 : vector<16xf32>
      %mul3A_324 = arith.constant 16 : i32
      %mul3A_325 = arith.muli %scan3A_310, %mul3A_324 : i32
      %swap3A = arith.constant 0 : i32
      %swap3A_326 = arith.index_cast %swap3A : i32 to index
      %swap3A_327 = arith.index_cast %mul3A_325 : i32 to index
      %swap3A_328 = tpu.vector_load %arg10[%swap3A_326, %swap3A_327] {strides = array<i32>} : memref<2x640xf32, #tpu.memory_space<vmem>>, vector<16xf32>,
      tpu.vector_store %arg10[%swap3A_326, %swap3A_327], %add3A_323 {strides = array<i32>} : memref<2x640xf32, #tpu.memory_space<vmem>>, vector<16xf32>,
      %scan3A_329 = arith.constant 0 : i32
      scf.yield %scan3A_329 : i32
    }
    %scan3A_96 = arith.constant 40 : i32
    %scan3A_97 = arith.constant 0 : i32
    %scan3A_98 = arith.constant 0 : i32
    %scan3A_99 = arith.constant 40 : i32
    %scan3A_100 = arith.addi %scan3A_98, %scan3A_99 : i32
    %scan3A_101 = arith.constant 1 : i32
    %scan3A_102 = scf.for %scan3A_310 = %scan3A_98 to %scan3A_100 step %scan3A_101 iter_args(%scan3A_311 = %scan3A_97) -> (i32)  : i32 {
      %mul3A_312 = arith.constant 16 : i32
      %mul3A_313 = arith.muli %scan3A_310, %mul3A_312 : i32
      %get3A = arith.constant 1 : i32
      %get3A_314 = arith.index_cast %get3A : i32 to index
      %get3A_315 = arith.index_cast %mul3A_313 : i32 to index
      %get3A_316 = tpu.vector_load %arg10[%get3A_314, %get3A_315] {strides = array<i32>} : memref<2x640xf32, #tpu.memory_space<vmem>>, vector<16xf32>,
      %mul3A_317 = arith.constant 16 : i32
      %mul3A_318 = arith.muli %scan3A_310, %mul3A_317 : i32
      %get3A_319 = arith.constant 1 : i32
      %get3A_320 = arith.index_cast %get3A_319 : i32 to index
      %get3A_321 = arith.index_cast %mul3A_318 : i32 to index
      %get3A_322 = tpu.vector_load %arg11[%get3A_320, %get3A_321] {strides = array<i32>} : memref<2x640xf32, #tpu.memory_space<vmem>>, vector<16xf32>,
      %add3A_323 = arith.addf %get3A_316, %get3A_322 : vector<16xf32>
      %mul3A_324 = arith.constant 16 : i32
      %mul3A_325 = arith.muli %scan3A_310, %mul3A_324 : i32
      %swap3A = arith.constant 1 : i32
      %swap3A_326 = arith.index_cast %swap3A : i32 to index
      %swap3A_327 = arith.index_cast %mul3A_325 : i32 to index
      %swap3A_328 = tpu.vector_load %arg10[%swap3A_326, %swap3A_327] {strides = array<i32>} : memref<2x640xf32, #tpu.memory_space<vmem>>, vector<16xf32>,
      tpu.vector_store %arg10[%swap3A_326, %swap3A_327], %add3A_323 {strides = array<i32>} : memref<2x640xf32, #tpu.memory_space<vmem>>, vector<16xf32>,
      %scan3A_329 = arith.constant 0 : i32
      scf.yield %scan3A_329 : i32
    }
    %scan3A_103 = arith.constant 40 : i32
    %mul3A_104 = arith.constant 640 : i32
    %mul3A_105 = arith.muli %arg1, %mul3A_104 : i32
    %run_scoped3A_106 = arith.constant 4 : i32
    "tpu.region"() ({
      %run_scoped3A_310 = tpu.sem_alloc : memref<!tpu.dma_semaphore, #tpu.memory_space<semaphore_mem>>
      %dma_start3A = arith.constant 0 : i32
      %dma_start3A_311 = tpu.memref_slice %arg9[%run_scoped3A_106, %dma_start3A, %mul3A_105] : memref<16x2x10240xf32, #tpu.memory_space<vmem_shared>> -> memref<1x2x640xf32, #tpu.memory_space<vmem_shared>>
      %dma_start3A_312 = tpu.memref_squeeze %dma_start3A_311 : memref<1x2x640xf32, #tpu.memory_space<vmem_shared>> -> memref<2x640xf32, #tpu.memory_space<vmem_shared>>
      %dma_start3A_313 = arith.constant 0 : i32
      %dma_start3A_314 = tpu.memref_slice %arg9[%run_scoped3A_106, %dma_start3A_313, %mul3A_105] : memref<16x2x10240xf32, #tpu.memory_space<vmem_shared>> -> memref<1x2x640xf32, #tpu.memory_space<vmem_shared>>
      %dma_start3A_315 = tpu.memref_squeeze %dma_start3A_314 : memref<1x2x640xf32, #tpu.memory_space<vmem_shared>> -> memref<2x640xf32, #tpu.memory_space<vmem_shared>>
      tpu.enqueue_dma source(%dma_start3A_315 : memref<2x640xf32, #tpu.memory_space<vmem_shared>>) target(%arg11 : memref<2x640xf32, #tpu.memory_space<vmem>>) target_semaphore(%run_scoped3A_310 : memref<!tpu.dma_semaphore, #tpu.memory_space<semaphore_mem>>)
      %dma_wait3A = arith.constant 0 : i32
      %dma_wait3A_316 = tpu.memref_slice %arg9[%run_scoped3A_106, %dma_wait3A, %mul3A_105] : memref<16x2x10240xf32, #tpu.memory_space<vmem_shared>> -> memref<1x2x640xf32, #tpu.memory_space<vmem_shared>>
      %dma_wait3A_317 = tpu.memref_squeeze %dma_wait3A_316 : memref<1x2x640xf32, #tpu.memory_space<vmem_shared>> -> memref<2x640xf32, #tpu.memory_space<vmem_shared>>
      %dma_wait3A_318 = arith.constant 0 : i32
      %dma_wait3A_319 = tpu.memref_slice %arg9[%run_scoped3A_106, %dma_wait3A_318, %mul3A_105] : memref<16x2x10240xf32, #tpu.memory_space<vmem_shared>> -> memref<1x2x640xf32, #tpu.memory_space<vmem_shared>>
      %dma_wait3A_320 = tpu.memref_squeeze %dma_wait3A_319 : memref<1x2x640xf32, #tpu.memory_space<vmem_shared>> -> memref<2x640xf32, #tpu.memory_space<vmem_shared>>
      tpu.wait_dma2 semaphore(%run_scoped3A_310 : memref<!tpu.dma_semaphore, #tpu.memory_space<semaphore_mem>>) src(%dma_wait3A_320 : memref<2x640xf32, #tpu.memory_space<vmem_shared>>) dst(%arg11 : memref<2x640xf32, #tpu.memory_space<vmem>>)
      tpu.yield
    }) : () -> ()
    %scan3A_107 = arith.constant 0 : i32
    %scan3A_108 = arith.constant 0 : i32
    %scan3A_109 = arith.constant 40 : i32
    %scan3A_110 = arith.addi %scan3A_108, %scan3A_109 : i32
    %scan3A_111 = arith.constant 1 : i32
    %scan3A_112 = scf.for %scan3A_310 = %scan3A_108 to %scan3A_110 step %scan3A_111 iter_args(%scan3A_311 = %scan3A_107) -> (i32)  : i32 {
      %mul3A_312 = arith.constant 16 : i32
      %mul3A_313 = arith.muli %scan3A_310, %mul3A_312 : i32
      %get3A = arith.constant 0 : i32
      %get3A_314 = arith.index_cast %get3A : i32 to index
      %get3A_315 = arith.index_cast %mul3A_313 : i32 to index
      %get3A_316 = tpu.vector_load %arg10[%get3A_314, %get3A_315] {strides = array<i32>} : memref<2x640xf32, #tpu.memory_space<vmem>>, vector<16xf32>,
      %mul3A_317 = arith.constant 16 : i32
      %mul3A_318 = arith.muli %scan3A_310, %mul3A_317 : i32
      %get3A_319 = arith.constant 0 : i32
      %get3A_320 = arith.index_cast %get3A_319 : i32 to index
      %get3A_321 = arith.index_cast %mul3A_318 : i32 to index
      %get3A_322 = tpu.vector_load %arg11[%get3A_320, %get3A_321] {strides = array<i32>} : memref<2x640xf32, #tpu.memory_space<vmem>>, vector<16xf32>,
      %add3A_323 = arith.addf %get3A_316, %get3A_322 : vector<16xf32>
      %mul3A_324 = arith.constant 16 : i32
      %mul3A_325 = arith.muli %scan3A_310, %mul3A_324 : i32
      %swap3A = arith.constant 0 : i32
      %swap3A_326 = arith.index_cast %swap3A : i32 to index
      %swap3A_327 = arith.index_cast %mul3A_325 : i32 to index
      %swap3A_328 = tpu.vector_load %arg10[%swap3A_326, %swap3A_327] {strides = array<i32>} : memref<2x640xf32, #tpu.memory_space<vmem>>, vector<16xf32>,
      tpu.vector_store %arg10[%swap3A_326, %swap3A_327], %add3A_323 {strides = array<i32>} : memref<2x640xf32, #tpu.memory_space<vmem>>, vector<16xf32>,
      %scan3A_329 = arith.constant 0 : i32
      scf.yield %scan3A_329 : i32
    }
    %scan3A_113 = arith.constant 40 : i32
    %scan3A_114 = arith.constant 0 : i32
    %scan3A_115 = arith.constant 0 : i32
    %scan3A_116 = arith.constant 40 : i32
    %scan3A_117 = arith.addi %scan3A_115, %scan3A_116 : i32
    %scan3A_118 = arith.constant 1 : i32
    %scan3A_119 = scf.for %scan3A_310 = %scan3A_115 to %scan3A_117 step %scan3A_118 iter_args(%scan3A_311 = %scan3A_114) -> (i32)  : i32 {
      %mul3A_312 = arith.constant 16 : i32
      %mul3A_313 = arith.muli %scan3A_310, %mul3A_312 : i32
      %get3A = arith.constant 1 : i32
      %get3A_314 = arith.index_cast %get3A : i32 to index
      %get3A_315 = arith.index_cast %mul3A_313 : i32 to index
      %get3A_316 = tpu.vector_load %arg10[%get3A_314, %get3A_315] {strides = array<i32>} : memref<2x640xf32, #tpu.memory_space<vmem>>, vector<16xf32>,
      %mul3A_317 = arith.constant 16 : i32
      %mul3A_318 = arith.muli %scan3A_310, %mul3A_317 : i32
      %get3A_319 = arith.constant 1 : i32
      %get3A_320 = arith.index_cast %get3A_319 : i32 to index
      %get3A_321 = arith.index_cast %mul3A_318 : i32 to index
      %get3A_322 = tpu.vector_load %arg11[%get3A_320, %get3A_321] {strides = array<i32>} : memref<2x640xf32, #tpu.memory_space<vmem>>, vector<16xf32>,
      %add3A_323 = arith.addf %get3A_316, %get3A_322 : vector<16xf32>
      %mul3A_324 = arith.constant 16 : i32
      %mul3A_325 = arith.muli %scan3A_310, %mul3A_324 : i32
      %swap3A = arith.constant 1 : i32
      %swap3A_326 = arith.index_cast %swap3A : i32 to index
      %swap3A_327 = arith.index_cast %mul3A_325 : i32 to index
      %swap3A_328 = tpu.vector_load %arg10[%swap3A_326, %swap3A_327] {strides = array<i32>} : memref<2x640xf32, #tpu.memory_space<vmem>>, vector<16xf32>,
      tpu.vector_store %arg10[%swap3A_326, %swap3A_327], %add3A_323 {strides = array<i32>} : memref<2x640xf32, #tpu.memory_space<vmem>>, vector<16xf32>,
      %scan3A_329 = arith.constant 0 : i32
      scf.yield %scan3A_329 : i32
    }
    %scan3A_120 = arith.constant 40 : i32
    %mul3A_121 = arith.constant 640 : i32
    %mul3A_122 = arith.muli %arg1, %mul3A_121 : i32
    %run_scoped3A_123 = arith.constant 5 : i32
    "tpu.region"() ({
      %run_scoped3A_310 = tpu.sem_alloc : memref<!tpu.dma_semaphore, #tpu.memory_space<semaphore_mem>>
      %dma_start3A = arith.constant 0 : i32
      %dma_start3A_311 = tpu.memref_slice %arg9[%run_scoped3A_123, %dma_start3A, %mul3A_122] : memref<16x2x10240xf32, #tpu.memory_space<vmem_shared>> -> memref<1x2x640xf32, #tpu.memory_space<vmem_shared>>
      %dma_start3A_312 = tpu.memref_squeeze %dma_start3A_311 : memref<1x2x640xf32, #tpu.memory_space<vmem_shared>> -> memref<2x640xf32, #tpu.memory_space<vmem_shared>>
      %dma_start3A_313 = arith.constant 0 : i32
      %dma_start3A_314 = tpu.memref_slice %arg9[%run_scoped3A_123, %dma_start3A_313, %mul3A_122] : memref<16x2x10240xf32, #tpu.memory_space<vmem_shared>> -> memref<1x2x640xf32, #tpu.memory_space<vmem_shared>>
      %dma_start3A_315 = tpu.memref_squeeze %dma_start3A_314 : memref<1x2x640xf32, #tpu.memory_space<vmem_shared>> -> memref<2x640xf32, #tpu.memory_space<vmem_shared>>
      tpu.enqueue_dma source(%dma_start3A_315 : memref<2x640xf32, #tpu.memory_space<vmem_shared>>) target(%arg11 : memref<2x640xf32, #tpu.memory_space<vmem>>) target_semaphore(%run_scoped3A_310 : memref<!tpu.dma_semaphore, #tpu.memory_space<semaphore_mem>>)
      %dma_wait3A = arith.constant 0 : i32
      %dma_wait3A_316 = tpu.memref_slice %arg9[%run_scoped3A_123, %dma_wait3A, %mul3A_122] : memref<16x2x10240xf32, #tpu.memory_space<vmem_shared>> -> memref<1x2x640xf32, #tpu.memory_space<vmem_shared>>
      %dma_wait3A_317 = tpu.memref_squeeze %dma_wait3A_316 : memref<1x2x640xf32, #tpu.memory_space<vmem_shared>> -> memref<2x640xf32, #tpu.memory_space<vmem_shared>>
      %dma_wait3A_318 = arith.constant 0 : i32
      %dma_wait3A_319 = tpu.memref_slice %arg9[%run_scoped3A_123, %dma_wait3A_318, %mul3A_122] : memref<16x2x10240xf32, #tpu.memory_space<vmem_shared>> -> memref<1x2x640xf32, #tpu.memory_space<vmem_shared>>
      %dma_wait3A_320 = tpu.memref_squeeze %dma_wait3A_319 : memref<1x2x640xf32, #tpu.memory_space<vmem_shared>> -> memref<2x640xf32, #tpu.memory_space<vmem_shared>>
      tpu.wait_dma2 semaphore(%run_scoped3A_310 : memref<!tpu.dma_semaphore, #tpu.memory_space<semaphore_mem>>) src(%dma_wait3A_320 : memref<2x640xf32, #tpu.memory_space<vmem_shared>>) dst(%arg11 : memref<2x640xf32, #tpu.memory_space<vmem>>)
      tpu.yield
    }) : () -> ()
    %scan3A_124 = arith.constant 0 : i32
    %scan3A_125 = arith.constant 0 : i32
    %scan3A_126 = arith.constant 40 : i32
    %scan3A_127 = arith.addi %scan3A_125, %scan3A_126 : i32
    %scan3A_128 = arith.constant 1 : i32
    %scan3A_129 = scf.for %scan3A_310 = %scan3A_125 to %scan3A_127 step %scan3A_128 iter_args(%scan3A_311 = %scan3A_124) -> (i32)  : i32 {
      %mul3A_312 = arith.constant 16 : i32
      %mul3A_313 = arith.muli %scan3A_310, %mul3A_312 : i32
      %get3A = arith.constant 0 : i32
      %get3A_314 = arith.index_cast %get3A : i32 to index
      %get3A_315 = arith.index_cast %mul3A_313 : i32 to index
      %get3A_316 = tpu.vector_load %arg10[%get3A_314, %get3A_315] {strides = array<i32>} : memref<2x640xf32, #tpu.memory_space<vmem>>, vector<16xf32>,
      %mul3A_317 = arith.constant 16 : i32
      %mul3A_318 = arith.muli %scan3A_310, %mul3A_317 : i32
      %get3A_319 = arith.constant 0 : i32
      %get3A_320 = arith.index_cast %get3A_319 : i32 to index
      %get3A_321 = arith.index_cast %mul3A_318 : i32 to index
      %get3A_322 = tpu.vector_load %arg11[%get3A_320, %get3A_321] {strides = array<i32>} : memref<2x640xf32, #tpu.memory_space<vmem>>, vector<16xf32>,
      %add3A_323 = arith.addf %get3A_316, %get3A_322 : vector<16xf32>
      %mul3A_324 = arith.constant 16 : i32
      %mul3A_325 = arith.muli %scan3A_310, %mul3A_324 : i32
      %swap3A = arith.constant 0 : i32
      %swap3A_326 = arith.index_cast %swap3A : i32 to index
      %swap3A_327 = arith.index_cast %mul3A_325 : i32 to index
      %swap3A_328 = tpu.vector_load %arg10[%swap3A_326, %swap3A_327] {strides = array<i32>} : memref<2x640xf32, #tpu.memory_space<vmem>>, vector<16xf32>,
      tpu.vector_store %arg10[%swap3A_326, %swap3A_327], %add3A_323 {strides = array<i32>} : memref<2x640xf32, #tpu.memory_space<vmem>>, vector<16xf32>,
      %scan3A_329 = arith.constant 0 : i32
      scf.yield %scan3A_329 : i32
    }
    %scan3A_130 = arith.constant 40 : i32
    %scan3A_131 = arith.constant 0 : i32
    %scan3A_132 = arith.constant 0 : i32
    %scan3A_133 = arith.constant 40 : i32
    %scan3A_134 = arith.addi %scan3A_132, %scan3A_133 : i32
    %scan3A_135 = arith.constant 1 : i32
    %scan3A_136 = scf.for %scan3A_310 = %scan3A_132 to %scan3A_134 step %scan3A_135 iter_args(%scan3A_311 = %scan3A_131) -> (i32)  : i32 {
      %mul3A_312 = arith.constant 16 : i32
      %mul3A_313 = arith.muli %scan3A_310, %mul3A_312 : i32
      %get3A = arith.constant 1 : i32
      %get3A_314 = arith.index_cast %get3A : i32 to index
      %get3A_315 = arith.index_cast %mul3A_313 : i32 to index
      %get3A_316 = tpu.vector_load %arg10[%get3A_314, %get3A_315] {strides = array<i32>} : memref<2x640xf32, #tpu.memory_space<vmem>>, vector<16xf32>,
      %mul3A_317 = arith.constant 16 : i32
      %mul3A_318 = arith.muli %scan3A_310, %mul3A_317 : i32
      %get3A_319 = arith.constant 1 : i32
      %get3A_320 = arith.index_cast %get3A_319 : i32 to index
      %get3A_321 = arith.index_cast %mul3A_318 : i32 to index
      %get3A_322 = tpu.vector_load %arg11[%get3A_320, %get3A_321] {strides = array<i32>} : memref<2x640xf32, #tpu.memory_space<vmem>>, vector<16xf32>,
      %add3A_323 = arith.addf %get3A_316, %get3A_322 : vector<16xf32>
      %mul3A_324 = arith.constant 16 : i32
      %mul3A_325 = arith.muli %scan3A_310, %mul3A_324 : i32
      %swap3A = arith.constant 1 : i32
      %swap3A_326 = arith.index_cast %swap3A : i32 to index
      %swap3A_327 = arith.index_cast %mul3A_325 : i32 to index
      %swap3A_328 = tpu.vector_load %arg10[%swap3A_326, %swap3A_327] {strides = array<i32>} : memref<2x640xf32, #tpu.memory_space<vmem>>, vector<16xf32>,
      tpu.vector_store %arg10[%swap3A_326, %swap3A_327], %add3A_323 {strides = array<i32>} : memref<2x640xf32, #tpu.memory_space<vmem>>, vector<16xf32>,
      %scan3A_329 = arith.constant 0 : i32
      scf.yield %scan3A_329 : i32
    }
    %scan3A_137 = arith.constant 40 : i32
    %mul3A_138 = arith.constant 640 : i32
    %mul3A_139 = arith.muli %arg1, %mul3A_138 : i32
    %run_scoped3A_140 = arith.constant 6 : i32
    "tpu.region"() ({
      %run_scoped3A_310 = tpu.sem_alloc : memref<!tpu.dma_semaphore, #tpu.memory_space<semaphore_mem>>
      %dma_start3A = arith.constant 0 : i32
      %dma_start3A_311 = tpu.memref_slice %arg9[%run_scoped3A_140, %dma_start3A, %mul3A_139] : memref<16x2x10240xf32, #tpu.memory_space<vmem_shared>> -> memref<1x2x640xf32, #tpu.memory_space<vmem_shared>>
      %dma_start3A_312 = tpu.memref_squeeze %dma_start3A_311 : memref<1x2x640xf32, #tpu.memory_space<vmem_shared>> -> memref<2x640xf32, #tpu.memory_space<vmem_shared>>
      %dma_start3A_313 = arith.constant 0 : i32
      %dma_start3A_314 = tpu.memref_slice %arg9[%run_scoped3A_140, %dma_start3A_313, %mul3A_139] : memref<16x2x10240xf32, #tpu.memory_space<vmem_shared>> -> memref<1x2x640xf32, #tpu.memory_space<vmem_shared>>
      %dma_start3A_315 = tpu.memref_squeeze %dma_start3A_314 : memref<1x2x640xf32, #tpu.memory_space<vmem_shared>> -> memref<2x640xf32, #tpu.memory_space<vmem_shared>>
      tpu.enqueue_dma source(%dma_start3A_315 : memref<2x640xf32, #tpu.memory_space<vmem_shared>>) target(%arg11 : memref<2x640xf32, #tpu.memory_space<vmem>>) target_semaphore(%run_scoped3A_310 : memref<!tpu.dma_semaphore, #tpu.memory_space<semaphore_mem>>)
      %dma_wait3A = arith.constant 0 : i32
      %dma_wait3A_316 = tpu.memref_slice %arg9[%run_scoped3A_140, %dma_wait3A, %mul3A_139] : memref<16x2x10240xf32, #tpu.memory_space<vmem_shared>> -> memref<1x2x640xf32, #tpu.memory_space<vmem_shared>>
      %dma_wait3A_317 = tpu.memref_squeeze %dma_wait3A_316 : memref<1x2x640xf32, #tpu.memory_space<vmem_shared>> -> memref<2x640xf32, #tpu.memory_space<vmem_shared>>
      %dma_wait3A_318 = arith.constant 0 : i32
      %dma_wait3A_319 = tpu.memref_slice %arg9[%run_scoped3A_140, %dma_wait3A_318, %mul3A_139] : memref<16x2x10240xf32, #tpu.memory_space<vmem_shared>> -> memref<1x2x640xf32, #tpu.memory_space<vmem_shared>>
      %dma_wait3A_320 = tpu.memref_squeeze %dma_wait3A_319 : memref<1x2x640xf32, #tpu.memory_space<vmem_shared>> -> memref<2x640xf32, #tpu.memory_space<vmem_shared>>
      tpu.wait_dma2 semaphore(%run_scoped3A_310 : memref<!tpu.dma_semaphore, #tpu.memory_space<semaphore_mem>>) src(%dma_wait3A_320 : memref<2x640xf32, #tpu.memory_space<vmem_shared>>) dst(%arg11 : memref<2x640xf32, #tpu.memory_space<vmem>>)
      tpu.yield
    }) : () -> ()
    %scan3A_141 = arith.constant 0 : i32
    %scan3A_142 = arith.constant 0 : i32
    %scan3A_143 = arith.constant 40 : i32
    %scan3A_144 = arith.addi %scan3A_142, %scan3A_143 : i32
    %scan3A_145 = arith.constant 1 : i32
    %scan3A_146 = scf.for %scan3A_310 = %scan3A_142 to %scan3A_144 step %scan3A_145 iter_args(%scan3A_311 = %scan3A_141) -> (i32)  : i32 {
      %mul3A_312 = arith.constant 16 : i32
      %mul3A_313 = arith.muli %scan3A_310, %mul3A_312 : i32
      %get3A = arith.constant 0 : i32
      %get3A_314 = arith.index_cast %get3A : i32 to index
      %get3A_315 = arith.index_cast %mul3A_313 : i32 to index
      %get3A_316 = tpu.vector_load %arg10[%get3A_314, %get3A_315] {strides = array<i32>} : memref<2x640xf32, #tpu.memory_space<vmem>>, vector<16xf32>,
      %mul3A_317 = arith.constant 16 : i32
      %mul3A_318 = arith.muli %scan3A_310, %mul3A_317 : i32
      %get3A_319 = arith.constant 0 : i32
      %get3A_320 = arith.index_cast %get3A_319 : i32 to index
      %get3A_321 = arith.index_cast %mul3A_318 : i32 to index
      %get3A_322 = tpu.vector_load %arg11[%get3A_320, %get3A_321] {strides = array<i32>} : memref<2x640xf32, #tpu.memory_space<vmem>>, vector<16xf32>,
      %add3A_323 = arith.addf %get3A_316, %get3A_322 : vector<16xf32>
      %mul3A_324 = arith.constant 16 : i32
      %mul3A_325 = arith.muli %scan3A_310, %mul3A_324 : i32
      %swap3A = arith.constant 0 : i32
      %swap3A_326 = arith.index_cast %swap3A : i32 to index
      %swap3A_327 = arith.index_cast %mul3A_325 : i32 to index
      %swap3A_328 = tpu.vector_load %arg10[%swap3A_326, %swap3A_327] {strides = array<i32>} : memref<2x640xf32, #tpu.memory_space<vmem>>, vector<16xf32>,
      tpu.vector_store %arg10[%swap3A_326, %swap3A_327], %add3A_323 {strides = array<i32>} : memref<2x640xf32, #tpu.memory_space<vmem>>, vector<16xf32>,
      %scan3A_329 = arith.constant 0 : i32
      scf.yield %scan3A_329 : i32
    }
    %scan3A_147 = arith.constant 40 : i32
    %scan3A_148 = arith.constant 0 : i32
    %scan3A_149 = arith.constant 0 : i32
    %scan3A_150 = arith.constant 40 : i32
    %scan3A_151 = arith.addi %scan3A_149, %scan3A_150 : i32
    %scan3A_152 = arith.constant 1 : i32
    %scan3A_153 = scf.for %scan3A_310 = %scan3A_149 to %scan3A_151 step %scan3A_152 iter_args(%scan3A_311 = %scan3A_148) -> (i32)  : i32 {
      %mul3A_312 = arith.constant 16 : i32
      %mul3A_313 = arith.muli %scan3A_310, %mul3A_312 : i32
      %get3A = arith.constant 1 : i32
      %get3A_314 = arith.index_cast %get3A : i32 to index
      %get3A_315 = arith.index_cast %mul3A_313 : i32 to index
      %get3A_316 = tpu.vector_load %arg10[%get3A_314, %get3A_315] {strides = array<i32>} : memref<2x640xf32, #tpu.memory_space<vmem>>, vector<16xf32>,
      %mul3A_317 = arith.constant 16 : i32
      %mul3A_318 = arith.muli %scan3A_310, %mul3A_317 : i32
      %get3A_319 = arith.constant 1 : i32
      %get3A_320 = arith.index_cast %get3A_319 : i32 to index
      %get3A_321 = arith.index_cast %mul3A_318 : i32 to index
      %get3A_322 = tpu.vector_load %arg11[%get3A_320, %get3A_321] {strides = array<i32>} : memref<2x640xf32, #tpu.memory_space<vmem>>, vector<16xf32>,
      %add3A_323 = arith.addf %get3A_316, %get3A_322 : vector<16xf32>
      %mul3A_324 = arith.constant 16 : i32
      %mul3A_325 = arith.muli %scan3A_310, %mul3A_324 : i32
      %swap3A = arith.constant 1 : i32
      %swap3A_326 = arith.index_cast %swap3A : i32 to index
      %swap3A_327 = arith.index_cast %mul3A_325 : i32 to index
      %swap3A_328 = tpu.vector_load %arg10[%swap3A_326, %swap3A_327] {strides = array<i32>} : memref<2x640xf32, #tpu.memory_space<vmem>>, vector<16xf32>,
      tpu.vector_store %arg10[%swap3A_326, %swap3A_327], %add3A_323 {strides = array<i32>} : memref<2x640xf32, #tpu.memory_space<vmem>>, vector<16xf32>,
      %scan3A_329 = arith.constant 0 : i32
      scf.yield %scan3A_329 : i32
    }
    %scan3A_154 = arith.constant 40 : i32
    %mul3A_155 = arith.constant 640 : i32
    %mul3A_156 = arith.muli %arg1, %mul3A_155 : i32
    %run_scoped3A_157 = arith.constant 7 : i32
    "tpu.region"() ({
      %run_scoped3A_310 = tpu.sem_alloc : memref<!tpu.dma_semaphore, #tpu.memory_space<semaphore_mem>>
      %dma_start3A = arith.constant 0 : i32
      %dma_start3A_311 = tpu.memref_slice %arg9[%run_scoped3A_157, %dma_start3A, %mul3A_156] : memref<16x2x10240xf32, #tpu.memory_space<vmem_shared>> -> memref<1x2x640xf32, #tpu.memory_space<vmem_shared>>
      %dma_start3A_312 = tpu.memref_squeeze %dma_start3A_311 : memref<1x2x640xf32, #tpu.memory_space<vmem_shared>> -> memref<2x640xf32, #tpu.memory_space<vmem_shared>>
      %dma_start3A_313 = arith.constant 0 : i32
      %dma_start3A_314 = tpu.memref_slice %arg9[%run_scoped3A_157, %dma_start3A_313, %mul3A_156] : memref<16x2x10240xf32, #tpu.memory_space<vmem_shared>> -> memref<1x2x640xf32, #tpu.memory_space<vmem_shared>>
      %dma_start3A_315 = tpu.memref_squeeze %dma_start3A_314 : memref<1x2x640xf32, #tpu.memory_space<vmem_shared>> -> memref<2x640xf32, #tpu.memory_space<vmem_shared>>
      tpu.enqueue_dma source(%dma_start3A_315 : memref<2x640xf32, #tpu.memory_space<vmem_shared>>) target(%arg11 : memref<2x640xf32, #tpu.memory_space<vmem>>) target_semaphore(%run_scoped3A_310 : memref<!tpu.dma_semaphore, #tpu.memory_space<semaphore_mem>>)
      %dma_wait3A = arith.constant 0 : i32
      %dma_wait3A_316 = tpu.memref_slice %arg9[%run_scoped3A_157, %dma_wait3A, %mul3A_156] : memref<16x2x10240xf32, #tpu.memory_space<vmem_shared>> -> memref<1x2x640xf32, #tpu.memory_space<vmem_shared>>
      %dma_wait3A_317 = tpu.memref_squeeze %dma_wait3A_316 : memref<1x2x640xf32, #tpu.memory_space<vmem_shared>> -> memref<2x640xf32, #tpu.memory_space<vmem_shared>>
      %dma_wait3A_318 = arith.constant 0 : i32
      %dma_wait3A_319 = tpu.memref_slice %arg9[%run_scoped3A_157, %dma_wait3A_318, %mul3A_156] : memref<16x2x10240xf32, #tpu.memory_space<vmem_shared>> -> memref<1x2x640xf32, #tpu.memory_space<vmem_shared>>
      %dma_wait3A_320 = tpu.memref_squeeze %dma_wait3A_319 : memref<1x2x640xf32, #tpu.memory_space<vmem_shared>> -> memref<2x640xf32, #tpu.memory_space<vmem_shared>>
      tpu.wait_dma2 semaphore(%run_scoped3A_310 : memref<!tpu.dma_semaphore, #tpu.memory_space<semaphore_mem>>) src(%dma_wait3A_320 : memref<2x640xf32, #tpu.memory_space<vmem_shared>>) dst(%arg11 : memref<2x640xf32, #tpu.memory_space<vmem>>)
      tpu.yield
    }) : () -> ()
    %scan3A_158 = arith.constant 0 : i32
    %scan3A_159 = arith.constant 0 : i32
    %scan3A_160 = arith.constant 40 : i32
    %scan3A_161 = arith.addi %scan3A_159, %scan3A_160 : i32
    %scan3A_162 = arith.constant 1 : i32
    %scan3A_163 = scf.for %scan3A_310 = %scan3A_159 to %scan3A_161 step %scan3A_162 iter_args(%scan3A_311 = %scan3A_158) -> (i32)  : i32 {
      %mul3A_312 = arith.constant 16 : i32
      %mul3A_313 = arith.muli %scan3A_310, %mul3A_312 : i32
      %get3A = arith.constant 0 : i32
      %get3A_314 = arith.index_cast %get3A : i32 to index
      %get3A_315 = arith.index_cast %mul3A_313 : i32 to index
      %get3A_316 = tpu.vector_load %arg10[%get3A_314, %get3A_315] {strides = array<i32>} : memref<2x640xf32, #tpu.memory_space<vmem>>, vector<16xf32>,
      %mul3A_317 = arith.constant 16 : i32
      %mul3A_318 = arith.muli %scan3A_310, %mul3A_317 : i32
      %get3A_319 = arith.constant 0 : i32
      %get3A_320 = arith.index_cast %get3A_319 : i32 to index
      %get3A_321 = arith.index_cast %mul3A_318 : i32 to index
      %get3A_322 = tpu.vector_load %arg11[%get3A_320, %get3A_321] {strides = array<i32>} : memref<2x640xf32, #tpu.memory_space<vmem>>, vector<16xf32>,
      %add3A_323 = arith.addf %get3A_316, %get3A_322 : vector<16xf32>
      %mul3A_324 = arith.constant 16 : i32
      %mul3A_325 = arith.muli %scan3A_310, %mul3A_324 : i32
      %swap3A = arith.constant 0 : i32
      %swap3A_326 = arith.index_cast %swap3A : i32 to index
      %swap3A_327 = arith.index_cast %mul3A_325 : i32 to index
      %swap3A_328 = tpu.vector_load %arg10[%swap3A_326, %swap3A_327] {strides = array<i32>} : memref<2x640xf32, #tpu.memory_space<vmem>>, vector<16xf32>,
      tpu.vector_store %arg10[%swap3A_326, %swap3A_327], %add3A_323 {strides = array<i32>} : memref<2x640xf32, #tpu.memory_space<vmem>>, vector<16xf32>,
      %scan3A_329 = arith.constant 0 : i32
      scf.yield %scan3A_329 : i32
    }
    %scan3A_164 = arith.constant 40 : i32
    %scan3A_165 = arith.constant 0 : i32
    %scan3A_166 = arith.constant 0 : i32
    %scan3A_167 = arith.constant 40 : i32
    %scan3A_168 = arith.addi %scan3A_166, %scan3A_167 : i32
    %scan3A_169 = arith.constant 1 : i32
    %scan3A_170 = scf.for %scan3A_310 = %scan3A_166 to %scan3A_168 step %scan3A_169 iter_args(%scan3A_311 = %scan3A_165) -> (i32)  : i32 {
      %mul3A_312 = arith.constant 16 : i32
      %mul3A_313 = arith.muli %scan3A_310, %mul3A_312 : i32
      %get3A = arith.constant 1 : i32
      %get3A_314 = arith.index_cast %get3A : i32 to index
      %get3A_315 = arith.index_cast %mul3A_313 : i32 to index
      %get3A_316 = tpu.vector_load %arg10[%get3A_314, %get3A_315] {strides = array<i32>} : memref<2x640xf32, #tpu.memory_space<vmem>>, vector<16xf32>,
      %mul3A_317 = arith.constant 16 : i32
      %mul3A_318 = arith.muli %scan3A_310, %mul3A_317 : i32
      %get3A_319 = arith.constant 1 : i32
      %get3A_320 = arith.index_cast %get3A_319 : i32 to index
      %get3A_321 = arith.index_cast %mul3A_318 : i32 to index
      %get3A_322 = tpu.vector_load %arg11[%get3A_320, %get3A_321] {strides = array<i32>} : memref<2x640xf32, #tpu.memory_space<vmem>>, vector<16xf32>,
      %add3A_323 = arith.addf %get3A_316, %get3A_322 : vector<16xf32>
      %mul3A_324 = arith.constant 16 : i32
      %mul3A_325 = arith.muli %scan3A_310, %mul3A_324 : i32
      %swap3A = arith.constant 1 : i32
      %swap3A_326 = arith.index_cast %swap3A : i32 to index
      %swap3A_327 = arith.index_cast %mul3A_325 : i32 to index
      %swap3A_328 = tpu.vector_load %arg10[%swap3A_326, %swap3A_327] {strides = array<i32>} : memref<2x640xf32, #tpu.memory_space<vmem>>, vector<16xf32>,
      tpu.vector_store %arg10[%swap3A_326, %swap3A_327], %add3A_323 {strides = array<i32>} : memref<2x640xf32, #tpu.memory_space<vmem>>, vector<16xf32>,
      %scan3A_329 = arith.constant 0 : i32
      scf.yield %scan3A_329 : i32
    }
    %scan3A_171 = arith.constant 40 : i32
    %mul3A_172 = arith.constant 640 : i32
    %mul3A_173 = arith.muli %arg1, %mul3A_172 : i32
    %run_scoped3A_174 = arith.constant 8 : i32
    "tpu.region"() ({
      %run_scoped3A_310 = tpu.sem_alloc : memref<!tpu.dma_semaphore, #tpu.memory_space<semaphore_mem>>
      %dma_start3A = arith.constant 0 : i32
      %dma_start3A_311 = tpu.memref_slice %arg9[%run_scoped3A_174, %dma_start3A, %mul3A_173] : memref<16x2x10240xf32, #tpu.memory_space<vmem_shared>> -> memref<1x2x640xf32, #tpu.memory_space<vmem_shared>>
      %dma_start3A_312 = tpu.memref_squeeze %dma_start3A_311 : memref<1x2x640xf32, #tpu.memory_space<vmem_shared>> -> memref<2x640xf32, #tpu.memory_space<vmem_shared>>
      %dma_start3A_313 = arith.constant 0 : i32
      %dma_start3A_314 = tpu.memref_slice %arg9[%run_scoped3A_174, %dma_start3A_313, %mul3A_173] : memref<16x2x10240xf32, #tpu.memory_space<vmem_shared>> -> memref<1x2x640xf32, #tpu.memory_space<vmem_shared>>
      %dma_start3A_315 = tpu.memref_squeeze %dma_start3A_314 : memref<1x2x640xf32, #tpu.memory_space<vmem_shared>> -> memref<2x640xf32, #tpu.memory_space<vmem_shared>>
      tpu.enqueue_dma source(%dma_start3A_315 : memref<2x640xf32, #tpu.memory_space<vmem_shared>>) target(%arg11 : memref<2x640xf32, #tpu.memory_space<vmem>>) target_semaphore(%run_scoped3A_310 : memref<!tpu.dma_semaphore, #tpu.memory_space<semaphore_mem>>)
      %dma_wait3A = arith.constant 0 : i32
      %dma_wait3A_316 = tpu.memref_slice %arg9[%run_scoped3A_174, %dma_wait3A, %mul3A_173] : memref<16x2x10240xf32, #tpu.memory_space<vmem_shared>> -> memref<1x2x640xf32, #tpu.memory_space<vmem_shared>>
      %dma_wait3A_317 = tpu.memref_squeeze %dma_wait3A_316 : memref<1x2x640xf32, #tpu.memory_space<vmem_shared>> -> memref<2x640xf32, #tpu.memory_space<vmem_shared>>
      %dma_wait3A_318 = arith.constant 0 : i32
      %dma_wait3A_319 = tpu.memref_slice %arg9[%run_scoped3A_174, %dma_wait3A_318, %mul3A_173] : memref<16x2x10240xf32, #tpu.memory_space<vmem_shared>> -> memref<1x2x640xf32, #tpu.memory_space<vmem_shared>>
      %dma_wait3A_320 = tpu.memref_squeeze %dma_wait3A_319 : memref<1x2x640xf32, #tpu.memory_space<vmem_shared>> -> memref<2x640xf32, #tpu.memory_space<vmem_shared>>
      tpu.wait_dma2 semaphore(%run_scoped3A_310 : memref<!tpu.dma_semaphore, #tpu.memory_space<semaphore_mem>>) src(%dma_wait3A_320 : memref<2x640xf32, #tpu.memory_space<vmem_shared>>) dst(%arg11 : memref<2x640xf32, #tpu.memory_space<vmem>>)
      tpu.yield
    }) : () -> ()
    %scan3A_175 = arith.constant 0 : i32
    %scan3A_176 = arith.constant 0 : i32
    %scan3A_177 = arith.constant 40 : i32
    %scan3A_178 = arith.addi %scan3A_176, %scan3A_177 : i32
    %scan3A_179 = arith.constant 1 : i32
    %scan3A_180 = scf.for %scan3A_310 = %scan3A_176 to %scan3A_178 step %scan3A_179 iter_args(%scan3A_311 = %scan3A_175) -> (i32)  : i32 {
      %mul3A_312 = arith.constant 16 : i32
      %mul3A_313 = arith.muli %scan3A_310, %mul3A_312 : i32
      %get3A = arith.constant 0 : i32
      %get3A_314 = arith.index_cast %get3A : i32 to index
      %get3A_315 = arith.index_cast %mul3A_313 : i32 to index
      %get3A_316 = tpu.vector_load %arg10[%get3A_314, %get3A_315] {strides = array<i32>} : memref<2x640xf32, #tpu.memory_space<vmem>>, vector<16xf32>,
      %mul3A_317 = arith.constant 16 : i32
      %mul3A_318 = arith.muli %scan3A_310, %mul3A_317 : i32
      %get3A_319 = arith.constant 0 : i32
      %get3A_320 = arith.index_cast %get3A_319 : i32 to index
      %get3A_321 = arith.index_cast %mul3A_318 : i32 to index
      %get3A_322 = tpu.vector_load %arg11[%get3A_320, %get3A_321] {strides = array<i32>} : memref<2x640xf32, #tpu.memory_space<vmem>>, vector<16xf32>,
      %add3A_323 = arith.addf %get3A_316, %get3A_322 : vector<16xf32>
      %mul3A_324 = arith.constant 16 : i32
      %mul3A_325 = arith.muli %scan3A_310, %mul3A_324 : i32
      %swap3A = arith.constant 0 : i32
      %swap3A_326 = arith.index_cast %swap3A : i32 to index
      %swap3A_327 = arith.index_cast %mul3A_325 : i32 to index
      %swap3A_328 = tpu.vector_load %arg10[%swap3A_326, %swap3A_327] {strides = array<i32>} : memref<2x640xf32, #tpu.memory_space<vmem>>, vector<16xf32>,
      tpu.vector_store %arg10[%swap3A_326, %swap3A_327], %add3A_323 {strides = array<i32>} : memref<2x640xf32, #tpu.memory_space<vmem>>, vector<16xf32>,
      %scan3A_329 = arith.constant 0 : i32
      scf.yield %scan3A_329 : i32
    }
    %scan3A_181 = arith.constant 40 : i32
    %scan3A_182 = arith.constant 0 : i32
    %scan3A_183 = arith.constant 0 : i32
    %scan3A_184 = arith.constant 40 : i32
    %scan3A_185 = arith.addi %scan3A_183, %scan3A_184 : i32
    %scan3A_186 = arith.constant 1 : i32
    %scan3A_187 = scf.for %scan3A_310 = %scan3A_183 to %scan3A_185 step %scan3A_186 iter_args(%scan3A_311 = %scan3A_182) -> (i32)  : i32 {
      %mul3A_312 = arith.constant 16 : i32
      %mul3A_313 = arith.muli %scan3A_310, %mul3A_312 : i32
      %get3A = arith.constant 1 : i32
      %get3A_314 = arith.index_cast %get3A : i32 to index
      %get3A_315 = arith.index_cast %mul3A_313 : i32 to index
      %get3A_316 = tpu.vector_load %arg10[%get3A_314, %get3A_315] {strides = array<i32>} : memref<2x640xf32, #tpu.memory_space<vmem>>, vector<16xf32>,
      %mul3A_317 = arith.constant 16 : i32
      %mul3A_318 = arith.muli %scan3A_310, %mul3A_317 : i32
      %get3A_319 = arith.constant 1 : i32
      %get3A_320 = arith.index_cast %get3A_319 : i32 to index
      %get3A_321 = arith.index_cast %mul3A_318 : i32 to index
      %get3A_322 = tpu.vector_load %arg11[%get3A_320, %get3A_321] {strides = array<i32>} : memref<2x640xf32, #tpu.memory_space<vmem>>, vector<16xf32>,
      %add3A_323 = arith.addf %get3A_316, %get3A_322 : vector<16xf32>
      %mul3A_324 = arith.constant 16 : i32
      %mul3A_325 = arith.muli %scan3A_310, %mul3A_324 : i32
      %swap3A = arith.constant 1 : i32
      %swap3A_326 = arith.index_cast %swap3A : i32 to index
      %swap3A_327 = arith.index_cast %mul3A_325 : i32 to index
      %swap3A_328 = tpu.vector_load %arg10[%swap3A_326, %swap3A_327] {strides = array<i32>} : memref<2x640xf32, #tpu.memory_space<vmem>>, vector<16xf32>,
      tpu.vector_store %arg10[%swap3A_326, %swap3A_327], %add3A_323 {strides = array<i32>} : memref<2x640xf32, #tpu.memory_space<vmem>>, vector<16xf32>,
      %scan3A_329 = arith.constant 0 : i32
      scf.yield %scan3A_329 : i32
    }
    %scan3A_188 = arith.constant 40 : i32
    %mul3A_189 = arith.constant 640 : i32
    %mul3A_190 = arith.muli %arg1, %mul3A_189 : i32
    %run_scoped3A_191 = arith.constant 9 : i32
    "tpu.region"() ({
      %run_scoped3A_310 = tpu.sem_alloc : memref<!tpu.dma_semaphore, #tpu.memory_space<semaphore_mem>>
      %dma_start3A = arith.constant 0 : i32
      %dma_start3A_311 = tpu.memref_slice %arg9[%run_scoped3A_191, %dma_start3A, %mul3A_190] : memref<16x2x10240xf32, #tpu.memory_space<vmem_shared>> -> memref<1x2x640xf32, #tpu.memory_space<vmem_shared>>
      %dma_start3A_312 = tpu.memref_squeeze %dma_start3A_311 : memref<1x2x640xf32, #tpu.memory_space<vmem_shared>> -> memref<2x640xf32, #tpu.memory_space<vmem_shared>>
      %dma_start3A_313 = arith.constant 0 : i32
      %dma_start3A_314 = tpu.memref_slice %arg9[%run_scoped3A_191, %dma_start3A_313, %mul3A_190] : memref<16x2x10240xf32, #tpu.memory_space<vmem_shared>> -> memref<1x2x640xf32, #tpu.memory_space<vmem_shared>>
      %dma_start3A_315 = tpu.memref_squeeze %dma_start3A_314 : memref<1x2x640xf32, #tpu.memory_space<vmem_shared>> -> memref<2x640xf32, #tpu.memory_space<vmem_shared>>
      tpu.enqueue_dma source(%dma_start3A_315 : memref<2x640xf32, #tpu.memory_space<vmem_shared>>) target(%arg11 : memref<2x640xf32, #tpu.memory_space<vmem>>) target_semaphore(%run_scoped3A_310 : memref<!tpu.dma_semaphore, #tpu.memory_space<semaphore_mem>>)
      %dma_wait3A = arith.constant 0 : i32
      %dma_wait3A_316 = tpu.memref_slice %arg9[%run_scoped3A_191, %dma_wait3A, %mul3A_190] : memref<16x2x10240xf32, #tpu.memory_space<vmem_shared>> -> memref<1x2x640xf32, #tpu.memory_space<vmem_shared>>
      %dma_wait3A_317 = tpu.memref_squeeze %dma_wait3A_316 : memref<1x2x640xf32, #tpu.memory_space<vmem_shared>> -> memref<2x640xf32, #tpu.memory_space<vmem_shared>>
      %dma_wait3A_318 = arith.constant 0 : i32
      %dma_wait3A_319 = tpu.memref_slice %arg9[%run_scoped3A_191, %dma_wait3A_318, %mul3A_190] : memref<16x2x10240xf32, #tpu.memory_space<vmem_shared>> -> memref<1x2x640xf32, #tpu.memory_space<vmem_shared>>
      %dma_wait3A_320 = tpu.memref_squeeze %dma_wait3A_319 : memref<1x2x640xf32, #tpu.memory_space<vmem_shared>> -> memref<2x640xf32, #tpu.memory_space<vmem_shared>>
      tpu.wait_dma2 semaphore(%run_scoped3A_310 : memref<!tpu.dma_semaphore, #tpu.memory_space<semaphore_mem>>) src(%dma_wait3A_320 : memref<2x640xf32, #tpu.memory_space<vmem_shared>>) dst(%arg11 : memref<2x640xf32, #tpu.memory_space<vmem>>)
      tpu.yield
    }) : () -> ()
    %scan3A_192 = arith.constant 0 : i32
    %scan3A_193 = arith.constant 0 : i32
    %scan3A_194 = arith.constant 40 : i32
    %scan3A_195 = arith.addi %scan3A_193, %scan3A_194 : i32
    %scan3A_196 = arith.constant 1 : i32
    %scan3A_197 = scf.for %scan3A_310 = %scan3A_193 to %scan3A_195 step %scan3A_196 iter_args(%scan3A_311 = %scan3A_192) -> (i32)  : i32 {
      %mul3A_312 = arith.constant 16 : i32
      %mul3A_313 = arith.muli %scan3A_310, %mul3A_312 : i32
      %get3A = arith.constant 0 : i32
      %get3A_314 = arith.index_cast %get3A : i32 to index
      %get3A_315 = arith.index_cast %mul3A_313 : i32 to index
      %get3A_316 = tpu.vector_load %arg10[%get3A_314, %get3A_315] {strides = array<i32>} : memref<2x640xf32, #tpu.memory_space<vmem>>, vector<16xf32>,
      %mul3A_317 = arith.constant 16 : i32
      %mul3A_318 = arith.muli %scan3A_310, %mul3A_317 : i32
      %get3A_319 = arith.constant 0 : i32
      %get3A_320 = arith.index_cast %get3A_319 : i32 to index
      %get3A_321 = arith.index_cast %mul3A_318 : i32 to index
      %get3A_322 = tpu.vector_load %arg11[%get3A_320, %get3A_321] {strides = array<i32>} : memref<2x640xf32, #tpu.memory_space<vmem>>, vector<16xf32>,
      %add3A_323 = arith.addf %get3A_316, %get3A_322 : vector<16xf32>
      %mul3A_324 = arith.constant 16 : i32
      %mul3A_325 = arith.muli %scan3A_310, %mul3A_324 : i32
      %swap3A = arith.constant 0 : i32
      %swap3A_326 = arith.index_cast %swap3A : i32 to index
      %swap3A_327 = arith.index_cast %mul3A_325 : i32 to index
      %swap3A_328 = tpu.vector_load %arg10[%swap3A_326, %swap3A_327] {strides = array<i32>} : memref<2x640xf32, #tpu.memory_space<vmem>>, vector<16xf32>,
      tpu.vector_store %arg10[%swap3A_326, %swap3A_327], %add3A_323 {strides = array<i32>} : memref<2x640xf32, #tpu.memory_space<vmem>>, vector<16xf32>,
      %scan3A_329 = arith.constant 0 : i32
      scf.yield %scan3A_329 : i32
    }
    %scan3A_198 = arith.constant 40 : i32
    %scan3A_199 = arith.constant 0 : i32
    %scan3A_200 = arith.constant 0 : i32
    %scan3A_201 = arith.constant 40 : i32
    %scan3A_202 = arith.addi %scan3A_200, %scan3A_201 : i32
    %scan3A_203 = arith.constant 1 : i32
    %scan3A_204 = scf.for %scan3A_310 = %scan3A_200 to %scan3A_202 step %scan3A_203 iter_args(%scan3A_311 = %scan3A_199) -> (i32)  : i32 {
      %mul3A_312 = arith.constant 16 : i32
      %mul3A_313 = arith.muli %scan3A_310, %mul3A_312 : i32
      %get3A = arith.constant 1 : i32
      %get3A_314 = arith.index_cast %get3A : i32 to index
      %get3A_315 = arith.index_cast %mul3A_313 : i32 to index
      %get3A_316 = tpu.vector_load %arg10[%get3A_314, %get3A_315] {strides = array<i32>} : memref<2x640xf32, #tpu.memory_space<vmem>>, vector<16xf32>,
      %mul3A_317 = arith.constant 16 : i32
      %mul3A_318 = arith.muli %scan3A_310, %mul3A_317 : i32
      %get3A_319 = arith.constant 1 : i32
      %get3A_320 = arith.index_cast %get3A_319 : i32 to index
      %get3A_321 = arith.index_cast %mul3A_318 : i32 to index
      %get3A_322 = tpu.vector_load %arg11[%get3A_320, %get3A_321] {strides = array<i32>} : memref<2x640xf32, #tpu.memory_space<vmem>>, vector<16xf32>,
      %add3A_323 = arith.addf %get3A_316, %get3A_322 : vector<16xf32>
      %mul3A_324 = arith.constant 16 : i32
      %mul3A_325 = arith.muli %scan3A_310, %mul3A_324 : i32
      %swap3A = arith.constant 1 : i32
      %swap3A_326 = arith.index_cast %swap3A : i32 to index
      %swap3A_327 = arith.index_cast %mul3A_325 : i32 to index
      %swap3A_328 = tpu.vector_load %arg10[%swap3A_326, %swap3A_327] {strides = array<i32>} : memref<2x640xf32, #tpu.memory_space<vmem>>, vector<16xf32>,
      tpu.vector_store %arg10[%swap3A_326, %swap3A_327], %add3A_323 {strides = array<i32>} : memref<2x640xf32, #tpu.memory_space<vmem>>, vector<16xf32>,
      %scan3A_329 = arith.constant 0 : i32
      scf.yield %scan3A_329 : i32
    }
    %scan3A_205 = arith.constant 40 : i32
    %mul3A_206 = arith.constant 640 : i32
    %mul3A_207 = arith.muli %arg1, %mul3A_206 : i32
    %run_scoped3A_208 = arith.constant 10 : i32
    "tpu.region"() ({
      %run_scoped3A_310 = tpu.sem_alloc : memref<!tpu.dma_semaphore, #tpu.memory_space<semaphore_mem>>
      %dma_start3A = arith.constant 0 : i32
      %dma_start3A_311 = tpu.memref_slice %arg9[%run_scoped3A_208, %dma_start3A, %mul3A_207] : memref<16x2x10240xf32, #tpu.memory_space<vmem_shared>> -> memref<1x2x640xf32, #tpu.memory_space<vmem_shared>>
      %dma_start3A_312 = tpu.memref_squeeze %dma_start3A_311 : memref<1x2x640xf32, #tpu.memory_space<vmem_shared>> -> memref<2x640xf32, #tpu.memory_space<vmem_shared>>
      %dma_start3A_313 = arith.constant 0 : i32
      %dma_start3A_314 = tpu.memref_slice %arg9[%run_scoped3A_208, %dma_start3A_313, %mul3A_207] : memref<16x2x10240xf32, #tpu.memory_space<vmem_shared>> -> memref<1x2x640xf32, #tpu.memory_space<vmem_shared>>
      %dma_start3A_315 = tpu.memref_squeeze %dma_start3A_314 : memref<1x2x640xf32, #tpu.memory_space<vmem_shared>> -> memref<2x640xf32, #tpu.memory_space<vmem_shared>>
      tpu.enqueue_dma source(%dma_start3A_315 : memref<2x640xf32, #tpu.memory_space<vmem_shared>>) target(%arg11 : memref<2x640xf32, #tpu.memory_space<vmem>>) target_semaphore(%run_scoped3A_310 : memref<!tpu.dma_semaphore, #tpu.memory_space<semaphore_mem>>)
      %dma_wait3A = arith.constant 0 : i32
      %dma_wait3A_316 = tpu.memref_slice %arg9[%run_scoped3A_208, %dma_wait3A, %mul3A_207] : memref<16x2x10240xf32, #tpu.memory_space<vmem_shared>> -> memref<1x2x640xf32, #tpu.memory_space<vmem_shared>>
      %dma_wait3A_317 = tpu.memref_squeeze %dma_wait3A_316 : memref<1x2x640xf32, #tpu.memory_space<vmem_shared>> -> memref<2x640xf32, #tpu.memory_space<vmem_shared>>
      %dma_wait3A_318 = arith.constant 0 : i32
      %dma_wait3A_319 = tpu.memref_slice %arg9[%run_scoped3A_208, %dma_wait3A_318, %mul3A_207] : memref<16x2x10240xf32, #tpu.memory_space<vmem_shared>> -> memref<1x2x640xf32, #tpu.memory_space<vmem_shared>>
      %dma_wait3A_320 = tpu.memref_squeeze %dma_wait3A_319 : memref<1x2x640xf32, #tpu.memory_space<vmem_shared>> -> memref<2x640xf32, #tpu.memory_space<vmem_shared>>
      tpu.wait_dma2 semaphore(%run_scoped3A_310 : memref<!tpu.dma_semaphore, #tpu.memory_space<semaphore_mem>>) src(%dma_wait3A_320 : memref<2x640xf32, #tpu.memory_space<vmem_shared>>) dst(%arg11 : memref<2x640xf32, #tpu.memory_space<vmem>>)
      tpu.yield
    }) : () -> ()
    %scan3A_209 = arith.constant 0 : i32
    %scan3A_210 = arith.constant 0 : i32
    %scan3A_211 = arith.constant 40 : i32
    %scan3A_212 = arith.addi %scan3A_210, %scan3A_211 : i32
    %scan3A_213 = arith.constant 1 : i32
    %scan3A_214 = scf.for %scan3A_310 = %scan3A_210 to %scan3A_212 step %scan3A_213 iter_args(%scan3A_311 = %scan3A_209) -> (i32)  : i32 {
      %mul3A_312 = arith.constant 16 : i32
      %mul3A_313 = arith.muli %scan3A_310, %mul3A_312 : i32
      %get3A = arith.constant 0 : i32
      %get3A_314 = arith.index_cast %get3A : i32 to index
      %get3A_315 = arith.index_cast %mul3A_313 : i32 to index
      %get3A_316 = tpu.vector_load %arg10[%get3A_314, %get3A_315] {strides = array<i32>} : memref<2x640xf32, #tpu.memory_space<vmem>>, vector<16xf32>,
      %mul3A_317 = arith.constant 16 : i32
      %mul3A_318 = arith.muli %scan3A_310, %mul3A_317 : i32
      %get3A_319 = arith.constant 0 : i32
      %get3A_320 = arith.index_cast %get3A_319 : i32 to index
      %get3A_321 = arith.index_cast %mul3A_318 : i32 to index
      %get3A_322 = tpu.vector_load %arg11[%get3A_320, %get3A_321] {strides = array<i32>} : memref<2x640xf32, #tpu.memory_space<vmem>>, vector<16xf32>,
      %add3A_323 = arith.addf %get3A_316, %get3A_322 : vector<16xf32>
      %mul3A_324 = arith.constant 16 : i32
      %mul3A_325 = arith.muli %scan3A_310, %mul3A_324 : i32
      %swap3A = arith.constant 0 : i32
      %swap3A_326 = arith.index_cast %swap3A : i32 to index
      %swap3A_327 = arith.index_cast %mul3A_325 : i32 to index
      %swap3A_328 = tpu.vector_load %arg10[%swap3A_326, %swap3A_327] {strides = array<i32>} : memref<2x640xf32, #tpu.memory_space<vmem>>, vector<16xf32>,
      tpu.vector_store %arg10[%swap3A_326, %swap3A_327], %add3A_323 {strides = array<i32>} : memref<2x640xf32, #tpu.memory_space<vmem>>, vector<16xf32>,
      %scan3A_329 = arith.constant 0 : i32
      scf.yield %scan3A_329 : i32
    }
    %scan3A_215 = arith.constant 40 : i32
    %scan3A_216 = arith.constant 0 : i32
    %scan3A_217 = arith.constant 0 : i32
    %scan3A_218 = arith.constant 40 : i32
    %scan3A_219 = arith.addi %scan3A_217, %scan3A_218 : i32
    %scan3A_220 = arith.constant 1 : i32
    %scan3A_221 = scf.for %scan3A_310 = %scan3A_217 to %scan3A_219 step %scan3A_220 iter_args(%scan3A_311 = %scan3A_216) -> (i32)  : i32 {
      %mul3A_312 = arith.constant 16 : i32
      %mul3A_313 = arith.muli %scan3A_310, %mul3A_312 : i32
      %get3A = arith.constant 1 : i32
      %get3A_314 = arith.index_cast %get3A : i32 to index
      %get3A_315 = arith.index_cast %mul3A_313 : i32 to index
      %get3A_316 = tpu.vector_load %arg10[%get3A_314, %get3A_315] {strides = array<i32>} : memref<2x640xf32, #tpu.memory_space<vmem>>, vector<16xf32>,
      %mul3A_317 = arith.constant 16 : i32
      %mul3A_318 = arith.muli %scan3A_310, %mul3A_317 : i32
      %get3A_319 = arith.constant 1 : i32
      %get3A_320 = arith.index_cast %get3A_319 : i32 to index
      %get3A_321 = arith.index_cast %mul3A_318 : i32 to index
      %get3A_322 = tpu.vector_load %arg11[%get3A_320, %get3A_321] {strides = array<i32>} : memref<2x640xf32, #tpu.memory_space<vmem>>, vector<16xf32>,
      %add3A_323 = arith.addf %get3A_316, %get3A_322 : vector<16xf32>
      %mul3A_324 = arith.constant 16 : i32
      %mul3A_325 = arith.muli %scan3A_310, %mul3A_324 : i32
      %swap3A = arith.constant 1 : i32
      %swap3A_326 = arith.index_cast %swap3A : i32 to index
      %swap3A_327 = arith.index_cast %mul3A_325 : i32 to index
      %swap3A_328 = tpu.vector_load %arg10[%swap3A_326, %swap3A_327] {strides = array<i32>} : memref<2x640xf32, #tpu.memory_space<vmem>>, vector<16xf32>,
      tpu.vector_store %arg10[%swap3A_326, %swap3A_327], %add3A_323 {strides = array<i32>} : memref<2x640xf32, #tpu.memory_space<vmem>>, vector<16xf32>,
      %scan3A_329 = arith.constant 0 : i32
      scf.yield %scan3A_329 : i32
    }
    %scan3A_222 = arith.constant 40 : i32
    %mul3A_223 = arith.constant 640 : i32
    %mul3A_224 = arith.muli %arg1, %mul3A_223 : i32
    %run_scoped3A_225 = arith.constant 11 : i32
    "tpu.region"() ({
      %run_scoped3A_310 = tpu.sem_alloc : memref<!tpu.dma_semaphore, #tpu.memory_space<semaphore_mem>>
      %dma_start3A = arith.constant 0 : i32
      %dma_start3A_311 = tpu.memref_slice %arg9[%run_scoped3A_225, %dma_start3A, %mul3A_224] : memref<16x2x10240xf32, #tpu.memory_space<vmem_shared>> -> memref<1x2x640xf32, #tpu.memory_space<vmem_shared>>
      %dma_start3A_312 = tpu.memref_squeeze %dma_start3A_311 : memref<1x2x640xf32, #tpu.memory_space<vmem_shared>> -> memref<2x640xf32, #tpu.memory_space<vmem_shared>>
      %dma_start3A_313 = arith.constant 0 : i32
      %dma_start3A_314 = tpu.memref_slice %arg9[%run_scoped3A_225, %dma_start3A_313, %mul3A_224] : memref<16x2x10240xf32, #tpu.memory_space<vmem_shared>> -> memref<1x2x640xf32, #tpu.memory_space<vmem_shared>>
      %dma_start3A_315 = tpu.memref_squeeze %dma_start3A_314 : memref<1x2x640xf32, #tpu.memory_space<vmem_shared>> -> memref<2x640xf32, #tpu.memory_space<vmem_shared>>
      tpu.enqueue_dma source(%dma_start3A_315 : memref<2x640xf32, #tpu.memory_space<vmem_shared>>) target(%arg11 : memref<2x640xf32, #tpu.memory_space<vmem>>) target_semaphore(%run_scoped3A_310 : memref<!tpu.dma_semaphore, #tpu.memory_space<semaphore_mem>>)
      %dma_wait3A = arith.constant 0 : i32
      %dma_wait3A_316 = tpu.memref_slice %arg9[%run_scoped3A_225, %dma_wait3A, %mul3A_224] : memref<16x2x10240xf32, #tpu.memory_space<vmem_shared>> -> memref<1x2x640xf32, #tpu.memory_space<vmem_shared>>
      %dma_wait3A_317 = tpu.memref_squeeze %dma_wait3A_316 : memref<1x2x640xf32, #tpu.memory_space<vmem_shared>> -> memref<2x640xf32, #tpu.memory_space<vmem_shared>>
      %dma_wait3A_318 = arith.constant 0 : i32
      %dma_wait3A_319 = tpu.memref_slice %arg9[%run_scoped3A_225, %dma_wait3A_318, %mul3A_224] : memref<16x2x10240xf32, #tpu.memory_space<vmem_shared>> -> memref<1x2x640xf32, #tpu.memory_space<vmem_shared>>
      %dma_wait3A_320 = tpu.memref_squeeze %dma_wait3A_319 : memref<1x2x640xf32, #tpu.memory_space<vmem_shared>> -> memref<2x640xf32, #tpu.memory_space<vmem_shared>>
      tpu.wait_dma2 semaphore(%run_scoped3A_310 : memref<!tpu.dma_semaphore, #tpu.memory_space<semaphore_mem>>) src(%dma_wait3A_320 : memref<2x640xf32, #tpu.memory_space<vmem_shared>>) dst(%arg11 : memref<2x640xf32, #tpu.memory_space<vmem>>)
      tpu.yield
    }) : () -> ()
    %scan3A_226 = arith.constant 0 : i32
    %scan3A_227 = arith.constant 0 : i32
    %scan3A_228 = arith.constant 40 : i32
    %scan3A_229 = arith.addi %scan3A_227, %scan3A_228 : i32
    %scan3A_230 = arith.constant 1 : i32
    %scan3A_231 = scf.for %scan3A_310 = %scan3A_227 to %scan3A_229 step %scan3A_230 iter_args(%scan3A_311 = %scan3A_226) -> (i32)  : i32 {
      %mul3A_312 = arith.constant 16 : i32
      %mul3A_313 = arith.muli %scan3A_310, %mul3A_312 : i32
      %get3A = arith.constant 0 : i32
      %get3A_314 = arith.index_cast %get3A : i32 to index
      %get3A_315 = arith.index_cast %mul3A_313 : i32 to index
      %get3A_316 = tpu.vector_load %arg10[%get3A_314, %get3A_315] {strides = array<i32>} : memref<2x640xf32, #tpu.memory_space<vmem>>, vector<16xf32>,
      %mul3A_317 = arith.constant 16 : i32
      %mul3A_318 = arith.muli %scan3A_310, %mul3A_317 : i32
      %get3A_319 = arith.constant 0 : i32
      %get3A_320 = arith.index_cast %get3A_319 : i32 to index
      %get3A_321 = arith.index_cast %mul3A_318 : i32 to index
      %get3A_322 = tpu.vector_load %arg11[%get3A_320, %get3A_321] {strides = array<i32>} : memref<2x640xf32, #tpu.memory_space<vmem>>, vector<16xf32>,
      %add3A_323 = arith.addf %get3A_316, %get3A_322 : vector<16xf32>
      %mul3A_324 = arith.constant 16 : i32
      %mul3A_325 = arith.muli %scan3A_310, %mul3A_324 : i32
      %swap3A = arith.constant 0 : i32
      %swap3A_326 = arith.index_cast %swap3A : i32 to index
      %swap3A_327 = arith.index_cast %mul3A_325 : i32 to index
      %swap3A_328 = tpu.vector_load %arg10[%swap3A_326, %swap3A_327] {strides = array<i32>} : memref<2x640xf32, #tpu.memory_space<vmem>>, vector<16xf32>,
      tpu.vector_store %arg10[%swap3A_326, %swap3A_327], %add3A_323 {strides = array<i32>} : memref<2x640xf32, #tpu.memory_space<vmem>>, vector<16xf32>,
      %scan3A_329 = arith.constant 0 : i32
      scf.yield %scan3A_329 : i32
    }
    %scan3A_232 = arith.constant 40 : i32
    %scan3A_233 = arith.constant 0 : i32
    %scan3A_234 = arith.constant 0 : i32
    %scan3A_235 = arith.constant 40 : i32
    %scan3A_236 = arith.addi %scan3A_234, %scan3A_235 : i32
    %scan3A_237 = arith.constant 1 : i32
    %scan3A_238 = scf.for %scan3A_310 = %scan3A_234 to %scan3A_236 step %scan3A_237 iter_args(%scan3A_311 = %scan3A_233) -> (i32)  : i32 {
      %mul3A_312 = arith.constant 16 : i32
      %mul3A_313 = arith.muli %scan3A_310, %mul3A_312 : i32
      %get3A = arith.constant 1 : i32
      %get3A_314 = arith.index_cast %get3A : i32 to index
      %get3A_315 = arith.index_cast %mul3A_313 : i32 to index
      %get3A_316 = tpu.vector_load %arg10[%get3A_314, %get3A_315] {strides = array<i32>} : memref<2x640xf32, #tpu.memory_space<vmem>>, vector<16xf32>,
      %mul3A_317 = arith.constant 16 : i32
      %mul3A_318 = arith.muli %scan3A_310, %mul3A_317 : i32
      %get3A_319 = arith.constant 1 : i32
      %get3A_320 = arith.index_cast %get3A_319 : i32 to index
      %get3A_321 = arith.index_cast %mul3A_318 : i32 to index
      %get3A_322 = tpu.vector_load %arg11[%get3A_320, %get3A_321] {strides = array<i32>} : memref<2x640xf32, #tpu.memory_space<vmem>>, vector<16xf32>,
      %add3A_323 = arith.addf %get3A_316, %get3A_322 : vector<16xf32>
      %mul3A_324 = arith.constant 16 : i32
      %mul3A_325 = arith.muli %scan3A_310, %mul3A_324 : i32
      %swap3A = arith.constant 1 : i32
      %swap3A_326 = arith.index_cast %swap3A : i32 to index
      %swap3A_327 = arith.index_cast %mul3A_325 : i32 to index
      %swap3A_328 = tpu.vector_load %arg10[%swap3A_326, %swap3A_327] {strides = array<i32>} : memref<2x640xf32, #tpu.memory_space<vmem>>, vector<16xf32>,
      tpu.vector_store %arg10[%swap3A_326, %swap3A_327], %add3A_323 {strides = array<i32>} : memref<2x640xf32, #tpu.memory_space<vmem>>, vector<16xf32>,
      %scan3A_329 = arith.constant 0 : i32
      scf.yield %scan3A_329 : i32
    }
    %scan3A_239 = arith.constant 40 : i32
    %mul3A_240 = arith.constant 640 : i32
    %mul3A_241 = arith.muli %arg1, %mul3A_240 : i32
    %run_scoped3A_242 = arith.constant 12 : i32
    "tpu.region"() ({
      %run_scoped3A_310 = tpu.sem_alloc : memref<!tpu.dma_semaphore, #tpu.memory_space<semaphore_mem>>
      %dma_start3A = arith.constant 0 : i32
      %dma_start3A_311 = tpu.memref_slice %arg9[%run_scoped3A_242, %dma_start3A, %mul3A_241] : memref<16x2x10240xf32, #tpu.memory_space<vmem_shared>> -> memref<1x2x640xf32, #tpu.memory_space<vmem_shared>>
      %dma_start3A_312 = tpu.memref_squeeze %dma_start3A_311 : memref<1x2x640xf32, #tpu.memory_space<vmem_shared>> -> memref<2x640xf32, #tpu.memory_space<vmem_shared>>
      %dma_start3A_313 = arith.constant 0 : i32
      %dma_start3A_314 = tpu.memref_slice %arg9[%run_scoped3A_242, %dma_start3A_313, %mul3A_241] : memref<16x2x10240xf32, #tpu.memory_space<vmem_shared>> -> memref<1x2x640xf32, #tpu.memory_space<vmem_shared>>
      %dma_start3A_315 = tpu.memref_squeeze %dma_start3A_314 : memref<1x2x640xf32, #tpu.memory_space<vmem_shared>> -> memref<2x640xf32, #tpu.memory_space<vmem_shared>>
      tpu.enqueue_dma source(%dma_start3A_315 : memref<2x640xf32, #tpu.memory_space<vmem_shared>>) target(%arg11 : memref<2x640xf32, #tpu.memory_space<vmem>>) target_semaphore(%run_scoped3A_310 : memref<!tpu.dma_semaphore, #tpu.memory_space<semaphore_mem>>)
      %dma_wait3A = arith.constant 0 : i32
      %dma_wait3A_316 = tpu.memref_slice %arg9[%run_scoped3A_242, %dma_wait3A, %mul3A_241] : memref<16x2x10240xf32, #tpu.memory_space<vmem_shared>> -> memref<1x2x640xf32, #tpu.memory_space<vmem_shared>>
      %dma_wait3A_317 = tpu.memref_squeeze %dma_wait3A_316 : memref<1x2x640xf32, #tpu.memory_space<vmem_shared>> -> memref<2x640xf32, #tpu.memory_space<vmem_shared>>
      %dma_wait3A_318 = arith.constant 0 : i32
      %dma_wait3A_319 = tpu.memref_slice %arg9[%run_scoped3A_242, %dma_wait3A_318, %mul3A_241] : memref<16x2x10240xf32, #tpu.memory_space<vmem_shared>> -> memref<1x2x640xf32, #tpu.memory_space<vmem_shared>>
      %dma_wait3A_320 = tpu.memref_squeeze %dma_wait3A_319 : memref<1x2x640xf32, #tpu.memory_space<vmem_shared>> -> memref<2x640xf32, #tpu.memory_space<vmem_shared>>
      tpu.wait_dma2 semaphore(%run_scoped3A_310 : memref<!tpu.dma_semaphore, #tpu.memory_space<semaphore_mem>>) src(%dma_wait3A_320 : memref<2x640xf32, #tpu.memory_space<vmem_shared>>) dst(%arg11 : memref<2x640xf32, #tpu.memory_space<vmem>>)
      tpu.yield
    }) : () -> ()
    %scan3A_243 = arith.constant 0 : i32
    %scan3A_244 = arith.constant 0 : i32
    %scan3A_245 = arith.constant 40 : i32
    %scan3A_246 = arith.addi %scan3A_244, %scan3A_245 : i32
    %scan3A_247 = arith.constant 1 : i32
    %scan3A_248 = scf.for %scan3A_310 = %scan3A_244 to %scan3A_246 step %scan3A_247 iter_args(%scan3A_311 = %scan3A_243) -> (i32)  : i32 {
      %mul3A_312 = arith.constant 16 : i32
      %mul3A_313 = arith.muli %scan3A_310, %mul3A_312 : i32
      %get3A = arith.constant 0 : i32
      %get3A_314 = arith.index_cast %get3A : i32 to index
      %get3A_315 = arith.index_cast %mul3A_313 : i32 to index
      %get3A_316 = tpu.vector_load %arg10[%get3A_314, %get3A_315] {strides = array<i32>} : memref<2x640xf32, #tpu.memory_space<vmem>>, vector<16xf32>,
      %mul3A_317 = arith.constant 16 : i32
      %mul3A_318 = arith.muli %scan3A_310, %mul3A_317 : i32
      %get3A_319 = arith.constant 0 : i32
      %get3A_320 = arith.index_cast %get3A_319 : i32 to index
      %get3A_321 = arith.index_cast %mul3A_318 : i32 to index
      %get3A_322 = tpu.vector_load %arg11[%get3A_320, %get3A_321] {strides = array<i32>} : memref<2x640xf32, #tpu.memory_space<vmem>>, vector<16xf32>,
      %add3A_323 = arith.addf %get3A_316, %get3A_322 : vector<16xf32>
      %mul3A_324 = arith.constant 16 : i32
      %mul3A_325 = arith.muli %scan3A_310, %mul3A_324 : i32
      %swap3A = arith.constant 0 : i32
      %swap3A_326 = arith.index_cast %swap3A : i32 to index
      %swap3A_327 = arith.index_cast %mul3A_325 : i32 to index
      %swap3A_328 = tpu.vector_load %arg10[%swap3A_326, %swap3A_327] {strides = array<i32>} : memref<2x640xf32, #tpu.memory_space<vmem>>, vector<16xf32>,
      tpu.vector_store %arg10[%swap3A_326, %swap3A_327], %add3A_323 {strides = array<i32>} : memref<2x640xf32, #tpu.memory_space<vmem>>, vector<16xf32>,
      %scan3A_329 = arith.constant 0 : i32
      scf.yield %scan3A_329 : i32
    }
    %scan3A_249 = arith.constant 40 : i32
    %scan3A_250 = arith.constant 0 : i32
    %scan3A_251 = arith.constant 0 : i32
    %scan3A_252 = arith.constant 40 : i32
    %scan3A_253 = arith.addi %scan3A_251, %scan3A_252 : i32
    %scan3A_254 = arith.constant 1 : i32
    %scan3A_255 = scf.for %scan3A_310 = %scan3A_251 to %scan3A_253 step %scan3A_254 iter_args(%scan3A_311 = %scan3A_250) -> (i32)  : i32 {
      %mul3A_312 = arith.constant 16 : i32
      %mul3A_313 = arith.muli %scan3A_310, %mul3A_312 : i32
      %get3A = arith.constant 1 : i32
      %get3A_314 = arith.index_cast %get3A : i32 to index
      %get3A_315 = arith.index_cast %mul3A_313 : i32 to index
      %get3A_316 = tpu.vector_load %arg10[%get3A_314, %get3A_315] {strides = array<i32>} : memref<2x640xf32, #tpu.memory_space<vmem>>, vector<16xf32>,
      %mul3A_317 = arith.constant 16 : i32
      %mul3A_318 = arith.muli %scan3A_310, %mul3A_317 : i32
      %get3A_319 = arith.constant 1 : i32
      %get3A_320 = arith.index_cast %get3A_319 : i32 to index
      %get3A_321 = arith.index_cast %mul3A_318 : i32 to index
      %get3A_322 = tpu.vector_load %arg11[%get3A_320, %get3A_321] {strides = array<i32>} : memref<2x640xf32, #tpu.memory_space<vmem>>, vector<16xf32>,
      %add3A_323 = arith.addf %get3A_316, %get3A_322 : vector<16xf32>
      %mul3A_324 = arith.constant 16 : i32
      %mul3A_325 = arith.muli %scan3A_310, %mul3A_324 : i32
      %swap3A = arith.constant 1 : i32
      %swap3A_326 = arith.index_cast %swap3A : i32 to index
      %swap3A_327 = arith.index_cast %mul3A_325 : i32 to index
      %swap3A_328 = tpu.vector_load %arg10[%swap3A_326, %swap3A_327] {strides = array<i32>} : memref<2x640xf32, #tpu.memory_space<vmem>>, vector<16xf32>,
      tpu.vector_store %arg10[%swap3A_326, %swap3A_327], %add3A_323 {strides = array<i32>} : memref<2x640xf32, #tpu.memory_space<vmem>>, vector<16xf32>,
      %scan3A_329 = arith.constant 0 : i32
      scf.yield %scan3A_329 : i32
    }
    %scan3A_256 = arith.constant 40 : i32
    %mul3A_257 = arith.constant 640 : i32
    %mul3A_258 = arith.muli %arg1, %mul3A_257 : i32
    %run_scoped3A_259 = arith.constant 13 : i32
    "tpu.region"() ({
      %run_scoped3A_310 = tpu.sem_alloc : memref<!tpu.dma_semaphore, #tpu.memory_space<semaphore_mem>>
      %dma_start3A = arith.constant 0 : i32
      %dma_start3A_311 = tpu.memref_slice %arg9[%run_scoped3A_259, %dma_start3A, %mul3A_258] : memref<16x2x10240xf32, #tpu.memory_space<vmem_shared>> -> memref<1x2x640xf32, #tpu.memory_space<vmem_shared>>
      %dma_start3A_312 = tpu.memref_squeeze %dma_start3A_311 : memref<1x2x640xf32, #tpu.memory_space<vmem_shared>> -> memref<2x640xf32, #tpu.memory_space<vmem_shared>>
      %dma_start3A_313 = arith.constant 0 : i32
      %dma_start3A_314 = tpu.memref_slice %arg9[%run_scoped3A_259, %dma_start3A_313, %mul3A_258] : memref<16x2x10240xf32, #tpu.memory_space<vmem_shared>> -> memref<1x2x640xf32, #tpu.memory_space<vmem_shared>>
      %dma_start3A_315 = tpu.memref_squeeze %dma_start3A_314 : memref<1x2x640xf32, #tpu.memory_space<vmem_shared>> -> memref<2x640xf32, #tpu.memory_space<vmem_shared>>
      tpu.enqueue_dma source(%dma_start3A_315 : memref<2x640xf32, #tpu.memory_space<vmem_shared>>) target(%arg11 : memref<2x640xf32, #tpu.memory_space<vmem>>) target_semaphore(%run_scoped3A_310 : memref<!tpu.dma_semaphore, #tpu.memory_space<semaphore_mem>>)
      %dma_wait3A = arith.constant 0 : i32
      %dma_wait3A_316 = tpu.memref_slice %arg9[%run_scoped3A_259, %dma_wait3A, %mul3A_258] : memref<16x2x10240xf32, #tpu.memory_space<vmem_shared>> -> memref<1x2x640xf32, #tpu.memory_space<vmem_shared>>
      %dma_wait3A_317 = tpu.memref_squeeze %dma_wait3A_316 : memref<1x2x640xf32, #tpu.memory_space<vmem_shared>> -> memref<2x640xf32, #tpu.memory_space<vmem_shared>>
      %dma_wait3A_318 = arith.constant 0 : i32
      %dma_wait3A_319 = tpu.memref_slice %arg9[%run_scoped3A_259, %dma_wait3A_318, %mul3A_258] : memref<16x2x10240xf32, #tpu.memory_space<vmem_shared>> -> memref<1x2x640xf32, #tpu.memory_space<vmem_shared>>
      %dma_wait3A_320 = tpu.memref_squeeze %dma_wait3A_319 : memref<1x2x640xf32, #tpu.memory_space<vmem_shared>> -> memref<2x640xf32, #tpu.memory_space<vmem_shared>>
      tpu.wait_dma2 semaphore(%run_scoped3A_310 : memref<!tpu.dma_semaphore, #tpu.memory_space<semaphore_mem>>) src(%dma_wait3A_320 : memref<2x640xf32, #tpu.memory_space<vmem_shared>>) dst(%arg11 : memref<2x640xf32, #tpu.memory_space<vmem>>)
      tpu.yield
    }) : () -> ()
    %scan3A_260 = arith.constant 0 : i32
    %scan3A_261 = arith.constant 0 : i32
    %scan3A_262 = arith.constant 40 : i32
    %scan3A_263 = arith.addi %scan3A_261, %scan3A_262 : i32
    %scan3A_264 = arith.constant 1 : i32
    %scan3A_265 = scf.for %scan3A_310 = %scan3A_261 to %scan3A_263 step %scan3A_264 iter_args(%scan3A_311 = %scan3A_260) -> (i32)  : i32 {
      %mul3A_312 = arith.constant 16 : i32
      %mul3A_313 = arith.muli %scan3A_310, %mul3A_312 : i32
      %get3A = arith.constant 0 : i32
      %get3A_314 = arith.index_cast %get3A : i32 to index
      %get3A_315 = arith.index_cast %mul3A_313 : i32 to index
      %get3A_316 = tpu.vector_load %arg10[%get3A_314, %get3A_315] {strides = array<i32>} : memref<2x640xf32, #tpu.memory_space<vmem>>, vector<16xf32>,
      %mul3A_317 = arith.constant 16 : i32
      %mul3A_318 = arith.muli %scan3A_310, %mul3A_317 : i32
      %get3A_319 = arith.constant 0 : i32
      %get3A_320 = arith.index_cast %get3A_319 : i32 to index
      %get3A_321 = arith.index_cast %mul3A_318 : i32 to index
      %get3A_322 = tpu.vector_load %arg11[%get3A_320, %get3A_321] {strides = array<i32>} : memref<2x640xf32, #tpu.memory_space<vmem>>, vector<16xf32>,
      %add3A_323 = arith.addf %get3A_316, %get3A_322 : vector<16xf32>
      %mul3A_324 = arith.constant 16 : i32
      %mul3A_325 = arith.muli %scan3A_310, %mul3A_324 : i32
      %swap3A = arith.constant 0 : i32
      %swap3A_326 = arith.index_cast %swap3A : i32 to index
      %swap3A_327 = arith.index_cast %mul3A_325 : i32 to index
      %swap3A_328 = tpu.vector_load %arg10[%swap3A_326, %swap3A_327] {strides = array<i32>} : memref<2x640xf32, #tpu.memory_space<vmem>>, vector<16xf32>,
      tpu.vector_store %arg10[%swap3A_326, %swap3A_327], %add3A_323 {strides = array<i32>} : memref<2x640xf32, #tpu.memory_space<vmem>>, vector<16xf32>,
      %scan3A_329 = arith.constant 0 : i32
      scf.yield %scan3A_329 : i32
    }
    %scan3A_266 = arith.constant 40 : i32
    %scan3A_267 = arith.constant 0 : i32
    %scan3A_268 = arith.constant 0 : i32
    %scan3A_269 = arith.constant 40 : i32
    %scan3A_270 = arith.addi %scan3A_268, %scan3A_269 : i32
    %scan3A_271 = arith.constant 1 : i32
    %scan3A_272 = scf.for %scan3A_310 = %scan3A_268 to %scan3A_270 step %scan3A_271 iter_args(%scan3A_311 = %scan3A_267) -> (i32)  : i32 {
      %mul3A_312 = arith.constant 16 : i32
      %mul3A_313 = arith.muli %scan3A_310, %mul3A_312 : i32
      %get3A = arith.constant 1 : i32
      %get3A_314 = arith.index_cast %get3A : i32 to index
      %get3A_315 = arith.index_cast %mul3A_313 : i32 to index
      %get3A_316 = tpu.vector_load %arg10[%get3A_314, %get3A_315] {strides = array<i32>} : memref<2x640xf32, #tpu.memory_space<vmem>>, vector<16xf32>,
      %mul3A_317 = arith.constant 16 : i32
      %mul3A_318 = arith.muli %scan3A_310, %mul3A_317 : i32
      %get3A_319 = arith.constant 1 : i32
      %get3A_320 = arith.index_cast %get3A_319 : i32 to index
      %get3A_321 = arith.index_cast %mul3A_318 : i32 to index
      %get3A_322 = tpu.vector_load %arg11[%get3A_320, %get3A_321] {strides = array<i32>} : memref<2x640xf32, #tpu.memory_space<vmem>>, vector<16xf32>,
      %add3A_323 = arith.addf %get3A_316, %get3A_322 : vector<16xf32>
      %mul3A_324 = arith.constant 16 : i32
      %mul3A_325 = arith.muli %scan3A_310, %mul3A_324 : i32
      %swap3A = arith.constant 1 : i32
      %swap3A_326 = arith.index_cast %swap3A : i32 to index
      %swap3A_327 = arith.index_cast %mul3A_325 : i32 to index
      %swap3A_328 = tpu.vector_load %arg10[%swap3A_326, %swap3A_327] {strides = array<i32>} : memref<2x640xf32, #tpu.memory_space<vmem>>, vector<16xf32>,
      tpu.vector_store %arg10[%swap3A_326, %swap3A_327], %add3A_323 {strides = array<i32>} : memref<2x640xf32, #tpu.memory_space<vmem>>, vector<16xf32>,
      %scan3A_329 = arith.constant 0 : i32
      scf.yield %scan3A_329 : i32
    }
    %scan3A_273 = arith.constant 40 : i32
    %mul3A_274 = arith.constant 640 : i32
    %mul3A_275 = arith.muli %arg1, %mul3A_274 : i32
    %run_scoped3A_276 = arith.constant 14 : i32
    "tpu.region"() ({
      %run_scoped3A_310 = tpu.sem_alloc : memref<!tpu.dma_semaphore, #tpu.memory_space<semaphore_mem>>
      %dma_start3A = arith.constant 0 : i32
      %dma_start3A_311 = tpu.memref_slice %arg9[%run_scoped3A_276, %dma_start3A, %mul3A_275] : memref<16x2x10240xf32, #tpu.memory_space<vmem_shared>> -> memref<1x2x640xf32, #tpu.memory_space<vmem_shared>>
      %dma_start3A_312 = tpu.memref_squeeze %dma_start3A_311 : memref<1x2x640xf32, #tpu.memory_space<vmem_shared>> -> memref<2x640xf32, #tpu.memory_space<vmem_shared>>
      %dma_start3A_313 = arith.constant 0 : i32
      %dma_start3A_314 = tpu.memref_slice %arg9[%run_scoped3A_276, %dma_start3A_313, %mul3A_275] : memref<16x2x10240xf32, #tpu.memory_space<vmem_shared>> -> memref<1x2x640xf32, #tpu.memory_space<vmem_shared>>
      %dma_start3A_315 = tpu.memref_squeeze %dma_start3A_314 : memref<1x2x640xf32, #tpu.memory_space<vmem_shared>> -> memref<2x640xf32, #tpu.memory_space<vmem_shared>>
      tpu.enqueue_dma source(%dma_start3A_315 : memref<2x640xf32, #tpu.memory_space<vmem_shared>>) target(%arg11 : memref<2x640xf32, #tpu.memory_space<vmem>>) target_semaphore(%run_scoped3A_310 : memref<!tpu.dma_semaphore, #tpu.memory_space<semaphore_mem>>)
      %dma_wait3A = arith.constant 0 : i32
      %dma_wait3A_316 = tpu.memref_slice %arg9[%run_scoped3A_276, %dma_wait3A, %mul3A_275] : memref<16x2x10240xf32, #tpu.memory_space<vmem_shared>> -> memref<1x2x640xf32, #tpu.memory_space<vmem_shared>>
      %dma_wait3A_317 = tpu.memref_squeeze %dma_wait3A_316 : memref<1x2x640xf32, #tpu.memory_space<vmem_shared>> -> memref<2x640xf32, #tpu.memory_space<vmem_shared>>
      %dma_wait3A_318 = arith.constant 0 : i32
      %dma_wait3A_319 = tpu.memref_slice %arg9[%run_scoped3A_276, %dma_wait3A_318, %mul3A_275] : memref<16x2x10240xf32, #tpu.memory_space<vmem_shared>> -> memref<1x2x640xf32, #tpu.memory_space<vmem_shared>>
      %dma_wait3A_320 = tpu.memref_squeeze %dma_wait3A_319 : memref<1x2x640xf32, #tpu.memory_space<vmem_shared>> -> memref<2x640xf32, #tpu.memory_space<vmem_shared>>
      tpu.wait_dma2 semaphore(%run_scoped3A_310 : memref<!tpu.dma_semaphore, #tpu.memory_space<semaphore_mem>>) src(%dma_wait3A_320 : memref<2x640xf32, #tpu.memory_space<vmem_shared>>) dst(%arg11 : memref<2x640xf32, #tpu.memory_space<vmem>>)
      tpu.yield
    }) : () -> ()
    %scan3A_277 = arith.constant 0 : i32
    %scan3A_278 = arith.constant 0 : i32
    %scan3A_279 = arith.constant 40 : i32
    %scan3A_280 = arith.addi %scan3A_278, %scan3A_279 : i32
    %scan3A_281 = arith.constant 1 : i32
    %scan3A_282 = scf.for %scan3A_310 = %scan3A_278 to %scan3A_280 step %scan3A_281 iter_args(%scan3A_311 = %scan3A_277) -> (i32)  : i32 {
      %mul3A_312 = arith.constant 16 : i32
      %mul3A_313 = arith.muli %scan3A_310, %mul3A_312 : i32
      %get3A = arith.constant 0 : i32
      %get3A_314 = arith.index_cast %get3A : i32 to index
      %get3A_315 = arith.index_cast %mul3A_313 : i32 to index
      %get3A_316 = tpu.vector_load %arg10[%get3A_314, %get3A_315] {strides = array<i32>} : memref<2x640xf32, #tpu.memory_space<vmem>>, vector<16xf32>,
      %mul3A_317 = arith.constant 16 : i32
      %mul3A_318 = arith.muli %scan3A_310, %mul3A_317 : i32
      %get3A_319 = arith.constant 0 : i32
      %get3A_320 = arith.index_cast %get3A_319 : i32 to index
      %get3A_321 = arith.index_cast %mul3A_318 : i32 to index
      %get3A_322 = tpu.vector_load %arg11[%get3A_320, %get3A_321] {strides = array<i32>} : memref<2x640xf32, #tpu.memory_space<vmem>>, vector<16xf32>,
      %add3A_323 = arith.addf %get3A_316, %get3A_322 : vector<16xf32>
      %mul3A_324 = arith.constant 16 : i32
      %mul3A_325 = arith.muli %scan3A_310, %mul3A_324 : i32
      %swap3A = arith.constant 0 : i32
      %swap3A_326 = arith.index_cast %swap3A : i32 to index
      %swap3A_327 = arith.index_cast %mul3A_325 : i32 to index
      %swap3A_328 = tpu.vector_load %arg10[%swap3A_326, %swap3A_327] {strides = array<i32>} : memref<2x640xf32, #tpu.memory_space<vmem>>, vector<16xf32>,
      tpu.vector_store %arg10[%swap3A_326, %swap3A_327], %add3A_323 {strides = array<i32>} : memref<2x640xf32, #tpu.memory_space<vmem>>, vector<16xf32>,
      %scan3A_329 = arith.constant 0 : i32
      scf.yield %scan3A_329 : i32
    }
    %scan3A_283 = arith.constant 40 : i32
    %scan3A_284 = arith.constant 0 : i32
    %scan3A_285 = arith.constant 0 : i32
    %scan3A_286 = arith.constant 40 : i32
    %scan3A_287 = arith.addi %scan3A_285, %scan3A_286 : i32
    %scan3A_288 = arith.constant 1 : i32
    %scan3A_289 = scf.for %scan3A_310 = %scan3A_285 to %scan3A_287 step %scan3A_288 iter_args(%scan3A_311 = %scan3A_284) -> (i32)  : i32 {
      %mul3A_312 = arith.constant 16 : i32
      %mul3A_313 = arith.muli %scan3A_310, %mul3A_312 : i32
      %get3A = arith.constant 1 : i32
      %get3A_314 = arith.index_cast %get3A : i32 to index
      %get3A_315 = arith.index_cast %mul3A_313 : i32 to index
      %get3A_316 = tpu.vector_load %arg10[%get3A_314, %get3A_315] {strides = array<i32>} : memref<2x640xf32, #tpu.memory_space<vmem>>, vector<16xf32>,
      %mul3A_317 = arith.constant 16 : i32
      %mul3A_318 = arith.muli %scan3A_310, %mul3A_317 : i32
      %get3A_319 = arith.constant 1 : i32
      %get3A_320 = arith.index_cast %get3A_319 : i32 to index
      %get3A_321 = arith.index_cast %mul3A_318 : i32 to index
      %get3A_322 = tpu.vector_load %arg11[%get3A_320, %get3A_321] {strides = array<i32>} : memref<2x640xf32, #tpu.memory_space<vmem>>, vector<16xf32>,
      %add3A_323 = arith.addf %get3A_316, %get3A_322 : vector<16xf32>
      %mul3A_324 = arith.constant 16 : i32
      %mul3A_325 = arith.muli %scan3A_310, %mul3A_324 : i32
      %swap3A = arith.constant 1 : i32
      %swap3A_326 = arith.index_cast %swap3A : i32 to index
      %swap3A_327 = arith.index_cast %mul3A_325 : i32 to index
      %swap3A_328 = tpu.vector_load %arg10[%swap3A_326, %swap3A_327] {strides = array<i32>} : memref<2x640xf32, #tpu.memory_space<vmem>>, vector<16xf32>,
      tpu.vector_store %arg10[%swap3A_326, %swap3A_327], %add3A_323 {strides = array<i32>} : memref<2x640xf32, #tpu.memory_space<vmem>>, vector<16xf32>,
      %scan3A_329 = arith.constant 0 : i32
      scf.yield %scan3A_329 : i32
    }
    %scan3A_290 = arith.constant 40 : i32
    %mul3A_291 = arith.constant 640 : i32
    %mul3A_292 = arith.muli %arg1, %mul3A_291 : i32
    %run_scoped3A_293 = arith.constant 15 : i32
    "tpu.region"() ({
      %run_scoped3A_310 = tpu.sem_alloc : memref<!tpu.dma_semaphore, #tpu.memory_space<semaphore_mem>>
      %dma_start3A = arith.constant 0 : i32
      %dma_start3A_311 = tpu.memref_slice %arg9[%run_scoped3A_293, %dma_start3A, %mul3A_292] : memref<16x2x10240xf32, #tpu.memory_space<vmem_shared>> -> memref<1x2x640xf32, #tpu.memory_space<vmem_shared>>
      %dma_start3A_312 = tpu.memref_squeeze %dma_start3A_311 : memref<1x2x640xf32, #tpu.memory_space<vmem_shared>> -> memref<2x640xf32, #tpu.memory_space<vmem_shared>>
      %dma_start3A_313 = arith.constant 0 : i32
      %dma_start3A_314 = tpu.memref_slice %arg9[%run_scoped3A_293, %dma_start3A_313, %mul3A_292] : memref<16x2x10240xf32, #tpu.memory_space<vmem_shared>> -> memref<1x2x640xf32, #tpu.memory_space<vmem_shared>>
      %dma_start3A_315 = tpu.memref_squeeze %dma_start3A_314 : memref<1x2x640xf32, #tpu.memory_space<vmem_shared>> -> memref<2x640xf32, #tpu.memory_space<vmem_shared>>
      tpu.enqueue_dma source(%dma_start3A_315 : memref<2x640xf32, #tpu.memory_space<vmem_shared>>) target(%arg11 : memref<2x640xf32, #tpu.memory_space<vmem>>) target_semaphore(%run_scoped3A_310 : memref<!tpu.dma_semaphore, #tpu.memory_space<semaphore_mem>>)
      %dma_wait3A = arith.constant 0 : i32
      %dma_wait3A_316 = tpu.memref_slice %arg9[%run_scoped3A_293, %dma_wait3A, %mul3A_292] : memref<16x2x10240xf32, #tpu.memory_space<vmem_shared>> -> memref<1x2x640xf32, #tpu.memory_space<vmem_shared>>
      %dma_wait3A_317 = tpu.memref_squeeze %dma_wait3A_316 : memref<1x2x640xf32, #tpu.memory_space<vmem_shared>> -> memref<2x640xf32, #tpu.memory_space<vmem_shared>>
      %dma_wait3A_318 = arith.constant 0 : i32
      %dma_wait3A_319 = tpu.memref_slice %arg9[%run_scoped3A_293, %dma_wait3A_318, %mul3A_292] : memref<16x2x10240xf32, #tpu.memory_space<vmem_shared>> -> memref<1x2x640xf32, #tpu.memory_space<vmem_shared>>
      %dma_wait3A_320 = tpu.memref_squeeze %dma_wait3A_319 : memref<1x2x640xf32, #tpu.memory_space<vmem_shared>> -> memref<2x640xf32, #tpu.memory_space<vmem_shared>>
      tpu.wait_dma2 semaphore(%run_scoped3A_310 : memref<!tpu.dma_semaphore, #tpu.memory_space<semaphore_mem>>) src(%dma_wait3A_320 : memref<2x640xf32, #tpu.memory_space<vmem_shared>>) dst(%arg11 : memref<2x640xf32, #tpu.memory_space<vmem>>)
      tpu.yield
    }) : () -> ()
    %scan3A_294 = arith.constant 0 : i32
    %scan3A_295 = arith.constant 0 : i32
    %scan3A_296 = arith.constant 40 : i32
    %scan3A_297 = arith.addi %scan3A_295, %scan3A_296 : i32
    %scan3A_298 = arith.constant 1 : i32
    %scan3A_299 = scf.for %scan3A_310 = %scan3A_295 to %scan3A_297 step %scan3A_298 iter_args(%scan3A_311 = %scan3A_294) -> (i32)  : i32 {
      %mul3A_312 = arith.constant 16 : i32
      %mul3A_313 = arith.muli %scan3A_310, %mul3A_312 : i32
      %get3A = arith.constant 0 : i32
      %get3A_314 = arith.index_cast %get3A : i32 to index
      %get3A_315 = arith.index_cast %mul3A_313 : i32 to index
      %get3A_316 = tpu.vector_load %arg10[%get3A_314, %get3A_315] {strides = array<i32>} : memref<2x640xf32, #tpu.memory_space<vmem>>, vector<16xf32>,
      %mul3A_317 = arith.constant 16 : i32
      %mul3A_318 = arith.muli %scan3A_310, %mul3A_317 : i32
      %get3A_319 = arith.constant 0 : i32
      %get3A_320 = arith.index_cast %get3A_319 : i32 to index
      %get3A_321 = arith.index_cast %mul3A_318 : i32 to index
      %get3A_322 = tpu.vector_load %arg11[%get3A_320, %get3A_321] {strides = array<i32>} : memref<2x640xf32, #tpu.memory_space<vmem>>, vector<16xf32>,
      %add3A_323 = arith.addf %get3A_316, %get3A_322 : vector<16xf32>
      %mul3A_324 = arith.constant 16 : i32
      %mul3A_325 = arith.muli %scan3A_310, %mul3A_324 : i32
      %swap3A = arith.constant 0 : i32
      %swap3A_326 = arith.index_cast %swap3A : i32 to index
      %swap3A_327 = arith.index_cast %mul3A_325 : i32 to index
      %swap3A_328 = tpu.vector_load %arg10[%swap3A_326, %swap3A_327] {strides = array<i32>} : memref<2x640xf32, #tpu.memory_space<vmem>>, vector<16xf32>,
      tpu.vector_store %arg10[%swap3A_326, %swap3A_327], %add3A_323 {strides = array<i32>} : memref<2x640xf32, #tpu.memory_space<vmem>>, vector<16xf32>,
      %scan3A_329 = arith.constant 0 : i32
      scf.yield %scan3A_329 : i32
    }
    %scan3A_300 = arith.constant 40 : i32
    %scan3A_301 = arith.constant 0 : i32
    %scan3A_302 = arith.constant 0 : i32
    %scan3A_303 = arith.constant 40 : i32
    %scan3A_304 = arith.addi %scan3A_302, %scan3A_303 : i32
    %scan3A_305 = arith.constant 1 : i32
    %scan3A_306 = scf.for %scan3A_310 = %scan3A_302 to %scan3A_304 step %scan3A_305 iter_args(%scan3A_311 = %scan3A_301) -> (i32)  : i32 {
      %mul3A_312 = arith.constant 16 : i32
      %mul3A_313 = arith.muli %scan3A_310, %mul3A_312 : i32
      %get3A = arith.constant 1 : i32
      %get3A_314 = arith.index_cast %get3A : i32 to index
      %get3A_315 = arith.index_cast %mul3A_313 : i32 to index
      %get3A_316 = tpu.vector_load %arg10[%get3A_314, %get3A_315] {strides = array<i32>} : memref<2x640xf32, #tpu.memory_space<vmem>>, vector<16xf32>,
      %mul3A_317 = arith.constant 16 : i32
      %mul3A_318 = arith.muli %scan3A_310, %mul3A_317 : i32
      %get3A_319 = arith.constant 1 : i32
      %get3A_320 = arith.index_cast %get3A_319 : i32 to index
      %get3A_321 = arith.index_cast %mul3A_318 : i32 to index
      %get3A_322 = tpu.vector_load %arg11[%get3A_320, %get3A_321] {strides = array<i32>} : memref<2x640xf32, #tpu.memory_space<vmem>>, vector<16xf32>,
      %add3A_323 = arith.addf %get3A_316, %get3A_322 : vector<16xf32>
      %mul3A_324 = arith.constant 16 : i32
      %mul3A_325 = arith.muli %scan3A_310, %mul3A_324 : i32
      %swap3A = arith.constant 1 : i32
      %swap3A_326 = arith.index_cast %swap3A : i32 to index
      %swap3A_327 = arith.index_cast %mul3A_325 : i32 to index
      %swap3A_328 = tpu.vector_load %arg10[%swap3A_326, %swap3A_327] {strides = array<i32>} : memref<2x640xf32, #tpu.memory_space<vmem>>, vector<16xf32>,
      tpu.vector_store %arg10[%swap3A_326, %swap3A_327], %add3A_323 {strides = array<i32>} : memref<2x640xf32, #tpu.memory_space<vmem>>, vector<16xf32>,
      %scan3A_329 = arith.constant 0 : i32
      scf.yield %scan3A_329 : i32
    }
    %scan3A_307 = arith.constant 40 : i32
    %mul3A_308 = arith.constant 640 : i32
    %mul3A_309 = arith.muli %arg1, %mul3A_308 : i32
    "tpu.region"() ({
      %run_scoped3A_310 = tpu.sem_alloc : memref<!tpu.dma_semaphore, #tpu.memory_space<semaphore_mem>>
      %dma_start3A = arith.constant 0 : i32
      %dma_start3A_311 = tpu.memref_slice %arg4[%arg0, %dma_start3A, %mul3A_309] : memref<2x2x10240xf32, #tpu.memory_space<hbm>> -> memref<1x2x640xf32, #tpu.memory_space<hbm>>
      %dma_start3A_312 = tpu.memref_squeeze %dma_start3A_311 : memref<1x2x640xf32, #tpu.memory_space<hbm>> -> memref<2x640xf32, #tpu.memory_space<hbm>>
      %dma_start3A_313 = arith.constant 0 : i32
      %dma_start3A_314 = tpu.memref_slice %arg4[%arg0, %dma_start3A_313, %mul3A_309] : memref<2x2x10240xf32, #tpu.memory_space<hbm>> -> memref<1x2x640xf32, #tpu.memory_space<hbm>>
      %dma_start3A_315 = tpu.memref_squeeze %dma_start3A_314 : memref<1x2x640xf32, #tpu.memory_space<hbm>> -> memref<2x640xf32, #tpu.memory_space<hbm>>
      tpu.enqueue_dma source(%arg10 : memref<2x640xf32, #tpu.memory_space<vmem>>) target(%dma_start3A_315 : memref<2x640xf32, #tpu.memory_space<hbm>>) target_semaphore(%run_scoped3A_310 : memref<!tpu.dma_semaphore, #tpu.memory_space<semaphore_mem>>)
      %dma_wait3A = arith.constant 0 : i32
      %dma_wait3A_316 = tpu.memref_slice %arg4[%arg0, %dma_wait3A, %mul3A_309] : memref<2x2x10240xf32, #tpu.memory_space<hbm>> -> memref<1x2x640xf32, #tpu.memory_space<hbm>>
      %dma_wait3A_317 = tpu.memref_squeeze %dma_wait3A_316 : memref<1x2x640xf32, #tpu.memory_space<hbm>> -> memref<2x640xf32, #tpu.memory_space<hbm>>
      %dma_wait3A_318 = arith.constant 0 : i32
      %dma_wait3A_319 = tpu.memref_slice %arg4[%arg0, %dma_wait3A_318, %mul3A_309] : memref<2x2x10240xf32, #tpu.memory_space<hbm>> -> memref<1x2x640xf32, #tpu.memory_space<hbm>>
      %dma_wait3A_320 = tpu.memref_squeeze %dma_wait3A_319 : memref<1x2x640xf32, #tpu.memory_space<hbm>> -> memref<2x640xf32, #tpu.memory_space<hbm>>
      tpu.wait_dma2 semaphore(%run_scoped3A_310 : memref<!tpu.dma_semaphore, #tpu.memory_space<semaphore_mem>>) src(%arg10 : memref<2x640xf32, #tpu.memory_space<vmem>>) dst(%dma_wait3A_320 : memref<2x640xf32, #tpu.memory_space<hbm>>)
      tpu.yield
    }) : () -> ()
    return
  }
}

module attributes {stable_mosaic.version = 14 : i64} {
  func.func @_prep_body(%arg0: i32, %arg1: memref<2000x128xf32, #tpu.memory_space<vmem>>, %arg2: memref<2x2000x1xf32, #tpu.memory_space<vmem>>, %arg3: memref<2x2000x1xf32, #tpu.memory_space<vmem>>, %arg4: memref<2000x128xf32, #tpu.memory_space<vmem>>, %arg5: memref<2000x1xf32, #tpu.memory_space<vmem>>) attributes {dimension_semantics = [#tpu.dimension_semantics<arbitrary>], iteration_bounds = array<i64: 5>, scalar_prefetch = 0 : i64, scratch_operands = 0 : i64, tpu.core_type = #tpu.core_type<tc>, window_params = [{transform_indices = @transform_0, window_bounds = array<i64: 2000, 128>}, {transform_indices = @transform_1, window_bounds = array<i64: 2, 2000, 1>}, {transform_indices = @transform_2, window_bounds = array<i64: 2, 2000, 1>}, {transform_indices = @transform_3, window_bounds = array<i64: 2000, 128>}, {transform_indices = @transform_4, window_bounds = array<i64: 2000, 1>}]} {
    %get3A = arith.constant 0 : index
    %get3A_0 = arith.constant 0 : index
    %get3A_1 = arith.constant 0 : index
    %get3A_2 = vector.load %arg2[%get3A, %get3A_0, %get3A_1] : memref<2x2000x1xf32, #tpu.memory_space<vmem>>, vector<1x2000x1xf32>
    %get3A_3 = vector.shape_cast %get3A_2 : vector<1x2000x1xf32> to vector<2000x1xf32>
    %get3A_4 = arith.constant 1 : index
    %get3A_5 = arith.constant 0 : index
    %get3A_6 = arith.constant 0 : index
    %get3A_7 = vector.load %arg2[%get3A_4, %get3A_5, %get3A_6] : memref<2x2000x1xf32, #tpu.memory_space<vmem>>, vector<1x2000x1xf32>
    %get3A_8 = vector.shape_cast %get3A_7 : vector<1x2000x1xf32> to vector<2000x1xf32>
    %add3A = arith.addf %get3A_3, %get3A_8 : vector<2000x1xf32>
    %gt3A = arith.constant 0.000000e+00 : f32
    %gt3A_9 = vector.broadcast %gt3A : f32 to vector<2000x1xf32>
    %gt3A_10 = arith.cmpf ogt, %add3A, %gt3A_9 : vector<2000x1xf32>
    %max3A = arith.constant 1.000000e+00 : f32
    %max3A_11 = vector.broadcast %max3A : f32 to vector<2000x1xf32>
    %max3A_12 = arith.maximumf %add3A, %max3A_11 : vector<2000x1xf32>
    %rsqrt3A = math.rsqrt %max3A_12 : vector<2000x1xf32>
    %jit3A = arith.constant 0.000000e+00 : f32
    %broadcast_in_dim3A = vector.broadcast %jit3A : f32 to vector<2000x1xf32>
    %select_n3A = arith.select %gt3A_10, %rsqrt3A, %broadcast_in_dim3A : vector<2000x1xi1>, vector<2000x1xf32>
    %get3A_13 = arith.constant 0 : index
    %get3A_14 = arith.constant 0 : index
    %get3A_15 = vector.load %arg1[%get3A_13, %get3A_14] : memref<2000x128xf32, #tpu.memory_space<vmem>>, vector<2000x128xf32>
    %mul3A = vector.broadcast %select_n3A : vector<2000x1xf32> to vector<2000x128xf32>
    %mul3A_16 = arith.mulf %get3A_15, %mul3A : vector<2000x128xf32>
    %swap3A = arith.constant 0 : index
    %swap3A_17 = arith.constant 0 : index
    %swap3A_18 = vector.load %arg4[%swap3A, %swap3A_17] : memref<2000x128xf32, #tpu.memory_space<vmem>>, vector<2000x128xf32>
    tpu.vector_store %arg4[%swap3A, %swap3A_17], %mul3A_16 {strides = array<i32>} : memref<2000x128xf32, #tpu.memory_space<vmem>>, vector<2000x128xf32>,
    %get3A_19 = arith.constant 0 : index
    %get3A_20 = arith.constant 0 : index
    %get3A_21 = arith.constant 0 : index
    %get3A_22 = vector.load %arg3[%get3A_19, %get3A_20, %get3A_21] : memref<2x2000x1xf32, #tpu.memory_space<vmem>>, vector<1x2000x1xf32>
    %get3A_23 = vector.shape_cast %get3A_22 : vector<1x2000x1xf32> to vector<2000x1xf32>
    %get3A_24 = arith.constant 1 : index
    %get3A_25 = arith.constant 0 : index
    %get3A_26 = arith.constant 0 : index
    %get3A_27 = vector.load %arg3[%get3A_24, %get3A_25, %get3A_26] : memref<2x2000x1xf32, #tpu.memory_space<vmem>>, vector<1x2000x1xf32>
    %get3A_28 = vector.shape_cast %get3A_27 : vector<1x2000x1xf32> to vector<2000x1xf32>
    %add3A_29 = arith.addf %get3A_23, %get3A_28 : vector<2000x1xf32>
    %gt3A_30 = arith.constant 0.000000e+00 : f32
    %gt3A_31 = vector.broadcast %gt3A_30 : f32 to vector<2000x1xf32>
    %gt3A_32 = arith.cmpf ogt, %add3A_29, %gt3A_31 : vector<2000x1xf32>
    %max3A_33 = arith.constant 1.000000e+00 : f32
    %max3A_34 = vector.broadcast %max3A_33 : f32 to vector<2000x1xf32>
    %max3A_35 = arith.maximumf %add3A_29, %max3A_34 : vector<2000x1xf32>
    %rsqrt3A_36 = math.rsqrt %max3A_35 : vector<2000x1xf32>
    %jit3A_37 = arith.constant 0.000000e+00 : f32
    %broadcast_in_dim3A_38 = vector.broadcast %jit3A_37 : f32 to vector<2000x1xf32>
    %select_n3A_39 = arith.select %gt3A_32, %rsqrt3A_36, %broadcast_in_dim3A_38 : vector<2000x1xi1>, vector<2000x1xf32>
    %swap3A_40 = arith.constant 0 : index
    %swap3A_41 = arith.constant 0 : index
    %swap3A_42 = vector.load %arg5[%swap3A_40, %swap3A_41] : memref<2000x1xf32, #tpu.memory_space<vmem>>, vector<2000x1xf32>
    tpu.vector_store %arg5[%swap3A_40, %swap3A_41], %select_n3A_39 {strides = array<i32>} : memref<2000x1xf32, #tpu.memory_space<vmem>>, vector<2000x1xf32>,
    return
  }
  func.func @transform_0(%arg0: i32) -> (i32, i32) {
    %c0_i32 = arith.constant 0 : i32
    %c0_i32_0 = arith.constant 0 : i32
    return %arg0, %c0_i32 : i32, i32
  }
  func.func @transform_1(%arg0: i32) -> (i32, i32, i32) {
    %c0_i32 = arith.constant 0 : i32
    %c0_i32_0 = arith.constant 0 : i32
    %c0_i32_1 = arith.constant 0 : i32
    return %c0_i32, %arg0, %c0_i32_0 : i32, i32, i32
  }
  func.func @transform_2(%arg0: i32) -> (i32, i32, i32) {
    %c0_i32 = arith.constant 0 : i32
    %c0_i32_0 = arith.constant 0 : i32
    %c0_i32_1 = arith.constant 0 : i32
    return %c0_i32, %arg0, %c0_i32_0 : i32, i32, i32
  }
  func.func @transform_3(%arg0: i32) -> (i32, i32) {
    %c0_i32 = arith.constant 0 : i32
    %c0_i32_0 = arith.constant 0 : i32
    return %arg0, %c0_i32 : i32, i32
  }
  func.func @transform_4(%arg0: i32) -> (i32, i32) {
    %c0_i32 = arith.constant 0 : i32
    %c0_i32_0 = arith.constant 0 : i32
    return %arg0, %c0_i32 : i32, i32
  }
}

module attributes {stable_mosaic.version = 14 : i64} {
  func.func @_out_body(%arg0: i32, %arg1: memref<2x2000x128xf32, #tpu.memory_space<vmem>>, %arg2: memref<2000x1xf32, #tpu.memory_space<vmem>>, %arg3: memref<128x128xf32, #tpu.memory_space<vmem>>, %arg4: memref<1x128xf32, #tpu.memory_space<vmem>>, %arg5: memref<2000x128xf32, #tpu.memory_space<vmem>>) attributes {dimension_semantics = [#tpu.dimension_semantics<arbitrary>], iteration_bounds = array<i64: 5>, scalar_prefetch = 0 : i64, scratch_operands = 0 : i64, tpu.core_type = #tpu.core_type<tc>, window_params = [{transform_indices = @transform_0, window_bounds = array<i64: 2, 2000, 128>}, {transform_indices = @transform_1, window_bounds = array<i64: 2000, 1>}, {pipeline_mode = #tpu.pipeline_mode<synchronous>, transform_indices = @transform_2, window_bounds = array<i64: 128, 128>}, {pipeline_mode = #tpu.pipeline_mode<synchronous>, transform_indices = @transform_3, window_bounds = array<i64: 1, 128>}, {transform_indices = @transform_4, window_bounds = array<i64: 2000, 128>}]} {
    %get3A = arith.constant 0 : index
    %get3A_0 = arith.constant 0 : index
    %get3A_1 = arith.constant 0 : index
    %get3A_2 = vector.load %arg1[%get3A, %get3A_0, %get3A_1] : memref<2x2000x128xf32, #tpu.memory_space<vmem>>, vector<1x2000x128xf32>
    %get3A_3 = vector.shape_cast %get3A_2 : vector<1x2000x128xf32> to vector<2000x128xf32>
    %get3A_4 = arith.constant 1 : index
    %get3A_5 = arith.constant 0 : index
    %get3A_6 = arith.constant 0 : index
    %get3A_7 = vector.load %arg1[%get3A_4, %get3A_5, %get3A_6] : memref<2x2000x128xf32, #tpu.memory_space<vmem>>, vector<1x2000x128xf32>
    %get3A_8 = vector.shape_cast %get3A_7 : vector<1x2000x128xf32> to vector<2000x128xf32>
    %add3A = arith.addf %get3A_3, %get3A_8 : vector<2000x128xf32>
    %get3A_9 = arith.constant 0 : index
    %get3A_10 = arith.constant 0 : index
    %get3A_11 = vector.load %arg2[%get3A_9, %get3A_10] : memref<2000x1xf32, #tpu.memory_space<vmem>>, vector<2000x1xf32>
    %mul3A = vector.broadcast %get3A_11 : vector<2000x1xf32> to vector<2000x128xf32>
    %mul3A_12 = arith.mulf %add3A, %mul3A : vector<2000x128xf32>
    %get3A_13 = arith.constant 0 : index
    %get3A_14 = arith.constant 0 : index
    %get3A_15 = vector.load %arg3[%get3A_13, %get3A_14] : memref<128x128xf32, #tpu.memory_space<vmem>>, vector<128x128xf32>
    %dot_general3A = arith.constant dense<0.000000e+00> : vector<2000x128xf32>
    %dot_general3A_16 = tpu.matmul %mul3A_12, %get3A_15, %dot_general3A {dimension_numbers = #tpu.dot_dimension_numbers<[1], [0], [0], [1], [0, 0, 1, 1], [], []>, transpose_lhs_hint = false} : vector<2000x128xf32>, vector<128x128xf32>, vector<2000x128xf32> -> vector<2000x128xf32>
    %get3A_17 = arith.constant 0 : index
    %get3A_18 = arith.constant 0 : index
    %get3A_19 = vector.load %arg4[%get3A_17, %get3A_18] : memref<1x128xf32, #tpu.memory_space<vmem>>, vector<1x128xf32>
    %add3A_20 = vector.broadcast %get3A_19 : vector<1x128xf32> to vector<2000x128xf32>
    %add3A_21 = arith.addf %dot_general3A_16, %add3A_20 : vector<2000x128xf32>
    %max3A = arith.constant 0.000000e+00 : f32
    %max3A_22 = vector.broadcast %max3A : f32 to vector<2000x128xf32>
    %max3A_23 = arith.maximumf %add3A_21, %max3A_22 : vector<2000x128xf32>
    %swap3A = arith.constant 0 : index
    %swap3A_24 = arith.constant 0 : index
    %swap3A_25 = vector.load %arg5[%swap3A, %swap3A_24] : memref<2000x128xf32, #tpu.memory_space<vmem>>, vector<2000x128xf32>
    tpu.vector_store %arg5[%swap3A, %swap3A_24], %max3A_23 {strides = array<i32>} : memref<2000x128xf32, #tpu.memory_space<vmem>>, vector<2000x128xf32>,
    return
  }
  func.func @transform_0(%arg0: i32) -> (i32, i32, i32) {
    %c0_i32 = arith.constant 0 : i32
    %c0_i32_0 = arith.constant 0 : i32
    %c0_i32_1 = arith.constant 0 : i32
    return %c0_i32, %arg0, %c0_i32_0 : i32, i32, i32
  }
  func.func @transform_1(%arg0: i32) -> (i32, i32) {
    %c0_i32 = arith.constant 0 : i32
    %c0_i32_0 = arith.constant 0 : i32
    return %arg0, %c0_i32 : i32, i32
  }
  func.func @transform_2(%arg0: i32) -> (i32, i32) {
    %c0_i32 = arith.constant 0 : i32
    %c0_i32_0 = arith.constant 0 : i32
    %c0_i32_1 = arith.constant 0 : i32
    return %c0_i32, %c0_i32_0 : i32, i32
  }
  func.func @transform_3(%arg0: i32) -> (i32, i32) {
    %c0_i32 = arith.constant 0 : i32
    %c0_i32_0 = arith.constant 0 : i32
    %c0_i32_1 = arith.constant 0 : i32
    return %c0_i32, %c0_i32_0 : i32, i32
  }
  func.func @transform_4(%arg0: i32) -> (i32, i32) {
    %c0_i32 = arith.constant 0 : i32
    %c0_i32_0 = arith.constant 0 : i32
    return %arg0, %c0_i32 : i32, i32
  }
}

</mosaic_0001>

<sc_bundles>
// kernel: kernel.6.cloned.1.call-start
scs
__scs_entry_jumppad:
0x0: {  	(pc) =	sbr.rel $0x88, $3  }
0x1: {  	(tag) =	ssettag $0x0;
	lr =	simm.s32 $0x1  }
0x2: {  	[smem:$0x3F9D] =	sst lr;
	_ =	strace $0xD0000000  }
0x3: {  	_ = 	snop  }
0x4: {  	_ = 	snop  }
0x5: {  	_ = 	snop  }
0x6: {  	_ = 	snop  }
0x7: {  	_ = 	snop  }
__scs_overlays_trampoline_lowered:
0x8: {  	[smem:$0x3FAC] =	sst s0  }
0x9: {  	[smem:$0x3FAD] =	sst s1  }
0xa: {  	[smem:$0x3FAE] =	sst s2  }
0xb: {  	[smem:$0x3FAF] =	sst s3  }
0xc: {  	[smem:$0x3FB0] =	sst s4  }
0xd: {  	[smem:$0x3FB1] =	sst s5  }
0xe: {  	[smem:$0x3FB2] =	sst s6  }
0xf: {  	[smem:$0x3FB3] =	sst s7  }
0x10: {  	[smem:$0x3FB4] =	sst s8  }
0x11: {  	[smem:$0x3FB5] =	sst s9;
	s0 =	simm.s32 @!p0 $0x0  }
0x12: {  	s1 =	sld [smem:$0x3F9B];
	s0 =	simm.s32 @p0 $0x1  }
0x13: {  	[smem:$0x3FB6] =	sst s0;
	s0 =	simm.s32 @!p1 $0x0  }
0x14: {  	s2 =	sld [smem:$0x3F9A];
	s0 =	simm.s32 @p1 $0x1  }
0x15: {  	[smem:$0x3FB7] =	sst s0;
	s0 =	simm.s32 @!p2 $0x0  }
0x16: {  	s3 =	sld [smem:$0x3FDB];
	s0 =	simm.s32 @p2 $0x1  }
0x17: {  	s4 =	simm.s32 $0x1BF5;
	[smem:$0x3FB9] =	sst s0  }
0x18: {  	s0 =	sld [smem:$0x3F9C];
	_ =	swait.ge [sflag:s4], $0x0  }
0x19: {  	s7 =	sld [smem:$0x3F9D]  }
0x1a: {  	s8 =	sadd.s32 $0xFFFFE003, lr  }
0x1b: {  	s9 =	sadd.s32 $0xFFFFFEF7, lr;
	s5 =	simm.s32 $0xFFFFFFFF;
	p2 =	slt.u32 s8, $0xFFFFF086  }
0x1c: {  	p1 =	slt.u32 s9, $0xF7A;
	s5 =	simm.s32 @!p2 $0x0  }
0x1d: {  	s5 =	simm.s32 @p1 $0x1;
	p0 =	seq.s32 s7, s2  }
0x1e: {  	s7 =	smul.u32 @!p0 $0xF7A, s2;
	p2 =	seq.s32 @!p0 s5, $0x0  }
0x1f: {  	s9 =	smul.u32 $0xF7A, s1;
	s8 =	simm.s32 @!p0 $0x1BF5;
	p2 =	por !p2, p0  }
0x20: {  	[sflag:s8] =	ssyncset.s32 @!p0 $0xFFFFF086;
	s6 =	sadd.s32 @!p0 s3, s7;
	s7 =	simm.s32 @!p0 $0x108  }
0x21: {  	s3 =	sadd.s32 s3, s9;
	s6 =	sadd.s32 @!p0 $0x88, s6;
	s7 =	simm.s32 @p2 $0x1082  }
0x22: {  	[simem:s7], [sflag:s8] =	dma.local @!p0 [hbm:s6], $0xF7A  }
0x23: {  	s9 =	sor.u32 $0xD0000000, s2;
	s6 =	simm.s32 $0x108;
	_ =	swait.ge @!p0 [sflag:s8], $0x0  }
0x24: {  	s3 =	sadd.s32 $0x88, s3;
	s6 =	simm.s32 @!p1 $0x1082;
	[sflag:s4] =	ssyncset.s32 $0xFFFFF086  }
0x25: {  	[simem:s6], [sflag:s4] =	dma.local [hbm:s3], $0xF7A  }
0x26: {  	[smem:$0x3F9D] =	sst s1;
	(tag) =	ssettag s2;
	_ =	strace s9  }
0x27: {  	s1 =	sld [smem:$0x3FAD]  }
0x28: {  	s2 =	sld [smem:$0x3FAE]  }
0x29: {  	s4 =	sld [smem:$0x3FB0]  }
0x2a: {  	p0 =	seq.s32 s5, $0x0;
	s5 =	sld [smem:$0x3FB1]  }
0x2b: {  	s6 =	sld [smem:$0x3FB2]  }
0x2c: {  	s7 =	sld [smem:$0x3FB3]  }
0x2d: {  	s3 =	simm.s32 $0x108;
	s8 =	sld [smem:$0x3FB4]  }
0x2e: {  	s3 =	simm.s32 @!p0 $0x1082;
	s9 =	sld [smem:$0x3FB5]  }
0x2f: {  	lr =	sadd.s32 s0, s3;
	s0 =	sld [smem:$0x3FAC]  }
0x30: {  	s3 =	sld [smem:$0x3FAF]  }
0x31: {  	[smem:$0x3FB8] =	sst s10  }
0x32: {  	s10 =	sld [smem:$0x3FB6];
	_ =	sdelay $0x3  }
0x33: {  	p0 =	seq.s32 s10, $0x1;
	s10 =	sld [smem:$0x3FB8];
	_ =	sdelay $0x3  }
0x34: {  	[smem:$0x3FB8] =	sst s10  }
0x35: {  	s10 =	sld [smem:$0x3FB7];
	_ =	sdelay $0x3  }
0x36: {  	p1 =	seq.s32 s10, $0x1;
	s10 =	sld [smem:$0x3FB8];
	_ =	sdelay $0x3  }
0x37: {  	[smem:$0x3FB8] =	sst s10  }
0x38: {  	s10 =	sld [smem:$0x3FB9]  }
0x39: {  	_ = 	snop;
	(pc) =	sbr.ind lr, $3  }
0x3a: {  	_ = 	snop  }
0x3b: {  	_ = 	snop  }
0x3c: {  	p2 =	seq.s32 s10, $0x1;
	s10 =	sld [smem:$0x3FB8]  }
0x3d: {  	_ =	shalt  }
0x3e: {  	_ =	shalt  }
0x3f: {  	_ =	shalt  }
0x40: {  	_ =	shalt  }
0x41: {  	_ =	shalt  }
0x42: {  	_ =	shalt  }
0x43: {  	_ =	shalt  }
0x44: {  	_ =	shalt  }
0x45: {  	_ =	shalt  }
0x46: {  	_ =	shalt  }
0x47: {  	_ =	shalt  }
0x48: {  	_ =	shalt  }
0x49: {  	_ =	shalt  }
0x4a: {  	_ =	shalt  }
0x4b: {  	_ =	shalt  }
0x4c: {  	_ =	shalt  }
0x4d: {  	_ =	shalt  }
0x4e: {  	_ =	shalt  }
0x4f: {  	_ =	shalt  }
0x50: {  	_ =	shalt  }
0x51: {  	_ =	shalt  }
0x52: {  	_ =	shalt  }
0x53: {  	_ =	shalt  }
0x54: {  	_ =	shalt  }
0x55: {  	_ =	shalt  }
0x56: {  	_ =	shalt  }
0x57: {  	_ =	shalt  }
0x58: {  	_ =	shalt  }
0x59: {  	_ =	shalt  }
0x5a: {  	_ =	shalt  }
0x5b: {  	_ =	shalt  }
0x5c: {  	_ =	shalt  }
0x5d: {  	_ =	shalt  }
0x5e: {  	_ =	shalt  }
0x5f: {  	_ =	shalt  }
0x60: {  	_ =	shalt  }
0x61: {  	_ =	shalt  }
0x62: {  	_ =	shalt  }
0x63: {  	_ =	shalt  }
0x64: {  	_ =	shalt  }
0x65: {  	_ =	shalt  }
0x66: {  	_ =	shalt  }
0x67: {  	_ =	shalt  }
0x68: {  	_ =	shalt  }
0x69: {  	_ =	shalt  }
0x6a: {  	_ =	shalt  }
0x6b: {  	_ =	shalt  }
0x6c: {  	_ =	shalt  }
0x6d: {  	_ =	shalt  }
0x6e: {  	_ =	shalt  }
0x6f: {  	_ =	shalt  }
0x70: {  	_ =	shalt  }
0x71: {  	_ =	shalt  }
0x72: {  	_ =	shalt  }
0x73: {  	_ =	shalt  }
0x74: {  	_ =	shalt  }
0x75: {  	_ =	shalt  }
0x76: {  	_ =	shalt  }
0x77: {  	_ =	shalt  }
0x78: {  	_ =	shalt  }
0x79: {  	_ =	shalt  }
0x7a: {  	_ =	shalt  }
0x7b: {  	_ =	shalt  }
0x7c: {  	_ =	shalt  }
0x7d: {  	_ =	shalt  }
0x7e: {  	_ =	shalt  }
0x7f: {  	_ =	shalt  }
0x80: {  	_ =	shalt  }
0x81: {  	_ =	shalt  }
0x82: {  	_ =	shalt  }
0x83: {  	_ =	shalt  }
0x84: {  	_ =	shalt  }
0x85: {  	_ =	shalt  }
0x86: {  	_ =	shalt  }
0x87: {  	_ =	shalt  }
.Lfunc_end0:
.L_simem_size_0:
called_computation_lowered:
.L_overlay_start_0:
0x88: {  	s2 =	sld [smem:$0x3FD9]  }
0x89: {  	s3 =	sld [smem:$0x3FFE];
	_ =	sdelay $0x1  }
0x8a: {  	s1 =	srdreg.scid  }
0x8b: {  	s0 =	sand.u32 $0x1, s1  }
0x8c: {  	s17 =	sshll.u32 s0, $0xA;
	s2 =	sadd.s32 s3, s2  }
0x8d: {  	s2 =	sadd.s32 s2, s17  }
0x8e: {  	[smem:$0x3FC4] =	sst s2  }
0x8f: {  	_ = 	snop  }
0x90: {  	s2 =	sld [smem:$0x3FD0];
	(tm) =	ssettm $0x1  }
0x91: {  	s18 =	sld [smem:$0x3FFB];
	_ =	sdelay $0x3  }
0x92: {  	_ =	strace s18  }
0x93: {  	s3 =	sld [smem:$0x3FFC];
	_ =	sdelay $0x3  }
0x94: {  	_ =	strace s3  }
0x95: {  	s3 =	sld [smem:$0x3FFD];
	_ =	sdelay $0x3  }
0x96: {  	_ =	strace s3  }
0x97: {  	_ =	strace $0x8FFFFFFF  }
0x98: {  	s19 =	sld [smem:$0x3FDB];
	_ =	sdelay $0x1  }
0x99: {  	s4 =	simm.s32 $_scs_section_size  }
0x9a: {  	s5 =	simm.s32 $_size__tile_overlayer_lowered;
	s6 =	simm.s32 $_tile_overlayer_lowered  }
0x9b: {  	s22 =	simm.s32 $0x1BFF;
	s21 =	sshll.u32 s6, $0x1;
	s3 =	sadd.s32 s4, s19  }
0x9c: {  	s7 =	simm.s32 $0x0;
	s20 =	sshll.u32 s5, $0x1;
	s5 =	sadd.s32 s21, s3  }
0x9d: {  	[timem:s7], [sflag:s22] =	dma.local [hbm:s5], s20  }
0x9e: {  	_ =	swait.ge [sflag:s22], s20  }
0x9f: {  	s4 =	ssub.s32 $0x0, s20;
	[sflag:s22] =	ssyncset.done $0x0  }
0xa0: {  	[sflag:s22] =	ssyncadd.s32 s4;
	_ =	sdelay $0x1  }
0xa1: {  	s23 =	simm.s32 $0x1B8B  }
0xa2: {  	_ =	swait.ge [sflag:s23], $0x1  }
0xa3: {  	[sflag:s23] =	ssyncset.done $0x0  }
0xa4: {  	s25 =	simm.s32 $0x1B8E;
	s24 =	sld [smem:$0x3FFE];
	[sflag:s23] =	ssyncadd.s32 $0xFFFFFFFF  }
0xa5: {  	s26 =	simm.s32 $execute0_lowered;
	[smem:$0x3FD2] =	sst s25  }
0xa6: {  	s5 =	sshll.u32 s26, $0x1;
	_ =	strace $0x80000046;
	[dreg:$0x1] =	wrdreg $0xFFFFFFFF  }
0xa7: {  	s28 =	simm.s32 $_size_execute0_lowered;
	s3 =	sadd.s32 s3, s5;
	[dreg:$0x0] =	wrdreg $0x0  }
0xa8: {  	s5 =	sshll.u32 s28, $0x1;
	[dreg:$0x2] =	wrdreg s3  }
0xa9: {  	[dreg:$0x3] =	wrdreg s5  }
0xaa: {  	[dreg:$0x4] =	wrdreg $0xC0  }
0xab: {  	_ =	task [dreg:s7], $0x5FFFF  }
0xac: {  	[dreg:$0x1] =	wrdreg $0xFFFFFFFF  }
0xad: {  	[dreg:$0x0] =	wrdreg $0x60  }
0xae: {  	[dreg:$0x2] =	wrdreg s2  }
0xaf: {  	[dreg:$0x3] =	wrdreg s24  }
0xb0: {  	[dreg:$0x4] =	wrdreg $0x9F000  }
0xb1: {  	[dreg:$0x5] =	wrdreg $0x9  }
0xb2: {  	_ =	task.clear_ibuf [dreg:s7], $0x6FFFF;
	_ =	strace $0x90000046  }
0xb3: {  	s29 =	simm.s32 $0x9;
	_ =	strace $0x80000048  }
0xb4: {  	_ =	swait.ge [sflag:s29], $0x1  }
0xb5: {  	[sflag:s29] =	ssyncadd.s32 $0xFFFFFFFF  }
0xb6: {  	_ =	strace $0x90000048  }
0xb7: {  	_ =	sfence  }
0xb8: {  	s30 =	sld [smem:$0x0];
	_ =	sdelay $0x2  }
0xb9: {  	s31 =	sshll.u32 s1, $0xD;
	s1 =	sshrl.u32 s1, $0x2  }
0xba: {  	s3 =	sand.u32 $0x4000, s31;
	s1 =	sadd.s32 s1, s30  }
0xbb: {  	s0 =	sor.u32 s3, s0;
	s1 =	sshll.u32 s1, $0x11  }
0xbc: {  	s0 =	sor.u32 s1, s0  }
0xbd: {  	s0 =	sadd.s32 $0x8F2B, s0  }
0xbe: {  	[sflag:s0] =	ssyncadd.remote.s32 $0x1  }
0xbf: {  	_ =	sfence.sel $0xFFFF  }
0xc0: {  	[dreg:$0x0] =	wrdreg $0xFFFFFFFF;
	(pc) =	sbr.abs _section_cstart, $3  }
0xc1: {  	[dreg:$0x1] =	wrdreg $0xFFFFFFFF  }
0xc2: {  	_ =	task.clear_ibuf [dreg:s7], $0x2FFFF;
	_ =	strace $0x9FFFFFFF  }
0xc3: {  	(tm) =	ssettm $0x7FFFFFFF  }
tec
execute0_lowered:
.L_overlay_start_1:
0x0: {  	(tag) =	ssettag $0x1  }
0x1: {  	s0 =	rddreg [dreg:$0x0]  }
0x2: {  	s1 =	rddreg [dreg:$0x1]  }
0x3: {  	s2 =	rddreg [dreg:$0x2]  }
0x4: {  	s3 =	srdreg.scid;
	s7 =	stileid.u32;
	s8 =	simm.s32 $0x0  }
0x5: {  	s28 =	simm.s32 $0x4F00;
	s29 =	simm.s32 $0x7700;
	s4 =	smul.u32 $0x500, s7  }
0x6: {  	s3 =	sand.u32 $0x1, s3;
	s5 =	sshll.u32 s7, $0x1;
	s7 =	smul.u32 $0x14000, s7  }
0x7: {  	[smem:$0x7FF] =	sst s8;
	s6 =	smul.u32 $0x5000, s3;
	s5 =	sor.u32 s3, s5  }
0x8: {  	_ =	strace $0x80000047;
	s3 =	ssub.s32 $0x2, s3;
	s5 =	smul.u32 $0x4F0, s5  }
0x9: {  	s25 =	sshrl.u32 s3, $0x1;
	s26 =	sshrl.u32 s7, $0x2;
	s6 =	sadd.s32 s4, s6  }
0xa: {  	s3 =	ssub.s32 s3, s25;
	s25 =	simm.s32 $0x1;
	s6 =	sshrl.u32 s6, $0x3  }
0xb: {  	s24 =	sadd.s32 s5, s1;
	s0 =	sadd.s32 s0, s5;
	s5 =	sadd.s32 s26, s2  }
0xc: {  	s26 =	simm.s32 $0x0;
	[dreg:$0x4] =	wrdreg s0;
	s30 =	sadd.s32 $0x600, s24  }
0xd: {  	s1 =	sadd.s32 s6, s1;
	s0 =	sadd.s32 $0x80, s5;
	[dreg:$0x5] =	wrdreg s30  }
0xe: {  	s6 =	sadd.s32 s4, s2;
	s24 =	smax.u32 s3, $0x1;
	[dreg:$0x6] =	wrdreg s0  }
0xf: {  	s31 =	sadd.s32 $0x5000, s6;
	s9 =	sadd.s32 $0xA000, s6;
	s10 =	sadd.s32 $0xF000, s6  }
0x10: {  	s11 =	sadd.s32 $0x14000, s6;
	s12 =	sadd.s32 $0x19000, s6;
	s13 =	sadd.s32 $0x1E000, s6  }
0x11: {  	s14 =	sadd.s32 $0x23000, s6;
	s15 =	sadd.s32 $0x28000, s6;
	s16 =	sadd.s32 $0x2D000, s6  }
0x12: {  	s17 =	sadd.s32 $0x32000, s6;
	s18 =	sadd.s32 $0x37000, s6;
	s19 =	sadd.s32 $0x3C000, s6  }
0x13: {  	s20 =	sadd.s32 $0x41000, s6;
	s21 =	sadd.s32 $0x46000, s6;
	s22 =	sadd.s32 $0x4B000, s6  }
0x14: {  	v0 =	vimm.f32 $0.0e+00;
	v1 =	vimm.f32 $1.000000000e+00;
	s23 =	sadd.s32 $0xA400, s1;
	s0 =	simm.s32 $0xF400;
	[dreg:$0x7] =	wrdreg s31  }
.LBB2_1:
0x15: {  	s1 =	simm.s32 $0x40;
	s2 =	simm.s32 $0x0  }
.LBB2_2:
0x16: {  	p0 =	sne.s32 s1, $0x9FC0;
	[tilespmem:s2+$0x4F00] =	vst v0;
	s3 =	smov.u32 s1;
	s1 =	sadd.s32 $0x40, s1  }
.Ltmp0:
0x17: {  	[tilespmem:s2+$0x7700] =	vst v0;
	(pc) =	sbr.rel @p0 .LBB2_2-.Ltmp0, $2  }
0x18: {  	_ =	sdelay $0x2  }
0x19: {  	s2 =	sshra.s32 s3, $0x2  }
0x1a: {  	[tilespmem:s2+$0x4F00] =	vst v0  }
0x1b: {  	[tilespmem:s2+$0x7700] =	vst v0;
	s1 =	simm.s32 $0x0;
	s30 =	rddreg [dreg:$0x4]  }
0x1c: {  	[tilespmem:s1], [sflag:$0x1] =	stream.linear.gather [hbm4b:s30+s1], $0x2780, $0x38;
	[tilespmem:$0xF900] =	vst v63  }
0x1d: {  	_ =	swait.ge [sflag:s25], $0x2780  }
0x1e: {  	[sflag:s25] =	ssyncset.done $0x0  }
0x1f: {  	s3 =	simm.s32 $0x2780;
	s31 =	rddreg [dreg:$0x5];
	[sflag:s25] =	ssyncadd.s32 $0xFFFFD880  }
0x20: {  	[tilespmem:s3], [sflag:$0x1] =	stream.linear.gather [hbm4b:s31+s1], $0x2780, $0x38;
	[tilespmem:$0xF900] =	vst v63  }
0x21: {  	_ =	swait.ge [sflag:s25], $0x2780  }
0x22: {  	[sflag:s25] =	ssyncset.done $0x0  }
0x23: {  	s2 =	simm.s32 $0x0;
	[sflag:s25] =	ssyncadd.s32 $0xFFFFD880  }
0x24: {  	s1 =	simm.s32 $0x40;
	v2 =	vld [tilespmem:s2+$0x0]  }
.LBB2_4:
0x25: {  	p0 =	sne.s32 s1, $0x9DC0;
	v3 =	vld [tilespmem:s2+$0x2780];
	_ =	sdelay $0x4  }
.Ltmp1:
0x26: {  	(pc) =	sbr.rel @p0 .LBB2_4-.Ltmp1, $4  }
0x27: {  	_ = 	snop  }
0x28: {  	[tilespmem:v2+s28+$0x0] =	vst.idx.add.f32.msk $0xffff, v1  }
0x29: {  	s2 =	sshra.s32 s1, $0x2;
	[tilespmem:v3+s29+$0x0] =	vst.idx.add.f32.msk $0xffff, v1  }
0x2a: {  	s1 =	sadd.s32 $0x40, s1;
	v2 =	vld [tilespmem:s2+$0x0]  }
0x2b: {  	_ = 	snop  }
0x2c: {  	v3 =	vld [tilespmem:s2+$0x2780];
	_ =	sdelay $0x6  }
0x2d: {  	[tilespmem:v2+s28+$0x0] =	vst.idx.add.f32.msk $0xffff, v1  }
0x2e: {  	s8 =	simm.s32 $0x80;
	s3 =	simm.s32 $0x100;
	[tilespmem:v3+s29+$0x0] =	vst.idx.add.f32.msk $0xffff, v1  }
0x2f: {  	[spmem:s5] =	stream.strided.scatter [tilespmem:s28], [sflag:$0x1], $0x2800, s3, s8, $0x38;
	[tilespmem:$0xF900] =	vst v63  }
0x30: {  	_ =	swait.ge [sflag:s25], $0x2800  }
0x31: {  	[sflag:s25] =	ssyncset.done $0x0  }
0x32: {  	s1 =	rddreg [dreg:$0x6];
	[sflag:s25] =	ssyncadd.s32 $0xFFFFD800  }
0x33: {  	[spmem:s1] =	stream.strided.scatter [tilespmem:s29], [sflag:$0x1], $0x2800, s3, s8, $0x38;
	[tilespmem:$0xF900] =	vst v63  }
0x34: {  	_ =	swait.ge [sflag:s25], $0x2800  }
0x35: {  	s1 =	simm.s32 $0x0;
	[sflag:s25] =	ssyncset.done $0x0  }
0x36: {  	s30 =	sand.u32 $0x70, s1;
	s31 =	sand.u32 $0x700, s1;
	[sflag:s25] =	ssyncadd.s32 $0xFFFFD800  }
0x37: {  	s2 =	sor.u32 s30, s31;
	[bflag:$0x0] =	sbarrier.arrive $0xFFFF  }
0x38: {  	s4 =	simm.s32 $0x0;
	s3 =	simm.s32 $0x10;
	[tilespmem:s2+$0xEF00] =	vst v0  }
.LBB2_6:
0x39: {  	p0 =	sne.s32 s3, $0x270  }
.Ltmp2:
0x3a: {  	_ = 	snop;
	(pc) =	sbr.rel @p0 .LBB2_6-.Ltmp2, $4  }
0x3b: {  	s4 =	sadd.s32 $0x20, s4  }
0x3c: {  	s7 =	sand.u32 $0x70, s3;
	s30 =	sand.u32 $0x700, s4  }
0x3d: {  	s7 =	sor.u32 s7, s30  }
0x3e: {  	s3 =	sadd.s32 $0x10, s3;
	[tilespmem:s7+$0xEF00] =	vst v0  }
0x3f: {  	s3 =	simm.s32 $0x10;
	[tilespmem:s2+$0xEF80] =	vst v0  }
.LBB2_8:
0x40: {  	p0 =	sne.s32 s3, $0x270  }
.Ltmp3:
0x41: {  	_ = 	snop;
	(pc) =	sbr.rel @p0 .LBB2_8-.Ltmp3, $4  }
0x42: {  	s1 =	sadd.s32 $0x20, s1  }
0x43: {  	s2 =	sand.u32 $0x70, s3;
	s4 =	sand.u32 $0x700, s1  }
0x44: {  	s2 =	sor.u32 s2, s4  }
0x45: {  	s3 =	sadd.s32 $0x10, s3;
	[tilespmem:s2+$0xEF80] =	vst v0  }
0x46: {  	[tilespmem:s0], [sflag:$0x1] =	stream.linear.gather [spmem:s6], $0x500, $0x38;
	[tilespmem:$0xF900] =	vst v63  }
0x47: {  	s1 =	simm.s32 $0x0;
	_ =	swait.ge [sflag:s25], $0x500  }
0x48: {  	s2 =	sand.u32 $0x70, s1;
	s1 =	sand.u32 $0x700, s1;
	[sflag:s25] =	ssyncset.done $0x0  }
0x49: {  	s4 =	sor.u32 s2, s1;
	[sflag:s25] =	ssyncadd.s32 $0xFFFFFB00  }
0x4a: {  	v2 =	vld [tilespmem:s4+$0xF400]  }
0x4b: {  	v3 =	vld [tilespmem:s4+$0xEF00];
	_ =	sdelay $0x3  }
0x4c: {  	s3 =	simm.s32 $0x10;
	s30 =	simm.s32 $0x20  }
0x4d: {  	s3 =	sand.u32 $0x70, s3;
	s7 =	sand.u32 $0x700, s30;
	v2 =	vadd.f32 v2, v3  }
0x4e: {  	s31 =	sor.u32 s3, s7;
	s7 =	simm.s32 $0x20  }
.LBB2_10:
0x4f: {  	p0 =	sne.s32 s7, $0x270;
	v3 =	vld [tilespmem:s31+$0xF400];
	[tilespmem:s4+$0xEF00] =	vst v2;
	s4 =	smov.u32 s31  }
0x50: {  	v2 =	vld [tilespmem:s4+$0xEF00];
	_ =	sdelay $0x1  }
.Ltmp4:
0x51: {  	(pc) =	sbr.rel @p0 .LBB2_10-.Ltmp4, $4  }
0x52: {  	_ = 	snop  }
0x53: {  	s30 =	sadd.s32 $0x20, s30  }
0x54: {  	s31 =	sand.u32 $0x70, s7;
	s8 =	sand.u32 $0x700, s30;
	v2 =	vadd.f32 v3, v2  }
0x55: {  	s7 =	sadd.s32 $0x10, s7;
	s31 =	sor.u32 s31, s8  }
0x56: {  	v3 =	vld [tilespmem:s31+$0xF400];
	[tilespmem:s4+$0xEF00] =	vst v2  }
0x57: {  	v2 =	vld [tilespmem:s31+$0xEF00];
	_ =	sdelay $0x4  }
0x58: {  	v2 =	vadd.f32 v3, v2;
	_ =	sdelay $0x1  }
0x59: {  	s1 =	sor.u32 s1, s2;
	[tilespmem:s31+$0xEF00] =	vst v2  }
0x5a: {  	v2 =	vld [tilespmem:s1+$0xF480]  }
0x5b: {  	v3 =	vld [tilespmem:s1+$0xEF80];
	_ =	sdelay $0x3  }
0x5c: {  	s2 =	simm.s32 $0x20  }
0x5d: {  	s31 =	sand.u32 $0x700, s2;
	v2 =	vadd.f32 v2, v3  }
0x5e: {  	s4 =	sor.u32 s31, s3;
	s3 =	simm.s32 $0x20  }
.LBB2_12:
0x5f: {  	p0 =	sne.s32 s3, $0x270;
	v3 =	vld [tilespmem:s4+$0xF480];
	[tilespmem:s1+$0xEF80] =	vst v2;
	s1 =	smov.u32 s4  }
0x60: {  	v2 =	vld [tilespmem:s1+$0xEF80];
	_ =	sdelay $0x1  }
.Ltmp5:
0x61: {  	(pc) =	sbr.rel @p0 .LBB2_12-.Ltmp5, $4  }
0x62: {  	_ = 	snop  }
0x63: {  	s2 =	sadd.s32 $0x20, s2  }
0x64: {  	s4 =	sand.u32 $0x70, s3;
	s7 =	sand.u32 $0x700, s2;
	v2 =	vadd.f32 v3, v2  }
0x65: {  	s3 =	sadd.s32 $0x10, s3;
	s4 =	sor.u32 s7, s4  }
0x66: {  	v3 =	vld [tilespmem:s4+$0xF480];
	[tilespmem:s1+$0xEF80] =	vst v2  }
0x67: {  	v2 =	vld [tilespmem:s4+$0xEF80];
	_ =	sdelay $0x4  }
0x68: {  	v2 =	vadd.f32 v3, v2;
	_ =	sdelay $0x1  }
0x69: {  	s7 =	rddreg [dreg:$0x7];
	[tilespmem:s4+$0xEF80] =	vst v2  }
0x6a: {  	[tilespmem:s0], [sflag:$0x1] =	stream.linear.gather [spmem:s7], $0x500, $0x38;
	[tilespmem:$0xF900] =	vst v63  }
0x6b: {  	s8 =	simm.s32 $0x0;
	_ =	swait.ge [sflag:s25], $0x500  }
0x6c: {  	s2 =	sand.u32 $0x70, s8;
	s1 =	sand.u32 $0x700, s8;
	[sflag:s25] =	ssyncset.done $0x0  }
0x6d: {  	s4 =	sor.u32 s2, s1;
	[sflag:s25] =	ssyncadd.s32 $0xFFFFFB00  }
0x6e: {  	v2 =	vld [tilespmem:s4+$0xF400]  }
0x6f: {  	v3 =	vld [tilespmem:s4+$0xEF00];
	_ =	sdelay $0x3  }
0x70: {  	s3 =	simm.s32 $0x10;
	s30 =	simm.s32 $0x20  }
0x71: {  	s3 =	sand.u32 $0x70, s3;
	s7 =	sand.u32 $0x700, s30;
	v2 =	vadd.f32 v2, v3  }
0x72: {  	s31 =	sor.u32 s3, s7;
	s7 =	simm.s32 $0x20  }
.LBB2_14:
0x73: {  	p0 =	sne.s32 s7, $0x270;
	v3 =	vld [tilespmem:s31+$0xF400];
	[tilespmem:s4+$0xEF00] =	vst v2;
	s4 =	smov.u32 s31  }
0x74: {  	v2 =	vld [tilespmem:s4+$0xEF00];
	_ =	sdelay $0x1  }
.Ltmp6:
0x75: {  	(pc) =	sbr.rel @p0 .LBB2_14-.Ltmp6, $4  }
0x76: {  	_ = 	snop  }
0x77: {  	s30 =	sadd.s32 $0x20, s30  }
0x78: {  	s8 =	sand.u32 $0x70, s7;
	s31 =	sand.u32 $0x700, s30;
	v2 =	vadd.f32 v3, v2  }
0x79: {  	s7 =	sadd.s32 $0x10, s7;
	s31 =	sor.u32 s8, s31  }
0x7a: {  	v3 =	vld [tilespmem:s31+$0xF400];
	[tilespmem:s4+$0xEF00] =	vst v2  }
0x7b: {  	v2 =	vld [tilespmem:s31+$0xEF00];
	_ =	sdelay $0x4  }
0x7c: {  	v2 =	vadd.f32 v3, v2;
	_ =	sdelay $0x1  }
0x7d: {  	s1 =	sor.u32 s1, s2;
	[tilespmem:s31+$0xEF00] =	vst v2  }
0x7e: {  	v2 =	vld [tilespmem:s1+$0xF480]  }
0x7f: {  	v3 =	vld [tilespmem:s1+$0xEF80];
	_ =	sdelay $0x3  }
0x80: {  	s2 =	simm.s32 $0x20  }
0x81: {  	s31 =	sand.u32 $0x700, s2;
	v2 =	vadd.f32 v2, v3  }
0x82: {  	s4 =	sor.u32 s31, s3;
	s3 =	simm.s32 $0x20  }
.LBB2_16:
0x83: {  	p0 =	sne.s32 s3, $0x270;
	v3 =	vld [tilespmem:s4+$0xF480];
	[tilespmem:s1+$0xEF80] =	vst v2;
	s1 =	smov.u32 s4  }
0x84: {  	v2 =	vld [tilespmem:s1+$0xEF80];
	_ =	sdelay $0x1  }
.Ltmp7:
0x85: {  	(pc) =	sbr.rel @p0 .LBB2_16-.Ltmp7, $4  }
0x86: {  	_ = 	snop  }
0x87: {  	s2 =	sadd.s32 $0x20, s2  }
0x88: {  	s4 =	sand.u32 $0x70, s3;
	s7 =	sand.u32 $0x700, s2;
	v2 =	vadd.f32 v3, v2  }
0x89: {  	s3 =	sadd.s32 $0x10, s3;
	s4 =	sor.u32 s7, s4  }
0x8a: {  	v3 =	vld [tilespmem:s4+$0xF480];
	[tilespmem:s1+$0xEF80] =	vst v2  }
0x8b: {  	v2 =	vld [tilespmem:s4+$0xEF80];
	_ =	sdelay $0x4  }
0x8c: {  	v2 =	vadd.f32 v3, v2;
	_ =	sdelay $0x1  }
0x8d: {  	[tilespmem:s4+$0xEF80] =	vst v2  }
0x8e: {  	[tilespmem:s0], [sflag:$0x1] =	stream.linear.gather [spmem:s9], $0x500, $0x38;
	[tilespmem:$0xF900] =	vst v63  }
0x8f: {  	s8 =	simm.s32 $0x0;
	_ =	swait.ge [sflag:s25], $0x500  }
0x90: {  	s2 =	sand.u32 $0x70, s8;
	s1 =	sand.u32 $0x700, s8;
	[sflag:s25] =	ssyncset.done $0x0  }
0x91: {  	s4 =	sor.u32 s2, s1;
	[sflag:s25] =	ssyncadd.s32 $0xFFFFFB00  }
0x92: {  	v2 =	vld [tilespmem:s4+$0xF400]  }
0x93: {  	v3 =	vld [tilespmem:s4+$0xEF00];
	_ =	sdelay $0x3  }
0x94: {  	s3 =	simm.s32 $0x10;
	s30 =	simm.s32 $0x20  }
0x95: {  	s3 =	sand.u32 $0x70, s3;
	s7 =	sand.u32 $0x700, s30;
	v2 =	vadd.f32 v2, v3  }
0x96: {  	s31 =	sor.u32 s3, s7;
	s7 =	simm.s32 $0x20  }
.LBB2_18:
0x97: {  	p0 =	sne.s32 s7, $0x270;
	v3 =	vld [tilespmem:s31+$0xF400];
	[tilespmem:s4+$0xEF00] =	vst v2;
	s4 =	smov.u32 s31  }
0x98: {  	v2 =	vld [tilespmem:s4+$0xEF00];
	_ =	sdelay $0x1  }
.Ltmp8:
0x99: {  	(pc) =	sbr.rel @p0 .LBB2_18-.Ltmp8, $4  }
0x9a: {  	_ = 	snop  }
0x9b: {  	s30 =	sadd.s32 $0x20, s30  }
0x9c: {  	s8 =	sand.u32 $0x70, s7;
	s31 =	sand.u32 $0x700, s30;
	v2 =	vadd.f32 v3, v2  }
0x9d: {  	s7 =	sadd.s32 $0x10, s7;
	s31 =	sor.u32 s8, s31  }
0x9e: {  	v3 =	vld [tilespmem:s31+$0xF400];
	[tilespmem:s4+$0xEF00] =	vst v2  }
0x9f: {  	v2 =	vld [tilespmem:s31+$0xEF00];
	_ =	sdelay $0x4  }
0xa0: {  	v2 =	vadd.f32 v3, v2;
	_ =	sdelay $0x1  }
0xa1: {  	s1 =	sor.u32 s1, s2;
	[tilespmem:s31+$0xEF00] =	vst v2  }
0xa2: {  	v2 =	vld [tilespmem:s1+$0xF480]  }
0xa3: {  	v3 =	vld [tilespmem:s1+$0xEF80];
	_ =	sdelay $0x3  }
0xa4: {  	s2 =	simm.s32 $0x20  }
0xa5: {  	s31 =	sand.u32 $0x700, s2;
	v2 =	vadd.f32 v2, v3  }
0xa6: {  	s4 =	sor.u32 s31, s3;
	s3 =	simm.s32 $0x20  }
.LBB2_20:
0xa7: {  	p0 =	sne.s32 s3, $0x270;
	v3 =	vld [tilespmem:s4+$0xF480];
	[tilespmem:s1+$0xEF80] =	vst v2;
	s1 =	smov.u32 s4  }
0xa8: {  	v2 =	vld [tilespmem:s1+$0xEF80];
	_ =	sdelay $0x1  }
.Ltmp9:
0xa9: {  	(pc) =	sbr.rel @p0 .LBB2_20-.Ltmp9, $4  }
0xaa: {  	_ = 	snop  }
0xab: {  	s2 =	sadd.s32 $0x20, s2  }
0xac: {  	s4 =	sand.u32 $0x70, s3;
	s7 =	sand.u32 $0x700, s2;
	v2 =	vadd.f32 v3, v2  }
0xad: {  	s3 =	sadd.s32 $0x10, s3;
	s4 =	sor.u32 s7, s4  }
0xae: {  	v3 =	vld [tilespmem:s4+$0xF480];
	[tilespmem:s1+$0xEF80] =	vst v2  }
0xaf: {  	v2 =	vld [tilespmem:s4+$0xEF80];
	_ =	sdelay $0x4  }
0xb0: {  	v2 =	vadd.f32 v3, v2;
	_ =	sdelay $0x1  }
0xb1: {  	[tilespmem:s4+$0xEF80] =	vst v2  }
0xb2: {  	[tilespmem:s0], [sflag:$0x1] =	stream.linear.gather [spmem:s10], $0x500, $0x38;
	[tilespmem:$0xF900] =	vst v63  }
0xb3: {  	s8 =	simm.s32 $0x0;
	_ =	swait.ge [sflag:s25], $0x500  }
0xb4: {  	s2 =	sand.u32 $0x70, s8;
	s1 =	sand.u32 $0x700, s8;
	[sflag:s25] =	ssyncset.done $0x0  }
0xb5: {  	s4 =	sor.u32 s2, s1;
	[sflag:s25] =	ssyncadd.s32 $0xFFFFFB00  }
0xb6: {  	v2 =	vld [tilespmem:s4+$0xF400]  }
0xb7: {  	v3 =	vld [tilespmem:s4+$0xEF00];
	_ =	sdelay $0x3  }
0xb8: {  	s3 =	simm.s32 $0x10;
	s30 =	simm.s32 $0x20  }
0xb9: {  	s3 =	sand.u32 $0x70, s3;
	s7 =	sand.u32 $0x700, s30;
	v2 =	vadd.f32 v2, v3  }
0xba: {  	s31 =	sor.u32 s3, s7;
	s7 =	simm.s32 $0x20  }
.LBB2_22:
0xbb: {  	p0 =	sne.s32 s7, $0x270;
	v3 =	vld [tilespmem:s31+$0xF400];
	[tilespmem:s4+$0xEF00] =	vst v2;
	s4 =	smov.u32 s31  }
0xbc: {  	v2 =	vld [tilespmem:s4+$0xEF00];
	_ =	sdelay $0x1  }
.Ltmp10:
0xbd: {  	(pc) =	sbr.rel @p0 .LBB2_22-.Ltmp10, $4  }
0xbe: {  	_ = 	snop  }
0xbf: {  	s30 =	sadd.s32 $0x20, s30  }
0xc0: {  	s8 =	sand.u32 $0x70, s7;
	s31 =	sand.u32 $0x700, s30;
	v2 =	vadd.f32 v3, v2  }
0xc1: {  	s7 =	sadd.s32 $0x10, s7;
	s31 =	sor.u32 s8, s31  }
0xc2: {  	v3 =	vld [tilespmem:s31+$0xF400];
	[tilespmem:s4+$0xEF00] =	vst v2  }
0xc3: {  	v2 =	vld [tilespmem:s31+$0xEF00];
	_ =	sdelay $0x4  }
0xc4: {  	v2 =	vadd.f32 v3, v2;
	_ =	sdelay $0x1  }
0xc5: {  	s1 =	sor.u32 s1, s2;
	[tilespmem:s31+$0xEF00] =	vst v2  }
0xc6: {  	v2 =	vld [tilespmem:s1+$0xF480]  }
0xc7: {  	v3 =	vld [tilespmem:s1+$0xEF80];
	_ =	sdelay $0x3  }
0xc8: {  	s2 =	simm.s32 $0x20  }
0xc9: {  	s31 =	sand.u32 $0x700, s2;
	v2 =	vadd.f32 v2, v3  }
0xca: {  	s4 =	sor.u32 s31, s3;
	s3 =	simm.s32 $0x20  }
.LBB2_24:
0xcb: {  	p0 =	sne.s32 s3, $0x270;
	v3 =	vld [tilespmem:s4+$0xF480];
	[tilespmem:s1+$0xEF80] =	vst v2;
	s1 =	smov.u32 s4  }
0xcc: {  	v2 =	vld [tilespmem:s1+$0xEF80];
	_ =	sdelay $0x1  }
.Ltmp11:
0xcd: {  	(pc) =	sbr.rel @p0 .LBB2_24-.Ltmp11, $4  }
0xce: {  	_ = 	snop  }
0xcf: {  	s2 =	sadd.s32 $0x20, s2  }
0xd0: {  	s4 =	sand.u32 $0x70, s3;
	s7 =	sand.u32 $0x700, s2;
	v2 =	vadd.f32 v3, v2  }
0xd1: {  	s3 =	sadd.s32 $0x10, s3;
	s4 =	sor.u32 s7, s4  }
0xd2: {  	v3 =	vld [tilespmem:s4+$0xF480];
	[tilespmem:s1+$0xEF80] =	vst v2  }
0xd3: {  	v2 =	vld [tilespmem:s4+$0xEF80];
	_ =	sdelay $0x4  }
0xd4: {  	v2 =	vadd.f32 v3, v2;
	_ =	sdelay $0x1  }
0xd5: {  	[tilespmem:s4+$0xEF80] =	vst v2  }
0xd6: {  	[tilespmem:s0], [sflag:$0x1] =	stream.linear.gather [spmem:s11], $0x500, $0x38;
	[tilespmem:$0xF900] =	vst v63  }
0xd7: {  	s8 =	simm.s32 $0x0;
	_ =	swait.ge [sflag:s25], $0x500  }
0xd8: {  	s2 =	sand.u32 $0x70, s8;
	s1 =	sand.u32 $0x700, s8;
	[sflag:s25] =	ssyncset.done $0x0  }
0xd9: {  	s4 =	sor.u32 s2, s1;
	[sflag:s25] =	ssyncadd.s32 $0xFFFFFB00  }
0xda: {  	v2 =	vld [tilespmem:s4+$0xF400]  }
0xdb: {  	v3 =	vld [tilespmem:s4+$0xEF00];
	_ =	sdelay $0x3  }
0xdc: {  	s3 =	simm.s32 $0x10;
	s30 =	simm.s32 $0x20  }
0xdd: {  	s3 =	sand.u32 $0x70, s3;
	s7 =	sand.u32 $0x700, s30;
	v2 =	vadd.f32 v2, v3  }
0xde: {  	s31 =	sor.u32 s3, s7;
	s7 =	simm.s32 $0x20  }
.LBB2_26:
0xdf: {  	p0 =	sne.s32 s7, $0x270;
	v3 =	vld [tilespmem:s31+$0xF400];
	[tilespmem:s4+$0xEF00] =	vst v2;
	s4 =	smov.u32 s31  }
0xe0: {  	v2 =	vld [tilespmem:s4+$0xEF00];
	_ =	sdelay $0x1  }
.Ltmp12:
0xe1: {  	(pc) =	sbr.rel @p0 .LBB2_26-.Ltmp12, $4  }
0xe2: {  	_ = 	snop  }
0xe3: {  	s30 =	sadd.s32 $0x20, s30  }
0xe4: {  	s8 =	sand.u32 $0x70, s7;
	s31 =	sand.u32 $0x700, s30;
	v2 =	vadd.f32 v3, v2  }
0xe5: {  	s7 =	sadd.s32 $0x10, s7;
	s31 =	sor.u32 s8, s31  }
0xe6: {  	v3 =	vld [tilespmem:s31+$0xF400];
	[tilespmem:s4+$0xEF00] =	vst v2  }
0xe7: {  	v2 =	vld [tilespmem:s31+$0xEF00];
	_ =	sdelay $0x4  }
0xe8: {  	v2 =	vadd.f32 v3, v2;
	_ =	sdelay $0x1  }
0xe9: {  	s1 =	sor.u32 s1, s2;
	[tilespmem:s31+$0xEF00] =	vst v2  }
0xea: {  	v2 =	vld [tilespmem:s1+$0xF480]  }
0xeb: {  	v3 =	vld [tilespmem:s1+$0xEF80];
	_ =	sdelay $0x3  }
0xec: {  	s2 =	simm.s32 $0x20  }
0xed: {  	s31 =	sand.u32 $0x700, s2;
	v2 =	vadd.f32 v2, v3  }
0xee: {  	s4 =	sor.u32 s31, s3;
	s3 =	simm.s32 $0x20  }
.LBB2_28:
0xef: {  	p0 =	sne.s32 s3, $0x270;
	v3 =	vld [tilespmem:s4+$0xF480];
	[tilespmem:s1+$0xEF80] =	vst v2;
	s1 =	smov.u32 s4  }
0xf0: {  	v2 =	vld [tilespmem:s1+$0xEF80];
	_ =	sdelay $0x1  }
.Ltmp13:
0xf1: {  	(pc) =	sbr.rel @p0 .LBB2_28-.Ltmp13, $4  }
0xf2: {  	_ = 	snop  }
0xf3: {  	s2 =	sadd.s32 $0x20, s2  }
0xf4: {  	s4 =	sand.u32 $0x70, s3;
	s7 =	sand.u32 $0x700, s2;
	v2 =	vadd.f32 v3, v2  }
0xf5: {  	s3 =	sadd.s32 $0x10, s3;
	s4 =	sor.u32 s7, s4  }
0xf6: {  	v3 =	vld [tilespmem:s4+$0xF480];
	[tilespmem:s1+$0xEF80] =	vst v2  }
0xf7: {  	v2 =	vld [tilespmem:s4+$0xEF80];
	_ =	sdelay $0x4  }
0xf8: {  	v2 =	vadd.f32 v3, v2;
	_ =	sdelay $0x1  }
0xf9: {  	[tilespmem:s4+$0xEF80] =	vst v2  }
0xfa: {  	[tilespmem:s0], [sflag:$0x1] =	stream.linear.gather [spmem:s12], $0x500, $0x38;
	[tilespmem:$0xF900] =	vst v63  }
0xfb: {  	s8 =	simm.s32 $0x0;
	_ =	swait.ge [sflag:s25], $0x500  }
0xfc: {  	s2 =	sand.u32 $0x70, s8;
	s1 =	sand.u32 $0x700, s8;
	[sflag:s25] =	ssyncset.done $0x0  }
0xfd: {  	s4 =	sor.u32 s2, s1;
	[sflag:s25] =	ssyncadd.s32 $0xFFFFFB00  }
0xfe: {  	v2 =	vld [tilespmem:s4+$0xF400]  }
0xff: {  	v3 =	vld [tilespmem:s4+$0xEF00];
	_ =	sdelay $0x3  }
0x100: {  	s3 =	simm.s32 $0x10;
	s30 =	simm.s32 $0x20  }
0x101: {  	s3 =	sand.u32 $0x70, s3;
	s7 =	sand.u32 $0x700, s30;
	v2 =	vadd.f32 v2, v3  }
0x102: {  	s31 =	sor.u32 s3, s7;
	s7 =	simm.s32 $0x20  }
.LBB2_30:
0x103: {  	p0 =	sne.s32 s7, $0x270;
	v3 =	vld [tilespmem:s31+$0xF400];
	[tilespmem:s4+$0xEF00] =	vst v2;
	s4 =	smov.u32 s31  }
0x104: {  	v2 =	vld [tilespmem:s4+$0xEF00];
	_ =	sdelay $0x1  }
.Ltmp14:
0x105: {  	(pc) =	sbr.rel @p0 .LBB2_30-.Ltmp14, $4  }
0x106: {  	_ = 	snop  }
0x107: {  	s30 =	sadd.s32 $0x20, s30  }
0x108: {  	s8 =	sand.u32 $0x70, s7;
	s31 =	sand.u32 $0x700, s30;
	v2 =	vadd.f32 v3, v2  }
0x109: {  	s7 =	sadd.s32 $0x10, s7;
	s31 =	sor.u32 s8, s31  }
0x10a: {  	v3 =	vld [tilespmem:s31+$0xF400];
	[tilespmem:s4+$0xEF00] =	vst v2  }
0x10b: {  	v2 =	vld [tilespmem:s31+$0xEF00];
	_ =	sdelay $0x4  }
0x10c: {  	v2 =	vadd.f32 v3, v2;
	_ =	sdelay $0x1  }
0x10d: {  	s1 =	sor.u32 s1, s2;
	[tilespmem:s31+$0xEF00] =	vst v2  }
0x10e: {  	v2 =	vld [tilespmem:s1+$0xF480]  }
0x10f: {  	v3 =	vld [tilespmem:s1+$0xEF80];
	_ =	sdelay $0x3  }
0x110: {  	s2 =	simm.s32 $0x20  }
0x111: {  	s31 =	sand.u32 $0x700, s2;
	v2 =	vadd.f32 v2, v3  }
0x112: {  	s4 =	sor.u32 s31, s3;
	s3 =	simm.s32 $0x20  }
.LBB2_32:
0x113: {  	p0 =	sne.s32 s3, $0x270;
	v3 =	vld [tilespmem:s4+$0xF480];
	[tilespmem:s1+$0xEF80] =	vst v2;
	s1 =	smov.u32 s4  }
0x114: {  	v2 =	vld [tilespmem:s1+$0xEF80];
	_ =	sdelay $0x1  }
.Ltmp15:
0x115: {  	(pc) =	sbr.rel @p0 .LBB2_32-.Ltmp15, $4  }
0x116: {  	_ = 	snop  }
0x117: {  	s2 =	sadd.s32 $0x20, s2  }
0x118: {  	s4 =	sand.u32 $0x70, s3;
	s7 =	sand.u32 $0x700, s2;
	v2 =	vadd.f32 v3, v2  }
0x119: {  	s3 =	sadd.s32 $0x10, s3;
	s4 =	sor.u32 s7, s4  }
0x11a: {  	v3 =	vld [tilespmem:s4+$0xF480];
	[tilespmem:s1+$0xEF80] =	vst v2  }
0x11b: {  	v2 =	vld [tilespmem:s4+$0xEF80];
	_ =	sdelay $0x4  }
0x11c: {  	v2 =	vadd.f32 v3, v2;
	_ =	sdelay $0x1  }
0x11d: {  	[tilespmem:s4+$0xEF80] =	vst v2  }
0x11e: {  	[tilespmem:s0], [sflag:$0x1] =	stream.linear.gather [spmem:s13], $0x500, $0x38;
	[tilespmem:$0xF900] =	vst v63  }
0x11f: {  	s8 =	simm.s32 $0x0;
	_ =	swait.ge [sflag:s25], $0x500  }
0x120: {  	s2 =	sand.u32 $0x70, s8;
	s1 =	sand.u32 $0x700, s8;
	[sflag:s25] =	ssyncset.done $0x0  }
0x121: {  	s4 =	sor.u32 s2, s1;
	[sflag:s25] =	ssyncadd.s32 $0xFFFFFB00  }
0x122: {  	v2 =	vld [tilespmem:s4+$0xF400]  }
0x123: {  	v3 =	vld [tilespmem:s4+$0xEF00];
	_ =	sdelay $0x3  }
0x124: {  	s3 =	simm.s32 $0x10;
	s30 =	simm.s32 $0x20  }
0x125: {  	s3 =	sand.u32 $0x70, s3;
	s7 =	sand.u32 $0x700, s30;
	v2 =	vadd.f32 v2, v3  }
0x126: {  	s31 =	sor.u32 s3, s7;
	s7 =	simm.s32 $0x20  }
.LBB2_34:
0x127: {  	p0 =	sne.s32 s7, $0x270;
	v3 =	vld [tilespmem:s31+$0xF400];
	[tilespmem:s4+$0xEF00] =	vst v2;
	s4 =	smov.u32 s31  }
0x128: {  	v2 =	vld [tilespmem:s4+$0xEF00];
	_ =	sdelay $0x1  }
.Ltmp16:
0x129: {  	(pc) =	sbr.rel @p0 .LBB2_34-.Ltmp16, $4  }
0x12a: {  	_ = 	snop  }
0x12b: {  	s30 =	sadd.s32 $0x20, s30  }
0x12c: {  	s8 =	sand.u32 $0x70, s7;
	s31 =	sand.u32 $0x700, s30;
	v2 =	vadd.f32 v3, v2  }
0x12d: {  	s7 =	sadd.s32 $0x10, s7;
	s31 =	sor.u32 s8, s31  }
0x12e: {  	v3 =	vld [tilespmem:s31+$0xF400];
	[tilespmem:s4+$0xEF00] =	vst v2  }
0x12f: {  	v2 =	vld [tilespmem:s31+$0xEF00];
	_ =	sdelay $0x4  }
0x130: {  	v2 =	vadd.f32 v3, v2;
	_ =	sdelay $0x1  }
0x131: {  	s1 =	sor.u32 s1, s2;
	[tilespmem:s31+$0xEF00] =	vst v2  }
0x132: {  	v2 =	vld [tilespmem:s1+$0xF480]  }
0x133: {  	v3 =	vld [tilespmem:s1+$0xEF80];
	_ =	sdelay $0x3  }
0x134: {  	s2 =	simm.s32 $0x20  }
0x135: {  	s31 =	sand.u32 $0x700, s2;
	v2 =	vadd.f32 v2, v3  }
0x136: {  	s4 =	sor.u32 s31, s3;
	s3 =	simm.s32 $0x20  }
.LBB2_36:
0x137: {  	p0 =	sne.s32 s3, $0x270;
	v3 =	vld [tilespmem:s4+$0xF480];
	[tilespmem:s1+$0xEF80] =	vst v2;
	s1 =	smov.u32 s4  }
0x138: {  	v2 =	vld [tilespmem:s1+$0xEF80];
	_ =	sdelay $0x1  }
.Ltmp17:
0x139: {  	(pc) =	sbr.rel @p0 .LBB2_36-.Ltmp17, $4  }
0x13a: {  	_ = 	snop  }
0x13b: {  	s2 =	sadd.s32 $0x20, s2  }
0x13c: {  	s4 =	sand.u32 $0x70, s3;
	s7 =	sand.u32 $0x700, s2;
	v2 =	vadd.f32 v3, v2  }
0x13d: {  	s3 =	sadd.s32 $0x10, s3;
	s4 =	sor.u32 s7, s4  }
0x13e: {  	v3 =	vld [tilespmem:s4+$0xF480];
	[tilespmem:s1+$0xEF80] =	vst v2  }
0x13f: {  	v2 =	vld [tilespmem:s4+$0xEF80];
	_ =	sdelay $0x4  }
0x140: {  	v2 =	vadd.f32 v3, v2;
	_ =	sdelay $0x1  }
0x141: {  	[tilespmem:s4+$0xEF80] =	vst v2  }
0x142: {  	[tilespmem:s0], [sflag:$0x1] =	stream.linear.gather [spmem:s14], $0x500, $0x38;
	[tilespmem:$0xF900] =	vst v63  }
0x143: {  	s8 =	simm.s32 $0x0;
	_ =	swait.ge [sflag:s25], $0x500  }
0x144: {  	s2 =	sand.u32 $0x70, s8;
	s1 =	sand.u32 $0x700, s8;
	[sflag:s25] =	ssyncset.done $0x0  }
0x145: {  	s4 =	sor.u32 s2, s1;
	[sflag:s25] =	ssyncadd.s32 $0xFFFFFB00  }
0x146: {  	v2 =	vld [tilespmem:s4+$0xF400]  }
0x147: {  	v3 =	vld [tilespmem:s4+$0xEF00];
	_ =	sdelay $0x3  }
0x148: {  	s3 =	simm.s32 $0x10;
	s30 =	simm.s32 $0x20  }
0x149: {  	s3 =	sand.u32 $0x70, s3;
	s7 =	sand.u32 $0x700, s30;
	v2 =	vadd.f32 v2, v3  }
0x14a: {  	s31 =	sor.u32 s3, s7;
	s7 =	simm.s32 $0x20  }
.LBB2_38:
0x14b: {  	p0 =	sne.s32 s7, $0x270;
	v3 =	vld [tilespmem:s31+$0xF400];
	[tilespmem:s4+$0xEF00] =	vst v2;
	s4 =	smov.u32 s31  }
0x14c: {  	v2 =	vld [tilespmem:s4+$0xEF00];
	_ =	sdelay $0x1  }
.Ltmp18:
0x14d: {  	(pc) =	sbr.rel @p0 .LBB2_38-.Ltmp18, $4  }
0x14e: {  	_ = 	snop  }
0x14f: {  	s30 =	sadd.s32 $0x20, s30  }
0x150: {  	s8 =	sand.u32 $0x70, s7;
	s31 =	sand.u32 $0x700, s30;
	v2 =	vadd.f32 v3, v2  }
0x151: {  	s7 =	sadd.s32 $0x10, s7;
	s31 =	sor.u32 s8, s31  }
0x152: {  	v3 =	vld [tilespmem:s31+$0xF400];
	[tilespmem:s4+$0xEF00] =	vst v2  }
0x153: {  	v2 =	vld [tilespmem:s31+$0xEF00];
	_ =	sdelay $0x4  }
0x154: {  	v2 =	vadd.f32 v3, v2;
	_ =	sdelay $0x1  }
0x155: {  	s1 =	sor.u32 s1, s2;
	[tilespmem:s31+$0xEF00] =	vst v2  }
0x156: {  	v2 =	vld [tilespmem:s1+$0xF480]  }
0x157: {  	v3 =	vld [tilespmem:s1+$0xEF80];
	_ =	sdelay $0x3  }
0x158: {  	s2 =	simm.s32 $0x20  }
0x159: {  	s31 =	sand.u32 $0x700, s2;
	v2 =	vadd.f32 v2, v3  }
0x15a: {  	s4 =	sor.u32 s31, s3;
	s3 =	simm.s32 $0x20  }
.LBB2_40:
0x15b: {  	p0 =	sne.s32 s3, $0x270;
	v3 =	vld [tilespmem:s4+$0xF480];
	[tilespmem:s1+$0xEF80] =	vst v2;
	s1 =	smov.u32 s4  }
0x15c: {  	v2 =	vld [tilespmem:s1+$0xEF80];
	_ =	sdelay $0x1  }
.Ltmp19:
0x15d: {  	(pc) =	sbr.rel @p0 .LBB2_40-.Ltmp19, $4  }
0x15e: {  	_ = 	snop  }
0x15f: {  	s2 =	sadd.s32 $0x20, s2  }
0x160: {  	s4 =	sand.u32 $0x70, s3;
	s7 =	sand.u32 $0x700, s2;
	v2 =	vadd.f32 v3, v2  }
0x161: {  	s3 =	sadd.s32 $0x10, s3;
	s4 =	sor.u32 s7, s4  }
0x162: {  	v3 =	vld [tilespmem:s4+$0xF480];
	[tilespmem:s1+$0xEF80] =	vst v2  }
0x163: {  	v2 =	vld [tilespmem:s4+$0xEF80];
	_ =	sdelay $0x4  }
0x164: {  	v2 =	vadd.f32 v3, v2;
	_ =	sdelay $0x1  }
0x165: {  	[tilespmem:s4+$0xEF80] =	vst v2  }
0x166: {  	[tilespmem:s0], [sflag:$0x1] =	stream.linear.gather [spmem:s15], $0x500, $0x38;
	[tilespmem:$0xF900] =	vst v63  }
0x167: {  	s8 =	simm.s32 $0x0;
	_ =	swait.ge [sflag:s25], $0x500  }
0x168: {  	s2 =	sand.u32 $0x70, s8;
	s1 =	sand.u32 $0x700, s8;
	[sflag:s25] =	ssyncset.done $0x0  }
0x169: {  	s4 =	sor.u32 s2, s1;
	[sflag:s25] =	ssyncadd.s32 $0xFFFFFB00  }
0x16a: {  	v2 =	vld [tilespmem:s4+$0xF400]  }
0x16b: {  	v3 =	vld [tilespmem:s4+$0xEF00];
	_ =	sdelay $0x3  }
0x16c: {  	s3 =	simm.s32 $0x10;
	s30 =	simm.s32 $0x20  }
0x16d: {  	s3 =	sand.u32 $0x70, s3;
	s7 =	sand.u32 $0x700, s30;
	v2 =	vadd.f32 v2, v3  }
0x16e: {  	s31 =	sor.u32 s3, s7;
	s7 =	simm.s32 $0x20  }
.LBB2_42:
0x16f: {  	p0 =	sne.s32 s7, $0x270;
	v3 =	vld [tilespmem:s31+$0xF400];
	[tilespmem:s4+$0xEF00] =	vst v2;
	s4 =	smov.u32 s31  }
0x170: {  	v2 =	vld [tilespmem:s4+$0xEF00];
	_ =	sdelay $0x1  }
.Ltmp20:
0x171: {  	(pc) =	sbr.rel @p0 .LBB2_42-.Ltmp20, $4  }
0x172: {  	_ = 	snop  }
0x173: {  	s30 =	sadd.s32 $0x20, s30  }
0x174: {  	s8 =	sand.u32 $0x70, s7;
	s31 =	sand.u32 $0x700, s30;
	v2 =	vadd.f32 v3, v2  }
0x175: {  	s7 =	sadd.s32 $0x10, s7;
	s31 =	sor.u32 s8, s31  }
0x176: {  	v3 =	vld [tilespmem:s31+$0xF400];
	[tilespmem:s4+$0xEF00] =	vst v2  }
0x177: {  	v2 =	vld [tilespmem:s31+$0xEF00];
	_ =	sdelay $0x4  }
0x178: {  	v2 =	vadd.f32 v3, v2;
	_ =	sdelay $0x1  }
0x179: {  	s1 =	sor.u32 s1, s2;
	[tilespmem:s31+$0xEF00] =	vst v2  }
0x17a: {  	v2 =	vld [tilespmem:s1+$0xF480]  }
0x17b: {  	v3 =	vld [tilespmem:s1+$0xEF80];
	_ =	sdelay $0x3  }
0x17c: {  	s2 =	simm.s32 $0x20  }
0x17d: {  	s31 =	sand.u32 $0x700, s2;
	v2 =	vadd.f32 v2, v3  }
0x17e: {  	s4 =	sor.u32 s31, s3;
	s3 =	simm.s32 $0x20  }
.LBB2_44:
0x17f: {  	p0 =	sne.s32 s3, $0x270;
	v3 =	vld [tilespmem:s4+$0xF480];
	[tilespmem:s1+$0xEF80] =	vst v2;
	s1 =	smov.u32 s4  }
0x180: {  	v2 =	vld [tilespmem:s1+$0xEF80];
	_ =	sdelay $0x1  }
.Ltmp21:
0x181: {  	(pc) =	sbr.rel @p0 .LBB2_44-.Ltmp21, $4  }
0x182: {  	_ = 	snop  }
0x183: {  	s2 =	sadd.s32 $0x20, s2  }
0x184: {  	s4 =	sand.u32 $0x70, s3;
	s7 =	sand.u32 $0x700, s2;
	v2 =	vadd.f32 v3, v2  }
0x185: {  	s3 =	sadd.s32 $0x10, s3;
	s4 =	sor.u32 s7, s4  }
0x186: {  	v3 =	vld [tilespmem:s4+$0xF480];
	[tilespmem:s1+$0xEF80] =	vst v2  }
0x187: {  	v2 =	vld [tilespmem:s4+$0xEF80];
	_ =	sdelay $0x4  }
0x188: {  	v2 =	vadd.f32 v3, v2;
	_ =	sdelay $0x1  }
0x189: {  	[tilespmem:s4+$0xEF80] =	vst v2  }
0x18a: {  	[tilespmem:s0], [sflag:$0x1] =	stream.linear.gather [spmem:s16], $0x500, $0x38;
	[tilespmem:$0xF900] =	vst v63  }
0x18b: {  	s8 =	simm.s32 $0x0;
	_ =	swait.ge [sflag:s25], $0x500  }
0x18c: {  	s2 =	sand.u32 $0x70, s8;
	s1 =	sand.u32 $0x700, s8;
	[sflag:s25] =	ssyncset.done $0x0  }
0x18d: {  	s4 =	sor.u32 s2, s1;
	[sflag:s25] =	ssyncadd.s32 $0xFFFFFB00  }
0x18e: {  	v2 =	vld [tilespmem:s4+$0xF400]  }
0x18f: {  	v3 =	vld [tilespmem:s4+$0xEF00];
	_ =	sdelay $0x3  }
0x190: {  	s3 =	simm.s32 $0x10;
	s30 =	simm.s32 $0x20  }
0x191: {  	s3 =	sand.u32 $0x70, s3;
	s7 =	sand.u32 $0x700, s30;
	v2 =	vadd.f32 v2, v3  }
0x192: {  	s31 =	sor.u32 s3, s7;
	s7 =	simm.s32 $0x20  }
.LBB2_46:
0x193: {  	p0 =	sne.s32 s7, $0x270;
	v3 =	vld [tilespmem:s31+$0xF400];
	[tilespmem:s4+$0xEF00] =	vst v2;
	s4 =	smov.u32 s31  }
0x194: {  	v2 =	vld [tilespmem:s4+$0xEF00];
	_ =	sdelay $0x1  }
.Ltmp22:
0x195: {  	(pc) =	sbr.rel @p0 .LBB2_46-.Ltmp22, $4  }
0x196: {  	_ = 	snop  }
0x197: {  	s30 =	sadd.s32 $0x20, s30  }
0x198: {  	s8 =	sand.u32 $0x70, s7;
	s31 =	sand.u32 $0x700, s30;
	v2 =	vadd.f32 v3, v2  }
0x199: {  	s7 =	sadd.s32 $0x10, s7;
	s31 =	sor.u32 s8, s31  }
0x19a: {  	v3 =	vld [tilespmem:s31+$0xF400];
	[tilespmem:s4+$0xEF00] =	vst v2  }
0x19b: {  	v2 =	vld [tilespmem:s31+$0xEF00];
	_ =	sdelay $0x4  }
0x19c: {  	v2 =	vadd.f32 v3, v2;
	_ =	sdelay $0x1  }
0x19d: {  	s1 =	sor.u32 s1, s2;
	[tilespmem:s31+$0xEF00] =	vst v2  }
0x19e: {  	v2 =	vld [tilespmem:s1+$0xF480]  }
0x19f: {  	v3 =	vld [tilespmem:s1+$0xEF80];
	_ =	sdelay $0x3  }
0x1a0: {  	s2 =	simm.s32 $0x20  }
0x1a1: {  	s31 =	sand.u32 $0x700, s2;
	v2 =	vadd.f32 v2, v3  }
0x1a2: {  	s4 =	sor.u32 s31, s3;
	s3 =	simm.s32 $0x20  }
.LBB2_48:
0x1a3: {  	p0 =	sne.s32 s3, $0x270;
	v3 =	vld [tilespmem:s4+$0xF480];
	[tilespmem:s1+$0xEF80] =	vst v2;
	s1 =	smov.u32 s4  }
0x1a4: {  	v2 =	vld [tilespmem:s1+$0xEF80];
	_ =	sdelay $0x1  }
.Ltmp23:
0x1a5: {  	(pc) =	sbr.rel @p0 .LBB2_48-.Ltmp23, $4  }
0x1a6: {  	_ = 	snop  }
0x1a7: {  	s2 =	sadd.s32 $0x20, s2  }
0x1a8: {  	s4 =	sand.u32 $0x70, s3;
	s7 =	sand.u32 $0x700, s2;
	v2 =	vadd.f32 v3, v2  }
0x1a9: {  	s3 =	sadd.s32 $0x10, s3;
	s4 =	sor.u32 s7, s4  }
0x1aa: {  	v3 =	vld [tilespmem:s4+$0xF480];
	[tilespmem:s1+$0xEF80] =	vst v2  }
0x1ab: {  	v2 =	vld [tilespmem:s4+$0xEF80];
	_ =	sdelay $0x4  }
0x1ac: {  	v2 =	vadd.f32 v3, v2;
	_ =	sdelay $0x1  }
0x1ad: {  	[tilespmem:s4+$0xEF80] =	vst v2  }
0x1ae: {  	[tilespmem:s0], [sflag:$0x1] =	stream.linear.gather [spmem:s17], $0x500, $0x38;
	[tilespmem:$0xF900] =	vst v63  }
0x1af: {  	s8 =	simm.s32 $0x0;
	_ =	swait.ge [sflag:s25], $0x500  }
0x1b0: {  	s2 =	sand.u32 $0x70, s8;
	s1 =	sand.u32 $0x700, s8;
	[sflag:s25] =	ssyncset.done $0x0  }
0x1b1: {  	s4 =	sor.u32 s2, s1;
	[sflag:s25] =	ssyncadd.s32 $0xFFFFFB00  }
0x1b2: {  	v2 =	vld [tilespmem:s4+$0xF400]  }
0x1b3: {  	v3 =	vld [tilespmem:s4+$0xEF00];
	_ =	sdelay $0x3  }
0x1b4: {  	s3 =	simm.s32 $0x10;
	s30 =	simm.s32 $0x20  }
0x1b5: {  	s3 =	sand.u32 $0x70, s3;
	s7 =	sand.u32 $0x700, s30;
	v2 =	vadd.f32 v2, v3  }
0x1b6: {  	s31 =	sor.u32 s3, s7;
	s7 =	simm.s32 $0x20  }
.LBB2_50:
0x1b7: {  	p0 =	sne.s32 s7, $0x270;
	v3 =	vld [tilespmem:s31+$0xF400];
	[tilespmem:s4+$0xEF00] =	vst v2;
	s4 =	smov.u32 s31  }
0x1b8: {  	v2 =	vld [tilespmem:s4+$0xEF00];
	_ =	sdelay $0x1  }
.Ltmp24:
0x1b9: {  	(pc) =	sbr.rel @p0 .LBB2_50-.Ltmp24, $4  }
0x1ba: {  	_ = 	snop  }
0x1bb: {  	s30 =	sadd.s32 $0x20, s30  }
0x1bc: {  	s8 =	sand.u32 $0x70, s7;
	s31 =	sand.u32 $0x700, s30;
	v2 =	vadd.f32 v3, v2  }
0x1bd: {  	s7 =	sadd.s32 $0x10, s7;
	s31 =	sor.u32 s8, s31  }
0x1be: {  	v3 =	vld [tilespmem:s31+$0xF400];
	[tilespmem:s4+$0xEF00] =	vst v2  }
0x1bf: {  	v2 =	vld [tilespmem:s31+$0xEF00];
	_ =	sdelay $0x4  }
0x1c0: {  	v2 =	vadd.f32 v3, v2;
	_ =	sdelay $0x1  }
0x1c1: {  	s1 =	sor.u32 s1, s2;
	[tilespmem:s31+$0xEF00] =	vst v2  }
0x1c2: {  	v2 =	vld [tilespmem:s1+$0xF480]  }
0x1c3: {  	v3 =	vld [tilespmem:s1+$0xEF80];
	_ =	sdelay $0x3  }
0x1c4: {  	s2 =	simm.s32 $0x20  }
0x1c5: {  	s31 =	sand.u32 $0x700, s2;
	v2 =	vadd.f32 v2, v3  }
0x1c6: {  	s4 =	sor.u32 s31, s3;
	s3 =	simm.s32 $0x20  }
.LBB2_52:
0x1c7: {  	p0 =	sne.s32 s3, $0x270;
	v3 =	vld [tilespmem:s4+$0xF480];
	[tilespmem:s1+$0xEF80] =	vst v2;
	s1 =	smov.u32 s4  }
0x1c8: {  	v2 =	vld [tilespmem:s1+$0xEF80];
	_ =	sdelay $0x1  }
.Ltmp25:
0x1c9: {  	(pc) =	sbr.rel @p0 .LBB2_52-.Ltmp25, $4  }
0x1ca: {  	_ = 	snop  }
0x1cb: {  	s2 =	sadd.s32 $0x20, s2  }
0x1cc: {  	s4 =	sand.u32 $0x70, s3;
	s7 =	sand.u32 $0x700, s2;
	v2 =	vadd.f32 v3, v2  }
0x1cd: {  	s3 =	sadd.s32 $0x10, s3;
	s4 =	sor.u32 s7, s4  }
0x1ce: {  	v3 =	vld [tilespmem:s4+$0xF480];
	[tilespmem:s1+$0xEF80] =	vst v2  }
0x1cf: {  	v2 =	vld [tilespmem:s4+$0xEF80];
	_ =	sdelay $0x4  }
0x1d0: {  	v2 =	vadd.f32 v3, v2;
	_ =	sdelay $0x1  }
0x1d1: {  	[tilespmem:s4+$0xEF80] =	vst v2  }
0x1d2: {  	[tilespmem:s0], [sflag:$0x1] =	stream.linear.gather [spmem:s18], $0x500, $0x38;
	[tilespmem:$0xF900] =	vst v63  }
0x1d3: {  	s8 =	simm.s32 $0x0;
	_ =	swait.ge [sflag:s25], $0x500  }
0x1d4: {  	s2 =	sand.u32 $0x70, s8;
	s1 =	sand.u32 $0x700, s8;
	[sflag:s25] =	ssyncset.done $0x0  }
0x1d5: {  	s4 =	sor.u32 s2, s1;
	[sflag:s25] =	ssyncadd.s32 $0xFFFFFB00  }
0x1d6: {  	v2 =	vld [tilespmem:s4+$0xF400]  }
0x1d7: {  	v3 =	vld [tilespmem:s4+$0xEF00];
	_ =	sdelay $0x3  }
0x1d8: {  	s3 =	simm.s32 $0x10;
	s30 =	simm.s32 $0x20  }
0x1d9: {  	s3 =	sand.u32 $0x70, s3;
	s7 =	sand.u32 $0x700, s30;
	v2 =	vadd.f32 v2, v3  }
0x1da: {  	s31 =	sor.u32 s3, s7;
	s7 =	simm.s32 $0x20  }
.LBB2_54:
0x1db: {  	p0 =	sne.s32 s7, $0x270;
	v3 =	vld [tilespmem:s31+$0xF400];
	[tilespmem:s4+$0xEF00] =	vst v2;
	s4 =	smov.u32 s31  }
0x1dc: {  	v2 =	vld [tilespmem:s4+$0xEF00];
	_ =	sdelay $0x1  }
.Ltmp26:
0x1dd: {  	(pc) =	sbr.rel @p0 .LBB2_54-.Ltmp26, $4  }
0x1de: {  	_ = 	snop  }
0x1df: {  	s30 =	sadd.s32 $0x20, s30  }
0x1e0: {  	s8 =	sand.u32 $0x70, s7;
	s31 =	sand.u32 $0x700, s30;
	v2 =	vadd.f32 v3, v2  }
0x1e1: {  	s7 =	sadd.s32 $0x10, s7;
	s31 =	sor.u32 s8, s31  }
0x1e2: {  	v3 =	vld [tilespmem:s31+$0xF400];
	[tilespmem:s4+$0xEF00] =	vst v2  }
0x1e3: {  	v2 =	vld [tilespmem:s31+$0xEF00];
	_ =	sdelay $0x4  }
0x1e4: {  	v2 =	vadd.f32 v3, v2;
	_ =	sdelay $0x1  }
0x1e5: {  	s1 =	sor.u32 s1, s2;
	[tilespmem:s31+$0xEF00] =	vst v2  }
0x1e6: {  	v2 =	vld [tilespmem:s1+$0xF480]  }
0x1e7: {  	v3 =	vld [tilespmem:s1+$0xEF80];
	_ =	sdelay $0x3  }
0x1e8: {  	s2 =	simm.s32 $0x20  }
0x1e9: {  	s31 =	sand.u32 $0x700, s2;
	v2 =	vadd.f32 v2, v3  }
0x1ea: {  	s4 =	sor.u32 s31, s3;
	s3 =	simm.s32 $0x20  }
.LBB2_56:
0x1eb: {  	p0 =	sne.s32 s3, $0x270;
	v3 =	vld [tilespmem:s4+$0xF480];
	[tilespmem:s1+$0xEF80] =	vst v2;
	s1 =	smov.u32 s4  }
0x1ec: {  	v2 =	vld [tilespmem:s1+$0xEF80];
	_ =	sdelay $0x1  }
.Ltmp27:
0x1ed: {  	(pc) =	sbr.rel @p0 .LBB2_56-.Ltmp27, $4  }
0x1ee: {  	_ = 	snop  }
0x1ef: {  	s2 =	sadd.s32 $0x20, s2  }
0x1f0: {  	s4 =	sand.u32 $0x70, s3;
	s7 =	sand.u32 $0x700, s2;
	v2 =	vadd.f32 v3, v2  }
0x1f1: {  	s3 =	sadd.s32 $0x10, s3;
	s4 =	sor.u32 s7, s4  }
0x1f2: {  	v3 =	vld [tilespmem:s4+$0xF480];
	[tilespmem:s1+$0xEF80] =	vst v2  }
0x1f3: {  	v2 =	vld [tilespmem:s4+$0xEF80];
	_ =	sdelay $0x4  }
0x1f4: {  	v2 =	vadd.f32 v3, v2;
	_ =	sdelay $0x1  }
0x1f5: {  	[tilespmem:s4+$0xEF80] =	vst v2  }
0x1f6: {  	[tilespmem:s0], [sflag:$0x1] =	stream.linear.gather [spmem:s19], $0x500, $0x38;
	[tilespmem:$0xF900] =	vst v63  }
0x1f7: {  	s8 =	simm.s32 $0x0;
	_ =	swait.ge [sflag:s25], $0x500  }
0x1f8: {  	s2 =	sand.u32 $0x70, s8;
	s1 =	sand.u32 $0x700, s8;
	[sflag:s25] =	ssyncset.done $0x0  }
0x1f9: {  	s4 =	sor.u32 s2, s1;
	[sflag:s25] =	ssyncadd.s32 $0xFFFFFB00  }
0x1fa: {  	v2 =	vld [tilespmem:s4+$0xF400]  }
0x1fb: {  	v3 =	vld [tilespmem:s4+$0xEF00];
	_ =	sdelay $0x3  }
0x1fc: {  	s3 =	simm.s32 $0x10;
	s30 =	simm.s32 $0x20  }
0x1fd: {  	s3 =	sand.u32 $0x70, s3;
	s7 =	sand.u32 $0x700, s30;
	v2 =	vadd.f32 v2, v3  }
0x1fe: {  	s31 =	sor.u32 s3, s7;
	s7 =	simm.s32 $0x20  }
.LBB2_58:
0x1ff: {  	p0 =	sne.s32 s7, $0x270;
	v3 =	vld [tilespmem:s31+$0xF400];
	[tilespmem:s4+$0xEF00] =	vst v2;
	s4 =	smov.u32 s31  }
0x200: {  	v2 =	vld [tilespmem:s4+$0xEF00];
	_ =	sdelay $0x1  }
.Ltmp28:
0x201: {  	(pc) =	sbr.rel @p0 .LBB2_58-.Ltmp28, $4  }
0x202: {  	_ = 	snop  }
0x203: {  	s30 =	sadd.s32 $0x20, s30  }
0x204: {  	s8 =	sand.u32 $0x70, s7;
	s31 =	sand.u32 $0x700, s30;
	v2 =	vadd.f32 v3, v2  }
0x205: {  	s7 =	sadd.s32 $0x10, s7;
	s31 =	sor.u32 s8, s31  }
0x206: {  	v3 =	vld [tilespmem:s31+$0xF400];
	[tilespmem:s4+$0xEF00] =	vst v2  }
0x207: {  	v2 =	vld [tilespmem:s31+$0xEF00];
	_ =	sdelay $0x4  }
0x208: {  	v2 =	vadd.f32 v3, v2;
	_ =	sdelay $0x1  }
0x209: {  	s1 =	sor.u32 s1, s2;
	[tilespmem:s31+$0xEF00] =	vst v2  }
0x20a: {  	v2 =	vld [tilespmem:s1+$0xF480]  }
0x20b: {  	v3 =	vld [tilespmem:s1+$0xEF80];
	_ =	sdelay $0x3  }
0x20c: {  	s2 =	simm.s32 $0x20  }
0x20d: {  	s31 =	sand.u32 $0x700, s2;
	v2 =	vadd.f32 v2, v3  }
0x20e: {  	s4 =	sor.u32 s31, s3;
	s3 =	simm.s32 $0x20  }
.LBB2_60:
0x20f: {  	p0 =	sne.s32 s3, $0x270;
	v3 =	vld [tilespmem:s4+$0xF480];
	[tilespmem:s1+$0xEF80] =	vst v2;
	s1 =	smov.u32 s4  }
0x210: {  	v2 =	vld [tilespmem:s1+$0xEF80];
	_ =	sdelay $0x1  }
.Ltmp29:
0x211: {  	(pc) =	sbr.rel @p0 .LBB2_60-.Ltmp29, $4  }
0x212: {  	_ = 	snop  }
0x213: {  	s2 =	sadd.s32 $0x20, s2  }
0x214: {  	s4 =	sand.u32 $0x70, s3;
	s7 =	sand.u32 $0x700, s2;
	v2 =	vadd.f32 v3, v2  }
0x215: {  	s3 =	sadd.s32 $0x10, s3;
	s4 =	sor.u32 s7, s4  }
0x216: {  	v3 =	vld [tilespmem:s4+$0xF480];
	[tilespmem:s1+$0xEF80] =	vst v2  }
0x217: {  	v2 =	vld [tilespmem:s4+$0xEF80];
	_ =	sdelay $0x4  }
0x218: {  	v2 =	vadd.f32 v3, v2;
	_ =	sdelay $0x1  }
0x219: {  	[tilespmem:s4+$0xEF80] =	vst v2  }
0x21a: {  	[tilespmem:s0], [sflag:$0x1] =	stream.linear.gather [spmem:s20], $0x500, $0x38;
	[tilespmem:$0xF900] =	vst v63  }
0x21b: {  	s8 =	simm.s32 $0x0;
	_ =	swait.ge [sflag:s25], $0x500  }
0x21c: {  	s2 =	sand.u32 $0x70, s8;
	s1 =	sand.u32 $0x700, s8;
	[sflag:s25] =	ssyncset.done $0x0  }
0x21d: {  	s4 =	sor.u32 s2, s1;
	[sflag:s25] =	ssyncadd.s32 $0xFFFFFB00  }
0x21e: {  	v2 =	vld [tilespmem:s4+$0xF400]  }
0x21f: {  	v3 =	vld [tilespmem:s4+$0xEF00];
	_ =	sdelay $0x3  }
0x220: {  	s3 =	simm.s32 $0x10;
	s30 =	simm.s32 $0x20  }
0x221: {  	s3 =	sand.u32 $0x70, s3;
	s7 =	sand.u32 $0x700, s30;
	v2 =	vadd.f32 v2, v3  }
0x222: {  	s31 =	sor.u32 s3, s7;
	s7 =	simm.s32 $0x20  }
.LBB2_62:
0x223: {  	p0 =	sne.s32 s7, $0x270;
	v3 =	vld [tilespmem:s31+$0xF400];
	[tilespmem:s4+$0xEF00] =	vst v2;
	s4 =	smov.u32 s31  }
0x224: {  	v2 =	vld [tilespmem:s4+$0xEF00];
	_ =	sdelay $0x1  }
.Ltmp30:
0x225: {  	(pc) =	sbr.rel @p0 .LBB2_62-.Ltmp30, $4  }
0x226: {  	_ = 	snop  }
0x227: {  	s30 =	sadd.s32 $0x20, s30  }
0x228: {  	s8 =	sand.u32 $0x70, s7;
	s31 =	sand.u32 $0x700, s30;
	v2 =	vadd.f32 v3, v2  }
0x229: {  	s7 =	sadd.s32 $0x10, s7;
	s31 =	sor.u32 s8, s31  }
0x22a: {  	v3 =	vld [tilespmem:s31+$0xF400];
	[tilespmem:s4+$0xEF00] =	vst v2  }
0x22b: {  	v2 =	vld [tilespmem:s31+$0xEF00];
	_ =	sdelay $0x4  }
0x22c: {  	v2 =	vadd.f32 v3, v2;
	_ =	sdelay $0x1  }
0x22d: {  	s1 =	sor.u32 s1, s2;
	[tilespmem:s31+$0xEF00] =	vst v2  }
0x22e: {  	v2 =	vld [tilespmem:s1+$0xF480]  }
0x22f: {  	v3 =	vld [tilespmem:s1+$0xEF80];
	_ =	sdelay $0x3  }
0x230: {  	s2 =	simm.s32 $0x20  }
0x231: {  	s31 =	sand.u32 $0x700, s2;
	v2 =	vadd.f32 v2, v3  }
0x232: {  	s4 =	sor.u32 s31, s3;
	s3 =	simm.s32 $0x20  }
.LBB2_64:
0x233: {  	p0 =	sne.s32 s3, $0x270;
	v3 =	vld [tilespmem:s4+$0xF480];
	[tilespmem:s1+$0xEF80] =	vst v2;
	s1 =	smov.u32 s4  }
0x234: {  	v2 =	vld [tilespmem:s1+$0xEF80];
	_ =	sdelay $0x1  }
.Ltmp31:
0x235: {  	(pc) =	sbr.rel @p0 .LBB2_64-.Ltmp31, $4  }
0x236: {  	_ = 	snop  }
0x237: {  	s2 =	sadd.s32 $0x20, s2  }
0x238: {  	s4 =	sand.u32 $0x70, s3;
	s7 =	sand.u32 $0x700, s2;
	v2 =	vadd.f32 v3, v2  }
0x239: {  	s3 =	sadd.s32 $0x10, s3;
	s4 =	sor.u32 s7, s4  }
0x23a: {  	v3 =	vld [tilespmem:s4+$0xF480];
	[tilespmem:s1+$0xEF80] =	vst v2  }
0x23b: {  	v2 =	vld [tilespmem:s4+$0xEF80];
	_ =	sdelay $0x4  }
0x23c: {  	v2 =	vadd.f32 v3, v2;
	_ =	sdelay $0x1  }
0x23d: {  	[tilespmem:s4+$0xEF80] =	vst v2  }
0x23e: {  	[tilespmem:s0], [sflag:$0x1] =	stream.linear.gather [spmem:s21], $0x500, $0x38;
	[tilespmem:$0xF900] =	vst v63  }
0x23f: {  	s8 =	simm.s32 $0x0;
	_ =	swait.ge [sflag:s25], $0x500  }
0x240: {  	s2 =	sand.u32 $0x70, s8;
	s1 =	sand.u32 $0x700, s8;
	[sflag:s25] =	ssyncset.done $0x0  }
0x241: {  	s4 =	sor.u32 s2, s1;
	[sflag:s25] =	ssyncadd.s32 $0xFFFFFB00  }
0x242: {  	v2 =	vld [tilespmem:s4+$0xF400]  }
0x243: {  	v3 =	vld [tilespmem:s4+$0xEF00];
	_ =	sdelay $0x3  }
0x244: {  	s3 =	simm.s32 $0x10;
	s30 =	simm.s32 $0x20  }
0x245: {  	s3 =	sand.u32 $0x70, s3;
	s7 =	sand.u32 $0x700, s30;
	v2 =	vadd.f32 v2, v3  }
0x246: {  	s31 =	sor.u32 s3, s7;
	s7 =	simm.s32 $0x20  }
.LBB2_66:
0x247: {  	p0 =	sne.s32 s7, $0x270;
	v3 =	vld [tilespmem:s31+$0xF400];
	[tilespmem:s4+$0xEF00] =	vst v2;
	s4 =	smov.u32 s31  }
0x248: {  	v2 =	vld [tilespmem:s4+$0xEF00];
	_ =	sdelay $0x1  }
.Ltmp32:
0x249: {  	(pc) =	sbr.rel @p0 .LBB2_66-.Ltmp32, $4  }
0x24a: {  	_ = 	snop  }
0x24b: {  	s30 =	sadd.s32 $0x20, s30  }
0x24c: {  	s8 =	sand.u32 $0x70, s7;
	s31 =	sand.u32 $0x700, s30;
	v2 =	vadd.f32 v3, v2  }
0x24d: {  	s7 =	sadd.s32 $0x10, s7;
	s31 =	sor.u32 s8, s31  }
0x24e: {  	v3 =	vld [tilespmem:s31+$0xF400];
	[tilespmem:s4+$0xEF00] =	vst v2  }
0x24f: {  	v2 =	vld [tilespmem:s31+$0xEF00];
	_ =	sdelay $0x4  }
0x250: {  	v2 =	vadd.f32 v3, v2;
	_ =	sdelay $0x1  }
0x251: {  	s1 =	sor.u32 s1, s2;
	[tilespmem:s31+$0xEF00] =	vst v2  }
0x252: {  	v2 =	vld [tilespmem:s1+$0xF480]  }
0x253: {  	v3 =	vld [tilespmem:s1+$0xEF80];
	_ =	sdelay $0x3  }
0x254: {  	s2 =	simm.s32 $0x20  }
0x255: {  	s31 =	sand.u32 $0x700, s2;
	v2 =	vadd.f32 v2, v3  }
0x256: {  	s4 =	sor.u32 s31, s3;
	s3 =	simm.s32 $0x20  }
.LBB2_68:
0x257: {  	p0 =	sne.s32 s3, $0x270;
	v3 =	vld [tilespmem:s4+$0xF480];
	[tilespmem:s1+$0xEF80] =	vst v2;
	s1 =	smov.u32 s4  }
0x258: {  	v2 =	vld [tilespmem:s1+$0xEF80];
	_ =	sdelay $0x1  }
.Ltmp33:
0x259: {  	(pc) =	sbr.rel @p0 .LBB2_68-.Ltmp33, $4  }
0x25a: {  	_ = 	snop  }
0x25b: {  	s2 =	sadd.s32 $0x20, s2  }
0x25c: {  	s4 =	sand.u32 $0x70, s3;
	s7 =	sand.u32 $0x700, s2;
	v2 =	vadd.f32 v3, v2  }
0x25d: {  	s3 =	sadd.s32 $0x10, s3;
	s4 =	sor.u32 s7, s4  }
0x25e: {  	v3 =	vld [tilespmem:s4+$0xF480];
	[tilespmem:s1+$0xEF80] =	vst v2  }
0x25f: {  	v2 =	vld [tilespmem:s4+$0xEF80];
	_ =	sdelay $0x4  }
0x260: {  	v2 =	vadd.f32 v3, v2;
	_ =	sdelay $0x1  }
0x261: {  	[tilespmem:s4+$0xEF80] =	vst v2  }
0x262: {  	[tilespmem:s0], [sflag:$0x1] =	stream.linear.gather [spmem:s22], $0x500, $0x38;
	[tilespmem:$0xF900] =	vst v63  }
0x263: {  	s8 =	simm.s32 $0x0;
	_ =	swait.ge [sflag:s25], $0x500  }
0x264: {  	s2 =	sand.u32 $0x70, s8;
	s1 =	sand.u32 $0x700, s8;
	[sflag:s25] =	ssyncset.done $0x0  }
0x265: {  	s4 =	sor.u32 s2, s1;
	[sflag:s25] =	ssyncadd.s32 $0xFFFFFB00  }
0x266: {  	v2 =	vld [tilespmem:s4+$0xF400]  }
0x267: {  	v3 =	vld [tilespmem:s4+$0xEF00];
	_ =	sdelay $0x3  }
0x268: {  	s3 =	simm.s32 $0x10;
	s30 =	simm.s32 $0x20  }
0x269: {  	s3 =	sand.u32 $0x70, s3;
	s7 =	sand.u32 $0x700, s30;
	v2 =	vadd.f32 v2, v3  }
0x26a: {  	s31 =	sor.u32 s3, s7;
	s7 =	simm.s32 $0x20  }
.LBB2_70:
0x26b: {  	p0 =	sne.s32 s7, $0x270;
	v3 =	vld [tilespmem:s31+$0xF400];
	[tilespmem:s4+$0xEF00] =	vst v2;
	s4 =	smov.u32 s31  }
0x26c: {  	v2 =	vld [tilespmem:s4+$0xEF00];
	_ =	sdelay $0x1  }
.Ltmp34:
0x26d: {  	(pc) =	sbr.rel @p0 .LBB2_70-.Ltmp34, $4  }
0x26e: {  	_ = 	snop  }
0x26f: {  	s30 =	sadd.s32 $0x20, s30  }
0x270: {  	s8 =	sand.u32 $0x70, s7;
	s31 =	sand.u32 $0x700, s30;
	v2 =	vadd.f32 v3, v2  }
0x271: {  	s7 =	sadd.s32 $0x10, s7;
	s31 =	sor.u32 s8, s31  }
0x272: {  	v3 =	vld [tilespmem:s31+$0xF400];
	[tilespmem:s4+$0xEF00] =	vst v2  }
0x273: {  	v2 =	vld [tilespmem:s31+$0xEF00];
	_ =	sdelay $0x4  }
0x274: {  	v2 =	vadd.f32 v3, v2;
	_ =	sdelay $0x1  }
0x275: {  	s1 =	sor.u32 s1, s2;
	[tilespmem:s31+$0xEF00] =	vst v2  }
0x276: {  	v2 =	vld [tilespmem:s1+$0xF480]  }
0x277: {  	v3 =	vld [tilespmem:s1+$0xEF80];
	_ =	sdelay $0x3  }
0x278: {  	s2 =	simm.s32 $0x20  }
0x279: {  	s31 =	sand.u32 $0x700, s2;
	v2 =	vadd.f32 v2, v3  }
0x27a: {  	s4 =	sor.u32 s31, s3;
	s3 =	simm.s32 $0x20  }
.LBB2_72:
0x27b: {  	p0 =	sne.s32 s3, $0x270;
	v3 =	vld [tilespmem:s4+$0xF480];
	[tilespmem:s1+$0xEF80] =	vst v2;
	s1 =	smov.u32 s4  }
0x27c: {  	v2 =	vld [tilespmem:s1+$0xEF80];
	_ =	sdelay $0x1  }
.Ltmp35:
0x27d: {  	(pc) =	sbr.rel @p0 .LBB2_72-.Ltmp35, $4  }
0x27e: {  	_ = 	snop  }
0x27f: {  	s2 =	sadd.s32 $0x20, s2  }
0x280: {  	s4 =	sand.u32 $0x70, s3;
	s7 =	sand.u32 $0x700, s2;
	v2 =	vadd.f32 v3, v2  }
0x281: {  	s3 =	sadd.s32 $0x10, s3;
	s4 =	sor.u32 s7, s4  }
0x282: {  	v3 =	vld [tilespmem:s4+$0xF480];
	[tilespmem:s1+$0xEF80] =	vst v2  }
0x283: {  	v2 =	vld [tilespmem:s4+$0xEF80];
	_ =	sdelay $0x4  }
0x284: {  	s26 =	sadd.s32 $0x1, s26;
	v2 =	vadd.f32 v3, v2  }
0x285: {  	p0 =	sne.s32 s26, s24  }
.Ltmp36:
0x286: {  	s31 =	simm.s32 $0x0;
	s2 =	simm.s32 $0xEF00;
	[tilespmem:s4+$0xEF80] =	vst v2;
	(pc) =	sbr.rel @p0 .LBB2_1-.Ltmp36, $4  }
0x287: {  	[hbm4b:s23+s31] =	stream.linear.scatter [tilespmem:s2], [sflag:$0x1], $0x500, $0x38;
	[tilespmem:$0xF900] =	vst v63  }
0x288: {  	_ =	swait.ge [sflag:s25], $0x500  }
0x289: {  	[sflag:s25] =	ssyncset.done $0x0  }
0x28a: {  	[sflag:s25] =	ssyncadd.s32 $0xFFFFFB00  }
0x28b: {  	_ =	sfence.sel $0x180000  }
0x28c: {  	[bflag:$0x0] =	sbarrier.arrive $0xFFFF  }
0x28d: {  	_ =	strace $0x90000047  }
0x28e: {  	s0 =	stileid.u32;
	[bflag:$0x2] =	sbarrier.arrive $0xFFFF  }
0x28f: {  	p0 =	sne.s32 s0, $0x0;
	s0 =	rddreg [dreg:$0x3]  }
0x290: {  	s0 =	sadd.s32 @!p0 $0x100000, s0  }
0x291: {  	[sflag:s0] =	ssyncadd.tile.s32 @!p0 $0x1;
	_ =	shalt  }
.Lfunc_end2:
_tile_overlayer_lowered:
.L_overlay_start_2:
0x292: {  	(tag) =	ssettag $0x2  }
0x293: {  	s0 =	rddreg [dreg:$0x0];
	s2 =	stileid.u32  }
0x294: {  	s1 =	rddreg [dreg:$0x1];
	p0 =	sne.s32 s2, $0x0  }
0x295: {  	s3 =	rddreg [dreg:$0x2];
	[bflag:$0x3] =	sbarrier.arrive $0xFFFF;
	s2 =	simm.s32 @!p0 $0x1C01  }
0x296: {  	[timem:s3], [sflag:s2] =	dma.local @!p0 [hbm:s0], s1  }
0x297: {  	s0 =	simm.s32 @!p0 $0x1  }
0x298: {  	_ =	swait.ge @!p0 [sflag:s0], s1  }
0x299: {  	s1 =	ssub.s32 @!p0 $0x0, s1;
	[sflag:s0] =	ssyncset.done @!p0 $0x0  }
0x29a: {  	[sflag:s0] =	ssyncadd.s32 @!p0 s1  }
0x29b: {  	[bflag:$0x3] =	sbarrier.arrive $0xFFFF  }
0x29c: {  	_ =	shalt  }

// kernel: kernel.9.cloned.1.call-start
scs
__scs_entry_jumppad:
0x0: {  	(pc) =	sbr.rel $0x88, $3  }
0x1: {  	(tag) =	ssettag $0x0;
	lr =	simm.s32 $0x1  }
0x2: {  	[smem:$0x3F9D] =	sst lr;
	_ =	strace $0xD0000000  }
0x3: {  	_ = 	snop  }
0x4: {  	_ = 	snop  }
0x5: {  	_ = 	snop  }
0x6: {  	_ = 	snop  }
0x7: {  	_ = 	snop  }
__scs_overlays_trampoline_lowered:
0x8: {  	[smem:$0x3FAC] =	sst s0  }
0x9: {  	[smem:$0x3FAD] =	sst s1  }
0xa: {  	[smem:$0x3FAE] =	sst s2  }
0xb: {  	[smem:$0x3FAF] =	sst s3  }
0xc: {  	[smem:$0x3FB0] =	sst s4  }
0xd: {  	[smem:$0x3FB1] =	sst s5  }
0xe: {  	[smem:$0x3FB2] =	sst s6  }
0xf: {  	[smem:$0x3FB3] =	sst s7  }
0x10: {  	[smem:$0x3FB4] =	sst s8  }
0x11: {  	[smem:$0x3FB5] =	sst s9;
	s0 =	simm.s32 @!p0 $0x0  }
0x12: {  	s1 =	sld [smem:$0x3F9B];
	s0 =	simm.s32 @p0 $0x1  }
0x13: {  	[smem:$0x3FB6] =	sst s0;
	s0 =	simm.s32 @!p1 $0x0  }
0x14: {  	s2 =	sld [smem:$0x3F9A];
	s0 =	simm.s32 @p1 $0x1  }
0x15: {  	[smem:$0x3FB7] =	sst s0;
	s0 =	simm.s32 @!p2 $0x0  }
0x16: {  	s3 =	sld [smem:$0x3FDB];
	s0 =	simm.s32 @p2 $0x1  }
0x17: {  	s4 =	simm.s32 $0x1BF5;
	[smem:$0x3FB9] =	sst s0  }
0x18: {  	s0 =	sld [smem:$0x3F9C];
	_ =	swait.ge [sflag:s4], $0x0  }
0x19: {  	s7 =	sld [smem:$0x3F9D]  }
0x1a: {  	s8 =	sadd.s32 $0xFFFFE003, lr  }
0x1b: {  	s9 =	sadd.s32 $0xFFFFFEF7, lr;
	s5 =	simm.s32 $0xFFFFFFFF;
	p2 =	slt.u32 s8, $0xFFFFF086  }
0x1c: {  	p1 =	slt.u32 s9, $0xF7A;
	s5 =	simm.s32 @!p2 $0x0  }
0x1d: {  	s5 =	simm.s32 @p1 $0x1;
	p0 =	seq.s32 s7, s2  }
0x1e: {  	s7 =	smul.u32 @!p0 $0xF7A, s2;
	p2 =	seq.s32 @!p0 s5, $0x0  }
0x1f: {  	s9 =	smul.u32 $0xF7A, s1;
	s8 =	simm.s32 @!p0 $0x1BF5;
	p2 =	por !p2, p0  }
0x20: {  	[sflag:s8] =	ssyncset.s32 @!p0 $0xFFFFF086;
	s6 =	sadd.s32 @!p0 s3, s7;
	s7 =	simm.s32 @!p0 $0x108  }
0x21: {  	s3 =	sadd.s32 s3, s9;
	s6 =	sadd.s32 @!p0 $0x88, s6;
	s7 =	simm.s32 @p2 $0x1082  }
0x22: {  	[simem:s7], [sflag:s8] =	dma.local @!p0 [hbm:s6], $0xF7A  }
0x23: {  	s9 =	sor.u32 $0xD0000000, s2;
	s6 =	simm.s32 $0x108;
	_ =	swait.ge @!p0 [sflag:s8], $0x0  }
0x24: {  	s3 =	sadd.s32 $0x88, s3;
	s6 =	simm.s32 @!p1 $0x1082;
	[sflag:s4] =	ssyncset.s32 $0xFFFFF086  }
0x25: {  	[simem:s6], [sflag:s4] =	dma.local [hbm:s3], $0xF7A  }
0x26: {  	[smem:$0x3F9D] =	sst s1;
	(tag) =	ssettag s2;
	_ =	strace s9  }
0x27: {  	s1 =	sld [smem:$0x3FAD]  }
0x28: {  	s2 =	sld [smem:$0x3FAE]  }
0x29: {  	s4 =	sld [smem:$0x3FB0]  }
0x2a: {  	p0 =	seq.s32 s5, $0x0;
	s5 =	sld [smem:$0x3FB1]  }
0x2b: {  	s6 =	sld [smem:$0x3FB2]  }
0x2c: {  	s7 =	sld [smem:$0x3FB3]  }
0x2d: {  	s3 =	simm.s32 $0x108;
	s8 =	sld [smem:$0x3FB4]  }
0x2e: {  	s3 =	simm.s32 @!p0 $0x1082;
	s9 =	sld [smem:$0x3FB5]  }
0x2f: {  	lr =	sadd.s32 s0, s3;
	s0 =	sld [smem:$0x3FAC]  }
0x30: {  	s3 =	sld [smem:$0x3FAF]  }
0x31: {  	[smem:$0x3FB8] =	sst s10  }
0x32: {  	s10 =	sld [smem:$0x3FB6];
	_ =	sdelay $0x3  }
0x33: {  	p0 =	seq.s32 s10, $0x1;
	s10 =	sld [smem:$0x3FB8];
	_ =	sdelay $0x3  }
0x34: {  	[smem:$0x3FB8] =	sst s10  }
0x35: {  	s10 =	sld [smem:$0x3FB7];
	_ =	sdelay $0x3  }
0x36: {  	p1 =	seq.s32 s10, $0x1;
	s10 =	sld [smem:$0x3FB8];
	_ =	sdelay $0x3  }
0x37: {  	[smem:$0x3FB8] =	sst s10  }
0x38: {  	s10 =	sld [smem:$0x3FB9]  }
0x39: {  	_ = 	snop;
	(pc) =	sbr.ind lr, $3  }
0x3a: {  	_ = 	snop  }
0x3b: {  	_ = 	snop  }
0x3c: {  	p2 =	seq.s32 s10, $0x1;
	s10 =	sld [smem:$0x3FB8]  }
0x3d: {  	_ =	shalt  }
0x3e: {  	_ =	shalt  }
0x3f: {  	_ =	shalt  }
0x40: {  	_ =	shalt  }
0x41: {  	_ =	shalt  }
0x42: {  	_ =	shalt  }
0x43: {  	_ =	shalt  }
0x44: {  	_ =	shalt  }
0x45: {  	_ =	shalt  }
0x46: {  	_ =	shalt  }
0x47: {  	_ =	shalt  }
0x48: {  	_ =	shalt  }
0x49: {  	_ =	shalt  }
0x4a: {  	_ =	shalt  }
0x4b: {  	_ =	shalt  }
0x4c: {  	_ =	shalt  }
0x4d: {  	_ =	shalt  }
0x4e: {  	_ =	shalt  }
0x4f: {  	_ =	shalt  }
0x50: {  	_ =	shalt  }
0x51: {  	_ =	shalt  }
0x52: {  	_ =	shalt  }
0x53: {  	_ =	shalt  }
0x54: {  	_ =	shalt  }
0x55: {  	_ =	shalt  }
0x56: {  	_ =	shalt  }
0x57: {  	_ =	shalt  }
0x58: {  	_ =	shalt  }
0x59: {  	_ =	shalt  }
0x5a: {  	_ =	shalt  }
0x5b: {  	_ =	shalt  }
0x5c: {  	_ =	shalt  }
0x5d: {  	_ =	shalt  }
0x5e: {  	_ =	shalt  }
0x5f: {  	_ =	shalt  }
0x60: {  	_ =	shalt  }
0x61: {  	_ =	shalt  }
0x62: {  	_ =	shalt  }
0x63: {  	_ =	shalt  }
0x64: {  	_ =	shalt  }
0x65: {  	_ =	shalt  }
0x66: {  	_ =	shalt  }
0x67: {  	_ =	shalt  }
0x68: {  	_ =	shalt  }
0x69: {  	_ =	shalt  }
0x6a: {  	_ =	shalt  }
0x6b: {  	_ =	shalt  }
0x6c: {  	_ =	shalt  }
0x6d: {  	_ =	shalt  }
0x6e: {  	_ =	shalt  }
0x6f: {  	_ =	shalt  }
0x70: {  	_ =	shalt  }
0x71: {  	_ =	shalt  }
0x72: {  	_ =	shalt  }
0x73: {  	_ =	shalt  }
0x74: {  	_ =	shalt  }
0x75: {  	_ =	shalt  }
0x76: {  	_ =	shalt  }
0x77: {  	_ =	shalt  }
0x78: {  	_ =	shalt  }
0x79: {  	_ =	shalt  }
0x7a: {  	_ =	shalt  }
0x7b: {  	_ =	shalt  }
0x7c: {  	_ =	shalt  }
0x7d: {  	_ =	shalt  }
0x7e: {  	_ =	shalt  }
0x7f: {  	_ =	shalt  }
0x80: {  	_ =	shalt  }
0x81: {  	_ =	shalt  }
0x82: {  	_ =	shalt  }
0x83: {  	_ =	shalt  }
0x84: {  	_ =	shalt  }
0x85: {  	_ =	shalt  }
0x86: {  	_ =	shalt  }
0x87: {  	_ =	shalt  }
.Lfunc_end0:
.L_simem_size_0:
called_computation.1_lowered:
.L_overlay_start_0:
0x88: {  	s2 =	sld [smem:$0x3FD9]  }
0x89: {  	s3 =	sld [smem:$0x3FFE];
	_ =	sdelay $0x1  }
0x8a: {  	s1 =	srdreg.scid  }
0x8b: {  	s0 =	sand.u32 $0x1, s1  }
0x8c: {  	s17 =	sshll.u32 s0, $0xA;
	s2 =	sadd.s32 s3, s2  }
0x8d: {  	s2 =	sadd.s32 s2, s17  }
0x8e: {  	[smem:$0x3FC4] =	sst s2  }
0x8f: {  	_ = 	snop  }
0x90: {  	s2 =	sld [smem:$0x3FD0];
	(tm) =	ssettm $0x1  }
0x91: {  	s18 =	sld [smem:$0x3FFB];
	_ =	sdelay $0x3  }
0x92: {  	_ =	strace s18  }
0x93: {  	s3 =	sld [smem:$0x3FFC];
	_ =	sdelay $0x3  }
0x94: {  	_ =	strace s3  }
0x95: {  	s3 =	sld [smem:$0x3FFD];
	_ =	sdelay $0x3  }
0x96: {  	_ =	strace s3  }
0x97: {  	_ =	strace $0x8FFFFFFF  }
0x98: {  	s19 =	sld [smem:$0x3FDB];
	_ =	sdelay $0x1  }
0x99: {  	s4 =	simm.s32 $_scs_section_size  }
0x9a: {  	s5 =	simm.s32 $_size__tile_overlayer_lowered;
	s6 =	simm.s32 $_tile_overlayer_lowered  }
0x9b: {  	s22 =	simm.s32 $0x1BFF;
	s21 =	sshll.u32 s6, $0x1;
	s3 =	sadd.s32 s4, s19  }
0x9c: {  	s7 =	simm.s32 $0x0;
	s20 =	sshll.u32 s5, $0x1;
	s5 =	sadd.s32 s21, s3  }
0x9d: {  	[timem:s7], [sflag:s22] =	dma.local [hbm:s5], s20  }
0x9e: {  	_ =	swait.ge [sflag:s22], s20  }
0x9f: {  	s4 =	ssub.s32 $0x0, s20;
	[sflag:s22] =	ssyncset.done $0x0  }
0xa0: {  	[sflag:s22] =	ssyncadd.s32 s4;
	_ =	sdelay $0x1  }
0xa1: {  	s23 =	simm.s32 $0x1B8B  }
0xa2: {  	_ =	swait.ge [sflag:s23], $0x1  }
0xa3: {  	[sflag:s23] =	ssyncset.done $0x0  }
0xa4: {  	s25 =	simm.s32 $0x1B8E;
	s24 =	sld [smem:$0x3FFE];
	[sflag:s23] =	ssyncadd.s32 $0xFFFFFFFF  }
0xa5: {  	s26 =	simm.s32 $execute0_lowered;
	[smem:$0x3FD2] =	sst s25  }
0xa6: {  	s5 =	sshll.u32 s26, $0x1;
	_ =	strace $0x80000049;
	[dreg:$0x1] =	wrdreg $0xFFFFFFFF  }
0xa7: {  	s28 =	simm.s32 $_size_execute0_lowered;
	s3 =	sadd.s32 s3, s5;
	[dreg:$0x0] =	wrdreg $0x0  }
0xa8: {  	s5 =	sshll.u32 s28, $0x1;
	[dreg:$0x2] =	wrdreg s3  }
0xa9: {  	[dreg:$0x3] =	wrdreg s5  }
0xaa: {  	[dreg:$0x4] =	wrdreg $0xC0  }
0xab: {  	_ =	task [dreg:s7], $0x5FFFF  }
0xac: {  	[dreg:$0x1] =	wrdreg $0xFFFFFFFF  }
0xad: {  	[dreg:$0x0] =	wrdreg $0x60  }
0xae: {  	[dreg:$0x2] =	wrdreg s24  }
0xaf: {  	[dreg:$0x3] =	wrdreg s2  }
0xb0: {  	[dreg:$0x4] =	wrdreg $0xC3000  }
0xb1: {  	[dreg:$0x5] =	wrdreg $0x9  }
0xb2: {  	_ =	task.clear_ibuf [dreg:s7], $0x6FFFF;
	_ =	strace $0x90000049  }
0xb3: {  	s29 =	simm.s32 $0x9;
	_ =	strace $0x8000004B  }
0xb4: {  	_ =	swait.ge [sflag:s29], $0x1  }
0xb5: {  	[sflag:s29] =	ssyncadd.s32 $0xFFFFFFFF  }
0xb6: {  	_ =	strace $0x9000004B  }
0xb7: {  	_ =	sfence  }
0xb8: {  	s30 =	sld [smem:$0x0];
	_ =	sdelay $0x2  }
0xb9: {  	s31 =	sshll.u32 s1, $0xD;
	s1 =	sshrl.u32 s1, $0x2  }
0xba: {  	s3 =	sand.u32 $0x4000, s31;
	s1 =	sadd.s32 s1, s30  }
0xbb: {  	s0 =	sor.u32 s3, s0;
	s1 =	sshll.u32 s1, $0x11  }
0xbc: {  	s0 =	sor.u32 s1, s0  }
0xbd: {  	s0 =	sadd.s32 $0x8F2B, s0  }
0xbe: {  	[sflag:s0] =	ssyncadd.remote.s32 $0x1  }
0xbf: {  	_ =	sfence.sel $0xFFFF  }
0xc0: {  	[dreg:$0x0] =	wrdreg $0xFFFFFFFF;
	(pc) =	sbr.abs _section_cstart, $3  }
0xc1: {  	[dreg:$0x1] =	wrdreg $0xFFFFFFFF  }
0xc2: {  	_ =	task.clear_ibuf [dreg:s7], $0x2FFFF;
	_ =	strace $0x9FFFFFFF  }
0xc3: {  	(tm) =	ssettm $0x7FFFFFFF  }
tec
execute0_lowered:
.L_overlay_start_1:
0x0: {  	(tag) =	ssettag $0x1  }
0x1: {  	s1 =	rddreg [dreg:$0x0];
	s2 =	srdreg.scid  }
0x2: {  	s0 =	rddreg [dreg:$0x1];
	s11 =	stileid.u32;
	s3 =	simm.s32 $0x0  }
0x3: {  	s9 =	simm.s32 $0x76;
	s28 =	simm.s32 $0x80;
	s29 =	simm.s32 $0x4300  }
0x4: {  	s30 =	simm.s32 $0x100;
	s5 =	sand.u32 $0x1, s2;
	s2 =	rddreg [dreg:$0x2]  }
0x5: {  	s31 =	simm.s32 $0x8300;
	s6 =	smul.u32 $0x13C00, s11;
	[smem:$0x7FF] =	sst s3  }
0x6: {  	s7 =	sadd.s32 $0x600, s1;
	s10 =	smul.u32 $0x4F000, s11;
	s14 =	smin.u32 s11, $0x8  }
0x7: {  	s4 =	smul.u32 $0x13C000, s5;
	_ =	strace $0x8000004A;
	s21 =	ssub.s32 $0x2, s5  }
0x8: {  	p0 =	seq.s32 s5, $0x0;
	s5 =	ssub.s32 $0x0, s5;
	s8 =	sshrl.u32 s21, $0x1  }
0x9: {  	s9 =	simm.s32 @!p0 $0x27;
	p0 =	slt.u32 s11, $0x8;
	s12 =	sand.u32 $0x768, s5  }
0xa: {  	s5 =	simm.s32 $0x1;
	s10 =	sshrl.u32 s10, $0x2;
	s6 =	sadd.s32 s6, s4  }
0xb: {  	s4 =	sadd.s32 $0xA400, s1;
	s8 =	ssub.s32 s21, s8;
	s6 =	sshrl.u32 s6, $0x3  }
0xc: {  	s13 =	smul.u32 s11, s9;
	s1 =	sadd.s32 s6, s1;
	s6 =	simm.s32 $0x1  }
0xd: {  	s11 =	sadd.s32 s14, s12;
	s12 =	sshll.u32 s12, $0x4;
	s6 =	simm.s32 @!p0 $0x0  }
0xe: {  	s14 =	sshll.u32 s14, $0x4;
	s9 =	sadd.s32 s6, s9;
	s6 =	sadd.s32 s10, s2  }
0xf: {  	s10 =	sadd.s32 s13, s11;
	s13 =	sshll.u32 s13, $0x4;
	s22 =	sadd.s32 $0x4000, s6  }
0x10: {  	s23 =	smul.u32 $0x56, s9;
	s15 =	sadd.s32 $0x8000, s6;
	[dreg:$0x4] =	wrdreg s22  }
0x11: {  	s24 =	sadd.s32 $0xC000, s6;
	s25 =	sshll.u32 s10, $0x4;
	[dreg:$0x5] =	wrdreg s15  }
0x12: {  	s16 =	sadd.s32 $0xFC00, s6;
	s19 =	sadd.s32 s13, s7;
	[dreg:$0x6] =	wrdreg s24  }
0x13: {  	s13 =	sadd.s32 s13, s0;
	[dreg:$0x7] =	wrdreg s16;
	s11 =	sadd.s32 s0, s25  }
0x14: {  	s18 =	sadd.s32 $0x10, s25;
	s19 =	sadd.s32 s12, s19;
	s12 =	sadd.s32 s12, s13  }
0x15: {  	s21 =	sadd.s32 $0x20, s25;
	s15 =	simm.s32 $0x200;
	s26 =	sshrl.u32 s23, $0x8  }
0x16: {  	s20 =	sadd.s32 s0, s18;
	s13 =	sadd.s32 s14, s19;
	s14 =	sadd.s32 s14, s12  }
0x17: {  	s23 =	sadd.s32 s0, s21;
	s24 =	sadd.s32 s7, s18;
	s17 =	smul.u32 $0x3, s26  }
0x18: {  	s19 =	sadd.s32 s7, s21;
	s21 =	smax.u32 s8, $0x1;
	[dreg:$0x8] =	wrdreg s20  }
0x19: {  	[dreg:$0xa] =	wrdreg s23;
	p0 =	sge.u32 s17, s9;
	s9 =	ssub.s32 s17, s9  }
0x1a: {  	s22 =	sadd.s32 s17, s10;
	s17 =	sadd.s32 s7, s25;
	s25 =	smul.u32 $0x30, s26  }
.Ltmp0:
0x1b: {  	s8 =	simm.s32 $0x3;
	[dreg:$0xb] =	wrdreg s24;
	(pc) =	sbr.rel .LBB2_1-.Ltmp0, $4  }
0x1c: {  	s20 =	sadd.s32 $0x31600, s1;
	s1 =	simm.s32 $0x180;
	[dreg:$0x9] =	wrdreg s9  }
0x1d: {  	s26 =	sshll.u32 s22, $0x4;
	s9 =	simm.s32 $0x0;
	s22 =	sadd.s32 $0xFFFFFFD0, s25  }
0x1e: {  	s16 =	sadd.s32 s26, s7;
	s24 =	sadd.s32 s26, s0;
	s25 =	simm.s32 $0x300  }
0x1f: {  	v0 =	vimm.f32 $0.0e+00;
	s26 =	simm.s32 $0x4;
	s0 =	simm.s32 $0x280;
	s7 =	simm.s32 $0x2  }
.LBB2_8:
0x20: {  	[sflag:s26] =	ssyncadd.s32 $0xFFFFC000  }
.LBB2_9:
0x21: {  	s10 =	stileid.u32;
	s9 =	sadd.s32 $0x1, s9  }
0x22: {  	[bflag:$0x0] =	sbarrier.arrive $0xFFFF;
	s10 =	sshll.u32 s10, $0x6;
	p1 =	sne.s32 s9, s21  }
.Ltmp1:
0x23: {  	s12 =	sshrl.u32 s6, $0x3;
	s10 =	sor.u32 $0x1C04, s10;
	(pc) =	sbr.rel @!p1 .LBB2_10-.Ltmp1, $4  }
0x24: {  	[hbm:s20], [sflag:s10] =	dma.local [spmem:s12], $0x2780  }
0x25: {  	_ =	swait.ge [sflag:s26], $0x2780  }
0x26: {  	[sflag:s26] =	ssyncset.done $0x0  }
0x27: {  	[sflag:s26] =	ssyncadd.s32 $0xFFFFD880  }
.LBB2_1:
0x28: {  	s10 =	simm.s32 $0x0;
	s12 =	simm.s32 $0x200  }
.LBB2_2:
0x29: {  	p1 =	sne.s32 s12, $0xFE00;
	[tilespmem:s10+$0x370] =	vst v0  }
0x2a: {  	[tilespmem:s10+$0x300] =	vst v0  }
0x2b: {  	[tilespmem:s10+$0x310] =	vst v0  }
.Ltmp2:
0x2c: {  	[tilespmem:s10+$0x320] =	vst v0;
	(pc) =	sbr.rel @p1 .LBB2_2-.Ltmp2, $4  }
0x2d: {  	[tilespmem:s10+$0x330] =	vst v0  }
0x2e: {  	[tilespmem:s10+$0x340] =	vst v0  }
0x2f: {  	[tilespmem:s10+$0x350] =	vst v0  }
0x30: {  	[tilespmem:s10+$0x360] =	vst v0;
	s10 =	sshra.s32 s12, $0x2;
	s12 =	sadd.s32 $0x200, s12  }
0x31: {  	[tilespmem:s10+$0x370] =	vst v0  }
0x32: {  	[tilespmem:s10+$0x300] =	vst v0  }
0x33: {  	[tilespmem:s10+$0x310] =	vst v0  }
0x34: {  	[tilespmem:s10+$0x320] =	vst v0  }
0x35: {  	[tilespmem:s10+$0x330] =	vst v0  }
0x36: {  	[tilespmem:s10+$0x340] =	vst v0  }
0x37: {  	[tilespmem:s10+$0x350] =	vst v0  }
0x38: {  	[tilespmem:s10+$0x360] =	vst v0  }
0x39: {  	[spmem:s6] =	stream.linear.scatter [tilespmem:s25], [sflag:$0x4], $0x4000, $0x38;
	[tilespmem:$0x1FF00] =	vst v63  }
0x3a: {  	_ =	swait.ge [sflag:s26], $0x4000  }
0x3b: {  	[sflag:s26] =	ssyncset.done $0x0  }
0x3c: {  	s12 =	rddreg [dreg:$0x4];
	[sflag:s26] =	ssyncadd.s32 $0xFFFFC000  }
0x3d: {  	[spmem:s12] =	stream.linear.scatter [tilespmem:s25], [sflag:$0x4], $0x4000, $0x38;
	[tilespmem:$0x1FF00] =	vst v63  }
0x3e: {  	_ =	swait.ge [sflag:s26], $0x4000  }
0x3f: {  	[sflag:s26] =	ssyncset.done $0x0  }
0x40: {  	s18 =	rddreg [dreg:$0x5];
	[sflag:s26] =	ssyncadd.s32 $0xFFFFC000  }
0x41: {  	[spmem:s18] =	stream.linear.scatter [tilespmem:s25], [sflag:$0x4], $0x4000, $0x38;
	[tilespmem:$0x1FF00] =	vst v63  }
0x42: {  	_ =	swait.ge [sflag:s26], $0x4000  }
0x43: {  	[sflag:s26] =	ssyncset.done $0x0  }
0x44: {  	s23 =	rddreg [dreg:$0x6];
	[sflag:s26] =	ssyncadd.s32 $0xFFFFC000  }
0x45: {  	[spmem:s23] =	stream.linear.scatter [tilespmem:s25], [sflag:$0x4], $0x4000, $0x38;
	[tilespmem:$0x1FF00] =	vst v63  }
0x46: {  	_ =	swait.ge [sflag:s26], $0x4000  }
0x47: {  	[sflag:s26] =	ssyncset.done $0x0  }
0x48: {  	s12 =	rddreg [dreg:$0x7];
	[sflag:s26] =	ssyncadd.s32 $0xFFFFC000  }
0x49: {  	[spmem:s12] =	stream.linear.scatter [tilespmem:s25], [sflag:$0x4], $0x4000, $0x38;
	[tilespmem:$0x1FF00] =	vst v63  }
0x4a: {  	_ =	swait.ge [sflag:s26], $0x4000  }
0x4b: {  	[sflag:s26] =	ssyncset.done $0x0  }
0x4c: {  	[sflag:s26] =	ssyncadd.s32 $0xFFFFC000  }
0x4d: {  	s10 =	simm.s32 $0x0;
	[bflag:$0x0] =	sbarrier.arrive $0xFFFF  }
0x4e: {  	[tilespmem:s10], [sflag:$0x4] =	stream.linear.gather [hbm4b:s11+s10], $0x80, $0x38;
	[tilespmem:$0x1FF00] =	vst v63  }
0x4f: {  	_ =	swait.ge [sflag:s26], $0x80  }
0x50: {  	[sflag:s26] =	ssyncset.done $0x0  }
0x51: {  	[sflag:s26] =	ssyncadd.s32 $0xFFFFFF80  }
0x52: {  	[tilespmem:s25], [sflag:$0x1] =	stream.indirect.gather [hbm4b:s4+s28], $0x80, s10, s28, $0xb8;
	[tilespmem:$0x1FF00] =	vst v63  }
0x53: {  	s12 =	rddreg [dreg:$0x8]  }
0x54: {  	[tilespmem:s28], [sflag:$0x4] =	stream.linear.gather [hbm4b:s12+s10], $0x80, $0x38;
	[tilespmem:$0x1FF00] =	vst v63  }
0x55: {  	_ =	swait.ge [sflag:s26], $0x80  }
0x56: {  	[sflag:s26] =	ssyncset.done $0x0  }
0x57: {  	[sflag:s26] =	ssyncadd.s32 $0xFFFFFF80  }
0x58: {  	[tilespmem:s29], [sflag:$0x2] =	stream.indirect.gather [hbm4b:s4+s28], $0x80, s28, s28, $0xb8;
	[tilespmem:$0x1FF00] =	vst v63  }
0x59: {  	s18 =	rddreg [dreg:$0xa]  }
0x5a: {  	[tilespmem:s30], [sflag:$0x4] =	stream.linear.gather [hbm4b:s18+s10], $0x80, $0x38;
	[tilespmem:$0x1FF00] =	vst v63  }
0x5b: {  	_ =	swait.ge [sflag:s26], $0x80  }
0x5c: {  	[sflag:s26] =	ssyncset.done $0x0  }
0x5d: {  	[sflag:s26] =	ssyncadd.s32 $0xFFFFFF80  }
0x5e: {  	[tilespmem:s31], [sflag:$0x3] =	stream.indirect.gather [hbm4b:s4+s28], $0x80, s30, s28, $0xb8;
	[tilespmem:$0x1FF00] =	vst v63  }
0x5f: {  	_ = 	snop  }
0x60: {  	[tilespmem:s1], [sflag:$0x4] =	stream.linear.gather [hbm4b:s17+s10], $0x80, $0x38;
	[tilespmem:$0x1FF00] =	vst v63  }
0x61: {  	_ =	swait.ge [sflag:s26], $0x80  }
0x62: {  	[sflag:s26] =	ssyncset.done $0x0  }
0x63: {  	s23 =	rddreg [dreg:$0xb];
	[sflag:s26] =	ssyncadd.s32 $0xFFFFFF80  }
0x64: {  	[tilespmem:s15], [sflag:$0x4] =	stream.linear.gather [hbm4b:s23+s10], $0x80, $0x38;
	[tilespmem:$0x1FF00] =	vst v63  }
0x65: {  	_ =	swait.ge [sflag:s26], $0x80  }
0x66: {  	[sflag:s26] =	ssyncset.done $0x0  }
0x67: {  	[sflag:s26] =	ssyncadd.s32 $0xFFFFFF80  }
0x68: {  	[tilespmem:s0], [sflag:$0x4] =	stream.linear.gather [hbm4b:s19+s10], $0x80, $0x38;
	[tilespmem:$0x1FF00] =	vst v63  }
0x69: {  	_ =	swait.ge [sflag:s26], $0x80  }
0x6a: {  	[sflag:s26] =	ssyncset.done $0x0  }
0x6b: {  	[sflag:s26] =	ssyncadd.s32 $0xFFFFFF80  }
0x6c: {  	_ =	swait.ge [sflag:s5], $0x4000  }
0x6d: {  	[sflag:s5] =	ssyncset.done $0x0  }
0x6e: {  	[sflag:s5] =	ssyncadd.s32 $0xFFFFC000  }
0x6f: {  	[spmem:s2] =	stream.indirect.scatter.add.f32 [tilespmem:s25], [sflag:$0x4], $0x80, s1, s28, $0xb8;
	[tilespmem:$0x1FF00] =	vst v63  }
0x70: {  	_ =	swait.ge [sflag:s26], $0x4000  }
0x71: {  	s18 =	sadd.s32 $0x0, s11;
	[sflag:s26] =	ssyncset.done $0x0  }
0x72: {  	s23 =	sadd.s32 $0x30, s18;
	[sflag:s26] =	ssyncadd.s32 $0xFFFFC000  }
0x73: {  	[tilespmem:s3], [sflag:$0x4] =	stream.linear.gather [hbm4b:s23+s3], $0x80, $0x38;
	[tilespmem:$0x1FF00] =	vst v63  }
0x74: {  	_ =	swait.ge [sflag:s26], $0x80  }
0x75: {  	[sflag:s26] =	ssyncset.done $0x0  }
0x76: {  	[sflag:s26] =	ssyncadd.s32 $0xFFFFFF80  }
0x77: {  	[tilespmem:s25], [sflag:$0x1] =	stream.indirect.gather [hbm4b:s4+s28], $0x80, s3, s28, $0xb8;
	[tilespmem:$0x1FF00] =	vst v63  }
0x78: {  	_ =	swait.ge [sflag:s7], $0x4000  }
0x79: {  	[sflag:s7] =	ssyncset.done $0x0  }
0x7a: {  	[sflag:s7] =	ssyncadd.s32 $0xFFFFC000  }
0x7b: {  	[spmem:s2] =	stream.indirect.scatter.add.f32 [tilespmem:s29], [sflag:$0x4], $0x80, s15, s28, $0xb8;
	[tilespmem:$0x1FF00] =	vst v63  }
0x7c: {  	_ =	swait.ge [sflag:s26], $0x4000  }
0x7d: {  	[sflag:s26] =	ssyncset.done $0x0  }
0x7e: {  	s10 =	sadd.s32 $0x40, s18;
	[sflag:s26] =	ssyncadd.s32 $0xFFFFC000  }
0x7f: {  	[tilespmem:s28], [sflag:$0x4] =	stream.linear.gather [hbm4b:s10+s3], $0x80, $0x38;
	[tilespmem:$0x1FF00] =	vst v63  }
0x80: {  	_ =	swait.ge [sflag:s26], $0x80  }
0x81: {  	[sflag:s26] =	ssyncset.done $0x0  }
0x82: {  	[sflag:s26] =	ssyncadd.s32 $0xFFFFFF80  }
0x83: {  	[tilespmem:s29], [sflag:$0x2] =	stream.indirect.gather [hbm4b:s4+s28], $0x80, s28, s28, $0xb8;
	[tilespmem:$0x1FF00] =	vst v63  }
0x84: {  	_ =	swait.ge [sflag:s8], $0x4000  }
0x85: {  	[sflag:s8] =	ssyncset.done $0x0  }
0x86: {  	[sflag:s8] =	ssyncadd.s32 $0xFFFFC000  }
0x87: {  	[spmem:s2] =	stream.indirect.scatter.add.f32 [tilespmem:s31], [sflag:$0x4], $0x80, s0, s28, $0xb8;
	[tilespmem:$0x1FF00] =	vst v63  }
0x88: {  	_ =	swait.ge [sflag:s26], $0x4000  }
0x89: {  	s18 =	sadd.s32 $0x0, s14;
	[sflag:s26] =	ssyncset.done $0x0  }
0x8a: {  	s10 =	sadd.s32 $0x50, s18;
	[sflag:s26] =	ssyncadd.s32 $0xFFFFC000  }
0x8b: {  	[tilespmem:s30], [sflag:$0x4] =	stream.linear.gather [hbm4b:s10+s3], $0x80, $0x38;
	[tilespmem:$0x1FF00] =	vst v63  }
0x8c: {  	_ =	swait.ge [sflag:s26], $0x80  }
0x8d: {  	[sflag:s26] =	ssyncset.done $0x0  }
0x8e: {  	s23 =	sadd.s32 $0x0, s17;
	[sflag:s26] =	ssyncadd.s32 $0xFFFFFF80  }
0x8f: {  	[tilespmem:s31], [sflag:$0x3] =	stream.indirect.gather [hbm4b:s4+s28], $0x80, s30, s28, $0xb8;
	[tilespmem:$0x1FF00] =	vst v63  }
0x90: {  	s18 =	sadd.s32 $0x30, s23  }
0x91: {  	[tilespmem:s1], [sflag:$0x4] =	stream.linear.gather [hbm4b:s18+s3], $0x80, $0x38;
	[tilespmem:$0x1FF00] =	vst v63  }
0x92: {  	_ =	swait.ge [sflag:s26], $0x80  }
0x93: {  	[sflag:s26] =	ssyncset.done $0x0  }
0x94: {  	s10 =	sadd.s32 $0x40, s23;
	[sflag:s26] =	ssyncadd.s32 $0xFFFFFF80  }
0x95: {  	[tilespmem:s15], [sflag:$0x4] =	stream.linear.gather [hbm4b:s10+s3], $0x80, $0x38;
	[tilespmem:$0x1FF00] =	vst v63  }
0x96: {  	p1 =	sne.s32 s22, $0x30;
	_ =	swait.ge [sflag:s26], $0x80  }
.Ltmp3:
0x97: {  	s23 =	sadd.s32 $0x0, s13;
	[sflag:s26] =	ssyncset.done $0x0;
	(pc) =	sbr.rel @!p1 .LBB2_5-.Ltmp3, $4  }
0x98: {  	s10 =	sadd.s32 $0x50, s23;
	[sflag:s26] =	ssyncadd.s32 $0xFFFFFF80  }
0x99: {  	[tilespmem:s0], [sflag:$0x4] =	stream.linear.gather [hbm4b:s10+s3], $0x80, $0x38;
	[tilespmem:$0x1FF00] =	vst v63  }
0x9a: {  	_ =	swait.ge [sflag:s26], $0x80  }
0x9b: {  	s10 =	simm.s32 $0x30;
	[sflag:s26] =	ssyncset.done $0x0  }
.LBB2_4:
0x9c: {  	[sflag:s26] =	ssyncadd.s32 $0xFFFFFF80;
	s12 =	smov.u32 s10;
	s10 =	sadd.s32 $0x30, s10  }
0x9d: {  	_ =	swait.ge [sflag:s5], $0x4000;
	p1 =	sne.s32 s22, s10  }
0x9e: {  	[sflag:s5] =	ssyncset.done $0x0  }
0x9f: {  	[sflag:s5] =	ssyncadd.s32 $0xFFFFC000  }
0xa0: {  	[spmem:s2] =	stream.indirect.scatter.add.f32 [tilespmem:s25], [sflag:$0x4], $0x80, s1, s28, $0xb8;
	[tilespmem:$0x1FF00] =	vst v63  }
0xa1: {  	_ =	swait.ge [sflag:s26], $0x4000  }
0xa2: {  	s23 =	sadd.s32 s12, s11;
	[sflag:s26] =	ssyncset.done $0x0  }
0xa3: {  	s18 =	sadd.s32 $0x30, s23;
	[sflag:s26] =	ssyncadd.s32 $0xFFFFC000  }
0xa4: {  	[tilespmem:s3], [sflag:$0x4] =	stream.linear.gather [hbm4b:s18+s3], $0x80, $0x38;
	[tilespmem:$0x1FF00] =	vst v63  }
0xa5: {  	_ =	swait.ge [sflag:s26], $0x80  }
0xa6: {  	[sflag:s26] =	ssyncset.done $0x0  }
0xa7: {  	[sflag:s26] =	ssyncadd.s32 $0xFFFFFF80  }
0xa8: {  	[tilespmem:s25], [sflag:$0x1] =	stream.indirect.gather [hbm4b:s4+s28], $0x80, s3, s28, $0xb8;
	[tilespmem:$0x1FF00] =	vst v63  }
0xa9: {  	_ =	swait.ge [sflag:s7], $0x4000  }
0xaa: {  	[sflag:s7] =	ssyncset.done $0x0  }
0xab: {  	[sflag:s7] =	ssyncadd.s32 $0xFFFFC000  }
0xac: {  	[spmem:s2] =	stream.indirect.scatter.add.f32 [tilespmem:s29], [sflag:$0x4], $0x80, s15, s28, $0xb8;
	[tilespmem:$0x1FF00] =	vst v63  }
0xad: {  	_ =	swait.ge [sflag:s26], $0x4000  }
0xae: {  	[sflag:s26] =	ssyncset.done $0x0  }
0xaf: {  	s18 =	sadd.s32 $0x40, s23;
	[sflag:s26] =	ssyncadd.s32 $0xFFFFC000  }
0xb0: {  	[tilespmem:s28], [sflag:$0x4] =	stream.linear.gather [hbm4b:s18+s3], $0x80, $0x38;
	[tilespmem:$0x1FF00] =	vst v63  }
0xb1: {  	_ =	swait.ge [sflag:s26], $0x80  }
0xb2: {  	[sflag:s26] =	ssyncset.done $0x0  }
0xb3: {  	[sflag:s26] =	ssyncadd.s32 $0xFFFFFF80  }
0xb4: {  	[tilespmem:s29], [sflag:$0x2] =	stream.indirect.gather [hbm4b:s4+s28], $0x80, s28, s28, $0xb8;
	[tilespmem:$0x1FF00] =	vst v63  }
0xb5: {  	_ =	swait.ge [sflag:s8], $0x4000  }
0xb6: {  	[sflag:s8] =	ssyncset.done $0x0  }
0xb7: {  	[sflag:s8] =	ssyncadd.s32 $0xFFFFC000  }
0xb8: {  	[spmem:s2] =	stream.indirect.scatter.add.f32 [tilespmem:s31], [sflag:$0x4], $0x80, s0, s28, $0xb8;
	[tilespmem:$0x1FF00] =	vst v63  }
0xb9: {  	_ =	swait.ge [sflag:s26], $0x4000  }
0xba: {  	s18 =	sadd.s32 s12, s14;
	[sflag:s26] =	ssyncset.done $0x0  }
0xbb: {  	s18 =	sadd.s32 $0x50, s18;
	[sflag:s26] =	ssyncadd.s32 $0xFFFFC000  }
0xbc: {  	[tilespmem:s30], [sflag:$0x4] =	stream.linear.gather [hbm4b:s18+s3], $0x80, $0x38;
	[tilespmem:$0x1FF00] =	vst v63  }
0xbd: {  	_ =	swait.ge [sflag:s26], $0x80  }
0xbe: {  	[sflag:s26] =	ssyncset.done $0x0  }
0xbf: {  	s18 =	sadd.s32 s12, s17;
	[sflag:s26] =	ssyncadd.s32 $0xFFFFFF80  }
0xc0: {  	[tilespmem:s31], [sflag:$0x3] =	stream.indirect.gather [hbm4b:s4+s28], $0x80, s30, s28, $0xb8;
	[tilespmem:$0x1FF00] =	vst v63  }
0xc1: {  	s23 =	sadd.s32 $0x30, s18  }
0xc2: {  	[tilespmem:s1], [sflag:$0x4] =	stream.linear.gather [hbm4b:s23+s3], $0x80, $0x38;
	[tilespmem:$0x1FF00] =	vst v63  }
0xc3: {  	_ =	swait.ge [sflag:s26], $0x80  }
0xc4: {  	[sflag:s26] =	ssyncset.done $0x0  }
0xc5: {  	s18 =	sadd.s32 $0x40, s18;
	[sflag:s26] =	ssyncadd.s32 $0xFFFFFF80  }
0xc6: {  	[tilespmem:s15], [sflag:$0x4] =	stream.linear.gather [hbm4b:s18+s3], $0x80, $0x38;
	[tilespmem:$0x1FF00] =	vst v63  }
0xc7: {  	_ =	swait.ge [sflag:s26], $0x80  }
.Ltmp4:
0xc8: {  	s12 =	sadd.s32 s12, s13;
	[sflag:s26] =	ssyncset.done $0x0;
	(pc) =	sbr.rel @p1 .LBB2_4-.Ltmp4, $4  }
0xc9: {  	s12 =	sadd.s32 $0x50, s12;
	[sflag:s26] =	ssyncadd.s32 $0xFFFFFF80  }
0xca: {  	[tilespmem:s0], [sflag:$0x4] =	stream.linear.gather [hbm4b:s12+s3], $0x80, $0x38;
	[tilespmem:$0x1FF00] =	vst v63  }
0xcb: {  	_ =	swait.ge [sflag:s26], $0x80  }
0xcc: {  	[sflag:s26] =	ssyncset.done $0x0  }
.LBB2_5:
0xcd: {  	[sflag:s26] =	ssyncadd.s32 $0xFFFFFF80  }
0xce: {  	_ =	swait.ge [sflag:s5], $0x4000  }
0xcf: {  	[sflag:s5] =	ssyncset.done $0x0  }
0xd0: {  	[sflag:s5] =	ssyncadd.s32 $0xFFFFC000  }
0xd1: {  	[spmem:s2] =	stream.indirect.scatter.add.f32 [tilespmem:s25], [sflag:$0x4], $0x80, s1, s28, $0xb8;
	[tilespmem:$0x1FF00] =	vst v63  }
0xd2: {  	_ =	swait.ge [sflag:s26], $0x4000  }
0xd3: {  	[sflag:s26] =	ssyncset.done $0x0  }
0xd4: {  	[sflag:s26] =	ssyncadd.s32 $0xFFFFC000  }
0xd5: {  	_ =	swait.ge [sflag:s7], $0x4000  }
0xd6: {  	[sflag:s7] =	ssyncset.done $0x0  }
0xd7: {  	[sflag:s7] =	ssyncadd.s32 $0xFFFFC000  }
0xd8: {  	[spmem:s2] =	stream.indirect.scatter.add.f32 [tilespmem:s29], [sflag:$0x4], $0x80, s15, s28, $0xb8;
	[tilespmem:$0x1FF00] =	vst v63  }
0xd9: {  	_ =	swait.ge [sflag:s26], $0x4000  }
0xda: {  	[sflag:s26] =	ssyncset.done $0x0  }
0xdb: {  	[sflag:s26] =	ssyncadd.s32 $0xFFFFC000  }
0xdc: {  	_ =	swait.ge [sflag:s8], $0x4000  }
0xdd: {  	[sflag:s8] =	ssyncset.done $0x0  }
.Ltmp5:
0xde: {  	[sflag:s8] =	ssyncadd.s32 $0xFFFFC000;
	(pc) =	sbr.rel @p0 .LBB2_9-.Ltmp5, $4  }
0xdf: {  	[spmem:s2] =	stream.indirect.scatter.add.f32 [tilespmem:s31], [sflag:$0x4], $0x80, s0, s28, $0xb8;
	[tilespmem:$0x1FF00] =	vst v63  }
0xe0: {  	_ =	swait.ge [sflag:s26], $0x4000  }
0xe1: {  	[sflag:s26] =	ssyncset.done $0x0  }
0xe2: {  	[sflag:s26] =	ssyncadd.s32 $0xFFFFC000  }
0xe3: {  	[tilespmem:s3], [sflag:$0x4] =	stream.linear.gather [hbm4b:s24+s3], $0x80, $0x38;
	[tilespmem:$0x1FF00] =	vst v63  }
0xe4: {  	_ =	swait.ge [sflag:s26], $0x80  }
0xe5: {  	[sflag:s26] =	ssyncset.done $0x0  }
0xe6: {  	[sflag:s26] =	ssyncadd.s32 $0xFFFFFF80  }
0xe7: {  	[tilespmem:s1], [sflag:$0x4] =	stream.linear.gather [hbm4b:s16+s3], $0x80, $0x38;
	[tilespmem:$0x1FF00] =	vst v63  }
0xe8: {  	_ =	swait.ge [sflag:s26], $0x80  }
0xe9: {  	[sflag:s26] =	ssyncset.done $0x0  }
0xea: {  	[sflag:s26] =	ssyncadd.s32 $0xFFFFFF80  }
0xeb: {  	[tilespmem:s25], [sflag:$0x1] =	stream.indirect.gather [hbm4b:s4+s28], $0x80, s3, s28, $0xb8;
	[tilespmem:$0x1FF00] =	vst v63  }
0xec: {  	_ =	swait.ge [sflag:s5], $0x4000  }
0xed: {  	s10 =	rddreg [dreg:$0x9]  }
0xee: {  	s10 =	sadd.s32 $0x1, s10  }
0xef: {  	p1 =	seq.s32 s10, $0x0  }
.Ltmp6:
0xf0: {  	[sflag:s5] =	ssyncset.done $0x0;
	(pc) =	sbr.rel @p1 .LBB2_8-.Ltmp6, $4  }
0xf1: {  	[sflag:s5] =	ssyncadd.s32 $0xFFFFC000  }
0xf2: {  	[spmem:s2] =	stream.indirect.scatter.add.f32 [tilespmem:s25], [sflag:$0x4], $0x80, s1, s28, $0xb8;
	[tilespmem:$0x1FF00] =	vst v63  }
0xf3: {  	_ =	swait.ge [sflag:s26], $0x4000  }
0xf4: {  	s12 =	sadd.s32 $0x10, s24;
	s23 =	smov.u32 s16;
	[sflag:s26] =	ssyncset.done $0x0  }
.LBB2_7:
0xf5: {  	s10 =	sadd.s32 $0x1, s10;
	[sflag:s26] =	ssyncadd.s32 $0xFFFFC000;
	s23 =	sadd.s32 $0x10, s23  }
0xf6: {  	[tilespmem:s3], [sflag:$0x4] =	stream.linear.gather [hbm4b:s12+s3], $0x80, $0x38;
	[tilespmem:$0x1FF00] =	vst v63  }
0xf7: {  	p1 =	seq.s32 s10, $0x0;
	_ =	swait.ge [sflag:s26], $0x80  }
0xf8: {  	[sflag:s26] =	ssyncset.done $0x0  }
0xf9: {  	[sflag:s26] =	ssyncadd.s32 $0xFFFFFF80  }
0xfa: {  	[tilespmem:s1], [sflag:$0x4] =	stream.linear.gather [hbm4b:s23+s3], $0x80, $0x38;
	[tilespmem:$0x1FF00] =	vst v63  }
0xfb: {  	_ =	swait.ge [sflag:s26], $0x80  }
0xfc: {  	[sflag:s26] =	ssyncset.done $0x0  }
0xfd: {  	[sflag:s26] =	ssyncadd.s32 $0xFFFFFF80  }
0xfe: {  	[tilespmem:s25], [sflag:$0x1] =	stream.indirect.gather [hbm4b:s4+s28], $0x80, s3, s28, $0xb8;
	[tilespmem:$0x1FF00] =	vst v63  }
0xff: {  	_ =	swait.ge [sflag:s5], $0x4000  }
.Ltmp7:
0x100: {  	[sflag:s5] =	ssyncset.done $0x0;
	(pc) =	sbr.rel @!p1 .LBB2_7-.Ltmp7, $4  }
0x101: {  	[sflag:s5] =	ssyncadd.s32 $0xFFFFC000  }
0x102: {  	[spmem:s2] =	stream.indirect.scatter.add.f32 [tilespmem:s25], [sflag:$0x4], $0x80, s1, s28, $0xb8;
	[tilespmem:$0x1FF00] =	vst v63  }
0x103: {  	_ =	swait.ge [sflag:s26], $0x4000  }
0x104: {  	s12 =	sadd.s32 $0x10, s12;
	[sflag:s26] =	ssyncset.done $0x0  }
.Ltmp8:
0x105: {  	_ = 	snop;
	(pc) =	sbr.rel .LBB2_8-.Ltmp8, $1  }
0x106: {  	_ =	sdelay $0x3  }
.LBB2_10:
0x107: {  	_ =	sfence.sel $0x180000  }
0x108: {  	[bflag:$0x0] =	sbarrier.arrive $0xFFFF  }
0x109: {  	_ =	strace $0x9000004A  }
0x10a: {  	s0 =	stileid.u32;
	[bflag:$0x2] =	sbarrier.arrive $0xFFFF  }
0x10b: {  	p0 =	sne.s32 s0, $0x0;
	s0 =	rddreg [dreg:$0x3]  }
0x10c: {  	s0 =	sadd.s32 @!p0 $0x100000, s0  }
0x10d: {  	[sflag:s0] =	ssyncadd.tile.s32 @!p0 $0x1;
	_ =	shalt  }
.Lfunc_end2:
_tile_overlayer_lowered:
.L_overlay_start_2:
0x10e: {  	(tag) =	ssettag $0x2  }
0x10f: {  	s0 =	rddreg [dreg:$0x0];
	s2 =	stileid.u32  }
0x110: {  	s1 =	rddreg [dreg:$0x1];
	p0 =	sne.s32 s2, $0x0  }
0x111: {  	s3 =	rddreg [dreg:$0x2];
	[bflag:$0x3] =	sbarrier.arrive $0xFFFF;
	s2 =	simm.s32 @!p0 $0x1C04  }
0x112: {  	[timem:s3], [sflag:s2] =	dma.local @!p0 [hbm:s0], s1  }
0x113: {  	s0 =	simm.s32 @!p0 $0x4  }
0x114: {  	_ =	swait.ge @!p0 [sflag:s0], s1  }
0x115: {  	s1 =	ssub.s32 @!p0 $0x0, s1;
	[sflag:s0] =	ssyncset.done @!p0 $0x0  }
0x116: {  	[sflag:s0] =	ssyncadd.s32 @!p0 s1  }
0x117: {  	[bflag:$0x3] =	sbarrier.arrive $0xFFFF  }
0x118: {  	_ =	shalt  }

</sc_bundles>
